<compile_context>
chip_gen: v7x
topology: tpu7x:2x2x1
jax: 0.10.2.dev20260603
libtpu: 0.0.44.dev20260713+nightly
codegen_flags: <defaults>
</compile_context>

<pallas_src>
import functools

import jax
import jax.numpy as jnp
from jax import lax
from jax.experimental import pallas as pl
from jax.experimental.pallas import tpu as pltpu
from jax.experimental.pallas import tpu_sc as plsc

N_FIELDS = 26
VOCAB = 100000
DIM = 64
BATCH = 4096
TOT = BATCH * N_FIELDS
NC, NS = 2, 16
NW = NC * NS
PER_W = TOT // NW
CHUNK = 128
NCH = PER_W // CHUNK
CH_PER_F = BATCH // CHUNK
LANES = 16
TLANE = 8192
TGRID = -(-VOCAB // TLANE)


def _transpose_body(tt_ref, tp_ref):
    blk = jnp.swapaxes(tt_ref[0], 0, 1)
    tp_ref[0] = jnp.concatenate([blk[:TLANE // 2], blk[TLANE // 2:]], axis=1)


def _transpose(tt):
    return pl.pallas_call(
        _transpose_body,
        grid=(N_FIELDS, TGRID),
        in_specs=[pl.BlockSpec((1, DIM, TLANE), lambda i, c: (i, 0, c))],
        out_specs=pl.BlockSpec((1, TLANE // 2, 2 * DIM),
                               lambda i, c: (i, c, 0)),
        out_shape=jax.ShapeDtypeStruct(
            (N_FIELDS, TGRID * TLANE // 2, 2 * DIM), jnp.float32),
        compiler_params=pltpu.CompilerParams(
            dimension_semantics=("arbitrary", "arbitrary")),
    )(tt)


def _embed_body(xflat, tablep, out, idx_v, q_v, h_v, rows_v, ob_v, gsem,
                wsem):
    wid = lax.axis_index("s") * NC + lax.axis_index("c")
    pltpu.sync_copy(xflat.at[wid], idx_v)

    def issue(j):
        p = j & 1
        fld = (wid * NCH + j) // CH_PER_F
        off = fld * (TGRID * TLANE // 2)
        for t in range(CHUNK // LANES):
            sl = pl.ds(t * LANES, LANES)
            r = idx_v[j, sl]
            q_v[p, sl] = (lax.shift_right_logical(r, TLANE.bit_length() - 1)
                          * (TLANE // 2) + (r & (TLANE // 2 - 1)) + off)
            h_v[p, sl] = (lax.shift_right_logical(r, TLANE.bit_length() - 2)
                          & 1) * DIM
        pltpu.async_copy(tablep.at[q_v.at[p]], rows_v.at[p], gsem)

    issue(0)

    @pl.loop(0, NCH)
    def _chunk(j):
        p = j & 1

        @pl.when(j + 1 < NCH)
        def _():
            issue(j + 1)

        pltpu.make_async_copy(
            tablep.at[q_v.at[p]], rows_v.at[p], gsem).wait()

        @pl.when(j >= 2)
        def _():
            pltpu.make_async_copy(
                ob_v.at[p], out.at[0, :, pl.ds(0, CHUNK)], wsem).wait()

        for g in range(CHUNK // LANES):
            bvec = lax.iota(jnp.int32, LANES) + g * LANES
            hs = h_v[p, pl.ds(g * LANES, LANES)]

            @pl.loop(0, DIM, unroll=16)
            def _col(c):
                vals = plsc.load_gather(rows_v.at[p], [bvec, hs + c])
                ob_v[p, c, pl.ds(g * LANES, LANES)] = vals

        ch = wid * NCH + j
        fld = ch // CH_PER_F
        b0 = (ch % CH_PER_F) * CHUNK
        pltpu.async_copy(ob_v.at[p], out.at[fld, :, pl.ds(b0, CHUNK)], wsem)

    for k in range(2):
        pltpu.make_async_copy(
            ob_v.at[k], out.at[0, :, pl.ds(0, CHUNK)], wsem).wait()


@functools.partial(
    pl.kernel,
    out_type=jax.ShapeDtypeStruct((N_FIELDS, DIM, BATCH), jnp.float32),
    mesh=plsc.VectorSubcoreMesh(core_axis_name="c", subcore_axis_name="s"),
    compiler_params=pltpu.CompilerParams(needs_layout_passes=False),
    scratch_types=[
        pltpu.VMEM((NCH, CHUNK), jnp.int32),
        pltpu.VMEM((2, CHUNK), jnp.int32),
        pltpu.VMEM((2, CHUNK), jnp.int32),
        pltpu.VMEM((2, CHUNK, 2 * DIM), jnp.float32),
        pltpu.VMEM((2, DIM, CHUNK), jnp.float32),
        pltpu.SemaphoreType.DMA,
        pltpu.SemaphoreType.DMA,
    ],
)
def _embed(xflat, tablep, out, idx_v, q_v, h_v, rows_v, ob_v, gsem, wsem):
    _embed_body(xflat, tablep, out, idx_v, q_v, h_v, rows_v, ob_v, gsem, wsem)


def kernel(x, tables):
    tt = jnp.swapaxes(tables, 1, 2)
    xflat = jnp.swapaxes(x, 0, 1).reshape(NW, NCH, CHUNK)
    tp = _transpose(tt)
    tablep = tp.reshape(N_FIELDS * (TGRID * TLANE // 2), 2 * DIM)
    otv = _embed(xflat, tablep)
    return jnp.transpose(otv, (2, 0, 1))

# --- scband reference (transcript-rebuilt; emitter-appended) ---
"""Pipeline reference for scband-transformer-embed-79242146611747 (READ-ONLY COPY).

The authoritative reference and input builder live on the scoring server;
editing this copy changes nothing except your own understanding.
"""

import jax, jax.numpy as jnp
import numpy as np

N_FIELDS = 26
VOCAB = 100000
DIM = 64
PAD_IDX = 0  # PAD_IDX = PADDING_IDX + ENC_OFFSET in source; assumed 0


def setup_inputs(seed: int = 0) -> dict:
    key = jax.random.key(seed)
    kx, kt = jax.random.split(key)
    x = jax.random.randint(kx, (4096, N_FIELDS), 0, VOCAB, dtype=jnp.int32)
    # one embedding table per feature field, per emb_map / idx_map (identity mapping)
    tables = jax.random.normal(kt, (N_FIELDS, VOCAB, DIM), dtype=jnp.float32) * 0.02
    # nn.Embedding(padding_idx=PAD_IDX) initializes the pad row to zeros
    tables = tables.at[:, PAD_IDX, :].set(0.0)
    return {"x": x, "tables": tables}


def reference(x, tables):
    # for each feature column i, look up in its embedding table (idx_map[i][0] == i)
    embs = []
    for i in range(N_FIELDS):
        embx = jnp.take(tables[i], x[..., i], axis=0)  # [B, DIM]
        embs.append(embx)
    emb = jnp.stack(embs, axis=-2)  # [B, N_FIELDS, DIM]
    # Dropout(embed_p) is identity in eval mode
    return emb

if __name__ == "__main__":
    import jax
    _d = setup_inputs()
    print(jax.jit(kernel)(*tuple(_d.values())))

</pallas_src>

<mosaic_0001>
#map = affine_map<(d0, d1) -> (0, 0, 0)>
#map1 = affine_map<(d0, d1) -> (0, 0)>
module attributes {stable_mosaic.version = 14 : i64} {
  func.func @_embed(%arg0: i32, %arg1: i32, %arg2: memref<32x26x128xi32, #tpu.memory_space<hbm>>, %arg3: memref<1384448x128xf32, #tpu.memory_space<hbm>>, %arg4: memref<26x64x4096xf32, #tpu.memory_space<hbm>>, %arg5: memref<26x128xi32, #tpu.memory_space<vmem>>, %arg6: memref<2x128xi32, #tpu.memory_space<vmem>>, %arg7: memref<2x128xi32, #tpu.memory_space<vmem>>, %arg8: memref<2x128x128xf32, #tpu.memory_space<vmem>>, %arg9: memref<2x64x128xf32, #tpu.memory_space<vmem>>, %arg10: memref<!tpu.dma_semaphore, #tpu.memory_space<semaphore_mem>>, %arg11: memref<!tpu.dma_semaphore, #tpu.memory_space<semaphore_mem>>) attributes {dimension_semantics = [#tpu.dimension_semantics<core_parallel>, #tpu.dimension_semantics<subcore_parallel>], iteration_bounds = array<i64: 2, 16>, scalar_prefetch = 0 : i64, scratch_operands = 7 : i64, tpu.core_type = #tpu.core_type<sc_vector_subcore>, window_params = [{transform_indices = #map}, {transform_indices = #map1}, {transform_indices = #map}]} {
    %mul3A = arith.constant 2 : i32
    %mul3A_0 = arith.muli %arg1, %mul3A : i32
    %add3A = arith.addi %mul3A_0, %arg0 : i32
    "tpu.region"() ({
      %run_scoped3A = tpu.sem_alloc : memref<!tpu.dma_semaphore, #tpu.memory_space<semaphore_mem>>
      %dma_start3A_334 = arith.constant 0 : i32
      %dma_start3A_335 = arith.constant 0 : i32
      %dma_start3A_336 = tpu.memref_slice %arg2[%add3A, %dma_start3A_334, %dma_start3A_335] : memref<32x26x128xi32, #tpu.memory_space<hbm>> -> memref<1x26x128xi32, #tpu.memory_space<hbm>>
      %dma_start3A_337 = tpu.memref_squeeze %dma_start3A_336 : memref<1x26x128xi32, #tpu.memory_space<hbm>> -> memref<26x128xi32, #tpu.memory_space<hbm>>
      %dma_start3A_338 = arith.constant 0 : i32
      %dma_start3A_339 = arith.constant 0 : i32
      %dma_start3A_340 = tpu.memref_slice %arg2[%add3A, %dma_start3A_338, %dma_start3A_339] : memref<32x26x128xi32, #tpu.memory_space<hbm>> -> memref<1x26x128xi32, #tpu.memory_space<hbm>>
      %dma_start3A_341 = tpu.memref_squeeze %dma_start3A_340 : memref<1x26x128xi32, #tpu.memory_space<hbm>> -> memref<26x128xi32, #tpu.memory_space<hbm>>
      tpu.enqueue_dma source(%dma_start3A_341 : memref<26x128xi32, #tpu.memory_space<hbm>>) target(%arg5 : memref<26x128xi32, #tpu.memory_space<vmem>>) target_semaphore(%run_scoped3A : memref<!tpu.dma_semaphore, #tpu.memory_space<semaphore_mem>>)
      %dma_wait3A_342 = arith.constant 0 : i32
      %dma_wait3A_343 = arith.constant 0 : i32
      %dma_wait3A_344 = tpu.memref_slice %arg2[%add3A, %dma_wait3A_342, %dma_wait3A_343] : memref<32x26x128xi32, #tpu.memory_space<hbm>> -> memref<1x26x128xi32, #tpu.memory_space<hbm>>
      %dma_wait3A_345 = tpu.memref_squeeze %dma_wait3A_344 : memref<1x26x128xi32, #tpu.memory_space<hbm>> -> memref<26x128xi32, #tpu.memory_space<hbm>>
      %dma_wait3A_346 = arith.constant 0 : i32
      %dma_wait3A_347 = arith.constant 0 : i32
      %dma_wait3A_348 = tpu.memref_slice %arg2[%add3A, %dma_wait3A_346, %dma_wait3A_347] : memref<32x26x128xi32, #tpu.memory_space<hbm>> -> memref<1x26x128xi32, #tpu.memory_space<hbm>>
      %dma_wait3A_349 = tpu.memref_squeeze %dma_wait3A_348 : memref<1x26x128xi32, #tpu.memory_space<hbm>> -> memref<26x128xi32, #tpu.memory_space<hbm>>
      tpu.wait_dma2 semaphore(%run_scoped3A : memref<!tpu.dma_semaphore, #tpu.memory_space<semaphore_mem>>) src(%dma_wait3A_349 : memref<26x128xi32, #tpu.memory_space<hbm>>) dst(%arg5 : memref<26x128xi32, #tpu.memory_space<vmem>>)
      tpu.yield
    }) : () -> ()
    %mul3A_1 = arith.constant 26 : i32
    %mul3A_2 = arith.muli %add3A, %mul3A_1 : i32
    %add3A_3 = arith.constant 0 : i32
    %add3A_4 = arith.addi %mul3A_2, %add3A_3 : i32
    %jit3A = arith.constant 32 : i32
    %div3A = arith.divsi %add3A_4, %jit3A : i32
    %sign3A = arith.constant 0 : i32
    %sign3A_5 = arith.cmpi sgt, %add3A_4, %sign3A : i32
    %sign3A_6 = arith.extui %sign3A_5 : i1 to i32
    %sign3A_7 = arith.constant 0 : i32
    %sign3A_8 = arith.cmpi slt, %add3A_4, %sign3A_7 : i32
    %sign3A_9 = arith.extui %sign3A_8 : i1 to i32
    %sign3A_10 = arith.subi %sign3A_6, %sign3A_9 : i32
    %sign3A_11 = arith.constant 0 : i32
    %sign3A_12 = arith.cmpi sgt, %jit3A, %sign3A_11 : i32
    %sign3A_13 = arith.extui %sign3A_12 : i1 to i32
    %sign3A_14 = arith.constant 0 : i32
    %sign3A_15 = arith.cmpi slt, %jit3A, %sign3A_14 : i32
    %sign3A_16 = arith.extui %sign3A_15 : i1 to i32
    %sign3A_17 = arith.subi %sign3A_13, %sign3A_16 : i32
    %ne3A = arith.cmpi ne, %sign3A_10, %sign3A_17 : i32
    %rem3A = arith.remsi %add3A_4, %jit3A : i32
    %ne3A_18 = arith.constant 0 : i32
    %ne3A_19 = arith.cmpi ne, %rem3A, %ne3A_18 : i32
    %and3A = arith.andi %ne3A, %ne3A_19 : i1
    %sub3A = arith.constant 1 : i32
    %sub3A_20 = arith.subi %div3A, %sub3A : i32
    %select_n3A = arith.select %and3A, %sub3A_20, %div3A : i32
    %mul3A_21 = arith.constant 53248 : i32
    %mul3A_22 = arith.muli %select_n3A, %mul3A_21 : i32
    %get3A = arith.constant 0 : i32
    %get3A_23 = arith.index_cast %get3A : i32 to index
    %get3A_24 = arith.constant 0 : index
    %get3A_25 = tpu.vector_load %arg5[%get3A_23, %get3A_24] {strides = array<i32>} : memref<26x128xi32, #tpu.memory_space<vmem>>, vector<16xi32>,
    %shift_right_logical3A = arith.constant 13 : i32
    %shift_right_logical3A_26 = vector.broadcast %shift_right_logical3A : i32 to vector<16xi32>
    %shift_right_logical3A_27 = arith.shrui %get3A_25, %shift_right_logical3A_26 : vector<16xi32>
    %mul3A_28 = arith.constant 4096 : i32
    %mul3A_29 = vector.broadcast %mul3A_28 : i32 to vector<16xi32>
    %mul3A_30 = arith.muli %shift_right_logical3A_27, %mul3A_29 : vector<16xi32>
    %and3A_31 = arith.constant 4095 : i32
    %and3A_32 = vector.broadcast %and3A_31 : i32 to vector<16xi32>
    %and3A_33 = arith.andi %get3A_25, %and3A_32 : vector<16xi32>
    %add3A_34 = arith.addi %mul3A_30, %and3A_33 : vector<16xi32>
    %add3A_35 = vector.broadcast %mul3A_22 : i32 to vector<16xi32>
    %add3A_36 = arith.addi %add3A_34, %add3A_35 : vector<16xi32>
    %swap3A = arith.constant 0 : i32
    %swap3A_37 = arith.index_cast %swap3A : i32 to index
    %swap3A_38 = arith.constant 0 : index
    %swap3A_39 = tpu.vector_load %arg6[%swap3A_37, %swap3A_38] {strides = array<i32>} : memref<2x128xi32, #tpu.memory_space<vmem>>, vector<16xi32>,
    tpu.vector_store %arg6[%swap3A_37, %swap3A_38], %add3A_36 {strides = array<i32>} : memref<2x128xi32, #tpu.memory_space<vmem>>, vector<16xi32>,
    %shift_right_logical3A_40 = arith.constant 12 : i32
    %shift_right_logical3A_41 = vector.broadcast %shift_right_logical3A_40 : i32 to vector<16xi32>
    %shift_right_logical3A_42 = arith.shrui %get3A_25, %shift_right_logical3A_41 : vector<16xi32>
    %and3A_43 = arith.constant 1 : i32
    %and3A_44 = vector.broadcast %and3A_43 : i32 to vector<16xi32>
    %and3A_45 = arith.andi %shift_right_logical3A_42, %and3A_44 : vector<16xi32>
    %mul3A_46 = arith.constant 64 : i32
    %mul3A_47 = vector.broadcast %mul3A_46 : i32 to vector<16xi32>
    %mul3A_48 = arith.muli %and3A_45, %mul3A_47 : vector<16xi32>
    %swap3A_49 = arith.constant 0 : i32
    %swap3A_50 = arith.index_cast %swap3A_49 : i32 to index
    %swap3A_51 = arith.constant 0 : index
    %swap3A_52 = tpu.vector_load %arg7[%swap3A_50, %swap3A_51] {strides = array<i32>} : memref<2x128xi32, #tpu.memory_space<vmem>>, vector<16xi32>,
    tpu.vector_store %arg7[%swap3A_50, %swap3A_51], %mul3A_48 {strides = array<i32>} : memref<2x128xi32, #tpu.memory_space<vmem>>, vector<16xi32>,
    %get3A_53 = arith.constant 0 : i32
    %get3A_54 = arith.index_cast %get3A_53 : i32 to index
    %get3A_55 = arith.constant 16 : index
    %get3A_56 = tpu.vector_load %arg5[%get3A_54, %get3A_55] {strides = array<i32>} : memref<26x128xi32, #tpu.memory_space<vmem>>, vector<16xi32>,
    %shift_right_logical3A_57 = arith.constant 13 : i32
    %shift_right_logical3A_58 = vector.broadcast %shift_right_logical3A_57 : i32 to vector<16xi32>
    %shift_right_logical3A_59 = arith.shrui %get3A_56, %shift_right_logical3A_58 : vector<16xi32>
    %mul3A_60 = arith.constant 4096 : i32
    %mul3A_61 = vector.broadcast %mul3A_60 : i32 to vector<16xi32>
    %mul3A_62 = arith.muli %shift_right_logical3A_59, %mul3A_61 : vector<16xi32>
    %and3A_63 = arith.constant 4095 : i32
    %and3A_64 = vector.broadcast %and3A_63 : i32 to vector<16xi32>
    %and3A_65 = arith.andi %get3A_56, %and3A_64 : vector<16xi32>
    %add3A_66 = arith.addi %mul3A_62, %and3A_65 : vector<16xi32>
    %add3A_67 = vector.broadcast %mul3A_22 : i32 to vector<16xi32>
    %add3A_68 = arith.addi %add3A_66, %add3A_67 : vector<16xi32>
    %swap3A_69 = arith.constant 0 : i32
    %swap3A_70 = arith.index_cast %swap3A_69 : i32 to index
    %swap3A_71 = arith.constant 16 : index
    %swap3A_72 = tpu.vector_load %arg6[%swap3A_70, %swap3A_71] {strides = array<i32>} : memref<2x128xi32, #tpu.memory_space<vmem>>, vector<16xi32>,
    tpu.vector_store %arg6[%swap3A_70, %swap3A_71], %add3A_68 {strides = array<i32>} : memref<2x128xi32, #tpu.memory_space<vmem>>, vector<16xi32>,
    %shift_right_logical3A_73 = arith.constant 12 : i32
    %shift_right_logical3A_74 = vector.broadcast %shift_right_logical3A_73 : i32 to vector<16xi32>
    %shift_right_logical3A_75 = arith.shrui %get3A_56, %shift_right_logical3A_74 : vector<16xi32>
    %and3A_76 = arith.constant 1 : i32
    %and3A_77 = vector.broadcast %and3A_76 : i32 to vector<16xi32>
    %and3A_78 = arith.andi %shift_right_logical3A_75, %and3A_77 : vector<16xi32>
    %mul3A_79 = arith.constant 64 : i32
    %mul3A_80 = vector.broadcast %mul3A_79 : i32 to vector<16xi32>
    %mul3A_81 = arith.muli %and3A_78, %mul3A_80 : vector<16xi32>
    %swap3A_82 = arith.constant 0 : i32
    %swap3A_83 = arith.index_cast %swap3A_82 : i32 to index
    %swap3A_84 = arith.constant 16 : index
    %swap3A_85 = tpu.vector_load %arg7[%swap3A_83, %swap3A_84] {strides = array<i32>} : memref<2x128xi32, #tpu.memory_space<vmem>>, vector<16xi32>,
    tpu.vector_store %arg7[%swap3A_83, %swap3A_84], %mul3A_81 {strides = array<i32>} : memref<2x128xi32, #tpu.memory_space<vmem>>, vector<16xi32>,
    %get3A_86 = arith.constant 0 : i32
    %get3A_87 = arith.index_cast %get3A_86 : i32 to index
    %get3A_88 = arith.constant 32 : index
    %get3A_89 = tpu.vector_load %arg5[%get3A_87, %get3A_88] {strides = array<i32>} : memref<26x128xi32, #tpu.memory_space<vmem>>, vector<16xi32>,
    %shift_right_logical3A_90 = arith.constant 13 : i32
    %shift_right_logical3A_91 = vector.broadcast %shift_right_logical3A_90 : i32 to vector<16xi32>
    %shift_right_logical3A_92 = arith.shrui %get3A_89, %shift_right_logical3A_91 : vector<16xi32>
    %mul3A_93 = arith.constant 4096 : i32
    %mul3A_94 = vector.broadcast %mul3A_93 : i32 to vector<16xi32>
    %mul3A_95 = arith.muli %shift_right_logical3A_92, %mul3A_94 : vector<16xi32>
    %and3A_96 = arith.constant 4095 : i32
    %and3A_97 = vector.broadcast %and3A_96 : i32 to vector<16xi32>
    %and3A_98 = arith.andi %get3A_89, %and3A_97 : vector<16xi32>
    %add3A_99 = arith.addi %mul3A_95, %and3A_98 : vector<16xi32>
    %add3A_100 = vector.broadcast %mul3A_22 : i32 to vector<16xi32>
    %add3A_101 = arith.addi %add3A_99, %add3A_100 : vector<16xi32>
    %swap3A_102 = arith.constant 0 : i32
    %swap3A_103 = arith.index_cast %swap3A_102 : i32 to index
    %swap3A_104 = arith.constant 32 : index
    %swap3A_105 = tpu.vector_load %arg6[%swap3A_103, %swap3A_104] {strides = array<i32>} : memref<2x128xi32, #tpu.memory_space<vmem>>, vector<16xi32>,
    tpu.vector_store %arg6[%swap3A_103, %swap3A_104], %add3A_101 {strides = array<i32>} : memref<2x128xi32, #tpu.memory_space<vmem>>, vector<16xi32>,
    %shift_right_logical3A_106 = arith.constant 12 : i32
    %shift_right_logical3A_107 = vector.broadcast %shift_right_logical3A_106 : i32 to vector<16xi32>
    %shift_right_logical3A_108 = arith.shrui %get3A_89, %shift_right_logical3A_107 : vector<16xi32>
    %and3A_109 = arith.constant 1 : i32
    %and3A_110 = vector.broadcast %and3A_109 : i32 to vector<16xi32>
    %and3A_111 = arith.andi %shift_right_logical3A_108, %and3A_110 : vector<16xi32>
    %mul3A_112 = arith.constant 64 : i32
    %mul3A_113 = vector.broadcast %mul3A_112 : i32 to vector<16xi32>
    %mul3A_114 = arith.muli %and3A_111, %mul3A_113 : vector<16xi32>
    %swap3A_115 = arith.constant 0 : i32
    %swap3A_116 = arith.index_cast %swap3A_115 : i32 to index
    %swap3A_117 = arith.constant 32 : index
    %swap3A_118 = tpu.vector_load %arg7[%swap3A_116, %swap3A_117] {strides = array<i32>} : memref<2x128xi32, #tpu.memory_space<vmem>>, vector<16xi32>,
    tpu.vector_store %arg7[%swap3A_116, %swap3A_117], %mul3A_114 {strides = array<i32>} : memref<2x128xi32, #tpu.memory_space<vmem>>, vector<16xi32>,
    %get3A_119 = arith.constant 0 : i32
    %get3A_120 = arith.index_cast %get3A_119 : i32 to index
    %get3A_121 = arith.constant 48 : index
    %get3A_122 = tpu.vector_load %arg5[%get3A_120, %get3A_121] {strides = array<i32>} : memref<26x128xi32, #tpu.memory_space<vmem>>, vector<16xi32>,
    %shift_right_logical3A_123 = arith.constant 13 : i32
    %shift_right_logical3A_124 = vector.broadcast %shift_right_logical3A_123 : i32 to vector<16xi32>
    %shift_right_logical3A_125 = arith.shrui %get3A_122, %shift_right_logical3A_124 : vector<16xi32>
    %mul3A_126 = arith.constant 4096 : i32
    %mul3A_127 = vector.broadcast %mul3A_126 : i32 to vector<16xi32>
    %mul3A_128 = arith.muli %shift_right_logical3A_125, %mul3A_127 : vector<16xi32>
    %and3A_129 = arith.constant 4095 : i32
    %and3A_130 = vector.broadcast %and3A_129 : i32 to vector<16xi32>
    %and3A_131 = arith.andi %get3A_122, %and3A_130 : vector<16xi32>
    %add3A_132 = arith.addi %mul3A_128, %and3A_131 : vector<16xi32>
    %add3A_133 = vector.broadcast %mul3A_22 : i32 to vector<16xi32>
    %add3A_134 = arith.addi %add3A_132, %add3A_133 : vector<16xi32>
    %swap3A_135 = arith.constant 0 : i32
    %swap3A_136 = arith.index_cast %swap3A_135 : i32 to index
    %swap3A_137 = arith.constant 48 : index
    %swap3A_138 = tpu.vector_load %arg6[%swap3A_136, %swap3A_137] {strides = array<i32>} : memref<2x128xi32, #tpu.memory_space<vmem>>, vector<16xi32>,
    tpu.vector_store %arg6[%swap3A_136, %swap3A_137], %add3A_134 {strides = array<i32>} : memref<2x128xi32, #tpu.memory_space<vmem>>, vector<16xi32>,
    %shift_right_logical3A_139 = arith.constant 12 : i32
    %shift_right_logical3A_140 = vector.broadcast %shift_right_logical3A_139 : i32 to vector<16xi32>
    %shift_right_logical3A_141 = arith.shrui %get3A_122, %shift_right_logical3A_140 : vector<16xi32>
    %and3A_142 = arith.constant 1 : i32
    %and3A_143 = vector.broadcast %and3A_142 : i32 to vector<16xi32>
    %and3A_144 = arith.andi %shift_right_logical3A_141, %and3A_143 : vector<16xi32>
    %mul3A_145 = arith.constant 64 : i32
    %mul3A_146 = vector.broadcast %mul3A_145 : i32 to vector<16xi32>
    %mul3A_147 = arith.muli %and3A_144, %mul3A_146 : vector<16xi32>
    %swap3A_148 = arith.constant 0 : i32
    %swap3A_149 = arith.index_cast %swap3A_148 : i32 to index
    %swap3A_150 = arith.constant 48 : index
    %swap3A_151 = tpu.vector_load %arg7[%swap3A_149, %swap3A_150] {strides = array<i32>} : memref<2x128xi32, #tpu.memory_space<vmem>>, vector<16xi32>,
    tpu.vector_store %arg7[%swap3A_149, %swap3A_150], %mul3A_147 {strides = array<i32>} : memref<2x128xi32, #tpu.memory_space<vmem>>, vector<16xi32>,
    %get3A_152 = arith.constant 0 : i32
    %get3A_153 = arith.index_cast %get3A_152 : i32 to index
    %get3A_154 = arith.constant 64 : index
    %get3A_155 = tpu.vector_load %arg5[%get3A_153, %get3A_154] {strides = array<i32>} : memref<26x128xi32, #tpu.memory_space<vmem>>, vector<16xi32>,
    %shift_right_logical3A_156 = arith.constant 13 : i32
    %shift_right_logical3A_157 = vector.broadcast %shift_right_logical3A_156 : i32 to vector<16xi32>
    %shift_right_logical3A_158 = arith.shrui %get3A_155, %shift_right_logical3A_157 : vector<16xi32>
    %mul3A_159 = arith.constant 4096 : i32
    %mul3A_160 = vector.broadcast %mul3A_159 : i32 to vector<16xi32>
    %mul3A_161 = arith.muli %shift_right_logical3A_158, %mul3A_160 : vector<16xi32>
    %and3A_162 = arith.constant 4095 : i32
    %and3A_163 = vector.broadcast %and3A_162 : i32 to vector<16xi32>
    %and3A_164 = arith.andi %get3A_155, %and3A_163 : vector<16xi32>
    %add3A_165 = arith.addi %mul3A_161, %and3A_164 : vector<16xi32>
    %add3A_166 = vector.broadcast %mul3A_22 : i32 to vector<16xi32>
    %add3A_167 = arith.addi %add3A_165, %add3A_166 : vector<16xi32>
    %swap3A_168 = arith.constant 0 : i32
    %swap3A_169 = arith.index_cast %swap3A_168 : i32 to index
    %swap3A_170 = arith.constant 64 : index
    %swap3A_171 = tpu.vector_load %arg6[%swap3A_169, %swap3A_170] {strides = array<i32>} : memref<2x128xi32, #tpu.memory_space<vmem>>, vector<16xi32>,
    tpu.vector_store %arg6[%swap3A_169, %swap3A_170], %add3A_167 {strides = array<i32>} : memref<2x128xi32, #tpu.memory_space<vmem>>, vector<16xi32>,
    %shift_right_logical3A_172 = arith.constant 12 : i32
    %shift_right_logical3A_173 = vector.broadcast %shift_right_logical3A_172 : i32 to vector<16xi32>
    %shift_right_logical3A_174 = arith.shrui %get3A_155, %shift_right_logical3A_173 : vector<16xi32>
    %and3A_175 = arith.constant 1 : i32
    %and3A_176 = vector.broadcast %and3A_175 : i32 to vector<16xi32>
    %and3A_177 = arith.andi %shift_right_logical3A_174, %and3A_176 : vector<16xi32>
    %mul3A_178 = arith.constant 64 : i32
    %mul3A_179 = vector.broadcast %mul3A_178 : i32 to vector<16xi32>
    %mul3A_180 = arith.muli %and3A_177, %mul3A_179 : vector<16xi32>
    %swap3A_181 = arith.constant 0 : i32
    %swap3A_182 = arith.index_cast %swap3A_181 : i32 to index
    %swap3A_183 = arith.constant 64 : index
    %swap3A_184 = tpu.vector_load %arg7[%swap3A_182, %swap3A_183] {strides = array<i32>} : memref<2x128xi32, #tpu.memory_space<vmem>>, vector<16xi32>,
    tpu.vector_store %arg7[%swap3A_182, %swap3A_183], %mul3A_180 {strides = array<i32>} : memref<2x128xi32, #tpu.memory_space<vmem>>, vector<16xi32>,
    %get3A_185 = arith.constant 0 : i32
    %get3A_186 = arith.index_cast %get3A_185 : i32 to index
    %get3A_187 = arith.constant 80 : index
    %get3A_188 = tpu.vector_load %arg5[%get3A_186, %get3A_187] {strides = array<i32>} : memref<26x128xi32, #tpu.memory_space<vmem>>, vector<16xi32>,
    %shift_right_logical3A_189 = arith.constant 13 : i32
    %shift_right_logical3A_190 = vector.broadcast %shift_right_logical3A_189 : i32 to vector<16xi32>
    %shift_right_logical3A_191 = arith.shrui %get3A_188, %shift_right_logical3A_190 : vector<16xi32>
    %mul3A_192 = arith.constant 4096 : i32
    %mul3A_193 = vector.broadcast %mul3A_192 : i32 to vector<16xi32>
    %mul3A_194 = arith.muli %shift_right_logical3A_191, %mul3A_193 : vector<16xi32>
    %and3A_195 = arith.constant 4095 : i32
    %and3A_196 = vector.broadcast %and3A_195 : i32 to vector<16xi32>
    %and3A_197 = arith.andi %get3A_188, %and3A_196 : vector<16xi32>
    %add3A_198 = arith.addi %mul3A_194, %and3A_197 : vector<16xi32>
    %add3A_199 = vector.broadcast %mul3A_22 : i32 to vector<16xi32>
    %add3A_200 = arith.addi %add3A_198, %add3A_199 : vector<16xi32>
    %swap3A_201 = arith.constant 0 : i32
    %swap3A_202 = arith.index_cast %swap3A_201 : i32 to index
    %swap3A_203 = arith.constant 80 : index
    %swap3A_204 = tpu.vector_load %arg6[%swap3A_202, %swap3A_203] {strides = array<i32>} : memref<2x128xi32, #tpu.memory_space<vmem>>, vector<16xi32>,
    tpu.vector_store %arg6[%swap3A_202, %swap3A_203], %add3A_200 {strides = array<i32>} : memref<2x128xi32, #tpu.memory_space<vmem>>, vector<16xi32>,
    %shift_right_logical3A_205 = arith.constant 12 : i32
    %shift_right_logical3A_206 = vector.broadcast %shift_right_logical3A_205 : i32 to vector<16xi32>
    %shift_right_logical3A_207 = arith.shrui %get3A_188, %shift_right_logical3A_206 : vector<16xi32>
    %and3A_208 = arith.constant 1 : i32
    %and3A_209 = vector.broadcast %and3A_208 : i32 to vector<16xi32>
    %and3A_210 = arith.andi %shift_right_logical3A_207, %and3A_209 : vector<16xi32>
    %mul3A_211 = arith.constant 64 : i32
    %mul3A_212 = vector.broadcast %mul3A_211 : i32 to vector<16xi32>
    %mul3A_213 = arith.muli %and3A_210, %mul3A_212 : vector<16xi32>
    %swap3A_214 = arith.constant 0 : i32
    %swap3A_215 = arith.index_cast %swap3A_214 : i32 to index
    %swap3A_216 = arith.constant 80 : index
    %swap3A_217 = tpu.vector_load %arg7[%swap3A_215, %swap3A_216] {strides = array<i32>} : memref<2x128xi32, #tpu.memory_space<vmem>>, vector<16xi32>,
    tpu.vector_store %arg7[%swap3A_215, %swap3A_216], %mul3A_213 {strides = array<i32>} : memref<2x128xi32, #tpu.memory_space<vmem>>, vector<16xi32>,
    %get3A_218 = arith.constant 0 : i32
    %get3A_219 = arith.index_cast %get3A_218 : i32 to index
    %get3A_220 = arith.constant 96 : index
    %get3A_221 = tpu.vector_load %arg5[%get3A_219, %get3A_220] {strides = array<i32>} : memref<26x128xi32, #tpu.memory_space<vmem>>, vector<16xi32>,
    %shift_right_logical3A_222 = arith.constant 13 : i32
    %shift_right_logical3A_223 = vector.broadcast %shift_right_logical3A_222 : i32 to vector<16xi32>
    %shift_right_logical3A_224 = arith.shrui %get3A_221, %shift_right_logical3A_223 : vector<16xi32>
    %mul3A_225 = arith.constant 4096 : i32
    %mul3A_226 = vector.broadcast %mul3A_225 : i32 to vector<16xi32>
    %mul3A_227 = arith.muli %shift_right_logical3A_224, %mul3A_226 : vector<16xi32>
    %and3A_228 = arith.constant 4095 : i32
    %and3A_229 = vector.broadcast %and3A_228 : i32 to vector<16xi32>
    %and3A_230 = arith.andi %get3A_221, %and3A_229 : vector<16xi32>
    %add3A_231 = arith.addi %mul3A_227, %and3A_230 : vector<16xi32>
    %add3A_232 = vector.broadcast %mul3A_22 : i32 to vector<16xi32>
    %add3A_233 = arith.addi %add3A_231, %add3A_232 : vector<16xi32>
    %swap3A_234 = arith.constant 0 : i32
    %swap3A_235 = arith.index_cast %swap3A_234 : i32 to index
    %swap3A_236 = arith.constant 96 : index
    %swap3A_237 = tpu.vector_load %arg6[%swap3A_235, %swap3A_236] {strides = array<i32>} : memref<2x128xi32, #tpu.memory_space<vmem>>, vector<16xi32>,
    tpu.vector_store %arg6[%swap3A_235, %swap3A_236], %add3A_233 {strides = array<i32>} : memref<2x128xi32, #tpu.memory_space<vmem>>, vector<16xi32>,
    %shift_right_logical3A_238 = arith.constant 12 : i32
    %shift_right_logical3A_239 = vector.broadcast %shift_right_logical3A_238 : i32 to vector<16xi32>
    %shift_right_logical3A_240 = arith.shrui %get3A_221, %shift_right_logical3A_239 : vector<16xi32>
    %and3A_241 = arith.constant 1 : i32
    %and3A_242 = vector.broadcast %and3A_241 : i32 to vector<16xi32>
    %and3A_243 = arith.andi %shift_right_logical3A_240, %and3A_242 : vector<16xi32>
    %mul3A_244 = arith.constant 64 : i32
    %mul3A_245 = vector.broadcast %mul3A_244 : i32 to vector<16xi32>
    %mul3A_246 = arith.muli %and3A_243, %mul3A_245 : vector<16xi32>
    %swap3A_247 = arith.constant 0 : i32
    %swap3A_248 = arith.index_cast %swap3A_247 : i32 to index
    %swap3A_249 = arith.constant 96 : index
    %swap3A_250 = tpu.vector_load %arg7[%swap3A_248, %swap3A_249] {strides = array<i32>} : memref<2x128xi32, #tpu.memory_space<vmem>>, vector<16xi32>,
    tpu.vector_store %arg7[%swap3A_248, %swap3A_249], %mul3A_246 {strides = array<i32>} : memref<2x128xi32, #tpu.memory_space<vmem>>, vector<16xi32>,
    %get3A_251 = arith.constant 0 : i32
    %get3A_252 = arith.index_cast %get3A_251 : i32 to index
    %get3A_253 = arith.constant 112 : index
    %get3A_254 = tpu.vector_load %arg5[%get3A_252, %get3A_253] {strides = array<i32>} : memref<26x128xi32, #tpu.memory_space<vmem>>, vector<16xi32>,
    %shift_right_logical3A_255 = arith.constant 13 : i32
    %shift_right_logical3A_256 = vector.broadcast %shift_right_logical3A_255 : i32 to vector<16xi32>
    %shift_right_logical3A_257 = arith.shrui %get3A_254, %shift_right_logical3A_256 : vector<16xi32>
    %mul3A_258 = arith.constant 4096 : i32
    %mul3A_259 = vector.broadcast %mul3A_258 : i32 to vector<16xi32>
    %mul3A_260 = arith.muli %shift_right_logical3A_257, %mul3A_259 : vector<16xi32>
    %and3A_261 = arith.constant 4095 : i32
    %and3A_262 = vector.broadcast %and3A_261 : i32 to vector<16xi32>
    %and3A_263 = arith.andi %get3A_254, %and3A_262 : vector<16xi32>
    %add3A_264 = arith.addi %mul3A_260, %and3A_263 : vector<16xi32>
    %add3A_265 = vector.broadcast %mul3A_22 : i32 to vector<16xi32>
    %add3A_266 = arith.addi %add3A_264, %add3A_265 : vector<16xi32>
    %swap3A_267 = arith.constant 0 : i32
    %swap3A_268 = arith.index_cast %swap3A_267 : i32 to index
    %swap3A_269 = arith.constant 112 : index
    %swap3A_270 = tpu.vector_load %arg6[%swap3A_268, %swap3A_269] {strides = array<i32>} : memref<2x128xi32, #tpu.memory_space<vmem>>, vector<16xi32>,
    tpu.vector_store %arg6[%swap3A_268, %swap3A_269], %add3A_266 {strides = array<i32>} : memref<2x128xi32, #tpu.memory_space<vmem>>, vector<16xi32>,
    %shift_right_logical3A_271 = arith.constant 12 : i32
    %shift_right_logical3A_272 = vector.broadcast %shift_right_logical3A_271 : i32 to vector<16xi32>
    %shift_right_logical3A_273 = arith.shrui %get3A_254, %shift_right_logical3A_272 : vector<16xi32>
    %and3A_274 = arith.constant 1 : i32
    %and3A_275 = vector.broadcast %and3A_274 : i32 to vector<16xi32>
    %and3A_276 = arith.andi %shift_right_logical3A_273, %and3A_275 : vector<16xi32>
    %mul3A_277 = arith.constant 64 : i32
    %mul3A_278 = vector.broadcast %mul3A_277 : i32 to vector<16xi32>
    %mul3A_279 = arith.muli %and3A_276, %mul3A_278 : vector<16xi32>
    %swap3A_280 = arith.constant 0 : i32
    %swap3A_281 = arith.index_cast %swap3A_280 : i32 to index
    %swap3A_282 = arith.constant 112 : index
    %swap3A_283 = tpu.vector_load %arg7[%swap3A_281, %swap3A_282] {strides = array<i32>} : memref<2x128xi32, #tpu.memory_space<vmem>>, vector<16xi32>,
    tpu.vector_store %arg7[%swap3A_281, %swap3A_282], %mul3A_279 {strides = array<i32>} : memref<2x128xi32, #tpu.memory_space<vmem>>, vector<16xi32>,
    %dma_start3A = arith.constant 0 : i32
    %dma_start3A_284 = arith.constant 0 : i32
    %dma_start3A_285 = arith.constant 0 : i32
    %dma_start3A_286 = arith.constant 0 : i32
    %dma_start3A_287 = tpu.memref_slice %arg8[%dma_start3A_284, %dma_start3A_285, %dma_start3A_286] : memref<2x128x128xf32, #tpu.memory_space<vmem>> -> memref<1x128x128xf32, #tpu.memory_space<vmem>>
    %dma_start3A_288 = tpu.memref_squeeze %dma_start3A_287 : memref<1x128x128xf32, #tpu.memory_space<vmem>> -> memref<128x128xf32, #tpu.memory_space<vmem>>
    %dma_start3A_289 = arith.constant 0 : i32
    %dma_start3A_290 = tpu.memref_slice %arg6[%dma_start3A, %dma_start3A_289] : memref<2x128xi32, #tpu.memory_space<vmem>> -> memref<1x128xi32, #tpu.memory_space<vmem>>
    %dma_start3A_291 = tpu.memref_squeeze %dma_start3A_290 : memref<1x128xi32, #tpu.memory_space<vmem>> -> memref<128xi32, #tpu.memory_space<vmem>>
    %dma_start3A_292 = arith.constant 0 : i32
    %dma_start3A_293 = arith.constant 0 : i32
    %dma_start3A_294 = tpu.memref_slice %arg3[%dma_start3A_292, %dma_start3A_293] : memref<1384448x128xf32, #tpu.memory_space<hbm>> -> memref<1384448x128xf32, #tpu.memory_space<hbm>>
    tpu.enqueue_indirect_dma source(%dma_start3A_294 : memref<1384448x128xf32, #tpu.memory_space<hbm>>) target(%dma_start3A_288 : memref<128x128xf32, #tpu.memory_space<vmem>>) offsets(%dma_start3A_291 : memref<128xi32, #tpu.memory_space<vmem>>) semaphore(%arg10 : memref<!tpu.dma_semaphore, #tpu.memory_space<semaphore_mem>>)
    %scan3A = arith.constant 0 : i32
    %scan3A_295 = arith.constant 26 : i32
    %scan3A_296 = arith.addi %scan3A, %scan3A_295 : i32
    %scan3A_297 = arith.constant 1 : i32
    scf.for %scan3A_334 = %scan3A to %scan3A_296 step %scan3A_297  : i32 {
      %mul3A_335 = arith.constant 1 : i32
      %mul3A_336 = arith.muli %scan3A_334, %mul3A_335 : i32
      %add3A_337 = arith.constant 0 : i32
      %add3A_338 = arith.addi %add3A_337, %mul3A_336 : i32
      %and3A_339 = arith.constant 1 : i32
      %and3A_340 = arith.andi %add3A_338, %and3A_339 : i32
      %add3A_341 = arith.constant 1 : i32
      %add3A_342 = arith.addi %add3A_338, %add3A_341 : i32
      %lt3A = arith.constant 26 : i32
      %lt3A_343 = arith.cmpi slt, %add3A_342, %lt3A : i32
      %convert_element_type3A = arith.extui %lt3A_343 : i1 to i32
      %cond3A = arith.constant 0 : i32
      %cond3A_344 = arith.cmpi ne, %convert_element_type3A, %cond3A : i32
      scf.if %cond3A_344 {
        %add3A_512 = arith.constant 1 : i32
        %add3A_513 = arith.addi %add3A_338, %add3A_512 : i32
        %and3A_514 = arith.constant 1 : i32
        %and3A_515 = arith.andi %add3A_513, %and3A_514 : i32
        %mul3A_516 = arith.constant 26 : i32
        %mul3A_517 = arith.muli %add3A, %mul3A_516 : i32
        %add3A_518 = arith.addi %mul3A_517, %add3A_513 : i32
        %jit3A_519 = arith.constant 32 : i32
        %div3A_520 = arith.divsi %add3A_518, %jit3A_519 : i32
        %sign3A_521 = arith.constant 0 : i32
        %sign3A_522 = arith.cmpi sgt, %add3A_518, %sign3A_521 : i32
        %sign3A_523 = arith.extui %sign3A_522 : i1 to i32
        %sign3A_524 = arith.constant 0 : i32
        %sign3A_525 = arith.cmpi slt, %add3A_518, %sign3A_524 : i32
        %sign3A_526 = arith.extui %sign3A_525 : i1 to i32
        %sign3A_527 = arith.subi %sign3A_523, %sign3A_526 : i32
        %sign3A_528 = arith.constant 0 : i32
        %sign3A_529 = arith.cmpi sgt, %jit3A_519, %sign3A_528 : i32
        %sign3A_530 = arith.extui %sign3A_529 : i1 to i32
        %sign3A_531 = arith.constant 0 : i32
        %sign3A_532 = arith.cmpi slt, %jit3A_519, %sign3A_531 : i32
        %sign3A_533 = arith.extui %sign3A_532 : i1 to i32
        %sign3A_534 = arith.subi %sign3A_530, %sign3A_533 : i32
        %ne3A_535 = arith.cmpi ne, %sign3A_527, %sign3A_534 : i32
        %rem3A_536 = arith.remsi %add3A_518, %jit3A_519 : i32
        %ne3A_537 = arith.constant 0 : i32
        %ne3A_538 = arith.cmpi ne, %rem3A_536, %ne3A_537 : i32
        %and3A_539 = arith.andi %ne3A_535, %ne3A_538 : i1
        %sub3A_540 = arith.constant 1 : i32
        %sub3A_541 = arith.subi %div3A_520, %sub3A_540 : i32
        %select_n3A_542 = arith.select %and3A_539, %sub3A_541, %div3A_520 : i32
        %mul3A_543 = arith.constant 53248 : i32
        %mul3A_544 = arith.muli %select_n3A_542, %mul3A_543 : i32
        %get3A_545 = arith.index_cast %add3A_513 : i32 to index
        %get3A_546 = arith.constant 0 : index
        %get3A_547 = tpu.vector_load %arg5[%get3A_545, %get3A_546] {strides = array<i32>} : memref<26x128xi32, #tpu.memory_space<vmem>>, vector<16xi32>,
        %shift_right_logical3A_548 = arith.constant 13 : i32
        %shift_right_logical3A_549 = vector.broadcast %shift_right_logical3A_548 : i32 to vector<16xi32>
        %shift_right_logical3A_550 = arith.shrui %get3A_547, %shift_right_logical3A_549 : vector<16xi32>
        %mul3A_551 = arith.constant 4096 : i32
        %mul3A_552 = vector.broadcast %mul3A_551 : i32 to vector<16xi32>
        %mul3A_553 = arith.muli %shift_right_logical3A_550, %mul3A_552 : vector<16xi32>
        %and3A_554 = arith.constant 4095 : i32
        %and3A_555 = vector.broadcast %and3A_554 : i32 to vector<16xi32>
        %and3A_556 = arith.andi %get3A_547, %and3A_555 : vector<16xi32>
        %add3A_557 = arith.addi %mul3A_553, %and3A_556 : vector<16xi32>
        %add3A_558 = vector.broadcast %mul3A_544 : i32 to vector<16xi32>
        %add3A_559 = arith.addi %add3A_557, %add3A_558 : vector<16xi32>
        %swap3A_560 = arith.index_cast %and3A_515 : i32 to index
        %swap3A_561 = arith.constant 0 : index
        %swap3A_562 = tpu.vector_load %arg6[%swap3A_560, %swap3A_561] {strides = array<i32>} : memref<2x128xi32, #tpu.memory_space<vmem>>, vector<16xi32>,
        tpu.vector_store %arg6[%swap3A_560, %swap3A_561], %add3A_559 {strides = array<i32>} : memref<2x128xi32, #tpu.memory_space<vmem>>, vector<16xi32>,
        %shift_right_logical3A_563 = arith.constant 12 : i32
        %shift_right_logical3A_564 = vector.broadcast %shift_right_logical3A_563 : i32 to vector<16xi32>
        %shift_right_logical3A_565 = arith.shrui %get3A_547, %shift_right_logical3A_564 : vector<16xi32>
        %and3A_566 = arith.constant 1 : i32
        %and3A_567 = vector.broadcast %and3A_566 : i32 to vector<16xi32>
        %and3A_568 = arith.andi %shift_right_logical3A_565, %and3A_567 : vector<16xi32>
        %mul3A_569 = arith.constant 64 : i32
        %mul3A_570 = vector.broadcast %mul3A_569 : i32 to vector<16xi32>
        %mul3A_571 = arith.muli %and3A_568, %mul3A_570 : vector<16xi32>
        %swap3A_572 = arith.index_cast %and3A_515 : i32 to index
        %swap3A_573 = arith.constant 0 : index
        %swap3A_574 = tpu.vector_load %arg7[%swap3A_572, %swap3A_573] {strides = array<i32>} : memref<2x128xi32, #tpu.memory_space<vmem>>, vector<16xi32>,
        tpu.vector_store %arg7[%swap3A_572, %swap3A_573], %mul3A_571 {strides = array<i32>} : memref<2x128xi32, #tpu.memory_space<vmem>>, vector<16xi32>,
        %get3A_575 = arith.index_cast %add3A_513 : i32 to index
        %get3A_576 = arith.constant 16 : index
        %get3A_577 = tpu.vector_load %arg5[%get3A_575, %get3A_576] {strides = array<i32>} : memref<26x128xi32, #tpu.memory_space<vmem>>, vector<16xi32>,
        %shift_right_logical3A_578 = arith.constant 13 : i32
        %shift_right_logical3A_579 = vector.broadcast %shift_right_logical3A_578 : i32 to vector<16xi32>
        %shift_right_logical3A_580 = arith.shrui %get3A_577, %shift_right_logical3A_579 : vector<16xi32>
        %mul3A_581 = arith.constant 4096 : i32
        %mul3A_582 = vector.broadcast %mul3A_581 : i32 to vector<16xi32>
        %mul3A_583 = arith.muli %shift_right_logical3A_580, %mul3A_582 : vector<16xi32>
        %and3A_584 = arith.constant 4095 : i32
        %and3A_585 = vector.broadcast %and3A_584 : i32 to vector<16xi32>
        %and3A_586 = arith.andi %get3A_577, %and3A_585 : vector<16xi32>
        %add3A_587 = arith.addi %mul3A_583, %and3A_586 : vector<16xi32>
        %add3A_588 = vector.broadcast %mul3A_544 : i32 to vector<16xi32>
        %add3A_589 = arith.addi %add3A_587, %add3A_588 : vector<16xi32>
        %swap3A_590 = arith.index_cast %and3A_515 : i32 to index
        %swap3A_591 = arith.constant 16 : index
        %swap3A_592 = tpu.vector_load %arg6[%swap3A_590, %swap3A_591] {strides = array<i32>} : memref<2x128xi32, #tpu.memory_space<vmem>>, vector<16xi32>,
        tpu.vector_store %arg6[%swap3A_590, %swap3A_591], %add3A_589 {strides = array<i32>} : memref<2x128xi32, #tpu.memory_space<vmem>>, vector<16xi32>,
        %shift_right_logical3A_593 = arith.constant 12 : i32
        %shift_right_logical3A_594 = vector.broadcast %shift_right_logical3A_593 : i32 to vector<16xi32>
        %shift_right_logical3A_595 = arith.shrui %get3A_577, %shift_right_logical3A_594 : vector<16xi32>
        %and3A_596 = arith.constant 1 : i32
        %and3A_597 = vector.broadcast %and3A_596 : i32 to vector<16xi32>
        %and3A_598 = arith.andi %shift_right_logical3A_595, %and3A_597 : vector<16xi32>
        %mul3A_599 = arith.constant 64 : i32
        %mul3A_600 = vector.broadcast %mul3A_599 : i32 to vector<16xi32>
        %mul3A_601 = arith.muli %and3A_598, %mul3A_600 : vector<16xi32>
        %swap3A_602 = arith.index_cast %and3A_515 : i32 to index
        %swap3A_603 = arith.constant 16 : index
        %swap3A_604 = tpu.vector_load %arg7[%swap3A_602, %swap3A_603] {strides = array<i32>} : memref<2x128xi32, #tpu.memory_space<vmem>>, vector<16xi32>,
        tpu.vector_store %arg7[%swap3A_602, %swap3A_603], %mul3A_601 {strides = array<i32>} : memref<2x128xi32, #tpu.memory_space<vmem>>, vector<16xi32>,
        %get3A_605 = arith.index_cast %add3A_513 : i32 to index
        %get3A_606 = arith.constant 32 : index
        %get3A_607 = tpu.vector_load %arg5[%get3A_605, %get3A_606] {strides = array<i32>} : memref<26x128xi32, #tpu.memory_space<vmem>>, vector<16xi32>,
        %shift_right_logical3A_608 = arith.constant 13 : i32
        %shift_right_logical3A_609 = vector.broadcast %shift_right_logical3A_608 : i32 to vector<16xi32>
        %shift_right_logical3A_610 = arith.shrui %get3A_607, %shift_right_logical3A_609 : vector<16xi32>
        %mul3A_611 = arith.constant 4096 : i32
        %mul3A_612 = vector.broadcast %mul3A_611 : i32 to vector<16xi32>
        %mul3A_613 = arith.muli %shift_right_logical3A_610, %mul3A_612 : vector<16xi32>
        %and3A_614 = arith.constant 4095 : i32
        %and3A_615 = vector.broadcast %and3A_614 : i32 to vector<16xi32>
        %and3A_616 = arith.andi %get3A_607, %and3A_615 : vector<16xi32>
        %add3A_617 = arith.addi %mul3A_613, %and3A_616 : vector<16xi32>
        %add3A_618 = vector.broadcast %mul3A_544 : i32 to vector<16xi32>
        %add3A_619 = arith.addi %add3A_617, %add3A_618 : vector<16xi32>
        %swap3A_620 = arith.index_cast %and3A_515 : i32 to index
        %swap3A_621 = arith.constant 32 : index
        %swap3A_622 = tpu.vector_load %arg6[%swap3A_620, %swap3A_621] {strides = array<i32>} : memref<2x128xi32, #tpu.memory_space<vmem>>, vector<16xi32>,
        tpu.vector_store %arg6[%swap3A_620, %swap3A_621], %add3A_619 {strides = array<i32>} : memref<2x128xi32, #tpu.memory_space<vmem>>, vector<16xi32>,
        %shift_right_logical3A_623 = arith.constant 12 : i32
        %shift_right_logical3A_624 = vector.broadcast %shift_right_logical3A_623 : i32 to vector<16xi32>
        %shift_right_logical3A_625 = arith.shrui %get3A_607, %shift_right_logical3A_624 : vector<16xi32>
        %and3A_626 = arith.constant 1 : i32
        %and3A_627 = vector.broadcast %and3A_626 : i32 to vector<16xi32>
        %and3A_628 = arith.andi %shift_right_logical3A_625, %and3A_627 : vector<16xi32>
        %mul3A_629 = arith.constant 64 : i32
        %mul3A_630 = vector.broadcast %mul3A_629 : i32 to vector<16xi32>
        %mul3A_631 = arith.muli %and3A_628, %mul3A_630 : vector<16xi32>
        %swap3A_632 = arith.index_cast %and3A_515 : i32 to index
        %swap3A_633 = arith.constant 32 : index
        %swap3A_634 = tpu.vector_load %arg7[%swap3A_632, %swap3A_633] {strides = array<i32>} : memref<2x128xi32, #tpu.memory_space<vmem>>, vector<16xi32>,
        tpu.vector_store %arg7[%swap3A_632, %swap3A_633], %mul3A_631 {strides = array<i32>} : memref<2x128xi32, #tpu.memory_space<vmem>>, vector<16xi32>,
        %get3A_635 = arith.index_cast %add3A_513 : i32 to index
        %get3A_636 = arith.constant 48 : index
        %get3A_637 = tpu.vector_load %arg5[%get3A_635, %get3A_636] {strides = array<i32>} : memref<26x128xi32, #tpu.memory_space<vmem>>, vector<16xi32>,
        %shift_right_logical3A_638 = arith.constant 13 : i32
        %shift_right_logical3A_639 = vector.broadcast %shift_right_logical3A_638 : i32 to vector<16xi32>
        %shift_right_logical3A_640 = arith.shrui %get3A_637, %shift_right_logical3A_639 : vector<16xi32>
        %mul3A_641 = arith.constant 4096 : i32
        %mul3A_642 = vector.broadcast %mul3A_641 : i32 to vector<16xi32>
        %mul3A_643 = arith.muli %shift_right_logical3A_640, %mul3A_642 : vector<16xi32>
        %and3A_644 = arith.constant 4095 : i32
        %and3A_645 = vector.broadcast %and3A_644 : i32 to vector<16xi32>
        %and3A_646 = arith.andi %get3A_637, %and3A_645 : vector<16xi32>
        %add3A_647 = arith.addi %mul3A_643, %and3A_646 : vector<16xi32>
        %add3A_648 = vector.broadcast %mul3A_544 : i32 to vector<16xi32>
        %add3A_649 = arith.addi %add3A_647, %add3A_648 : vector<16xi32>
        %swap3A_650 = arith.index_cast %and3A_515 : i32 to index
        %swap3A_651 = arith.constant 48 : index
        %swap3A_652 = tpu.vector_load %arg6[%swap3A_650, %swap3A_651] {strides = array<i32>} : memref<2x128xi32, #tpu.memory_space<vmem>>, vector<16xi32>,
        tpu.vector_store %arg6[%swap3A_650, %swap3A_651], %add3A_649 {strides = array<i32>} : memref<2x128xi32, #tpu.memory_space<vmem>>, vector<16xi32>,
        %shift_right_logical3A_653 = arith.constant 12 : i32
        %shift_right_logical3A_654 = vector.broadcast %shift_right_logical3A_653 : i32 to vector<16xi32>
        %shift_right_logical3A_655 = arith.shrui %get3A_637, %shift_right_logical3A_654 : vector<16xi32>
        %and3A_656 = arith.constant 1 : i32
        %and3A_657 = vector.broadcast %and3A_656 : i32 to vector<16xi32>
        %and3A_658 = arith.andi %shift_right_logical3A_655, %and3A_657 : vector<16xi32>
        %mul3A_659 = arith.constant 64 : i32
        %mul3A_660 = vector.broadcast %mul3A_659 : i32 to vector<16xi32>
        %mul3A_661 = arith.muli %and3A_658, %mul3A_660 : vector<16xi32>
        %swap3A_662 = arith.index_cast %and3A_515 : i32 to index
        %swap3A_663 = arith.constant 48 : index
        %swap3A_664 = tpu.vector_load %arg7[%swap3A_662, %swap3A_663] {strides = array<i32>} : memref<2x128xi32, #tpu.memory_space<vmem>>, vector<16xi32>,
        tpu.vector_store %arg7[%swap3A_662, %swap3A_663], %mul3A_661 {strides = array<i32>} : memref<2x128xi32, #tpu.memory_space<vmem>>, vector<16xi32>,
        %get3A_665 = arith.index_cast %add3A_513 : i32 to index
        %get3A_666 = arith.constant 64 : index
        %get3A_667 = tpu.vector_load %arg5[%get3A_665, %get3A_666] {strides = array<i32>} : memref<26x128xi32, #tpu.memory_space<vmem>>, vector<16xi32>,
        %shift_right_logical3A_668 = arith.constant 13 : i32
        %shift_right_logical3A_669 = vector.broadcast %shift_right_logical3A_668 : i32 to vector<16xi32>
        %shift_right_logical3A_670 = arith.shrui %get3A_667, %shift_right_logical3A_669 : vector<16xi32>
        %mul3A_671 = arith.constant 4096 : i32
        %mul3A_672 = vector.broadcast %mul3A_671 : i32 to vector<16xi32>
        %mul3A_673 = arith.muli %shift_right_logical3A_670, %mul3A_672 : vector<16xi32>
        %and3A_674 = arith.constant 4095 : i32
        %and3A_675 = vector.broadcast %and3A_674 : i32 to vector<16xi32>
        %and3A_676 = arith.andi %get3A_667, %and3A_675 : vector<16xi32>
        %add3A_677 = arith.addi %mul3A_673, %and3A_676 : vector<16xi32>
        %add3A_678 = vector.broadcast %mul3A_544 : i32 to vector<16xi32>
        %add3A_679 = arith.addi %add3A_677, %add3A_678 : vector<16xi32>
        %swap3A_680 = arith.index_cast %and3A_515 : i32 to index
        %swap3A_681 = arith.constant 64 : index
        %swap3A_682 = tpu.vector_load %arg6[%swap3A_680, %swap3A_681] {strides = array<i32>} : memref<2x128xi32, #tpu.memory_space<vmem>>, vector<16xi32>,
        tpu.vector_store %arg6[%swap3A_680, %swap3A_681], %add3A_679 {strides = array<i32>} : memref<2x128xi32, #tpu.memory_space<vmem>>, vector<16xi32>,
        %shift_right_logical3A_683 = arith.constant 12 : i32
        %shift_right_logical3A_684 = vector.broadcast %shift_right_logical3A_683 : i32 to vector<16xi32>
        %shift_right_logical3A_685 = arith.shrui %get3A_667, %shift_right_logical3A_684 : vector<16xi32>
        %and3A_686 = arith.constant 1 : i32
        %and3A_687 = vector.broadcast %and3A_686 : i32 to vector<16xi32>
        %and3A_688 = arith.andi %shift_right_logical3A_685, %and3A_687 : vector<16xi32>
        %mul3A_689 = arith.constant 64 : i32
        %mul3A_690 = vector.broadcast %mul3A_689 : i32 to vector<16xi32>
        %mul3A_691 = arith.muli %and3A_688, %mul3A_690 : vector<16xi32>
        %swap3A_692 = arith.index_cast %and3A_515 : i32 to index
        %swap3A_693 = arith.constant 64 : index
        %swap3A_694 = tpu.vector_load %arg7[%swap3A_692, %swap3A_693] {strides = array<i32>} : memref<2x128xi32, #tpu.memory_space<vmem>>, vector<16xi32>,
        tpu.vector_store %arg7[%swap3A_692, %swap3A_693], %mul3A_691 {strides = array<i32>} : memref<2x128xi32, #tpu.memory_space<vmem>>, vector<16xi32>,
        %get3A_695 = arith.index_cast %add3A_513 : i32 to index
        %get3A_696 = arith.constant 80 : index
        %get3A_697 = tpu.vector_load %arg5[%get3A_695, %get3A_696] {strides = array<i32>} : memref<26x128xi32, #tpu.memory_space<vmem>>, vector<16xi32>,
        %shift_right_logical3A_698 = arith.constant 13 : i32
        %shift_right_logical3A_699 = vector.broadcast %shift_right_logical3A_698 : i32 to vector<16xi32>
        %shift_right_logical3A_700 = arith.shrui %get3A_697, %shift_right_logical3A_699 : vector<16xi32>
        %mul3A_701 = arith.constant 4096 : i32
        %mul3A_702 = vector.broadcast %mul3A_701 : i32 to vector<16xi32>
        %mul3A_703 = arith.muli %shift_right_logical3A_700, %mul3A_702 : vector<16xi32>
        %and3A_704 = arith.constant 4095 : i32
        %and3A_705 = vector.broadcast %and3A_704 : i32 to vector<16xi32>
        %and3A_706 = arith.andi %get3A_697, %and3A_705 : vector<16xi32>
        %add3A_707 = arith.addi %mul3A_703, %and3A_706 : vector<16xi32>
        %add3A_708 = vector.broadcast %mul3A_544 : i32 to vector<16xi32>
        %add3A_709 = arith.addi %add3A_707, %add3A_708 : vector<16xi32>
        %swap3A_710 = arith.index_cast %and3A_515 : i32 to index
        %swap3A_711 = arith.constant 80 : index
        %swap3A_712 = tpu.vector_load %arg6[%swap3A_710, %swap3A_711] {strides = array<i32>} : memref<2x128xi32, #tpu.memory_space<vmem>>, vector<16xi32>,
        tpu.vector_store %arg6[%swap3A_710, %swap3A_711], %add3A_709 {strides = array<i32>} : memref<2x128xi32, #tpu.memory_space<vmem>>, vector<16xi32>,
        %shift_right_logical3A_713 = arith.constant 12 : i32
        %shift_right_logical3A_714 = vector.broadcast %shift_right_logical3A_713 : i32 to vector<16xi32>
        %shift_right_logical3A_715 = arith.shrui %get3A_697, %shift_right_logical3A_714 : vector<16xi32>
        %and3A_716 = arith.constant 1 : i32
        %and3A_717 = vector.broadcast %and3A_716 : i32 to vector<16xi32>
        %and3A_718 = arith.andi %shift_right_logical3A_715, %and3A_717 : vector<16xi32>
        %mul3A_719 = arith.constant 64 : i32
        %mul3A_720 = vector.broadcast %mul3A_719 : i32 to vector<16xi32>
        %mul3A_721 = arith.muli %and3A_718, %mul3A_720 : vector<16xi32>
        %swap3A_722 = arith.index_cast %and3A_515 : i32 to index
        %swap3A_723 = arith.constant 80 : index
        %swap3A_724 = tpu.vector_load %arg7[%swap3A_722, %swap3A_723] {strides = array<i32>} : memref<2x128xi32, #tpu.memory_space<vmem>>, vector<16xi32>,
        tpu.vector_store %arg7[%swap3A_722, %swap3A_723], %mul3A_721 {strides = array<i32>} : memref<2x128xi32, #tpu.memory_space<vmem>>, vector<16xi32>,
        %get3A_725 = arith.index_cast %add3A_513 : i32 to index
        %get3A_726 = arith.constant 96 : index
        %get3A_727 = tpu.vector_load %arg5[%get3A_725, %get3A_726] {strides = array<i32>} : memref<26x128xi32, #tpu.memory_space<vmem>>, vector<16xi32>,
        %shift_right_logical3A_728 = arith.constant 13 : i32
        %shift_right_logical3A_729 = vector.broadcast %shift_right_logical3A_728 : i32 to vector<16xi32>
        %shift_right_logical3A_730 = arith.shrui %get3A_727, %shift_right_logical3A_729 : vector<16xi32>
        %mul3A_731 = arith.constant 4096 : i32
        %mul3A_732 = vector.broadcast %mul3A_731 : i32 to vector<16xi32>
        %mul3A_733 = arith.muli %shift_right_logical3A_730, %mul3A_732 : vector<16xi32>
        %and3A_734 = arith.constant 4095 : i32
        %and3A_735 = vector.broadcast %and3A_734 : i32 to vector<16xi32>
        %and3A_736 = arith.andi %get3A_727, %and3A_735 : vector<16xi32>
        %add3A_737 = arith.addi %mul3A_733, %and3A_736 : vector<16xi32>
        %add3A_738 = vector.broadcast %mul3A_544 : i32 to vector<16xi32>
        %add3A_739 = arith.addi %add3A_737, %add3A_738 : vector<16xi32>
        %swap3A_740 = arith.index_cast %and3A_515 : i32 to index
        %swap3A_741 = arith.constant 96 : index
        %swap3A_742 = tpu.vector_load %arg6[%swap3A_740, %swap3A_741] {strides = array<i32>} : memref<2x128xi32, #tpu.memory_space<vmem>>, vector<16xi32>,
        tpu.vector_store %arg6[%swap3A_740, %swap3A_741], %add3A_739 {strides = array<i32>} : memref<2x128xi32, #tpu.memory_space<vmem>>, vector<16xi32>,
        %shift_right_logical3A_743 = arith.constant 12 : i32
        %shift_right_logical3A_744 = vector.broadcast %shift_right_logical3A_743 : i32 to vector<16xi32>
        %shift_right_logical3A_745 = arith.shrui %get3A_727, %shift_right_logical3A_744 : vector<16xi32>
        %and3A_746 = arith.constant 1 : i32
        %and3A_747 = vector.broadcast %and3A_746 : i32 to vector<16xi32>
        %and3A_748 = arith.andi %shift_right_logical3A_745, %and3A_747 : vector<16xi32>
        %mul3A_749 = arith.constant 64 : i32
        %mul3A_750 = vector.broadcast %mul3A_749 : i32 to vector<16xi32>
        %mul3A_751 = arith.muli %and3A_748, %mul3A_750 : vector<16xi32>
        %swap3A_752 = arith.index_cast %and3A_515 : i32 to index
        %swap3A_753 = arith.constant 96 : index
        %swap3A_754 = tpu.vector_load %arg7[%swap3A_752, %swap3A_753] {strides = array<i32>} : memref<2x128xi32, #tpu.memory_space<vmem>>, vector<16xi32>,
        tpu.vector_store %arg7[%swap3A_752, %swap3A_753], %mul3A_751 {strides = array<i32>} : memref<2x128xi32, #tpu.memory_space<vmem>>, vector<16xi32>,
        %get3A_755 = arith.index_cast %add3A_513 : i32 to index
        %get3A_756 = arith.constant 112 : index
        %get3A_757 = tpu.vector_load %arg5[%get3A_755, %get3A_756] {strides = array<i32>} : memref<26x128xi32, #tpu.memory_space<vmem>>, vector<16xi32>,
        %shift_right_logical3A_758 = arith.constant 13 : i32
        %shift_right_logical3A_759 = vector.broadcast %shift_right_logical3A_758 : i32 to vector<16xi32>
        %shift_right_logical3A_760 = arith.shrui %get3A_757, %shift_right_logical3A_759 : vector<16xi32>
        %mul3A_761 = arith.constant 4096 : i32
        %mul3A_762 = vector.broadcast %mul3A_761 : i32 to vector<16xi32>
        %mul3A_763 = arith.muli %shift_right_logical3A_760, %mul3A_762 : vector<16xi32>
        %and3A_764 = arith.constant 4095 : i32
        %and3A_765 = vector.broadcast %and3A_764 : i32 to vector<16xi32>
        %and3A_766 = arith.andi %get3A_757, %and3A_765 : vector<16xi32>
        %add3A_767 = arith.addi %mul3A_763, %and3A_766 : vector<16xi32>
        %add3A_768 = vector.broadcast %mul3A_544 : i32 to vector<16xi32>
        %add3A_769 = arith.addi %add3A_767, %add3A_768 : vector<16xi32>
        %swap3A_770 = arith.index_cast %and3A_515 : i32 to index
        %swap3A_771 = arith.constant 112 : index
        %swap3A_772 = tpu.vector_load %arg6[%swap3A_770, %swap3A_771] {strides = array<i32>} : memref<2x128xi32, #tpu.memory_space<vmem>>, vector<16xi32>,
        tpu.vector_store %arg6[%swap3A_770, %swap3A_771], %add3A_769 {strides = array<i32>} : memref<2x128xi32, #tpu.memory_space<vmem>>, vector<16xi32>,
        %shift_right_logical3A_773 = arith.constant 12 : i32
        %shift_right_logical3A_774 = vector.broadcast %shift_right_logical3A_773 : i32 to vector<16xi32>
        %shift_right_logical3A_775 = arith.shrui %get3A_757, %shift_right_logical3A_774 : vector<16xi32>
        %and3A_776 = arith.constant 1 : i32
        %and3A_777 = vector.broadcast %and3A_776 : i32 to vector<16xi32>
        %and3A_778 = arith.andi %shift_right_logical3A_775, %and3A_777 : vector<16xi32>
        %mul3A_779 = arith.constant 64 : i32
        %mul3A_780 = vector.broadcast %mul3A_779 : i32 to vector<16xi32>
        %mul3A_781 = arith.muli %and3A_778, %mul3A_780 : vector<16xi32>
        %swap3A_782 = arith.index_cast %and3A_515 : i32 to index
        %swap3A_783 = arith.constant 112 : index
        %swap3A_784 = tpu.vector_load %arg7[%swap3A_782, %swap3A_783] {strides = array<i32>} : memref<2x128xi32, #tpu.memory_space<vmem>>, vector<16xi32>,
        tpu.vector_store %arg7[%swap3A_782, %swap3A_783], %mul3A_781 {strides = array<i32>} : memref<2x128xi32, #tpu.memory_space<vmem>>, vector<16xi32>,
        %dma_start3A_785 = arith.constant 0 : i32
        %dma_start3A_786 = arith.constant 0 : i32
        %dma_start3A_787 = tpu.memref_slice %arg8[%and3A_515, %dma_start3A_785, %dma_start3A_786] : memref<2x128x128xf32, #tpu.memory_space<vmem>> -> memref<1x128x128xf32, #tpu.memory_space<vmem>>
        %dma_start3A_788 = tpu.memref_squeeze %dma_start3A_787 : memref<1x128x128xf32, #tpu.memory_space<vmem>> -> memref<128x128xf32, #tpu.memory_space<vmem>>
        %dma_start3A_789 = arith.constant 0 : i32
        %dma_start3A_790 = tpu.memref_slice %arg6[%and3A_515, %dma_start3A_789] : memref<2x128xi32, #tpu.memory_space<vmem>> -> memref<1x128xi32, #tpu.memory_space<vmem>>
        %dma_start3A_791 = tpu.memref_squeeze %dma_start3A_790 : memref<1x128xi32, #tpu.memory_space<vmem>> -> memref<128xi32, #tpu.memory_space<vmem>>
        %dma_start3A_792 = arith.constant 0 : i32
        %dma_start3A_793 = arith.constant 0 : i32
        %dma_start3A_794 = tpu.memref_slice %arg3[%dma_start3A_792, %dma_start3A_793] : memref<1384448x128xf32, #tpu.memory_space<hbm>> -> memref<1384448x128xf32, #tpu.memory_space<hbm>>
        tpu.enqueue_indirect_dma source(%dma_start3A_794 : memref<1384448x128xf32, #tpu.memory_space<hbm>>) target(%dma_start3A_788 : memref<128x128xf32, #tpu.memory_space<vmem>>) offsets(%dma_start3A_791 : memref<128xi32, #tpu.memory_space<vmem>>) semaphore(%arg10 : memref<!tpu.dma_semaphore, #tpu.memory_space<semaphore_mem>>)
      } else {
      }
      %dma_wait3A_345 = arith.constant 0 : i32
      %dma_wait3A_346 = arith.constant 0 : i32
      %dma_wait3A_347 = tpu.memref_slice %arg8[%and3A_340, %dma_wait3A_345, %dma_wait3A_346] : memref<2x128x128xf32, #tpu.memory_space<vmem>> -> memref<1x128x128xf32, #tpu.memory_space<vmem>>
      %dma_wait3A_348 = tpu.memref_squeeze %dma_wait3A_347 : memref<1x128x128xf32, #tpu.memory_space<vmem>> -> memref<128x128xf32, #tpu.memory_space<vmem>>
      %dma_wait3A_349 = arith.constant 0 : i32
      %dma_wait3A_350 = tpu.memref_slice %arg6[%and3A_340, %dma_wait3A_349] : memref<2x128xi32, #tpu.memory_space<vmem>> -> memref<1x128xi32, #tpu.memory_space<vmem>>
      %dma_wait3A_351 = tpu.memref_squeeze %dma_wait3A_350 : memref<1x128xi32, #tpu.memory_space<vmem>> -> memref<128xi32, #tpu.memory_space<vmem>>
      %dma_wait3A_352 = arith.constant 0 : i32
      %dma_wait3A_353 = arith.constant 0 : i32
      %dma_wait3A_354 = tpu.memref_slice %arg3[%dma_wait3A_352, %dma_wait3A_353] : memref<1384448x128xf32, #tpu.memory_space<hbm>> -> memref<1384448x128xf32, #tpu.memory_space<hbm>>
      tpu.wait_indirect_dma semaphore(%arg10 : memref<!tpu.dma_semaphore, #tpu.memory_space<semaphore_mem>>) src(%dma_wait3A_354 : memref<1384448x128xf32, #tpu.memory_space<hbm>>) dst(%dma_wait3A_348 : memref<128x128xf32, #tpu.memory_space<vmem>>)
      %ge3A = arith.constant 2 : i32
      %ge3A_355 = arith.cmpi sge, %add3A_338, %ge3A : i32
      %convert_element_type3A_356 = arith.extui %ge3A_355 : i1 to i32
      %cond3A_357 = arith.constant 0 : i32
      %cond3A_358 = arith.cmpi ne, %convert_element_type3A_356, %cond3A_357 : i32
      scf.if %cond3A_358 {
        %dma_wait3A_512 = arith.constant 0 : i32
        %dma_wait3A_513 = arith.constant 0 : i32
        %dma_wait3A_514 = arith.constant 0 : i32
        %dma_wait3A_515 = tpu.memref_slice %arg9[%and3A_340, %dma_wait3A_513, %dma_wait3A_514] : memref<2x64x128xf32, #tpu.memory_space<vmem>> -> memref<1x64x128xf32, #tpu.memory_space<vmem>>
        %dma_wait3A_516 = tpu.memref_squeeze %dma_wait3A_515 : memref<1x64x128xf32, #tpu.memory_space<vmem>> -> memref<64x128xf32, #tpu.memory_space<vmem>>
        %dma_wait3A_517 = arith.constant 0 : i32
        %dma_wait3A_518 = arith.constant 0 : i32
        %dma_wait3A_519 = tpu.memref_slice %arg4[%dma_wait3A_512, %dma_wait3A_517, %dma_wait3A_518] : memref<26x64x4096xf32, #tpu.memory_space<hbm>> -> memref<1x64x128xf32, #tpu.memory_space<hbm>>
        %dma_wait3A_520 = tpu.memref_squeeze %dma_wait3A_519 : memref<1x64x128xf32, #tpu.memory_space<hbm>> -> memref<64x128xf32, #tpu.memory_space<hbm>>
        %dma_wait3A_521 = arith.constant 0 : i32
        %dma_wait3A_522 = arith.constant 0 : i32
        %dma_wait3A_523 = tpu.memref_slice %arg4[%dma_wait3A_512, %dma_wait3A_521, %dma_wait3A_522] : memref<26x64x4096xf32, #tpu.memory_space<hbm>> -> memref<1x64x128xf32, #tpu.memory_space<hbm>>
        %dma_wait3A_524 = tpu.memref_squeeze %dma_wait3A_523 : memref<1x64x128xf32, #tpu.memory_space<hbm>> -> memref<64x128xf32, #tpu.memory_space<hbm>>
        %dma_wait3A_525 = arith.constant 0 : i32
        %dma_wait3A_526 = arith.constant 0 : i32
        %dma_wait3A_527 = tpu.memref_slice %arg9[%and3A_340, %dma_wait3A_525, %dma_wait3A_526] : memref<2x64x128xf32, #tpu.memory_space<vmem>> -> memref<1x64x128xf32, #tpu.memory_space<vmem>>
        %dma_wait3A_528 = tpu.memref_squeeze %dma_wait3A_527 : memref<1x64x128xf32, #tpu.memory_space<vmem>> -> memref<64x128xf32, #tpu.memory_space<vmem>>
        tpu.wait_dma2 semaphore(%arg11 : memref<!tpu.dma_semaphore, #tpu.memory_space<semaphore_mem>>) src(%dma_wait3A_528 : memref<64x128xf32, #tpu.memory_space<vmem>>) dst(%dma_wait3A_524 : memref<64x128xf32, #tpu.memory_space<hbm>>)
      } else {
      }
      %iota3A = tpu.iota {dimensions = array<i32: 0>} : vector<16xi32>
      %add3A_359 = arith.constant 0 : i32
      %add3A_360 = vector.broadcast %add3A_359 : i32 to vector<16xi32>
      %add3A_361 = arith.addi %iota3A, %add3A_360 : vector<16xi32>
      %get3A_362 = arith.index_cast %and3A_340 : i32 to index
      %get3A_363 = arith.constant 0 : index
      %get3A_364 = tpu.vector_load %arg7[%get3A_362, %get3A_363] {strides = array<i32>} : memref<2x128xi32, #tpu.memory_space<vmem>>, vector<16xi32>,
      %scan3A_365 = arith.constant 0 : i32
      %scan3A_366 = arith.constant 64 : i32
      %scan3A_367 = arith.addi %scan3A_365, %scan3A_366 : i32
      %scan3A_368 = arith.constant 16 : i32
      scf.for %scan3A_512 = %scan3A_365 to %scan3A_367 step %scan3A_368  : i32 {
        %mul3A_513 = arith.constant 1 : i32
        %mul3A_514 = arith.muli %scan3A_512, %mul3A_513 : i32
        %add3A_515 = arith.constant 0 : i32
        %add3A_516 = arith.addi %add3A_515, %mul3A_514 : i32
        %add3A_517 = vector.broadcast %add3A_516 : i32 to vector<16xi32>
        %add3A_518 = arith.addi %get3A_364, %add3A_517 : vector<16xi32>
        %gather3A = arith.constant 0 : i32
        %gather3A_519 = arith.constant 0 : i32
        %gather3A_520 = tpu.memref_slice %arg8[%and3A_340, %gather3A, %gather3A_519] : memref<2x128x128xf32, #tpu.memory_space<vmem>> -> memref<1x128x128xf32, #tpu.memory_space<vmem>>
        %gather3A_521 = tpu.memref_squeeze %gather3A_520 : memref<1x128x128xf32, #tpu.memory_space<vmem>> -> memref<128x128xf32, #tpu.memory_space<vmem>>
        %gather3A_522 = tpu.vector_load_idx %gather3A_521[%add3A_361, %add3A_518] : memref<128x128xf32, #tpu.memory_space<vmem>>[vector<16xi32>, vector<16xi32>], vector<16xf32>,
        %swap3A_523 = arith.index_cast %and3A_340 : i32 to index
        %swap3A_524 = arith.index_cast %add3A_516 : i32 to index
        %swap3A_525 = arith.constant 0 : index
        %swap3A_526 = tpu.vector_load %arg9[%swap3A_523, %swap3A_524, %swap3A_525] {strides = array<i32>} : memref<2x64x128xf32, #tpu.memory_space<vmem>>, vector<16xf32>,
        tpu.vector_store %arg9[%swap3A_523, %swap3A_524, %swap3A_525], %gather3A_522 {strides = array<i32>} : memref<2x64x128xf32, #tpu.memory_space<vmem>>, vector<16xf32>,
        %scan3A_527 = arith.constant 1 : i32
        %scan3A_528 = arith.addi %scan3A_512, %scan3A_527 : i32
        %mul3A_529 = arith.constant 1 : i32
        %mul3A_530 = arith.muli %scan3A_528, %mul3A_529 : i32
        %add3A_531 = arith.constant 0 : i32
        %add3A_532 = arith.addi %add3A_531, %mul3A_530 : i32
        %add3A_533 = vector.broadcast %add3A_532 : i32 to vector<16xi32>
        %add3A_534 = arith.addi %get3A_364, %add3A_533 : vector<16xi32>
        %gather3A_535 = arith.constant 0 : i32
        %gather3A_536 = arith.constant 0 : i32
        %gather3A_537 = tpu.memref_slice %arg8[%and3A_340, %gather3A_535, %gather3A_536] : memref<2x128x128xf32, #tpu.memory_space<vmem>> -> memref<1x128x128xf32, #tpu.memory_space<vmem>>
        %gather3A_538 = tpu.memref_squeeze %gather3A_537 : memref<1x128x128xf32, #tpu.memory_space<vmem>> -> memref<128x128xf32, #tpu.memory_space<vmem>>
        %gather3A_539 = tpu.vector_load_idx %gather3A_538[%add3A_361, %add3A_534] : memref<128x128xf32, #tpu.memory_space<vmem>>[vector<16xi32>, vector<16xi32>], vector<16xf32>,
        %swap3A_540 = arith.index_cast %and3A_340 : i32 to index
        %swap3A_541 = arith.index_cast %add3A_532 : i32 to index
        %swap3A_542 = arith.constant 0 : index
        %swap3A_543 = tpu.vector_load %arg9[%swap3A_540, %swap3A_541, %swap3A_542] {strides = array<i32>} : memref<2x64x128xf32, #tpu.memory_space<vmem>>, vector<16xf32>,
        tpu.vector_store %arg9[%swap3A_540, %swap3A_541, %swap3A_542], %gather3A_539 {strides = array<i32>} : memref<2x64x128xf32, #tpu.memory_space<vmem>>, vector<16xf32>,
        %scan3A_544 = arith.constant 2 : i32
        %scan3A_545 = arith.addi %scan3A_512, %scan3A_544 : i32
        %mul3A_546 = arith.constant 1 : i32
        %mul3A_547 = arith.muli %scan3A_545, %mul3A_546 : i32
        %add3A_548 = arith.constant 0 : i32
        %add3A_549 = arith.addi %add3A_548, %mul3A_547 : i32
        %add3A_550 = vector.broadcast %add3A_549 : i32 to vector<16xi32>
        %add3A_551 = arith.addi %get3A_364, %add3A_550 : vector<16xi32>
        %gather3A_552 = arith.constant 0 : i32
        %gather3A_553 = arith.constant 0 : i32
        %gather3A_554 = tpu.memref_slice %arg8[%and3A_340, %gather3A_552, %gather3A_553] : memref<2x128x128xf32, #tpu.memory_space<vmem>> -> memref<1x128x128xf32, #tpu.memory_space<vmem>>
        %gather3A_555 = tpu.memref_squeeze %gather3A_554 : memref<1x128x128xf32, #tpu.memory_space<vmem>> -> memref<128x128xf32, #tpu.memory_space<vmem>>
        %gather3A_556 = tpu.vector_load_idx %gather3A_555[%add3A_361, %add3A_551] : memref<128x128xf32, #tpu.memory_space<vmem>>[vector<16xi32>, vector<16xi32>], vector<16xf32>,
        %swap3A_557 = arith.index_cast %and3A_340 : i32 to index
        %swap3A_558 = arith.index_cast %add3A_549 : i32 to index
        %swap3A_559 = arith.constant 0 : index
        %swap3A_560 = tpu.vector_load %arg9[%swap3A_557, %swap3A_558, %swap3A_559] {strides = array<i32>} : memref<2x64x128xf32, #tpu.memory_space<vmem>>, vector<16xf32>,
        tpu.vector_store %arg9[%swap3A_557, %swap3A_558, %swap3A_559], %gather3A_556 {strides = array<i32>} : memref<2x64x128xf32, #tpu.memory_space<vmem>>, vector<16xf32>,
        %scan3A_561 = arith.constant 3 : i32
        %scan3A_562 = arith.addi %scan3A_512, %scan3A_561 : i32
        %mul3A_563 = arith.constant 1 : i32
        %mul3A_564 = arith.muli %scan3A_562, %mul3A_563 : i32
        %add3A_565 = arith.constant 0 : i32
        %add3A_566 = arith.addi %add3A_565, %mul3A_564 : i32
        %add3A_567 = vector.broadcast %add3A_566 : i32 to vector<16xi32>
        %add3A_568 = arith.addi %get3A_364, %add3A_567 : vector<16xi32>
        %gather3A_569 = arith.constant 0 : i32
        %gather3A_570 = arith.constant 0 : i32
        %gather3A_571 = tpu.memref_slice %arg8[%and3A_340, %gather3A_569, %gather3A_570] : memref<2x128x128xf32, #tpu.memory_space<vmem>> -> memref<1x128x128xf32, #tpu.memory_space<vmem>>
        %gather3A_572 = tpu.memref_squeeze %gather3A_571 : memref<1x128x128xf32, #tpu.memory_space<vmem>> -> memref<128x128xf32, #tpu.memory_space<vmem>>
        %gather3A_573 = tpu.vector_load_idx %gather3A_572[%add3A_361, %add3A_568] : memref<128x128xf32, #tpu.memory_space<vmem>>[vector<16xi32>, vector<16xi32>], vector<16xf32>,
        %swap3A_574 = arith.index_cast %and3A_340 : i32 to index
        %swap3A_575 = arith.index_cast %add3A_566 : i32 to index
        %swap3A_576 = arith.constant 0 : index
        %swap3A_577 = tpu.vector_load %arg9[%swap3A_574, %swap3A_575, %swap3A_576] {strides = array<i32>} : memref<2x64x128xf32, #tpu.memory_space<vmem>>, vector<16xf32>,
        tpu.vector_store %arg9[%swap3A_574, %swap3A_575, %swap3A_576], %gather3A_573 {strides = array<i32>} : memref<2x64x128xf32, #tpu.memory_space<vmem>>, vector<16xf32>,
        %scan3A_578 = arith.constant 4 : i32
        %scan3A_579 = arith.addi %scan3A_512, %scan3A_578 : i32
        %mul3A_580 = arith.constant 1 : i32
        %mul3A_581 = arith.muli %scan3A_579, %mul3A_580 : i32
        %add3A_582 = arith.constant 0 : i32
        %add3A_583 = arith.addi %add3A_582, %mul3A_581 : i32
        %add3A_584 = vector.broadcast %add3A_583 : i32 to vector<16xi32>
        %add3A_585 = arith.addi %get3A_364, %add3A_584 : vector<16xi32>
        %gather3A_586 = arith.constant 0 : i32
        %gather3A_587 = arith.constant 0 : i32
        %gather3A_588 = tpu.memref_slice %arg8[%and3A_340, %gather3A_586, %gather3A_587] : memref<2x128x128xf32, #tpu.memory_space<vmem>> -> memref<1x128x128xf32, #tpu.memory_space<vmem>>
        %gather3A_589 = tpu.memref_squeeze %gather3A_588 : memref<1x128x128xf32, #tpu.memory_space<vmem>> -> memref<128x128xf32, #tpu.memory_space<vmem>>
        %gather3A_590 = tpu.vector_load_idx %gather3A_589[%add3A_361, %add3A_585] : memref<128x128xf32, #tpu.memory_space<vmem>>[vector<16xi32>, vector<16xi32>], vector<16xf32>,
        %swap3A_591 = arith.index_cast %and3A_340 : i32 to index
        %swap3A_592 = arith.index_cast %add3A_583 : i32 to index
        %swap3A_593 = arith.constant 0 : index
        %swap3A_594 = tpu.vector_load %arg9[%swap3A_591, %swap3A_592, %swap3A_593] {strides = array<i32>} : memref<2x64x128xf32, #tpu.memory_space<vmem>>, vector<16xf32>,
        tpu.vector_store %arg9[%swap3A_591, %swap3A_592, %swap3A_593], %gather3A_590 {strides = array<i32>} : memref<2x64x128xf32, #tpu.memory_space<vmem>>, vector<16xf32>,
        %scan3A_595 = arith.constant 5 : i32
        %scan3A_596 = arith.addi %scan3A_512, %scan3A_595 : i32
        %mul3A_597 = arith.constant 1 : i32
        %mul3A_598 = arith.muli %scan3A_596, %mul3A_597 : i32
        %add3A_599 = arith.constant 0 : i32
        %add3A_600 = arith.addi %add3A_599, %mul3A_598 : i32
        %add3A_601 = vector.broadcast %add3A_600 : i32 to vector<16xi32>
        %add3A_602 = arith.addi %get3A_364, %add3A_601 : vector<16xi32>
        %gather3A_603 = arith.constant 0 : i32
        %gather3A_604 = arith.constant 0 : i32
        %gather3A_605 = tpu.memref_slice %arg8[%and3A_340, %gather3A_603, %gather3A_604] : memref<2x128x128xf32, #tpu.memory_space<vmem>> -> memref<1x128x128xf32, #tpu.memory_space<vmem>>
        %gather3A_606 = tpu.memref_squeeze %gather3A_605 : memref<1x128x128xf32, #tpu.memory_space<vmem>> -> memref<128x128xf32, #tpu.memory_space<vmem>>
        %gather3A_607 = tpu.vector_load_idx %gather3A_606[%add3A_361, %add3A_602] : memref<128x128xf32, #tpu.memory_space<vmem>>[vector<16xi32>, vector<16xi32>], vector<16xf32>,
        %swap3A_608 = arith.index_cast %and3A_340 : i32 to index
        %swap3A_609 = arith.index_cast %add3A_600 : i32 to index
        %swap3A_610 = arith.constant 0 : index
        %swap3A_611 = tpu.vector_load %arg9[%swap3A_608, %swap3A_609, %swap3A_610] {strides = array<i32>} : memref<2x64x128xf32, #tpu.memory_space<vmem>>, vector<16xf32>,
        tpu.vector_store %arg9[%swap3A_608, %swap3A_609, %swap3A_610], %gather3A_607 {strides = array<i32>} : memref<2x64x128xf32, #tpu.memory_space<vmem>>, vector<16xf32>,
        %scan3A_612 = arith.constant 6 : i32
        %scan3A_613 = arith.addi %scan3A_512, %scan3A_612 : i32
        %mul3A_614 = arith.constant 1 : i32
        %mul3A_615 = arith.muli %scan3A_613, %mul3A_614 : i32
        %add3A_616 = arith.constant 0 : i32
        %add3A_617 = arith.addi %add3A_616, %mul3A_615 : i32
        %add3A_618 = vector.broadcast %add3A_617 : i32 to vector<16xi32>
        %add3A_619 = arith.addi %get3A_364, %add3A_618 : vector<16xi32>
        %gather3A_620 = arith.constant 0 : i32
        %gather3A_621 = arith.constant 0 : i32
        %gather3A_622 = tpu.memref_slice %arg8[%and3A_340, %gather3A_620, %gather3A_621] : memref<2x128x128xf32, #tpu.memory_space<vmem>> -> memref<1x128x128xf32, #tpu.memory_space<vmem>>
        %gather3A_623 = tpu.memref_squeeze %gather3A_622 : memref<1x128x128xf32, #tpu.memory_space<vmem>> -> memref<128x128xf32, #tpu.memory_space<vmem>>
        %gather3A_624 = tpu.vector_load_idx %gather3A_623[%add3A_361, %add3A_619] : memref<128x128xf32, #tpu.memory_space<vmem>>[vector<16xi32>, vector<16xi32>], vector<16xf32>,
        %swap3A_625 = arith.index_cast %and3A_340 : i32 to index
        %swap3A_626 = arith.index_cast %add3A_617 : i32 to index
        %swap3A_627 = arith.constant 0 : index
        %swap3A_628 = tpu.vector_load %arg9[%swap3A_625, %swap3A_626, %swap3A_627] {strides = array<i32>} : memref<2x64x128xf32, #tpu.memory_space<vmem>>, vector<16xf32>,
        tpu.vector_store %arg9[%swap3A_625, %swap3A_626, %swap3A_627], %gather3A_624 {strides = array<i32>} : memref<2x64x128xf32, #tpu.memory_space<vmem>>, vector<16xf32>,
        %scan3A_629 = arith.constant 7 : i32
        %scan3A_630 = arith.addi %scan3A_512, %scan3A_629 : i32
        %mul3A_631 = arith.constant 1 : i32
        %mul3A_632 = arith.muli %scan3A_630, %mul3A_631 : i32
        %add3A_633 = arith.constant 0 : i32
        %add3A_634 = arith.addi %add3A_633, %mul3A_632 : i32
        %add3A_635 = vector.broadcast %add3A_634 : i32 to vector<16xi32>
        %add3A_636 = arith.addi %get3A_364, %add3A_635 : vector<16xi32>
        %gather3A_637 = arith.constant 0 : i32
        %gather3A_638 = arith.constant 0 : i32
        %gather3A_639 = tpu.memref_slice %arg8[%and3A_340, %gather3A_637, %gather3A_638] : memref<2x128x128xf32, #tpu.memory_space<vmem>> -> memref<1x128x128xf32, #tpu.memory_space<vmem>>
        %gather3A_640 = tpu.memref_squeeze %gather3A_639 : memref<1x128x128xf32, #tpu.memory_space<vmem>> -> memref<128x128xf32, #tpu.memory_space<vmem>>
        %gather3A_641 = tpu.vector_load_idx %gather3A_640[%add3A_361, %add3A_636] : memref<128x128xf32, #tpu.memory_space<vmem>>[vector<16xi32>, vector<16xi32>], vector<16xf32>,
        %swap3A_642 = arith.index_cast %and3A_340 : i32 to index
        %swap3A_643 = arith.index_cast %add3A_634 : i32 to index
        %swap3A_644 = arith.constant 0 : index
        %swap3A_645 = tpu.vector_load %arg9[%swap3A_642, %swap3A_643, %swap3A_644] {strides = array<i32>} : memref<2x64x128xf32, #tpu.memory_space<vmem>>, vector<16xf32>,
        tpu.vector_store %arg9[%swap3A_642, %swap3A_643, %swap3A_644], %gather3A_641 {strides = array<i32>} : memref<2x64x128xf32, #tpu.memory_space<vmem>>, vector<16xf32>,
        %scan3A_646 = arith.constant 8 : i32
        %scan3A_647 = arith.addi %scan3A_512, %scan3A_646 : i32
        %mul3A_648 = arith.constant 1 : i32
        %mul3A_649 = arith.muli %scan3A_647, %mul3A_648 : i32
        %add3A_650 = arith.constant 0 : i32
        %add3A_651 = arith.addi %add3A_650, %mul3A_649 : i32
        %add3A_652 = vector.broadcast %add3A_651 : i32 to vector<16xi32>
        %add3A_653 = arith.addi %get3A_364, %add3A_652 : vector<16xi32>
        %gather3A_654 = arith.constant 0 : i32
        %gather3A_655 = arith.constant 0 : i32
        %gather3A_656 = tpu.memref_slice %arg8[%and3A_340, %gather3A_654, %gather3A_655] : memref<2x128x128xf32, #tpu.memory_space<vmem>> -> memref<1x128x128xf32, #tpu.memory_space<vmem>>
        %gather3A_657 = tpu.memref_squeeze %gather3A_656 : memref<1x128x128xf32, #tpu.memory_space<vmem>> -> memref<128x128xf32, #tpu.memory_space<vmem>>
        %gather3A_658 = tpu.vector_load_idx %gather3A_657[%add3A_361, %add3A_653] : memref<128x128xf32, #tpu.memory_space<vmem>>[vector<16xi32>, vector<16xi32>], vector<16xf32>,
        %swap3A_659 = arith.index_cast %and3A_340 : i32 to index
        %swap3A_660 = arith.index_cast %add3A_651 : i32 to index
        %swap3A_661 = arith.constant 0 : index
        %swap3A_662 = tpu.vector_load %arg9[%swap3A_659, %swap3A_660, %swap3A_661] {strides = array<i32>} : memref<2x64x128xf32, #tpu.memory_space<vmem>>, vector<16xf32>,
        tpu.vector_store %arg9[%swap3A_659, %swap3A_660, %swap3A_661], %gather3A_658 {strides = array<i32>} : memref<2x64x128xf32, #tpu.memory_space<vmem>>, vector<16xf32>,
        %scan3A_663 = arith.constant 9 : i32
        %scan3A_664 = arith.addi %scan3A_512, %scan3A_663 : i32
        %mul3A_665 = arith.constant 1 : i32
        %mul3A_666 = arith.muli %scan3A_664, %mul3A_665 : i32
        %add3A_667 = arith.constant 0 : i32
        %add3A_668 = arith.addi %add3A_667, %mul3A_666 : i32
        %add3A_669 = vector.broadcast %add3A_668 : i32 to vector<16xi32>
        %add3A_670 = arith.addi %get3A_364, %add3A_669 : vector<16xi32>
        %gather3A_671 = arith.constant 0 : i32
        %gather3A_672 = arith.constant 0 : i32
        %gather3A_673 = tpu.memref_slice %arg8[%and3A_340, %gather3A_671, %gather3A_672] : memref<2x128x128xf32, #tpu.memory_space<vmem>> -> memref<1x128x128xf32, #tpu.memory_space<vmem>>
        %gather3A_674 = tpu.memref_squeeze %gather3A_673 : memref<1x128x128xf32, #tpu.memory_space<vmem>> -> memref<128x128xf32, #tpu.memory_space<vmem>>
        %gather3A_675 = tpu.vector_load_idx %gather3A_674[%add3A_361, %add3A_670] : memref<128x128xf32, #tpu.memory_space<vmem>>[vector<16xi32>, vector<16xi32>], vector<16xf32>,
        %swap3A_676 = arith.index_cast %and3A_340 : i32 to index
        %swap3A_677 = arith.index_cast %add3A_668 : i32 to index
        %swap3A_678 = arith.constant 0 : index
        %swap3A_679 = tpu.vector_load %arg9[%swap3A_676, %swap3A_677, %swap3A_678] {strides = array<i32>} : memref<2x64x128xf32, #tpu.memory_space<vmem>>, vector<16xf32>,
        tpu.vector_store %arg9[%swap3A_676, %swap3A_677, %swap3A_678], %gather3A_675 {strides = array<i32>} : memref<2x64x128xf32, #tpu.memory_space<vmem>>, vector<16xf32>,
        %scan3A_680 = arith.constant 10 : i32
        %scan3A_681 = arith.addi %scan3A_512, %scan3A_680 : i32
        %mul3A_682 = arith.constant 1 : i32
        %mul3A_683 = arith.muli %scan3A_681, %mul3A_682 : i32
        %add3A_684 = arith.constant 0 : i32
        %add3A_685 = arith.addi %add3A_684, %mul3A_683 : i32
        %add3A_686 = vector.broadcast %add3A_685 : i32 to vector<16xi32>
        %add3A_687 = arith.addi %get3A_364, %add3A_686 : vector<16xi32>
        %gather3A_688 = arith.constant 0 : i32
        %gather3A_689 = arith.constant 0 : i32
        %gather3A_690 = tpu.memref_slice %arg8[%and3A_340, %gather3A_688, %gather3A_689] : memref<2x128x128xf32, #tpu.memory_space<vmem>> -> memref<1x128x128xf32, #tpu.memory_space<vmem>>
        %gather3A_691 = tpu.memref_squeeze %gather3A_690 : memref<1x128x128xf32, #tpu.memory_space<vmem>> -> memref<128x128xf32, #tpu.memory_space<vmem>>
        %gather3A_692 = tpu.vector_load_idx %gather3A_691[%add3A_361, %add3A_687] : memref<128x128xf32, #tpu.memory_space<vmem>>[vector<16xi32>, vector<16xi32>], vector<16xf32>,
        %swap3A_693 = arith.index_cast %and3A_340 : i32 to index
        %swap3A_694 = arith.index_cast %add3A_685 : i32 to index
        %swap3A_695 = arith.constant 0 : index
        %swap3A_696 = tpu.vector_load %arg9[%swap3A_693, %swap3A_694, %swap3A_695] {strides = array<i32>} : memref<2x64x128xf32, #tpu.memory_space<vmem>>, vector<16xf32>,
        tpu.vector_store %arg9[%swap3A_693, %swap3A_694, %swap3A_695], %gather3A_692 {strides = array<i32>} : memref<2x64x128xf32, #tpu.memory_space<vmem>>, vector<16xf32>,
        %scan3A_697 = arith.constant 11 : i32
        %scan3A_698 = arith.addi %scan3A_512, %scan3A_697 : i32
        %mul3A_699 = arith.constant 1 : i32
        %mul3A_700 = arith.muli %scan3A_698, %mul3A_699 : i32
        %add3A_701 = arith.constant 0 : i32
        %add3A_702 = arith.addi %add3A_701, %mul3A_700 : i32
        %add3A_703 = vector.broadcast %add3A_702 : i32 to vector<16xi32>
        %add3A_704 = arith.addi %get3A_364, %add3A_703 : vector<16xi32>
        %gather3A_705 = arith.constant 0 : i32
        %gather3A_706 = arith.constant 0 : i32
        %gather3A_707 = tpu.memref_slice %arg8[%and3A_340, %gather3A_705, %gather3A_706] : memref<2x128x128xf32, #tpu.memory_space<vmem>> -> memref<1x128x128xf32, #tpu.memory_space<vmem>>
        %gather3A_708 = tpu.memref_squeeze %gather3A_707 : memref<1x128x128xf32, #tpu.memory_space<vmem>> -> memref<128x128xf32, #tpu.memory_space<vmem>>
        %gather3A_709 = tpu.vector_load_idx %gather3A_708[%add3A_361, %add3A_704] : memref<128x128xf32, #tpu.memory_space<vmem>>[vector<16xi32>, vector<16xi32>], vector<16xf32>,
        %swap3A_710 = arith.index_cast %and3A_340 : i32 to index
        %swap3A_711 = arith.index_cast %add3A_702 : i32 to index
        %swap3A_712 = arith.constant 0 : index
        %swap3A_713 = tpu.vector_load %arg9[%swap3A_710, %swap3A_711, %swap3A_712] {strides = array<i32>} : memref<2x64x128xf32, #tpu.memory_space<vmem>>, vector<16xf32>,
        tpu.vector_store %arg9[%swap3A_710, %swap3A_711, %swap3A_712], %gather3A_709 {strides = array<i32>} : memref<2x64x128xf32, #tpu.memory_space<vmem>>, vector<16xf32>,
        %scan3A_714 = arith.constant 12 : i32
        %scan3A_715 = arith.addi %scan3A_512, %scan3A_714 : i32
        %mul3A_716 = arith.constant 1 : i32
        %mul3A_717 = arith.muli %scan3A_715, %mul3A_716 : i32
        %add3A_718 = arith.constant 0 : i32
        %add3A_719 = arith.addi %add3A_718, %mul3A_717 : i32
        %add3A_720 = vector.broadcast %add3A_719 : i32 to vector<16xi32>
        %add3A_721 = arith.addi %get3A_364, %add3A_720 : vector<16xi32>
        %gather3A_722 = arith.constant 0 : i32
        %gather3A_723 = arith.constant 0 : i32
        %gather3A_724 = tpu.memref_slice %arg8[%and3A_340, %gather3A_722, %gather3A_723] : memref<2x128x128xf32, #tpu.memory_space<vmem>> -> memref<1x128x128xf32, #tpu.memory_space<vmem>>
        %gather3A_725 = tpu.memref_squeeze %gather3A_724 : memref<1x128x128xf32, #tpu.memory_space<vmem>> -> memref<128x128xf32, #tpu.memory_space<vmem>>
        %gather3A_726 = tpu.vector_load_idx %gather3A_725[%add3A_361, %add3A_721] : memref<128x128xf32, #tpu.memory_space<vmem>>[vector<16xi32>, vector<16xi32>], vector<16xf32>,
        %swap3A_727 = arith.index_cast %and3A_340 : i32 to index
        %swap3A_728 = arith.index_cast %add3A_719 : i32 to index
        %swap3A_729 = arith.constant 0 : index
        %swap3A_730 = tpu.vector_load %arg9[%swap3A_727, %swap3A_728, %swap3A_729] {strides = array<i32>} : memref<2x64x128xf32, #tpu.memory_space<vmem>>, vector<16xf32>,
        tpu.vector_store %arg9[%swap3A_727, %swap3A_728, %swap3A_729], %gather3A_726 {strides = array<i32>} : memref<2x64x128xf32, #tpu.memory_space<vmem>>, vector<16xf32>,
        %scan3A_731 = arith.constant 13 : i32
        %scan3A_732 = arith.addi %scan3A_512, %scan3A_731 : i32
        %mul3A_733 = arith.constant 1 : i32
        %mul3A_734 = arith.muli %scan3A_732, %mul3A_733 : i32
        %add3A_735 = arith.constant 0 : i32
        %add3A_736 = arith.addi %add3A_735, %mul3A_734 : i32
        %add3A_737 = vector.broadcast %add3A_736 : i32 to vector<16xi32>
        %add3A_738 = arith.addi %get3A_364, %add3A_737 : vector<16xi32>
        %gather3A_739 = arith.constant 0 : i32
        %gather3A_740 = arith.constant 0 : i32
        %gather3A_741 = tpu.memref_slice %arg8[%and3A_340, %gather3A_739, %gather3A_740] : memref<2x128x128xf32, #tpu.memory_space<vmem>> -> memref<1x128x128xf32, #tpu.memory_space<vmem>>
        %gather3A_742 = tpu.memref_squeeze %gather3A_741 : memref<1x128x128xf32, #tpu.memory_space<vmem>> -> memref<128x128xf32, #tpu.memory_space<vmem>>
        %gather3A_743 = tpu.vector_load_idx %gather3A_742[%add3A_361, %add3A_738] : memref<128x128xf32, #tpu.memory_space<vmem>>[vector<16xi32>, vector<16xi32>], vector<16xf32>,
        %swap3A_744 = arith.index_cast %and3A_340 : i32 to index
        %swap3A_745 = arith.index_cast %add3A_736 : i32 to index
        %swap3A_746 = arith.constant 0 : index
        %swap3A_747 = tpu.vector_load %arg9[%swap3A_744, %swap3A_745, %swap3A_746] {strides = array<i32>} : memref<2x64x128xf32, #tpu.memory_space<vmem>>, vector<16xf32>,
        tpu.vector_store %arg9[%swap3A_744, %swap3A_745, %swap3A_746], %gather3A_743 {strides = array<i32>} : memref<2x64x128xf32, #tpu.memory_space<vmem>>, vector<16xf32>,
        %scan3A_748 = arith.constant 14 : i32
        %scan3A_749 = arith.addi %scan3A_512, %scan3A_748 : i32
        %mul3A_750 = arith.constant 1 : i32
        %mul3A_751 = arith.muli %scan3A_749, %mul3A_750 : i32
        %add3A_752 = arith.constant 0 : i32
        %add3A_753 = arith.addi %add3A_752, %mul3A_751 : i32
        %add3A_754 = vector.broadcast %add3A_753 : i32 to vector<16xi32>
        %add3A_755 = arith.addi %get3A_364, %add3A_754 : vector<16xi32>
        %gather3A_756 = arith.constant 0 : i32
        %gather3A_757 = arith.constant 0 : i32
        %gather3A_758 = tpu.memref_slice %arg8[%and3A_340, %gather3A_756, %gather3A_757] : memref<2x128x128xf32, #tpu.memory_space<vmem>> -> memref<1x128x128xf32, #tpu.memory_space<vmem>>
        %gather3A_759 = tpu.memref_squeeze %gather3A_758 : memref<1x128x128xf32, #tpu.memory_space<vmem>> -> memref<128x128xf32, #tpu.memory_space<vmem>>
        %gather3A_760 = tpu.vector_load_idx %gather3A_759[%add3A_361, %add3A_755] : memref<128x128xf32, #tpu.memory_space<vmem>>[vector<16xi32>, vector<16xi32>], vector<16xf32>,
        %swap3A_761 = arith.index_cast %and3A_340 : i32 to index
        %swap3A_762 = arith.index_cast %add3A_753 : i32 to index
        %swap3A_763 = arith.constant 0 : index
        %swap3A_764 = tpu.vector_load %arg9[%swap3A_761, %swap3A_762, %swap3A_763] {strides = array<i32>} : memref<2x64x128xf32, #tpu.memory_space<vmem>>, vector<16xf32>,
        tpu.vector_store %arg9[%swap3A_761, %swap3A_762, %swap3A_763], %gather3A_760 {strides = array<i32>} : memref<2x64x128xf32, #tpu.memory_space<vmem>>, vector<16xf32>,
        %scan3A_765 = arith.constant 15 : i32
        %scan3A_766 = arith.addi %scan3A_512, %scan3A_765 : i32
        %mul3A_767 = arith.constant 1 : i32
        %mul3A_768 = arith.muli %scan3A_766, %mul3A_767 : i32
        %add3A_769 = arith.constant 0 : i32
        %add3A_770 = arith.addi %add3A_769, %mul3A_768 : i32
        %add3A_771 = vector.broadcast %add3A_770 : i32 to vector<16xi32>
        %add3A_772 = arith.addi %get3A_364, %add3A_771 : vector<16xi32>
        %gather3A_773 = arith.constant 0 : i32
        %gather3A_774 = arith.constant 0 : i32
        %gather3A_775 = tpu.memref_slice %arg8[%and3A_340, %gather3A_773, %gather3A_774] : memref<2x128x128xf32, #tpu.memory_space<vmem>> -> memref<1x128x128xf32, #tpu.memory_space<vmem>>
        %gather3A_776 = tpu.memref_squeeze %gather3A_775 : memref<1x128x128xf32, #tpu.memory_space<vmem>> -> memref<128x128xf32, #tpu.memory_space<vmem>>
        %gather3A_777 = tpu.vector_load_idx %gather3A_776[%add3A_361, %add3A_772] : memref<128x128xf32, #tpu.memory_space<vmem>>[vector<16xi32>, vector<16xi32>], vector<16xf32>,
        %swap3A_778 = arith.index_cast %and3A_340 : i32 to index
        %swap3A_779 = arith.index_cast %add3A_770 : i32 to index
        %swap3A_780 = arith.constant 0 : index
        %swap3A_781 = tpu.vector_load %arg9[%swap3A_778, %swap3A_779, %swap3A_780] {strides = array<i32>} : memref<2x64x128xf32, #tpu.memory_space<vmem>>, vector<16xf32>,
        tpu.vector_store %arg9[%swap3A_778, %swap3A_779, %swap3A_780], %gather3A_777 {strides = array<i32>} : memref<2x64x128xf32, #tpu.memory_space<vmem>>, vector<16xf32>,
      }
      %scan3A_369 = arith.constant 64 : i32
      %iota3A_370 = tpu.iota {dimensions = array<i32: 0>} : vector<16xi32>
      %add3A_371 = arith.constant 16 : i32
      %add3A_372 = vector.broadcast %add3A_371 : i32 to vector<16xi32>
      %add3A_373 = arith.addi %iota3A_370, %add3A_372 : vector<16xi32>
      %get3A_374 = arith.index_cast %and3A_340 : i32 to index
      %get3A_375 = arith.constant 16 : index
      %get3A_376 = tpu.vector_load %arg7[%get3A_374, %get3A_375] {strides = array<i32>} : memref<2x128xi32, #tpu.memory_space<vmem>>, vector<16xi32>,
      %scan3A_377 = arith.constant 0 : i32
      %scan3A_378 = arith.constant 64 : i32
      %scan3A_379 = arith.addi %scan3A_377, %scan3A_378 : i32
      %scan3A_380 = arith.constant 16 : i32
      scf.for %scan3A_512 = %scan3A_377 to %scan3A_379 step %scan3A_380  : i32 {
        %mul3A_513 = arith.constant 1 : i32
        %mul3A_514 = arith.muli %scan3A_512, %mul3A_513 : i32
        %add3A_515 = arith.constant 0 : i32
        %add3A_516 = arith.addi %add3A_515, %mul3A_514 : i32
        %add3A_517 = vector.broadcast %add3A_516 : i32 to vector<16xi32>
        %add3A_518 = arith.addi %get3A_376, %add3A_517 : vector<16xi32>
        %gather3A = arith.constant 0 : i32
        %gather3A_519 = arith.constant 0 : i32
        %gather3A_520 = tpu.memref_slice %arg8[%and3A_340, %gather3A, %gather3A_519] : memref<2x128x128xf32, #tpu.memory_space<vmem>> -> memref<1x128x128xf32, #tpu.memory_space<vmem>>
        %gather3A_521 = tpu.memref_squeeze %gather3A_520 : memref<1x128x128xf32, #tpu.memory_space<vmem>> -> memref<128x128xf32, #tpu.memory_space<vmem>>
        %gather3A_522 = tpu.vector_load_idx %gather3A_521[%add3A_373, %add3A_518] : memref<128x128xf32, #tpu.memory_space<vmem>>[vector<16xi32>, vector<16xi32>], vector<16xf32>,
        %swap3A_523 = arith.index_cast %and3A_340 : i32 to index
        %swap3A_524 = arith.index_cast %add3A_516 : i32 to index
        %swap3A_525 = arith.constant 16 : index
        %swap3A_526 = tpu.vector_load %arg9[%swap3A_523, %swap3A_524, %swap3A_525] {strides = array<i32>} : memref<2x64x128xf32, #tpu.memory_space<vmem>>, vector<16xf32>,
        tpu.vector_store %arg9[%swap3A_523, %swap3A_524, %swap3A_525], %gather3A_522 {strides = array<i32>} : memref<2x64x128xf32, #tpu.memory_space<vmem>>, vector<16xf32>,
        %scan3A_527 = arith.constant 1 : i32
        %scan3A_528 = arith.addi %scan3A_512, %scan3A_527 : i32
        %mul3A_529 = arith.constant 1 : i32
        %mul3A_530 = arith.muli %scan3A_528, %mul3A_529 : i32
        %add3A_531 = arith.constant 0 : i32
        %add3A_532 = arith.addi %add3A_531, %mul3A_530 : i32
        %add3A_533 = vector.broadcast %add3A_532 : i32 to vector<16xi32>
        %add3A_534 = arith.addi %get3A_376, %add3A_533 : vector<16xi32>
        %gather3A_535 = arith.constant 0 : i32
        %gather3A_536 = arith.constant 0 : i32
        %gather3A_537 = tpu.memref_slice %arg8[%and3A_340, %gather3A_535, %gather3A_536] : memref<2x128x128xf32, #tpu.memory_space<vmem>> -> memref<1x128x128xf32, #tpu.memory_space<vmem>>
        %gather3A_538 = tpu.memref_squeeze %gather3A_537 : memref<1x128x128xf32, #tpu.memory_space<vmem>> -> memref<128x128xf32, #tpu.memory_space<vmem>>
        %gather3A_539 = tpu.vector_load_idx %gather3A_538[%add3A_373, %add3A_534] : memref<128x128xf32, #tpu.memory_space<vmem>>[vector<16xi32>, vector<16xi32>], vector<16xf32>,
        %swap3A_540 = arith.index_cast %and3A_340 : i32 to index
        %swap3A_541 = arith.index_cast %add3A_532 : i32 to index
        %swap3A_542 = arith.constant 16 : index
        %swap3A_543 = tpu.vector_load %arg9[%swap3A_540, %swap3A_541, %swap3A_542] {strides = array<i32>} : memref<2x64x128xf32, #tpu.memory_space<vmem>>, vector<16xf32>,
        tpu.vector_store %arg9[%swap3A_540, %swap3A_541, %swap3A_542], %gather3A_539 {strides = array<i32>} : memref<2x64x128xf32, #tpu.memory_space<vmem>>, vector<16xf32>,
        %scan3A_544 = arith.constant 2 : i32
        %scan3A_545 = arith.addi %scan3A_512, %scan3A_544 : i32
        %mul3A_546 = arith.constant 1 : i32
        %mul3A_547 = arith.muli %scan3A_545, %mul3A_546 : i32
        %add3A_548 = arith.constant 0 : i32
        %add3A_549 = arith.addi %add3A_548, %mul3A_547 : i32
        %add3A_550 = vector.broadcast %add3A_549 : i32 to vector<16xi32>
        %add3A_551 = arith.addi %get3A_376, %add3A_550 : vector<16xi32>
        %gather3A_552 = arith.constant 0 : i32
        %gather3A_553 = arith.constant 0 : i32
        %gather3A_554 = tpu.memref_slice %arg8[%and3A_340, %gather3A_552, %gather3A_553] : memref<2x128x128xf32, #tpu.memory_space<vmem>> -> memref<1x128x128xf32, #tpu.memory_space<vmem>>
        %gather3A_555 = tpu.memref_squeeze %gather3A_554 : memref<1x128x128xf32, #tpu.memory_space<vmem>> -> memref<128x128xf32, #tpu.memory_space<vmem>>
        %gather3A_556 = tpu.vector_load_idx %gather3A_555[%add3A_373, %add3A_551] : memref<128x128xf32, #tpu.memory_space<vmem>>[vector<16xi32>, vector<16xi32>], vector<16xf32>,
        %swap3A_557 = arith.index_cast %and3A_340 : i32 to index
        %swap3A_558 = arith.index_cast %add3A_549 : i32 to index
        %swap3A_559 = arith.constant 16 : index
        %swap3A_560 = tpu.vector_load %arg9[%swap3A_557, %swap3A_558, %swap3A_559] {strides = array<i32>} : memref<2x64x128xf32, #tpu.memory_space<vmem>>, vector<16xf32>,
        tpu.vector_store %arg9[%swap3A_557, %swap3A_558, %swap3A_559], %gather3A_556 {strides = array<i32>} : memref<2x64x128xf32, #tpu.memory_space<vmem>>, vector<16xf32>,
        %scan3A_561 = arith.constant 3 : i32
        %scan3A_562 = arith.addi %scan3A_512, %scan3A_561 : i32
        %mul3A_563 = arith.constant 1 : i32
        %mul3A_564 = arith.muli %scan3A_562, %mul3A_563 : i32
        %add3A_565 = arith.constant 0 : i32
        %add3A_566 = arith.addi %add3A_565, %mul3A_564 : i32
        %add3A_567 = vector.broadcast %add3A_566 : i32 to vector<16xi32>
        %add3A_568 = arith.addi %get3A_376, %add3A_567 : vector<16xi32>
        %gather3A_569 = arith.constant 0 : i32
        %gather3A_570 = arith.constant 0 : i32
        %gather3A_571 = tpu.memref_slice %arg8[%and3A_340, %gather3A_569, %gather3A_570] : memref<2x128x128xf32, #tpu.memory_space<vmem>> -> memref<1x128x128xf32, #tpu.memory_space<vmem>>
        %gather3A_572 = tpu.memref_squeeze %gather3A_571 : memref<1x128x128xf32, #tpu.memory_space<vmem>> -> memref<128x128xf32, #tpu.memory_space<vmem>>
        %gather3A_573 = tpu.vector_load_idx %gather3A_572[%add3A_373, %add3A_568] : memref<128x128xf32, #tpu.memory_space<vmem>>[vector<16xi32>, vector<16xi32>], vector<16xf32>,
        %swap3A_574 = arith.index_cast %and3A_340 : i32 to index
        %swap3A_575 = arith.index_cast %add3A_566 : i32 to index
        %swap3A_576 = arith.constant 16 : index
        %swap3A_577 = tpu.vector_load %arg9[%swap3A_574, %swap3A_575, %swap3A_576] {strides = array<i32>} : memref<2x64x128xf32, #tpu.memory_space<vmem>>, vector<16xf32>,
        tpu.vector_store %arg9[%swap3A_574, %swap3A_575, %swap3A_576], %gather3A_573 {strides = array<i32>} : memref<2x64x128xf32, #tpu.memory_space<vmem>>, vector<16xf32>,
        %scan3A_578 = arith.constant 4 : i32
        %scan3A_579 = arith.addi %scan3A_512, %scan3A_578 : i32
        %mul3A_580 = arith.constant 1 : i32
        %mul3A_581 = arith.muli %scan3A_579, %mul3A_580 : i32
        %add3A_582 = arith.constant 0 : i32
        %add3A_583 = arith.addi %add3A_582, %mul3A_581 : i32
        %add3A_584 = vector.broadcast %add3A_583 : i32 to vector<16xi32>
        %add3A_585 = arith.addi %get3A_376, %add3A_584 : vector<16xi32>
        %gather3A_586 = arith.constant 0 : i32
        %gather3A_587 = arith.constant 0 : i32
        %gather3A_588 = tpu.memref_slice %arg8[%and3A_340, %gather3A_586, %gather3A_587] : memref<2x128x128xf32, #tpu.memory_space<vmem>> -> memref<1x128x128xf32, #tpu.memory_space<vmem>>
        %gather3A_589 = tpu.memref_squeeze %gather3A_588 : memref<1x128x128xf32, #tpu.memory_space<vmem>> -> memref<128x128xf32, #tpu.memory_space<vmem>>
        %gather3A_590 = tpu.vector_load_idx %gather3A_589[%add3A_373, %add3A_585] : memref<128x128xf32, #tpu.memory_space<vmem>>[vector<16xi32>, vector<16xi32>], vector<16xf32>,
        %swap3A_591 = arith.index_cast %and3A_340 : i32 to index
        %swap3A_592 = arith.index_cast %add3A_583 : i32 to index
        %swap3A_593 = arith.constant 16 : index
        %swap3A_594 = tpu.vector_load %arg9[%swap3A_591, %swap3A_592, %swap3A_593] {strides = array<i32>} : memref<2x64x128xf32, #tpu.memory_space<vmem>>, vector<16xf32>,
        tpu.vector_store %arg9[%swap3A_591, %swap3A_592, %swap3A_593], %gather3A_590 {strides = array<i32>} : memref<2x64x128xf32, #tpu.memory_space<vmem>>, vector<16xf32>,
        %scan3A_595 = arith.constant 5 : i32
        %scan3A_596 = arith.addi %scan3A_512, %scan3A_595 : i32
        %mul3A_597 = arith.constant 1 : i32
        %mul3A_598 = arith.muli %scan3A_596, %mul3A_597 : i32
        %add3A_599 = arith.constant 0 : i32
        %add3A_600 = arith.addi %add3A_599, %mul3A_598 : i32
        %add3A_601 = vector.broadcast %add3A_600 : i32 to vector<16xi32>
        %add3A_602 = arith.addi %get3A_376, %add3A_601 : vector<16xi32>
        %gather3A_603 = arith.constant 0 : i32
        %gather3A_604 = arith.constant 0 : i32
        %gather3A_605 = tpu.memref_slice %arg8[%and3A_340, %gather3A_603, %gather3A_604] : memref<2x128x128xf32, #tpu.memory_space<vmem>> -> memref<1x128x128xf32, #tpu.memory_space<vmem>>
        %gather3A_606 = tpu.memref_squeeze %gather3A_605 : memref<1x128x128xf32, #tpu.memory_space<vmem>> -> memref<128x128xf32, #tpu.memory_space<vmem>>
        %gather3A_607 = tpu.vector_load_idx %gather3A_606[%add3A_373, %add3A_602] : memref<128x128xf32, #tpu.memory_space<vmem>>[vector<16xi32>, vector<16xi32>], vector<16xf32>,
        %swap3A_608 = arith.index_cast %and3A_340 : i32 to index
        %swap3A_609 = arith.index_cast %add3A_600 : i32 to index
        %swap3A_610 = arith.constant 16 : index
        %swap3A_611 = tpu.vector_load %arg9[%swap3A_608, %swap3A_609, %swap3A_610] {strides = array<i32>} : memref<2x64x128xf32, #tpu.memory_space<vmem>>, vector<16xf32>,
        tpu.vector_store %arg9[%swap3A_608, %swap3A_609, %swap3A_610], %gather3A_607 {strides = array<i32>} : memref<2x64x128xf32, #tpu.memory_space<vmem>>, vector<16xf32>,
        %scan3A_612 = arith.constant 6 : i32
        %scan3A_613 = arith.addi %scan3A_512, %scan3A_612 : i32
        %mul3A_614 = arith.constant 1 : i32
        %mul3A_615 = arith.muli %scan3A_613, %mul3A_614 : i32
        %add3A_616 = arith.constant 0 : i32
        %add3A_617 = arith.addi %add3A_616, %mul3A_615 : i32
        %add3A_618 = vector.broadcast %add3A_617 : i32 to vector<16xi32>
        %add3A_619 = arith.addi %get3A_376, %add3A_618 : vector<16xi32>
        %gather3A_620 = arith.constant 0 : i32
        %gather3A_621 = arith.constant 0 : i32
        %gather3A_622 = tpu.memref_slice %arg8[%and3A_340, %gather3A_620, %gather3A_621] : memref<2x128x128xf32, #tpu.memory_space<vmem>> -> memref<1x128x128xf32, #tpu.memory_space<vmem>>
        %gather3A_623 = tpu.memref_squeeze %gather3A_622 : memref<1x128x128xf32, #tpu.memory_space<vmem>> -> memref<128x128xf32, #tpu.memory_space<vmem>>
        %gather3A_624 = tpu.vector_load_idx %gather3A_623[%add3A_373, %add3A_619] : memref<128x128xf32, #tpu.memory_space<vmem>>[vector<16xi32>, vector<16xi32>], vector<16xf32>,
        %swap3A_625 = arith.index_cast %and3A_340 : i32 to index
        %swap3A_626 = arith.index_cast %add3A_617 : i32 to index
        %swap3A_627 = arith.constant 16 : index
        %swap3A_628 = tpu.vector_load %arg9[%swap3A_625, %swap3A_626, %swap3A_627] {strides = array<i32>} : memref<2x64x128xf32, #tpu.memory_space<vmem>>, vector<16xf32>,
        tpu.vector_store %arg9[%swap3A_625, %swap3A_626, %swap3A_627], %gather3A_624 {strides = array<i32>} : memref<2x64x128xf32, #tpu.memory_space<vmem>>, vector<16xf32>,
        %scan3A_629 = arith.constant 7 : i32
        %scan3A_630 = arith.addi %scan3A_512, %scan3A_629 : i32
        %mul3A_631 = arith.constant 1 : i32
        %mul3A_632 = arith.muli %scan3A_630, %mul3A_631 : i32
        %add3A_633 = arith.constant 0 : i32
        %add3A_634 = arith.addi %add3A_633, %mul3A_632 : i32
        %add3A_635 = vector.broadcast %add3A_634 : i32 to vector<16xi32>
        %add3A_636 = arith.addi %get3A_376, %add3A_635 : vector<16xi32>
        %gather3A_637 = arith.constant 0 : i32
        %gather3A_638 = arith.constant 0 : i32
        %gather3A_639 = tpu.memref_slice %arg8[%and3A_340, %gather3A_637, %gather3A_638] : memref<2x128x128xf32, #tpu.memory_space<vmem>> -> memref<1x128x128xf32, #tpu.memory_space<vmem>>
        %gather3A_640 = tpu.memref_squeeze %gather3A_639 : memref<1x128x128xf32, #tpu.memory_space<vmem>> -> memref<128x128xf32, #tpu.memory_space<vmem>>
        %gather3A_641 = tpu.vector_load_idx %gather3A_640[%add3A_373, %add3A_636] : memref<128x128xf32, #tpu.memory_space<vmem>>[vector<16xi32>, vector<16xi32>], vector<16xf32>,
        %swap3A_642 = arith.index_cast %and3A_340 : i32 to index
        %swap3A_643 = arith.index_cast %add3A_634 : i32 to index
        %swap3A_644 = arith.constant 16 : index
        %swap3A_645 = tpu.vector_load %arg9[%swap3A_642, %swap3A_643, %swap3A_644] {strides = array<i32>} : memref<2x64x128xf32, #tpu.memory_space<vmem>>, vector<16xf32>,
        tpu.vector_store %arg9[%swap3A_642, %swap3A_643, %swap3A_644], %gather3A_641 {strides = array<i32>} : memref<2x64x128xf32, #tpu.memory_space<vmem>>, vector<16xf32>,
        %scan3A_646 = arith.constant 8 : i32
        %scan3A_647 = arith.addi %scan3A_512, %scan3A_646 : i32
        %mul3A_648 = arith.constant 1 : i32
        %mul3A_649 = arith.muli %scan3A_647, %mul3A_648 : i32
        %add3A_650 = arith.constant 0 : i32
        %add3A_651 = arith.addi %add3A_650, %mul3A_649 : i32
        %add3A_652 = vector.broadcast %add3A_651 : i32 to vector<16xi32>
        %add3A_653 = arith.addi %get3A_376, %add3A_652 : vector<16xi32>
        %gather3A_654 = arith.constant 0 : i32
        %gather3A_655 = arith.constant 0 : i32
        %gather3A_656 = tpu.memref_slice %arg8[%and3A_340, %gather3A_654, %gather3A_655] : memref<2x128x128xf32, #tpu.memory_space<vmem>> -> memref<1x128x128xf32, #tpu.memory_space<vmem>>
        %gather3A_657 = tpu.memref_squeeze %gather3A_656 : memref<1x128x128xf32, #tpu.memory_space<vmem>> -> memref<128x128xf32, #tpu.memory_space<vmem>>
        %gather3A_658 = tpu.vector_load_idx %gather3A_657[%add3A_373, %add3A_653] : memref<128x128xf32, #tpu.memory_space<vmem>>[vector<16xi32>, vector<16xi32>], vector<16xf32>,
        %swap3A_659 = arith.index_cast %and3A_340 : i32 to index
        %swap3A_660 = arith.index_cast %add3A_651 : i32 to index
        %swap3A_661 = arith.constant 16 : index
        %swap3A_662 = tpu.vector_load %arg9[%swap3A_659, %swap3A_660, %swap3A_661] {strides = array<i32>} : memref<2x64x128xf32, #tpu.memory_space<vmem>>, vector<16xf32>,
        tpu.vector_store %arg9[%swap3A_659, %swap3A_660, %swap3A_661], %gather3A_658 {strides = array<i32>} : memref<2x64x128xf32, #tpu.memory_space<vmem>>, vector<16xf32>,
        %scan3A_663 = arith.constant 9 : i32
        %scan3A_664 = arith.addi %scan3A_512, %scan3A_663 : i32
        %mul3A_665 = arith.constant 1 : i32
        %mul3A_666 = arith.muli %scan3A_664, %mul3A_665 : i32
        %add3A_667 = arith.constant 0 : i32
        %add3A_668 = arith.addi %add3A_667, %mul3A_666 : i32
        %add3A_669 = vector.broadcast %add3A_668 : i32 to vector<16xi32>
        %add3A_670 = arith.addi %get3A_376, %add3A_669 : vector<16xi32>
        %gather3A_671 = arith.constant 0 : i32
        %gather3A_672 = arith.constant 0 : i32
        %gather3A_673 = tpu.memref_slice %arg8[%and3A_340, %gather3A_671, %gather3A_672] : memref<2x128x128xf32, #tpu.memory_space<vmem>> -> memref<1x128x128xf32, #tpu.memory_space<vmem>>
        %gather3A_674 = tpu.memref_squeeze %gather3A_673 : memref<1x128x128xf32, #tpu.memory_space<vmem>> -> memref<128x128xf32, #tpu.memory_space<vmem>>
        %gather3A_675 = tpu.vector_load_idx %gather3A_674[%add3A_373, %add3A_670] : memref<128x128xf32, #tpu.memory_space<vmem>>[vector<16xi32>, vector<16xi32>], vector<16xf32>,
        %swap3A_676 = arith.index_cast %and3A_340 : i32 to index
        %swap3A_677 = arith.index_cast %add3A_668 : i32 to index
        %swap3A_678 = arith.constant 16 : index
        %swap3A_679 = tpu.vector_load %arg9[%swap3A_676, %swap3A_677, %swap3A_678] {strides = array<i32>} : memref<2x64x128xf32, #tpu.memory_space<vmem>>, vector<16xf32>,
        tpu.vector_store %arg9[%swap3A_676, %swap3A_677, %swap3A_678], %gather3A_675 {strides = array<i32>} : memref<2x64x128xf32, #tpu.memory_space<vmem>>, vector<16xf32>,
        %scan3A_680 = arith.constant 10 : i32
        %scan3A_681 = arith.addi %scan3A_512, %scan3A_680 : i32
        %mul3A_682 = arith.constant 1 : i32
        %mul3A_683 = arith.muli %scan3A_681, %mul3A_682 : i32
        %add3A_684 = arith.constant 0 : i32
        %add3A_685 = arith.addi %add3A_684, %mul3A_683 : i32
        %add3A_686 = vector.broadcast %add3A_685 : i32 to vector<16xi32>
        %add3A_687 = arith.addi %get3A_376, %add3A_686 : vector<16xi32>
        %gather3A_688 = arith.constant 0 : i32
        %gather3A_689 = arith.constant 0 : i32
        %gather3A_690 = tpu.memref_slice %arg8[%and3A_340, %gather3A_688, %gather3A_689] : memref<2x128x128xf32, #tpu.memory_space<vmem>> -> memref<1x128x128xf32, #tpu.memory_space<vmem>>
        %gather3A_691 = tpu.memref_squeeze %gather3A_690 : memref<1x128x128xf32, #tpu.memory_space<vmem>> -> memref<128x128xf32, #tpu.memory_space<vmem>>
        %gather3A_692 = tpu.vector_load_idx %gather3A_691[%add3A_373, %add3A_687] : memref<128x128xf32, #tpu.memory_space<vmem>>[vector<16xi32>, vector<16xi32>], vector<16xf32>,
        %swap3A_693 = arith.index_cast %and3A_340 : i32 to index
        %swap3A_694 = arith.index_cast %add3A_685 : i32 to index
        %swap3A_695 = arith.constant 16 : index
        %swap3A_696 = tpu.vector_load %arg9[%swap3A_693, %swap3A_694, %swap3A_695] {strides = array<i32>} : memref<2x64x128xf32, #tpu.memory_space<vmem>>, vector<16xf32>,
        tpu.vector_store %arg9[%swap3A_693, %swap3A_694, %swap3A_695], %gather3A_692 {strides = array<i32>} : memref<2x64x128xf32, #tpu.memory_space<vmem>>, vector<16xf32>,
        %scan3A_697 = arith.constant 11 : i32
        %scan3A_698 = arith.addi %scan3A_512, %scan3A_697 : i32
        %mul3A_699 = arith.constant 1 : i32
        %mul3A_700 = arith.muli %scan3A_698, %mul3A_699 : i32
        %add3A_701 = arith.constant 0 : i32
        %add3A_702 = arith.addi %add3A_701, %mul3A_700 : i32
        %add3A_703 = vector.broadcast %add3A_702 : i32 to vector<16xi32>
        %add3A_704 = arith.addi %get3A_376, %add3A_703 : vector<16xi32>
        %gather3A_705 = arith.constant 0 : i32
        %gather3A_706 = arith.constant 0 : i32
        %gather3A_707 = tpu.memref_slice %arg8[%and3A_340, %gather3A_705, %gather3A_706] : memref<2x128x128xf32, #tpu.memory_space<vmem>> -> memref<1x128x128xf32, #tpu.memory_space<vmem>>
        %gather3A_708 = tpu.memref_squeeze %gather3A_707 : memref<1x128x128xf32, #tpu.memory_space<vmem>> -> memref<128x128xf32, #tpu.memory_space<vmem>>
        %gather3A_709 = tpu.vector_load_idx %gather3A_708[%add3A_373, %add3A_704] : memref<128x128xf32, #tpu.memory_space<vmem>>[vector<16xi32>, vector<16xi32>], vector<16xf32>,
        %swap3A_710 = arith.index_cast %and3A_340 : i32 to index
        %swap3A_711 = arith.index_cast %add3A_702 : i32 to index
        %swap3A_712 = arith.constant 16 : index
        %swap3A_713 = tpu.vector_load %arg9[%swap3A_710, %swap3A_711, %swap3A_712] {strides = array<i32>} : memref<2x64x128xf32, #tpu.memory_space<vmem>>, vector<16xf32>,
        tpu.vector_store %arg9[%swap3A_710, %swap3A_711, %swap3A_712], %gather3A_709 {strides = array<i32>} : memref<2x64x128xf32, #tpu.memory_space<vmem>>, vector<16xf32>,
        %scan3A_714 = arith.constant 12 : i32
        %scan3A_715 = arith.addi %scan3A_512, %scan3A_714 : i32
        %mul3A_716 = arith.constant 1 : i32
        %mul3A_717 = arith.muli %scan3A_715, %mul3A_716 : i32
        %add3A_718 = arith.constant 0 : i32
        %add3A_719 = arith.addi %add3A_718, %mul3A_717 : i32
        %add3A_720 = vector.broadcast %add3A_719 : i32 to vector<16xi32>
        %add3A_721 = arith.addi %get3A_376, %add3A_720 : vector<16xi32>
        %gather3A_722 = arith.constant 0 : i32
        %gather3A_723 = arith.constant 0 : i32
        %gather3A_724 = tpu.memref_slice %arg8[%and3A_340, %gather3A_722, %gather3A_723] : memref<2x128x128xf32, #tpu.memory_space<vmem>> -> memref<1x128x128xf32, #tpu.memory_space<vmem>>
        %gather3A_725 = tpu.memref_squeeze %gather3A_724 : memref<1x128x128xf32, #tpu.memory_space<vmem>> -> memref<128x128xf32, #tpu.memory_space<vmem>>
        %gather3A_726 = tpu.vector_load_idx %gather3A_725[%add3A_373, %add3A_721] : memref<128x128xf32, #tpu.memory_space<vmem>>[vector<16xi32>, vector<16xi32>], vector<16xf32>,
        %swap3A_727 = arith.index_cast %and3A_340 : i32 to index
        %swap3A_728 = arith.index_cast %add3A_719 : i32 to index
        %swap3A_729 = arith.constant 16 : index
        %swap3A_730 = tpu.vector_load %arg9[%swap3A_727, %swap3A_728, %swap3A_729] {strides = array<i32>} : memref<2x64x128xf32, #tpu.memory_space<vmem>>, vector<16xf32>,
        tpu.vector_store %arg9[%swap3A_727, %swap3A_728, %swap3A_729], %gather3A_726 {strides = array<i32>} : memref<2x64x128xf32, #tpu.memory_space<vmem>>, vector<16xf32>,
        %scan3A_731 = arith.constant 13 : i32
        %scan3A_732 = arith.addi %scan3A_512, %scan3A_731 : i32
        %mul3A_733 = arith.constant 1 : i32
        %mul3A_734 = arith.muli %scan3A_732, %mul3A_733 : i32
        %add3A_735 = arith.constant 0 : i32
        %add3A_736 = arith.addi %add3A_735, %mul3A_734 : i32
        %add3A_737 = vector.broadcast %add3A_736 : i32 to vector<16xi32>
        %add3A_738 = arith.addi %get3A_376, %add3A_737 : vector<16xi32>
        %gather3A_739 = arith.constant 0 : i32
        %gather3A_740 = arith.constant 0 : i32
        %gather3A_741 = tpu.memref_slice %arg8[%and3A_340, %gather3A_739, %gather3A_740] : memref<2x128x128xf32, #tpu.memory_space<vmem>> -> memref<1x128x128xf32, #tpu.memory_space<vmem>>
        %gather3A_742 = tpu.memref_squeeze %gather3A_741 : memref<1x128x128xf32, #tpu.memory_space<vmem>> -> memref<128x128xf32, #tpu.memory_space<vmem>>
        %gather3A_743 = tpu.vector_load_idx %gather3A_742[%add3A_373, %add3A_738] : memref<128x128xf32, #tpu.memory_space<vmem>>[vector<16xi32>, vector<16xi32>], vector<16xf32>,
        %swap3A_744 = arith.index_cast %and3A_340 : i32 to index
        %swap3A_745 = arith.index_cast %add3A_736 : i32 to index
        %swap3A_746 = arith.constant 16 : index
        %swap3A_747 = tpu.vector_load %arg9[%swap3A_744, %swap3A_745, %swap3A_746] {strides = array<i32>} : memref<2x64x128xf32, #tpu.memory_space<vmem>>, vector<16xf32>,
        tpu.vector_store %arg9[%swap3A_744, %swap3A_745, %swap3A_746], %gather3A_743 {strides = array<i32>} : memref<2x64x128xf32, #tpu.memory_space<vmem>>, vector<16xf32>,
        %scan3A_748 = arith.constant 14 : i32
        %scan3A_749 = arith.addi %scan3A_512, %scan3A_748 : i32
        %mul3A_750 = arith.constant 1 : i32
        %mul3A_751 = arith.muli %scan3A_749, %mul3A_750 : i32
        %add3A_752 = arith.constant 0 : i32
        %add3A_753 = arith.addi %add3A_752, %mul3A_751 : i32
        %add3A_754 = vector.broadcast %add3A_753 : i32 to vector<16xi32>
        %add3A_755 = arith.addi %get3A_376, %add3A_754 : vector<16xi32>
        %gather3A_756 = arith.constant 0 : i32
        %gather3A_757 = arith.constant 0 : i32
        %gather3A_758 = tpu.memref_slice %arg8[%and3A_340, %gather3A_756, %gather3A_757] : memref<2x128x128xf32, #tpu.memory_space<vmem>> -> memref<1x128x128xf32, #tpu.memory_space<vmem>>
        %gather3A_759 = tpu.memref_squeeze %gather3A_758 : memref<1x128x128xf32, #tpu.memory_space<vmem>> -> memref<128x128xf32, #tpu.memory_space<vmem>>
        %gather3A_760 = tpu.vector_load_idx %gather3A_759[%add3A_373, %add3A_755] : memref<128x128xf32, #tpu.memory_space<vmem>>[vector<16xi32>, vector<16xi32>], vector<16xf32>,
        %swap3A_761 = arith.index_cast %and3A_340 : i32 to index
        %swap3A_762 = arith.index_cast %add3A_753 : i32 to index
        %swap3A_763 = arith.constant 16 : index
        %swap3A_764 = tpu.vector_load %arg9[%swap3A_761, %swap3A_762, %swap3A_763] {strides = array<i32>} : memref<2x64x128xf32, #tpu.memory_space<vmem>>, vector<16xf32>,
        tpu.vector_store %arg9[%swap3A_761, %swap3A_762, %swap3A_763], %gather3A_760 {strides = array<i32>} : memref<2x64x128xf32, #tpu.memory_space<vmem>>, vector<16xf32>,
        %scan3A_765 = arith.constant 15 : i32
        %scan3A_766 = arith.addi %scan3A_512, %scan3A_765 : i32
        %mul3A_767 = arith.constant 1 : i32
        %mul3A_768 = arith.muli %scan3A_766, %mul3A_767 : i32
        %add3A_769 = arith.constant 0 : i32
        %add3A_770 = arith.addi %add3A_769, %mul3A_768 : i32
        %add3A_771 = vector.broadcast %add3A_770 : i32 to vector<16xi32>
        %add3A_772 = arith.addi %get3A_376, %add3A_771 : vector<16xi32>
        %gather3A_773 = arith.constant 0 : i32
        %gather3A_774 = arith.constant 0 : i32
        %gather3A_775 = tpu.memref_slice %arg8[%and3A_340, %gather3A_773, %gather3A_774] : memref<2x128x128xf32, #tpu.memory_space<vmem>> -> memref<1x128x128xf32, #tpu.memory_space<vmem>>
        %gather3A_776 = tpu.memref_squeeze %gather3A_775 : memref<1x128x128xf32, #tpu.memory_space<vmem>> -> memref<128x128xf32, #tpu.memory_space<vmem>>
        %gather3A_777 = tpu.vector_load_idx %gather3A_776[%add3A_373, %add3A_772] : memref<128x128xf32, #tpu.memory_space<vmem>>[vector<16xi32>, vector<16xi32>], vector<16xf32>,
        %swap3A_778 = arith.index_cast %and3A_340 : i32 to index
        %swap3A_779 = arith.index_cast %add3A_770 : i32 to index
        %swap3A_780 = arith.constant 16 : index
        %swap3A_781 = tpu.vector_load %arg9[%swap3A_778, %swap3A_779, %swap3A_780] {strides = array<i32>} : memref<2x64x128xf32, #tpu.memory_space<vmem>>, vector<16xf32>,
        tpu.vector_store %arg9[%swap3A_778, %swap3A_779, %swap3A_780], %gather3A_777 {strides = array<i32>} : memref<2x64x128xf32, #tpu.memory_space<vmem>>, vector<16xf32>,
      }
      %scan3A_381 = arith.constant 64 : i32
      %iota3A_382 = tpu.iota {dimensions = array<i32: 0>} : vector<16xi32>
      %add3A_383 = arith.constant 32 : i32
      %add3A_384 = vector.broadcast %add3A_383 : i32 to vector<16xi32>
      %add3A_385 = arith.addi %iota3A_382, %add3A_384 : vector<16xi32>
      %get3A_386 = arith.index_cast %and3A_340 : i32 to index
      %get3A_387 = arith.constant 32 : index
      %get3A_388 = tpu.vector_load %arg7[%get3A_386, %get3A_387] {strides = array<i32>} : memref<2x128xi32, #tpu.memory_space<vmem>>, vector<16xi32>,
      %scan3A_389 = arith.constant 0 : i32
      %scan3A_390 = arith.constant 64 : i32
      %scan3A_391 = arith.addi %scan3A_389, %scan3A_390 : i32
      %scan3A_392 = arith.constant 16 : i32
      scf.for %scan3A_512 = %scan3A_389 to %scan3A_391 step %scan3A_392  : i32 {
        %mul3A_513 = arith.constant 1 : i32
        %mul3A_514 = arith.muli %scan3A_512, %mul3A_513 : i32
        %add3A_515 = arith.constant 0 : i32
        %add3A_516 = arith.addi %add3A_515, %mul3A_514 : i32
        %add3A_517 = vector.broadcast %add3A_516 : i32 to vector<16xi32>
        %add3A_518 = arith.addi %get3A_388, %add3A_517 : vector<16xi32>
        %gather3A = arith.constant 0 : i32
        %gather3A_519 = arith.constant 0 : i32
        %gather3A_520 = tpu.memref_slice %arg8[%and3A_340, %gather3A, %gather3A_519] : memref<2x128x128xf32, #tpu.memory_space<vmem>> -> memref<1x128x128xf32, #tpu.memory_space<vmem>>
        %gather3A_521 = tpu.memref_squeeze %gather3A_520 : memref<1x128x128xf32, #tpu.memory_space<vmem>> -> memref<128x128xf32, #tpu.memory_space<vmem>>
        %gather3A_522 = tpu.vector_load_idx %gather3A_521[%add3A_385, %add3A_518] : memref<128x128xf32, #tpu.memory_space<vmem>>[vector<16xi32>, vector<16xi32>], vector<16xf32>,
        %swap3A_523 = arith.index_cast %and3A_340 : i32 to index
        %swap3A_524 = arith.index_cast %add3A_516 : i32 to index
        %swap3A_525 = arith.constant 32 : index
        %swap3A_526 = tpu.vector_load %arg9[%swap3A_523, %swap3A_524, %swap3A_525] {strides = array<i32>} : memref<2x64x128xf32, #tpu.memory_space<vmem>>, vector<16xf32>,
        tpu.vector_store %arg9[%swap3A_523, %swap3A_524, %swap3A_525], %gather3A_522 {strides = array<i32>} : memref<2x64x128xf32, #tpu.memory_space<vmem>>, vector<16xf32>,
        %scan3A_527 = arith.constant 1 : i32
        %scan3A_528 = arith.addi %scan3A_512, %scan3A_527 : i32
        %mul3A_529 = arith.constant 1 : i32
        %mul3A_530 = arith.muli %scan3A_528, %mul3A_529 : i32
        %add3A_531 = arith.constant 0 : i32
        %add3A_532 = arith.addi %add3A_531, %mul3A_530 : i32
        %add3A_533 = vector.broadcast %add3A_532 : i32 to vector<16xi32>
        %add3A_534 = arith.addi %get3A_388, %add3A_533 : vector<16xi32>
        %gather3A_535 = arith.constant 0 : i32
        %gather3A_536 = arith.constant 0 : i32
        %gather3A_537 = tpu.memref_slice %arg8[%and3A_340, %gather3A_535, %gather3A_536] : memref<2x128x128xf32, #tpu.memory_space<vmem>> -> memref<1x128x128xf32, #tpu.memory_space<vmem>>
        %gather3A_538 = tpu.memref_squeeze %gather3A_537 : memref<1x128x128xf32, #tpu.memory_space<vmem>> -> memref<128x128xf32, #tpu.memory_space<vmem>>
        %gather3A_539 = tpu.vector_load_idx %gather3A_538[%add3A_385, %add3A_534] : memref<128x128xf32, #tpu.memory_space<vmem>>[vector<16xi32>, vector<16xi32>], vector<16xf32>,
        %swap3A_540 = arith.index_cast %and3A_340 : i32 to index
        %swap3A_541 = arith.index_cast %add3A_532 : i32 to index
        %swap3A_542 = arith.constant 32 : index
        %swap3A_543 = tpu.vector_load %arg9[%swap3A_540, %swap3A_541, %swap3A_542] {strides = array<i32>} : memref<2x64x128xf32, #tpu.memory_space<vmem>>, vector<16xf32>,
        tpu.vector_store %arg9[%swap3A_540, %swap3A_541, %swap3A_542], %gather3A_539 {strides = array<i32>} : memref<2x64x128xf32, #tpu.memory_space<vmem>>, vector<16xf32>,
        %scan3A_544 = arith.constant 2 : i32
        %scan3A_545 = arith.addi %scan3A_512, %scan3A_544 : i32
        %mul3A_546 = arith.constant 1 : i32
        %mul3A_547 = arith.muli %scan3A_545, %mul3A_546 : i32
        %add3A_548 = arith.constant 0 : i32
        %add3A_549 = arith.addi %add3A_548, %mul3A_547 : i32
        %add3A_550 = vector.broadcast %add3A_549 : i32 to vector<16xi32>
        %add3A_551 = arith.addi %get3A_388, %add3A_550 : vector<16xi32>
        %gather3A_552 = arith.constant 0 : i32
        %gather3A_553 = arith.constant 0 : i32
        %gather3A_554 = tpu.memref_slice %arg8[%and3A_340, %gather3A_552, %gather3A_553] : memref<2x128x128xf32, #tpu.memory_space<vmem>> -> memref<1x128x128xf32, #tpu.memory_space<vmem>>
        %gather3A_555 = tpu.memref_squeeze %gather3A_554 : memref<1x128x128xf32, #tpu.memory_space<vmem>> -> memref<128x128xf32, #tpu.memory_space<vmem>>
        %gather3A_556 = tpu.vector_load_idx %gather3A_555[%add3A_385, %add3A_551] : memref<128x128xf32, #tpu.memory_space<vmem>>[vector<16xi32>, vector<16xi32>], vector<16xf32>,
        %swap3A_557 = arith.index_cast %and3A_340 : i32 to index
        %swap3A_558 = arith.index_cast %add3A_549 : i32 to index
        %swap3A_559 = arith.constant 32 : index
        %swap3A_560 = tpu.vector_load %arg9[%swap3A_557, %swap3A_558, %swap3A_559] {strides = array<i32>} : memref<2x64x128xf32, #tpu.memory_space<vmem>>, vector<16xf32>,
        tpu.vector_store %arg9[%swap3A_557, %swap3A_558, %swap3A_559], %gather3A_556 {strides = array<i32>} : memref<2x64x128xf32, #tpu.memory_space<vmem>>, vector<16xf32>,
        %scan3A_561 = arith.constant 3 : i32
        %scan3A_562 = arith.addi %scan3A_512, %scan3A_561 : i32
        %mul3A_563 = arith.constant 1 : i32
        %mul3A_564 = arith.muli %scan3A_562, %mul3A_563 : i32
        %add3A_565 = arith.constant 0 : i32
        %add3A_566 = arith.addi %add3A_565, %mul3A_564 : i32
        %add3A_567 = vector.broadcast %add3A_566 : i32 to vector<16xi32>
        %add3A_568 = arith.addi %get3A_388, %add3A_567 : vector<16xi32>
        %gather3A_569 = arith.constant 0 : i32
        %gather3A_570 = arith.constant 0 : i32
        %gather3A_571 = tpu.memref_slice %arg8[%and3A_340, %gather3A_569, %gather3A_570] : memref<2x128x128xf32, #tpu.memory_space<vmem>> -> memref<1x128x128xf32, #tpu.memory_space<vmem>>
        %gather3A_572 = tpu.memref_squeeze %gather3A_571 : memref<1x128x128xf32, #tpu.memory_space<vmem>> -> memref<128x128xf32, #tpu.memory_space<vmem>>
        %gather3A_573 = tpu.vector_load_idx %gather3A_572[%add3A_385, %add3A_568] : memref<128x128xf32, #tpu.memory_space<vmem>>[vector<16xi32>, vector<16xi32>], vector<16xf32>,
        %swap3A_574 = arith.index_cast %and3A_340 : i32 to index
        %swap3A_575 = arith.index_cast %add3A_566 : i32 to index
        %swap3A_576 = arith.constant 32 : index
        %swap3A_577 = tpu.vector_load %arg9[%swap3A_574, %swap3A_575, %swap3A_576] {strides = array<i32>} : memref<2x64x128xf32, #tpu.memory_space<vmem>>, vector<16xf32>,
        tpu.vector_store %arg9[%swap3A_574, %swap3A_575, %swap3A_576], %gather3A_573 {strides = array<i32>} : memref<2x64x128xf32, #tpu.memory_space<vmem>>, vector<16xf32>,
        %scan3A_578 = arith.constant 4 : i32
        %scan3A_579 = arith.addi %scan3A_512, %scan3A_578 : i32
        %mul3A_580 = arith.constant 1 : i32
        %mul3A_581 = arith.muli %scan3A_579, %mul3A_580 : i32
        %add3A_582 = arith.constant 0 : i32
        %add3A_583 = arith.addi %add3A_582, %mul3A_581 : i32
        %add3A_584 = vector.broadcast %add3A_583 : i32 to vector<16xi32>
        %add3A_585 = arith.addi %get3A_388, %add3A_584 : vector<16xi32>
        %gather3A_586 = arith.constant 0 : i32
        %gather3A_587 = arith.constant 0 : i32
        %gather3A_588 = tpu.memref_slice %arg8[%and3A_340, %gather3A_586, %gather3A_587] : memref<2x128x128xf32, #tpu.memory_space<vmem>> -> memref<1x128x128xf32, #tpu.memory_space<vmem>>
        %gather3A_589 = tpu.memref_squeeze %gather3A_588 : memref<1x128x128xf32, #tpu.memory_space<vmem>> -> memref<128x128xf32, #tpu.memory_space<vmem>>
        %gather3A_590 = tpu.vector_load_idx %gather3A_589[%add3A_385, %add3A_585] : memref<128x128xf32, #tpu.memory_space<vmem>>[vector<16xi32>, vector<16xi32>], vector<16xf32>,
        %swap3A_591 = arith.index_cast %and3A_340 : i32 to index
        %swap3A_592 = arith.index_cast %add3A_583 : i32 to index
        %swap3A_593 = arith.constant 32 : index
        %swap3A_594 = tpu.vector_load %arg9[%swap3A_591, %swap3A_592, %swap3A_593] {strides = array<i32>} : memref<2x64x128xf32, #tpu.memory_space<vmem>>, vector<16xf32>,
        tpu.vector_store %arg9[%swap3A_591, %swap3A_592, %swap3A_593], %gather3A_590 {strides = array<i32>} : memref<2x64x128xf32, #tpu.memory_space<vmem>>, vector<16xf32>,
        %scan3A_595 = arith.constant 5 : i32
        %scan3A_596 = arith.addi %scan3A_512, %scan3A_595 : i32
        %mul3A_597 = arith.constant 1 : i32
        %mul3A_598 = arith.muli %scan3A_596, %mul3A_597 : i32
        %add3A_599 = arith.constant 0 : i32
        %add3A_600 = arith.addi %add3A_599, %mul3A_598 : i32
        %add3A_601 = vector.broadcast %add3A_600 : i32 to vector<16xi32>
        %add3A_602 = arith.addi %get3A_388, %add3A_601 : vector<16xi32>
        %gather3A_603 = arith.constant 0 : i32
        %gather3A_604 = arith.constant 0 : i32
        %gather3A_605 = tpu.memref_slice %arg8[%and3A_340, %gather3A_603, %gather3A_604] : memref<2x128x128xf32, #tpu.memory_space<vmem>> -> memref<1x128x128xf32, #tpu.memory_space<vmem>>
        %gather3A_606 = tpu.memref_squeeze %gather3A_605 : memref<1x128x128xf32, #tpu.memory_space<vmem>> -> memref<128x128xf32, #tpu.memory_space<vmem>>
        %gather3A_607 = tpu.vector_load_idx %gather3A_606[%add3A_385, %add3A_602] : memref<128x128xf32, #tpu.memory_space<vmem>>[vector<16xi32>, vector<16xi32>], vector<16xf32>,
        %swap3A_608 = arith.index_cast %and3A_340 : i32 to index
        %swap3A_609 = arith.index_cast %add3A_600 : i32 to index
        %swap3A_610 = arith.constant 32 : index
        %swap3A_611 = tpu.vector_load %arg9[%swap3A_608, %swap3A_609, %swap3A_610] {strides = array<i32>} : memref<2x64x128xf32, #tpu.memory_space<vmem>>, vector<16xf32>,
        tpu.vector_store %arg9[%swap3A_608, %swap3A_609, %swap3A_610], %gather3A_607 {strides = array<i32>} : memref<2x64x128xf32, #tpu.memory_space<vmem>>, vector<16xf32>,
        %scan3A_612 = arith.constant 6 : i32
        %scan3A_613 = arith.addi %scan3A_512, %scan3A_612 : i32
        %mul3A_614 = arith.constant 1 : i32
        %mul3A_615 = arith.muli %scan3A_613, %mul3A_614 : i32
        %add3A_616 = arith.constant 0 : i32
        %add3A_617 = arith.addi %add3A_616, %mul3A_615 : i32
        %add3A_618 = vector.broadcast %add3A_617 : i32 to vector<16xi32>
        %add3A_619 = arith.addi %get3A_388, %add3A_618 : vector<16xi32>
        %gather3A_620 = arith.constant 0 : i32
        %gather3A_621 = arith.constant 0 : i32
        %gather3A_622 = tpu.memref_slice %arg8[%and3A_340, %gather3A_620, %gather3A_621] : memref<2x128x128xf32, #tpu.memory_space<vmem>> -> memref<1x128x128xf32, #tpu.memory_space<vmem>>
        %gather3A_623 = tpu.memref_squeeze %gather3A_622 : memref<1x128x128xf32, #tpu.memory_space<vmem>> -> memref<128x128xf32, #tpu.memory_space<vmem>>
        %gather3A_624 = tpu.vector_load_idx %gather3A_623[%add3A_385, %add3A_619] : memref<128x128xf32, #tpu.memory_space<vmem>>[vector<16xi32>, vector<16xi32>], vector<16xf32>,
        %swap3A_625 = arith.index_cast %and3A_340 : i32 to index
        %swap3A_626 = arith.index_cast %add3A_617 : i32 to index
        %swap3A_627 = arith.constant 32 : index
        %swap3A_628 = tpu.vector_load %arg9[%swap3A_625, %swap3A_626, %swap3A_627] {strides = array<i32>} : memref<2x64x128xf32, #tpu.memory_space<vmem>>, vector<16xf32>,
        tpu.vector_store %arg9[%swap3A_625, %swap3A_626, %swap3A_627], %gather3A_624 {strides = array<i32>} : memref<2x64x128xf32, #tpu.memory_space<vmem>>, vector<16xf32>,
        %scan3A_629 = arith.constant 7 : i32
        %scan3A_630 = arith.addi %scan3A_512, %scan3A_629 : i32
        %mul3A_631 = arith.constant 1 : i32
        %mul3A_632 = arith.muli %scan3A_630, %mul3A_631 : i32
        %add3A_633 = arith.constant 0 : i32
        %add3A_634 = arith.addi %add3A_633, %mul3A_632 : i32
        %add3A_635 = vector.broadcast %add3A_634 : i32 to vector<16xi32>
        %add3A_636 = arith.addi %get3A_388, %add3A_635 : vector<16xi32>
        %gather3A_637 = arith.constant 0 : i32
        %gather3A_638 = arith.constant 0 : i32
        %gather3A_639 = tpu.memref_slice %arg8[%and3A_340, %gather3A_637, %gather3A_638] : memref<2x128x128xf32, #tpu.memory_space<vmem>> -> memref<1x128x128xf32, #tpu.memory_space<vmem>>
        %gather3A_640 = tpu.memref_squeeze %gather3A_639 : memref<1x128x128xf32, #tpu.memory_space<vmem>> -> memref<128x128xf32, #tpu.memory_space<vmem>>
        %gather3A_641 = tpu.vector_load_idx %gather3A_640[%add3A_385, %add3A_636] : memref<128x128xf32, #tpu.memory_space<vmem>>[vector<16xi32>, vector<16xi32>], vector<16xf32>,
        %swap3A_642 = arith.index_cast %and3A_340 : i32 to index
        %swap3A_643 = arith.index_cast %add3A_634 : i32 to index
        %swap3A_644 = arith.constant 32 : index
        %swap3A_645 = tpu.vector_load %arg9[%swap3A_642, %swap3A_643, %swap3A_644] {strides = array<i32>} : memref<2x64x128xf32, #tpu.memory_space<vmem>>, vector<16xf32>,
        tpu.vector_store %arg9[%swap3A_642, %swap3A_643, %swap3A_644], %gather3A_641 {strides = array<i32>} : memref<2x64x128xf32, #tpu.memory_space<vmem>>, vector<16xf32>,
        %scan3A_646 = arith.constant 8 : i32
        %scan3A_647 = arith.addi %scan3A_512, %scan3A_646 : i32
        %mul3A_648 = arith.constant 1 : i32
        %mul3A_649 = arith.muli %scan3A_647, %mul3A_648 : i32
        %add3A_650 = arith.constant 0 : i32
        %add3A_651 = arith.addi %add3A_650, %mul3A_649 : i32
        %add3A_652 = vector.broadcast %add3A_651 : i32 to vector<16xi32>
        %add3A_653 = arith.addi %get3A_388, %add3A_652 : vector<16xi32>
        %gather3A_654 = arith.constant 0 : i32
        %gather3A_655 = arith.constant 0 : i32
        %gather3A_656 = tpu.memref_slice %arg8[%and3A_340, %gather3A_654, %gather3A_655] : memref<2x128x128xf32, #tpu.memory_space<vmem>> -> memref<1x128x128xf32, #tpu.memory_space<vmem>>
        %gather3A_657 = tpu.memref_squeeze %gather3A_656 : memref<1x128x128xf32, #tpu.memory_space<vmem>> -> memref<128x128xf32, #tpu.memory_space<vmem>>
        %gather3A_658 = tpu.vector_load_idx %gather3A_657[%add3A_385, %add3A_653] : memref<128x128xf32, #tpu.memory_space<vmem>>[vector<16xi32>, vector<16xi32>], vector<16xf32>,
        %swap3A_659 = arith.index_cast %and3A_340 : i32 to index
        %swap3A_660 = arith.index_cast %add3A_651 : i32 to index
        %swap3A_661 = arith.constant 32 : index
        %swap3A_662 = tpu.vector_load %arg9[%swap3A_659, %swap3A_660, %swap3A_661] {strides = array<i32>} : memref<2x64x128xf32, #tpu.memory_space<vmem>>, vector<16xf32>,
        tpu.vector_store %arg9[%swap3A_659, %swap3A_660, %swap3A_661], %gather3A_658 {strides = array<i32>} : memref<2x64x128xf32, #tpu.memory_space<vmem>>, vector<16xf32>,
        %scan3A_663 = arith.constant 9 : i32
        %scan3A_664 = arith.addi %scan3A_512, %scan3A_663 : i32
        %mul3A_665 = arith.constant 1 : i32
        %mul3A_666 = arith.muli %scan3A_664, %mul3A_665 : i32
        %add3A_667 = arith.constant 0 : i32
        %add3A_668 = arith.addi %add3A_667, %mul3A_666 : i32
        %add3A_669 = vector.broadcast %add3A_668 : i32 to vector<16xi32>
        %add3A_670 = arith.addi %get3A_388, %add3A_669 : vector<16xi32>
        %gather3A_671 = arith.constant 0 : i32
        %gather3A_672 = arith.constant 0 : i32
        %gather3A_673 = tpu.memref_slice %arg8[%and3A_340, %gather3A_671, %gather3A_672] : memref<2x128x128xf32, #tpu.memory_space<vmem>> -> memref<1x128x128xf32, #tpu.memory_space<vmem>>
        %gather3A_674 = tpu.memref_squeeze %gather3A_673 : memref<1x128x128xf32, #tpu.memory_space<vmem>> -> memref<128x128xf32, #tpu.memory_space<vmem>>
        %gather3A_675 = tpu.vector_load_idx %gather3A_674[%add3A_385, %add3A_670] : memref<128x128xf32, #tpu.memory_space<vmem>>[vector<16xi32>, vector<16xi32>], vector<16xf32>,
        %swap3A_676 = arith.index_cast %and3A_340 : i32 to index
        %swap3A_677 = arith.index_cast %add3A_668 : i32 to index
        %swap3A_678 = arith.constant 32 : index
        %swap3A_679 = tpu.vector_load %arg9[%swap3A_676, %swap3A_677, %swap3A_678] {strides = array<i32>} : memref<2x64x128xf32, #tpu.memory_space<vmem>>, vector<16xf32>,
        tpu.vector_store %arg9[%swap3A_676, %swap3A_677, %swap3A_678], %gather3A_675 {strides = array<i32>} : memref<2x64x128xf32, #tpu.memory_space<vmem>>, vector<16xf32>,
        %scan3A_680 = arith.constant 10 : i32
        %scan3A_681 = arith.addi %scan3A_512, %scan3A_680 : i32
        %mul3A_682 = arith.constant 1 : i32
        %mul3A_683 = arith.muli %scan3A_681, %mul3A_682 : i32
        %add3A_684 = arith.constant 0 : i32
        %add3A_685 = arith.addi %add3A_684, %mul3A_683 : i32
        %add3A_686 = vector.broadcast %add3A_685 : i32 to vector<16xi32>
        %add3A_687 = arith.addi %get3A_388, %add3A_686 : vector<16xi32>
        %gather3A_688 = arith.constant 0 : i32
        %gather3A_689 = arith.constant 0 : i32
        %gather3A_690 = tpu.memref_slice %arg8[%and3A_340, %gather3A_688, %gather3A_689] : memref<2x128x128xf32, #tpu.memory_space<vmem>> -> memref<1x128x128xf32, #tpu.memory_space<vmem>>
        %gather3A_691 = tpu.memref_squeeze %gather3A_690 : memref<1x128x128xf32, #tpu.memory_space<vmem>> -> memref<128x128xf32, #tpu.memory_space<vmem>>
        %gather3A_692 = tpu.vector_load_idx %gather3A_691[%add3A_385, %add3A_687] : memref<128x128xf32, #tpu.memory_space<vmem>>[vector<16xi32>, vector<16xi32>], vector<16xf32>,
        %swap3A_693 = arith.index_cast %and3A_340 : i32 to index
        %swap3A_694 = arith.index_cast %add3A_685 : i32 to index
        %swap3A_695 = arith.constant 32 : index
        %swap3A_696 = tpu.vector_load %arg9[%swap3A_693, %swap3A_694, %swap3A_695] {strides = array<i32>} : memref<2x64x128xf32, #tpu.memory_space<vmem>>, vector<16xf32>,
        tpu.vector_store %arg9[%swap3A_693, %swap3A_694, %swap3A_695], %gather3A_692 {strides = array<i32>} : memref<2x64x128xf32, #tpu.memory_space<vmem>>, vector<16xf32>,
        %scan3A_697 = arith.constant 11 : i32
        %scan3A_698 = arith.addi %scan3A_512, %scan3A_697 : i32
        %mul3A_699 = arith.constant 1 : i32
        %mul3A_700 = arith.muli %scan3A_698, %mul3A_699 : i32
        %add3A_701 = arith.constant 0 : i32
        %add3A_702 = arith.addi %add3A_701, %mul3A_700 : i32
        %add3A_703 = vector.broadcast %add3A_702 : i32 to vector<16xi32>
        %add3A_704 = arith.addi %get3A_388, %add3A_703 : vector<16xi32>
        %gather3A_705 = arith.constant 0 : i32
        %gather3A_706 = arith.constant 0 : i32
        %gather3A_707 = tpu.memref_slice %arg8[%and3A_340, %gather3A_705, %gather3A_706] : memref<2x128x128xf32, #tpu.memory_space<vmem>> -> memref<1x128x128xf32, #tpu.memory_space<vmem>>
        %gather3A_708 = tpu.memref_squeeze %gather3A_707 : memref<1x128x128xf32, #tpu.memory_space<vmem>> -> memref<128x128xf32, #tpu.memory_space<vmem>>
        %gather3A_709 = tpu.vector_load_idx %gather3A_708[%add3A_385, %add3A_704] : memref<128x128xf32, #tpu.memory_space<vmem>>[vector<16xi32>, vector<16xi32>], vector<16xf32>,
        %swap3A_710 = arith.index_cast %and3A_340 : i32 to index
        %swap3A_711 = arith.index_cast %add3A_702 : i32 to index
        %swap3A_712 = arith.constant 32 : index
        %swap3A_713 = tpu.vector_load %arg9[%swap3A_710, %swap3A_711, %swap3A_712] {strides = array<i32>} : memref<2x64x128xf32, #tpu.memory_space<vmem>>, vector<16xf32>,
        tpu.vector_store %arg9[%swap3A_710, %swap3A_711, %swap3A_712], %gather3A_709 {strides = array<i32>} : memref<2x64x128xf32, #tpu.memory_space<vmem>>, vector<16xf32>,
        %scan3A_714 = arith.constant 12 : i32
        %scan3A_715 = arith.addi %scan3A_512, %scan3A_714 : i32
        %mul3A_716 = arith.constant 1 : i32
        %mul3A_717 = arith.muli %scan3A_715, %mul3A_716 : i32
        %add3A_718 = arith.constant 0 : i32
        %add3A_719 = arith.addi %add3A_718, %mul3A_717 : i32
        %add3A_720 = vector.broadcast %add3A_719 : i32 to vector<16xi32>
        %add3A_721 = arith.addi %get3A_388, %add3A_720 : vector<16xi32>
        %gather3A_722 = arith.constant 0 : i32
        %gather3A_723 = arith.constant 0 : i32
        %gather3A_724 = tpu.memref_slice %arg8[%and3A_340, %gather3A_722, %gather3A_723] : memref<2x128x128xf32, #tpu.memory_space<vmem>> -> memref<1x128x128xf32, #tpu.memory_space<vmem>>
        %gather3A_725 = tpu.memref_squeeze %gather3A_724 : memref<1x128x128xf32, #tpu.memory_space<vmem>> -> memref<128x128xf32, #tpu.memory_space<vmem>>
        %gather3A_726 = tpu.vector_load_idx %gather3A_725[%add3A_385, %add3A_721] : memref<128x128xf32, #tpu.memory_space<vmem>>[vector<16xi32>, vector<16xi32>], vector<16xf32>,
        %swap3A_727 = arith.index_cast %and3A_340 : i32 to index
        %swap3A_728 = arith.index_cast %add3A_719 : i32 to index
        %swap3A_729 = arith.constant 32 : index
        %swap3A_730 = tpu.vector_load %arg9[%swap3A_727, %swap3A_728, %swap3A_729] {strides = array<i32>} : memref<2x64x128xf32, #tpu.memory_space<vmem>>, vector<16xf32>,
        tpu.vector_store %arg9[%swap3A_727, %swap3A_728, %swap3A_729], %gather3A_726 {strides = array<i32>} : memref<2x64x128xf32, #tpu.memory_space<vmem>>, vector<16xf32>,
        %scan3A_731 = arith.constant 13 : i32
        %scan3A_732 = arith.addi %scan3A_512, %scan3A_731 : i32
        %mul3A_733 = arith.constant 1 : i32
        %mul3A_734 = arith.muli %scan3A_732, %mul3A_733 : i32
        %add3A_735 = arith.constant 0 : i32
        %add3A_736 = arith.addi %add3A_735, %mul3A_734 : i32
        %add3A_737 = vector.broadcast %add3A_736 : i32 to vector<16xi32>
        %add3A_738 = arith.addi %get3A_388, %add3A_737 : vector<16xi32>
        %gather3A_739 = arith.constant 0 : i32
        %gather3A_740 = arith.constant 0 : i32
        %gather3A_741 = tpu.memref_slice %arg8[%and3A_340, %gather3A_739, %gather3A_740] : memref<2x128x128xf32, #tpu.memory_space<vmem>> -> memref<1x128x128xf32, #tpu.memory_space<vmem>>
        %gather3A_742 = tpu.memref_squeeze %gather3A_741 : memref<1x128x128xf32, #tpu.memory_space<vmem>> -> memref<128x128xf32, #tpu.memory_space<vmem>>
        %gather3A_743 = tpu.vector_load_idx %gather3A_742[%add3A_385, %add3A_738] : memref<128x128xf32, #tpu.memory_space<vmem>>[vector<16xi32>, vector<16xi32>], vector<16xf32>,
        %swap3A_744 = arith.index_cast %and3A_340 : i32 to index
        %swap3A_745 = arith.index_cast %add3A_736 : i32 to index
        %swap3A_746 = arith.constant 32 : index
        %swap3A_747 = tpu.vector_load %arg9[%swap3A_744, %swap3A_745, %swap3A_746] {strides = array<i32>} : memref<2x64x128xf32, #tpu.memory_space<vmem>>, vector<16xf32>,
        tpu.vector_store %arg9[%swap3A_744, %swap3A_745, %swap3A_746], %gather3A_743 {strides = array<i32>} : memref<2x64x128xf32, #tpu.memory_space<vmem>>, vector<16xf32>,
        %scan3A_748 = arith.constant 14 : i32
        %scan3A_749 = arith.addi %scan3A_512, %scan3A_748 : i32
        %mul3A_750 = arith.constant 1 : i32
        %mul3A_751 = arith.muli %scan3A_749, %mul3A_750 : i32
        %add3A_752 = arith.constant 0 : i32
        %add3A_753 = arith.addi %add3A_752, %mul3A_751 : i32
        %add3A_754 = vector.broadcast %add3A_753 : i32 to vector<16xi32>
        %add3A_755 = arith.addi %get3A_388, %add3A_754 : vector<16xi32>
        %gather3A_756 = arith.constant 0 : i32
        %gather3A_757 = arith.constant 0 : i32
        %gather3A_758 = tpu.memref_slice %arg8[%and3A_340, %gather3A_756, %gather3A_757] : memref<2x128x128xf32, #tpu.memory_space<vmem>> -> memref<1x128x128xf32, #tpu.memory_space<vmem>>
        %gather3A_759 = tpu.memref_squeeze %gather3A_758 : memref<1x128x128xf32, #tpu.memory_space<vmem>> -> memref<128x128xf32, #tpu.memory_space<vmem>>
        %gather3A_760 = tpu.vector_load_idx %gather3A_759[%add3A_385, %add3A_755] : memref<128x128xf32, #tpu.memory_space<vmem>>[vector<16xi32>, vector<16xi32>], vector<16xf32>,
        %swap3A_761 = arith.index_cast %and3A_340 : i32 to index
        %swap3A_762 = arith.index_cast %add3A_753 : i32 to index
        %swap3A_763 = arith.constant 32 : index
        %swap3A_764 = tpu.vector_load %arg9[%swap3A_761, %swap3A_762, %swap3A_763] {strides = array<i32>} : memref<2x64x128xf32, #tpu.memory_space<vmem>>, vector<16xf32>,
        tpu.vector_store %arg9[%swap3A_761, %swap3A_762, %swap3A_763], %gather3A_760 {strides = array<i32>} : memref<2x64x128xf32, #tpu.memory_space<vmem>>, vector<16xf32>,
        %scan3A_765 = arith.constant 15 : i32
        %scan3A_766 = arith.addi %scan3A_512, %scan3A_765 : i32
        %mul3A_767 = arith.constant 1 : i32
        %mul3A_768 = arith.muli %scan3A_766, %mul3A_767 : i32
        %add3A_769 = arith.constant 0 : i32
        %add3A_770 = arith.addi %add3A_769, %mul3A_768 : i32
        %add3A_771 = vector.broadcast %add3A_770 : i32 to vector<16xi32>
        %add3A_772 = arith.addi %get3A_388, %add3A_771 : vector<16xi32>
        %gather3A_773 = arith.constant 0 : i32
        %gather3A_774 = arith.constant 0 : i32
        %gather3A_775 = tpu.memref_slice %arg8[%and3A_340, %gather3A_773, %gather3A_774] : memref<2x128x128xf32, #tpu.memory_space<vmem>> -> memref<1x128x128xf32, #tpu.memory_space<vmem>>
        %gather3A_776 = tpu.memref_squeeze %gather3A_775 : memref<1x128x128xf32, #tpu.memory_space<vmem>> -> memref<128x128xf32, #tpu.memory_space<vmem>>
        %gather3A_777 = tpu.vector_load_idx %gather3A_776[%add3A_385, %add3A_772] : memref<128x128xf32, #tpu.memory_space<vmem>>[vector<16xi32>, vector<16xi32>], vector<16xf32>,
        %swap3A_778 = arith.index_cast %and3A_340 : i32 to index
        %swap3A_779 = arith.index_cast %add3A_770 : i32 to index
        %swap3A_780 = arith.constant 32 : index
        %swap3A_781 = tpu.vector_load %arg9[%swap3A_778, %swap3A_779, %swap3A_780] {strides = array<i32>} : memref<2x64x128xf32, #tpu.memory_space<vmem>>, vector<16xf32>,
        tpu.vector_store %arg9[%swap3A_778, %swap3A_779, %swap3A_780], %gather3A_777 {strides = array<i32>} : memref<2x64x128xf32, #tpu.memory_space<vmem>>, vector<16xf32>,
      }
      %scan3A_393 = arith.constant 64 : i32
      %iota3A_394 = tpu.iota {dimensions = array<i32: 0>} : vector<16xi32>
      %add3A_395 = arith.constant 48 : i32
      %add3A_396 = vector.broadcast %add3A_395 : i32 to vector<16xi32>
      %add3A_397 = arith.addi %iota3A_394, %add3A_396 : vector<16xi32>
      %get3A_398 = arith.index_cast %and3A_340 : i32 to index
      %get3A_399 = arith.constant 48 : index
      %get3A_400 = tpu.vector_load %arg7[%get3A_398, %get3A_399] {strides = array<i32>} : memref<2x128xi32, #tpu.memory_space<vmem>>, vector<16xi32>,
      %scan3A_401 = arith.constant 0 : i32
      %scan3A_402 = arith.constant 64 : i32
      %scan3A_403 = arith.addi %scan3A_401, %scan3A_402 : i32
      %scan3A_404 = arith.constant 16 : i32
      scf.for %scan3A_512 = %scan3A_401 to %scan3A_403 step %scan3A_404  : i32 {
        %mul3A_513 = arith.constant 1 : i32
        %mul3A_514 = arith.muli %scan3A_512, %mul3A_513 : i32
        %add3A_515 = arith.constant 0 : i32
        %add3A_516 = arith.addi %add3A_515, %mul3A_514 : i32
        %add3A_517 = vector.broadcast %add3A_516 : i32 to vector<16xi32>
        %add3A_518 = arith.addi %get3A_400, %add3A_517 : vector<16xi32>
        %gather3A = arith.constant 0 : i32
        %gather3A_519 = arith.constant 0 : i32
        %gather3A_520 = tpu.memref_slice %arg8[%and3A_340, %gather3A, %gather3A_519] : memref<2x128x128xf32, #tpu.memory_space<vmem>> -> memref<1x128x128xf32, #tpu.memory_space<vmem>>
        %gather3A_521 = tpu.memref_squeeze %gather3A_520 : memref<1x128x128xf32, #tpu.memory_space<vmem>> -> memref<128x128xf32, #tpu.memory_space<vmem>>
        %gather3A_522 = tpu.vector_load_idx %gather3A_521[%add3A_397, %add3A_518] : memref<128x128xf32, #tpu.memory_space<vmem>>[vector<16xi32>, vector<16xi32>], vector<16xf32>,
        %swap3A_523 = arith.index_cast %and3A_340 : i32 to index
        %swap3A_524 = arith.index_cast %add3A_516 : i32 to index
        %swap3A_525 = arith.constant 48 : index
        %swap3A_526 = tpu.vector_load %arg9[%swap3A_523, %swap3A_524, %swap3A_525] {strides = array<i32>} : memref<2x64x128xf32, #tpu.memory_space<vmem>>, vector<16xf32>,
        tpu.vector_store %arg9[%swap3A_523, %swap3A_524, %swap3A_525], %gather3A_522 {strides = array<i32>} : memref<2x64x128xf32, #tpu.memory_space<vmem>>, vector<16xf32>,
        %scan3A_527 = arith.constant 1 : i32
        %scan3A_528 = arith.addi %scan3A_512, %scan3A_527 : i32
        %mul3A_529 = arith.constant 1 : i32
        %mul3A_530 = arith.muli %scan3A_528, %mul3A_529 : i32
        %add3A_531 = arith.constant 0 : i32
        %add3A_532 = arith.addi %add3A_531, %mul3A_530 : i32
        %add3A_533 = vector.broadcast %add3A_532 : i32 to vector<16xi32>
        %add3A_534 = arith.addi %get3A_400, %add3A_533 : vector<16xi32>
        %gather3A_535 = arith.constant 0 : i32
        %gather3A_536 = arith.constant 0 : i32
        %gather3A_537 = tpu.memref_slice %arg8[%and3A_340, %gather3A_535, %gather3A_536] : memref<2x128x128xf32, #tpu.memory_space<vmem>> -> memref<1x128x128xf32, #tpu.memory_space<vmem>>
        %gather3A_538 = tpu.memref_squeeze %gather3A_537 : memref<1x128x128xf32, #tpu.memory_space<vmem>> -> memref<128x128xf32, #tpu.memory_space<vmem>>
        %gather3A_539 = tpu.vector_load_idx %gather3A_538[%add3A_397, %add3A_534] : memref<128x128xf32, #tpu.memory_space<vmem>>[vector<16xi32>, vector<16xi32>], vector<16xf32>,
        %swap3A_540 = arith.index_cast %and3A_340 : i32 to index
        %swap3A_541 = arith.index_cast %add3A_532 : i32 to index
        %swap3A_542 = arith.constant 48 : index
        %swap3A_543 = tpu.vector_load %arg9[%swap3A_540, %swap3A_541, %swap3A_542] {strides = array<i32>} : memref<2x64x128xf32, #tpu.memory_space<vmem>>, vector<16xf32>,
        tpu.vector_store %arg9[%swap3A_540, %swap3A_541, %swap3A_542], %gather3A_539 {strides = array<i32>} : memref<2x64x128xf32, #tpu.memory_space<vmem>>, vector<16xf32>,
        %scan3A_544 = arith.constant 2 : i32
        %scan3A_545 = arith.addi %scan3A_512, %scan3A_544 : i32
        %mul3A_546 = arith.constant 1 : i32
        %mul3A_547 = arith.muli %scan3A_545, %mul3A_546 : i32
        %add3A_548 = arith.constant 0 : i32
        %add3A_549 = arith.addi %add3A_548, %mul3A_547 : i32
        %add3A_550 = vector.broadcast %add3A_549 : i32 to vector<16xi32>
        %add3A_551 = arith.addi %get3A_400, %add3A_550 : vector<16xi32>
        %gather3A_552 = arith.constant 0 : i32
        %gather3A_553 = arith.constant 0 : i32
        %gather3A_554 = tpu.memref_slice %arg8[%and3A_340, %gather3A_552, %gather3A_553] : memref<2x128x128xf32, #tpu.memory_space<vmem>> -> memref<1x128x128xf32, #tpu.memory_space<vmem>>
        %gather3A_555 = tpu.memref_squeeze %gather3A_554 : memref<1x128x128xf32, #tpu.memory_space<vmem>> -> memref<128x128xf32, #tpu.memory_space<vmem>>
        %gather3A_556 = tpu.vector_load_idx %gather3A_555[%add3A_397, %add3A_551] : memref<128x128xf32, #tpu.memory_space<vmem>>[vector<16xi32>, vector<16xi32>], vector<16xf32>,
        %swap3A_557 = arith.index_cast %and3A_340 : i32 to index
        %swap3A_558 = arith.index_cast %add3A_549 : i32 to index
        %swap3A_559 = arith.constant 48 : index
        %swap3A_560 = tpu.vector_load %arg9[%swap3A_557, %swap3A_558, %swap3A_559] {strides = array<i32>} : memref<2x64x128xf32, #tpu.memory_space<vmem>>, vector<16xf32>,
        tpu.vector_store %arg9[%swap3A_557, %swap3A_558, %swap3A_559], %gather3A_556 {strides = array<i32>} : memref<2x64x128xf32, #tpu.memory_space<vmem>>, vector<16xf32>,
        %scan3A_561 = arith.constant 3 : i32
        %scan3A_562 = arith.addi %scan3A_512, %scan3A_561 : i32
        %mul3A_563 = arith.constant 1 : i32
        %mul3A_564 = arith.muli %scan3A_562, %mul3A_563 : i32
        %add3A_565 = arith.constant 0 : i32
        %add3A_566 = arith.addi %add3A_565, %mul3A_564 : i32
        %add3A_567 = vector.broadcast %add3A_566 : i32 to vector<16xi32>
        %add3A_568 = arith.addi %get3A_400, %add3A_567 : vector<16xi32>
        %gather3A_569 = arith.constant 0 : i32
        %gather3A_570 = arith.constant 0 : i32
        %gather3A_571 = tpu.memref_slice %arg8[%and3A_340, %gather3A_569, %gather3A_570] : memref<2x128x128xf32, #tpu.memory_space<vmem>> -> memref<1x128x128xf32, #tpu.memory_space<vmem>>
        %gather3A_572 = tpu.memref_squeeze %gather3A_571 : memref<1x128x128xf32, #tpu.memory_space<vmem>> -> memref<128x128xf32, #tpu.memory_space<vmem>>
        %gather3A_573 = tpu.vector_load_idx %gather3A_572[%add3A_397, %add3A_568] : memref<128x128xf32, #tpu.memory_space<vmem>>[vector<16xi32>, vector<16xi32>], vector<16xf32>,
        %swap3A_574 = arith.index_cast %and3A_340 : i32 to index
        %swap3A_575 = arith.index_cast %add3A_566 : i32 to index
        %swap3A_576 = arith.constant 48 : index
        %swap3A_577 = tpu.vector_load %arg9[%swap3A_574, %swap3A_575, %swap3A_576] {strides = array<i32>} : memref<2x64x128xf32, #tpu.memory_space<vmem>>, vector<16xf32>,
        tpu.vector_store %arg9[%swap3A_574, %swap3A_575, %swap3A_576], %gather3A_573 {strides = array<i32>} : memref<2x64x128xf32, #tpu.memory_space<vmem>>, vector<16xf32>,
        %scan3A_578 = arith.constant 4 : i32
        %scan3A_579 = arith.addi %scan3A_512, %scan3A_578 : i32
        %mul3A_580 = arith.constant 1 : i32
        %mul3A_581 = arith.muli %scan3A_579, %mul3A_580 : i32
        %add3A_582 = arith.constant 0 : i32
        %add3A_583 = arith.addi %add3A_582, %mul3A_581 : i32
        %add3A_584 = vector.broadcast %add3A_583 : i32 to vector<16xi32>
        %add3A_585 = arith.addi %get3A_400, %add3A_584 : vector<16xi32>
        %gather3A_586 = arith.constant 0 : i32
        %gather3A_587 = arith.constant 0 : i32
        %gather3A_588 = tpu.memref_slice %arg8[%and3A_340, %gather3A_586, %gather3A_587] : memref<2x128x128xf32, #tpu.memory_space<vmem>> -> memref<1x128x128xf32, #tpu.memory_space<vmem>>
        %gather3A_589 = tpu.memref_squeeze %gather3A_588 : memref<1x128x128xf32, #tpu.memory_space<vmem>> -> memref<128x128xf32, #tpu.memory_space<vmem>>
        %gather3A_590 = tpu.vector_load_idx %gather3A_589[%add3A_397, %add3A_585] : memref<128x128xf32, #tpu.memory_space<vmem>>[vector<16xi32>, vector<16xi32>], vector<16xf32>,
        %swap3A_591 = arith.index_cast %and3A_340 : i32 to index
        %swap3A_592 = arith.index_cast %add3A_583 : i32 to index
        %swap3A_593 = arith.constant 48 : index
        %swap3A_594 = tpu.vector_load %arg9[%swap3A_591, %swap3A_592, %swap3A_593] {strides = array<i32>} : memref<2x64x128xf32, #tpu.memory_space<vmem>>, vector<16xf32>,
        tpu.vector_store %arg9[%swap3A_591, %swap3A_592, %swap3A_593], %gather3A_590 {strides = array<i32>} : memref<2x64x128xf32, #tpu.memory_space<vmem>>, vector<16xf32>,
        %scan3A_595 = arith.constant 5 : i32
        %scan3A_596 = arith.addi %scan3A_512, %scan3A_595 : i32
        %mul3A_597 = arith.constant 1 : i32
        %mul3A_598 = arith.muli %scan3A_596, %mul3A_597 : i32
        %add3A_599 = arith.constant 0 : i32
        %add3A_600 = arith.addi %add3A_599, %mul3A_598 : i32
        %add3A_601 = vector.broadcast %add3A_600 : i32 to vector<16xi32>
        %add3A_602 = arith.addi %get3A_400, %add3A_601 : vector<16xi32>
        %gather3A_603 = arith.constant 0 : i32
        %gather3A_604 = arith.constant 0 : i32
        %gather3A_605 = tpu.memref_slice %arg8[%and3A_340, %gather3A_603, %gather3A_604] : memref<2x128x128xf32, #tpu.memory_space<vmem>> -> memref<1x128x128xf32, #tpu.memory_space<vmem>>
        %gather3A_606 = tpu.memref_squeeze %gather3A_605 : memref<1x128x128xf32, #tpu.memory_space<vmem>> -> memref<128x128xf32, #tpu.memory_space<vmem>>
        %gather3A_607 = tpu.vector_load_idx %gather3A_606[%add3A_397, %add3A_602] : memref<128x128xf32, #tpu.memory_space<vmem>>[vector<16xi32>, vector<16xi32>], vector<16xf32>,
        %swap3A_608 = arith.index_cast %and3A_340 : i32 to index
        %swap3A_609 = arith.index_cast %add3A_600 : i32 to index
        %swap3A_610 = arith.constant 48 : index
        %swap3A_611 = tpu.vector_load %arg9[%swap3A_608, %swap3A_609, %swap3A_610] {strides = array<i32>} : memref<2x64x128xf32, #tpu.memory_space<vmem>>, vector<16xf32>,
        tpu.vector_store %arg9[%swap3A_608, %swap3A_609, %swap3A_610], %gather3A_607 {strides = array<i32>} : memref<2x64x128xf32, #tpu.memory_space<vmem>>, vector<16xf32>,
        %scan3A_612 = arith.constant 6 : i32
        %scan3A_613 = arith.addi %scan3A_512, %scan3A_612 : i32
        %mul3A_614 = arith.constant 1 : i32
        %mul3A_615 = arith.muli %scan3A_613, %mul3A_614 : i32
        %add3A_616 = arith.constant 0 : i32
        %add3A_617 = arith.addi %add3A_616, %mul3A_615 : i32
        %add3A_618 = vector.broadcast %add3A_617 : i32 to vector<16xi32>
        %add3A_619 = arith.addi %get3A_400, %add3A_618 : vector<16xi32>
        %gather3A_620 = arith.constant 0 : i32
        %gather3A_621 = arith.constant 0 : i32
        %gather3A_622 = tpu.memref_slice %arg8[%and3A_340, %gather3A_620, %gather3A_621] : memref<2x128x128xf32, #tpu.memory_space<vmem>> -> memref<1x128x128xf32, #tpu.memory_space<vmem>>
        %gather3A_623 = tpu.memref_squeeze %gather3A_622 : memref<1x128x128xf32, #tpu.memory_space<vmem>> -> memref<128x128xf32, #tpu.memory_space<vmem>>
        %gather3A_624 = tpu.vector_load_idx %gather3A_623[%add3A_397, %add3A_619] : memref<128x128xf32, #tpu.memory_space<vmem>>[vector<16xi32>, vector<16xi32>], vector<16xf32>,
        %swap3A_625 = arith.index_cast %and3A_340 : i32 to index
        %swap3A_626 = arith.index_cast %add3A_617 : i32 to index
        %swap3A_627 = arith.constant 48 : index
        %swap3A_628 = tpu.vector_load %arg9[%swap3A_625, %swap3A_626, %swap3A_627] {strides = array<i32>} : memref<2x64x128xf32, #tpu.memory_space<vmem>>, vector<16xf32>,
        tpu.vector_store %arg9[%swap3A_625, %swap3A_626, %swap3A_627], %gather3A_624 {strides = array<i32>} : memref<2x64x128xf32, #tpu.memory_space<vmem>>, vector<16xf32>,
        %scan3A_629 = arith.constant 7 : i32
        %scan3A_630 = arith.addi %scan3A_512, %scan3A_629 : i32
        %mul3A_631 = arith.constant 1 : i32
        %mul3A_632 = arith.muli %scan3A_630, %mul3A_631 : i32
        %add3A_633 = arith.constant 0 : i32
        %add3A_634 = arith.addi %add3A_633, %mul3A_632 : i32
        %add3A_635 = vector.broadcast %add3A_634 : i32 to vector<16xi32>
        %add3A_636 = arith.addi %get3A_400, %add3A_635 : vector<16xi32>
        %gather3A_637 = arith.constant 0 : i32
        %gather3A_638 = arith.constant 0 : i32
        %gather3A_639 = tpu.memref_slice %arg8[%and3A_340, %gather3A_637, %gather3A_638] : memref<2x128x128xf32, #tpu.memory_space<vmem>> -> memref<1x128x128xf32, #tpu.memory_space<vmem>>
        %gather3A_640 = tpu.memref_squeeze %gather3A_639 : memref<1x128x128xf32, #tpu.memory_space<vmem>> -> memref<128x128xf32, #tpu.memory_space<vmem>>
        %gather3A_641 = tpu.vector_load_idx %gather3A_640[%add3A_397, %add3A_636] : memref<128x128xf32, #tpu.memory_space<vmem>>[vector<16xi32>, vector<16xi32>], vector<16xf32>,
        %swap3A_642 = arith.index_cast %and3A_340 : i32 to index
        %swap3A_643 = arith.index_cast %add3A_634 : i32 to index
        %swap3A_644 = arith.constant 48 : index
        %swap3A_645 = tpu.vector_load %arg9[%swap3A_642, %swap3A_643, %swap3A_644] {strides = array<i32>} : memref<2x64x128xf32, #tpu.memory_space<vmem>>, vector<16xf32>,
        tpu.vector_store %arg9[%swap3A_642, %swap3A_643, %swap3A_644], %gather3A_641 {strides = array<i32>} : memref<2x64x128xf32, #tpu.memory_space<vmem>>, vector<16xf32>,
        %scan3A_646 = arith.constant 8 : i32
        %scan3A_647 = arith.addi %scan3A_512, %scan3A_646 : i32
        %mul3A_648 = arith.constant 1 : i32
        %mul3A_649 = arith.muli %scan3A_647, %mul3A_648 : i32
        %add3A_650 = arith.constant 0 : i32
        %add3A_651 = arith.addi %add3A_650, %mul3A_649 : i32
        %add3A_652 = vector.broadcast %add3A_651 : i32 to vector<16xi32>
        %add3A_653 = arith.addi %get3A_400, %add3A_652 : vector<16xi32>
        %gather3A_654 = arith.constant 0 : i32
        %gather3A_655 = arith.constant 0 : i32
        %gather3A_656 = tpu.memref_slice %arg8[%and3A_340, %gather3A_654, %gather3A_655] : memref<2x128x128xf32, #tpu.memory_space<vmem>> -> memref<1x128x128xf32, #tpu.memory_space<vmem>>
        %gather3A_657 = tpu.memref_squeeze %gather3A_656 : memref<1x128x128xf32, #tpu.memory_space<vmem>> -> memref<128x128xf32, #tpu.memory_space<vmem>>
        %gather3A_658 = tpu.vector_load_idx %gather3A_657[%add3A_397, %add3A_653] : memref<128x128xf32, #tpu.memory_space<vmem>>[vector<16xi32>, vector<16xi32>], vector<16xf32>,
        %swap3A_659 = arith.index_cast %and3A_340 : i32 to index
        %swap3A_660 = arith.index_cast %add3A_651 : i32 to index
        %swap3A_661 = arith.constant 48 : index
        %swap3A_662 = tpu.vector_load %arg9[%swap3A_659, %swap3A_660, %swap3A_661] {strides = array<i32>} : memref<2x64x128xf32, #tpu.memory_space<vmem>>, vector<16xf32>,
        tpu.vector_store %arg9[%swap3A_659, %swap3A_660, %swap3A_661], %gather3A_658 {strides = array<i32>} : memref<2x64x128xf32, #tpu.memory_space<vmem>>, vector<16xf32>,
        %scan3A_663 = arith.constant 9 : i32
        %scan3A_664 = arith.addi %scan3A_512, %scan3A_663 : i32
        %mul3A_665 = arith.constant 1 : i32
        %mul3A_666 = arith.muli %scan3A_664, %mul3A_665 : i32
        %add3A_667 = arith.constant 0 : i32
        %add3A_668 = arith.addi %add3A_667, %mul3A_666 : i32
        %add3A_669 = vector.broadcast %add3A_668 : i32 to vector<16xi32>
        %add3A_670 = arith.addi %get3A_400, %add3A_669 : vector<16xi32>
        %gather3A_671 = arith.constant 0 : i32
        %gather3A_672 = arith.constant 0 : i32
        %gather3A_673 = tpu.memref_slice %arg8[%and3A_340, %gather3A_671, %gather3A_672] : memref<2x128x128xf32, #tpu.memory_space<vmem>> -> memref<1x128x128xf32, #tpu.memory_space<vmem>>
        %gather3A_674 = tpu.memref_squeeze %gather3A_673 : memref<1x128x128xf32, #tpu.memory_space<vmem>> -> memref<128x128xf32, #tpu.memory_space<vmem>>
        %gather3A_675 = tpu.vector_load_idx %gather3A_674[%add3A_397, %add3A_670] : memref<128x128xf32, #tpu.memory_space<vmem>>[vector<16xi32>, vector<16xi32>], vector<16xf32>,
        %swap3A_676 = arith.index_cast %and3A_340 : i32 to index
        %swap3A_677 = arith.index_cast %add3A_668 : i32 to index
        %swap3A_678 = arith.constant 48 : index
        %swap3A_679 = tpu.vector_load %arg9[%swap3A_676, %swap3A_677, %swap3A_678] {strides = array<i32>} : memref<2x64x128xf32, #tpu.memory_space<vmem>>, vector<16xf32>,
        tpu.vector_store %arg9[%swap3A_676, %swap3A_677, %swap3A_678], %gather3A_675 {strides = array<i32>} : memref<2x64x128xf32, #tpu.memory_space<vmem>>, vector<16xf32>,
        %scan3A_680 = arith.constant 10 : i32
        %scan3A_681 = arith.addi %scan3A_512, %scan3A_680 : i32
        %mul3A_682 = arith.constant 1 : i32
        %mul3A_683 = arith.muli %scan3A_681, %mul3A_682 : i32
        %add3A_684 = arith.constant 0 : i32
        %add3A_685 = arith.addi %add3A_684, %mul3A_683 : i32
        %add3A_686 = vector.broadcast %add3A_685 : i32 to vector<16xi32>
        %add3A_687 = arith.addi %get3A_400, %add3A_686 : vector<16xi32>
        %gather3A_688 = arith.constant 0 : i32
        %gather3A_689 = arith.constant 0 : i32
        %gather3A_690 = tpu.memref_slice %arg8[%and3A_340, %gather3A_688, %gather3A_689] : memref<2x128x128xf32, #tpu.memory_space<vmem>> -> memref<1x128x128xf32, #tpu.memory_space<vmem>>
        %gather3A_691 = tpu.memref_squeeze %gather3A_690 : memref<1x128x128xf32, #tpu.memory_space<vmem>> -> memref<128x128xf32, #tpu.memory_space<vmem>>
        %gather3A_692 = tpu.vector_load_idx %gather3A_691[%add3A_397, %add3A_687] : memref<128x128xf32, #tpu.memory_space<vmem>>[vector<16xi32>, vector<16xi32>], vector<16xf32>,
        %swap3A_693 = arith.index_cast %and3A_340 : i32 to index
        %swap3A_694 = arith.index_cast %add3A_685 : i32 to index
        %swap3A_695 = arith.constant 48 : index
        %swap3A_696 = tpu.vector_load %arg9[%swap3A_693, %swap3A_694, %swap3A_695] {strides = array<i32>} : memref<2x64x128xf32, #tpu.memory_space<vmem>>, vector<16xf32>,
        tpu.vector_store %arg9[%swap3A_693, %swap3A_694, %swap3A_695], %gather3A_692 {strides = array<i32>} : memref<2x64x128xf32, #tpu.memory_space<vmem>>, vector<16xf32>,
        %scan3A_697 = arith.constant 11 : i32
        %scan3A_698 = arith.addi %scan3A_512, %scan3A_697 : i32
        %mul3A_699 = arith.constant 1 : i32
        %mul3A_700 = arith.muli %scan3A_698, %mul3A_699 : i32
        %add3A_701 = arith.constant 0 : i32
        %add3A_702 = arith.addi %add3A_701, %mul3A_700 : i32
        %add3A_703 = vector.broadcast %add3A_702 : i32 to vector<16xi32>
        %add3A_704 = arith.addi %get3A_400, %add3A_703 : vector<16xi32>
        %gather3A_705 = arith.constant 0 : i32
        %gather3A_706 = arith.constant 0 : i32
        %gather3A_707 = tpu.memref_slice %arg8[%and3A_340, %gather3A_705, %gather3A_706] : memref<2x128x128xf32, #tpu.memory_space<vmem>> -> memref<1x128x128xf32, #tpu.memory_space<vmem>>
        %gather3A_708 = tpu.memref_squeeze %gather3A_707 : memref<1x128x128xf32, #tpu.memory_space<vmem>> -> memref<128x128xf32, #tpu.memory_space<vmem>>
        %gather3A_709 = tpu.vector_load_idx %gather3A_708[%add3A_397, %add3A_704] : memref<128x128xf32, #tpu.memory_space<vmem>>[vector<16xi32>, vector<16xi32>], vector<16xf32>,
        %swap3A_710 = arith.index_cast %and3A_340 : i32 to index
        %swap3A_711 = arith.index_cast %add3A_702 : i32 to index
        %swap3A_712 = arith.constant 48 : index
        %swap3A_713 = tpu.vector_load %arg9[%swap3A_710, %swap3A_711, %swap3A_712] {strides = array<i32>} : memref<2x64x128xf32, #tpu.memory_space<vmem>>, vector<16xf32>,
        tpu.vector_store %arg9[%swap3A_710, %swap3A_711, %swap3A_712], %gather3A_709 {strides = array<i32>} : memref<2x64x128xf32, #tpu.memory_space<vmem>>, vector<16xf32>,
        %scan3A_714 = arith.constant 12 : i32
        %scan3A_715 = arith.addi %scan3A_512, %scan3A_714 : i32
        %mul3A_716 = arith.constant 1 : i32
        %mul3A_717 = arith.muli %scan3A_715, %mul3A_716 : i32
        %add3A_718 = arith.constant 0 : i32
        %add3A_719 = arith.addi %add3A_718, %mul3A_717 : i32
        %add3A_720 = vector.broadcast %add3A_719 : i32 to vector<16xi32>
        %add3A_721 = arith.addi %get3A_400, %add3A_720 : vector<16xi32>
        %gather3A_722 = arith.constant 0 : i32
        %gather3A_723 = arith.constant 0 : i32
        %gather3A_724 = tpu.memref_slice %arg8[%and3A_340, %gather3A_722, %gather3A_723] : memref<2x128x128xf32, #tpu.memory_space<vmem>> -> memref<1x128x128xf32, #tpu.memory_space<vmem>>
        %gather3A_725 = tpu.memref_squeeze %gather3A_724 : memref<1x128x128xf32, #tpu.memory_space<vmem>> -> memref<128x128xf32, #tpu.memory_space<vmem>>
        %gather3A_726 = tpu.vector_load_idx %gather3A_725[%add3A_397, %add3A_721] : memref<128x128xf32, #tpu.memory_space<vmem>>[vector<16xi32>, vector<16xi32>], vector<16xf32>,
        %swap3A_727 = arith.index_cast %and3A_340 : i32 to index
        %swap3A_728 = arith.index_cast %add3A_719 : i32 to index
        %swap3A_729 = arith.constant 48 : index
        %swap3A_730 = tpu.vector_load %arg9[%swap3A_727, %swap3A_728, %swap3A_729] {strides = array<i32>} : memref<2x64x128xf32, #tpu.memory_space<vmem>>, vector<16xf32>,
        tpu.vector_store %arg9[%swap3A_727, %swap3A_728, %swap3A_729], %gather3A_726 {strides = array<i32>} : memref<2x64x128xf32, #tpu.memory_space<vmem>>, vector<16xf32>,
        %scan3A_731 = arith.constant 13 : i32
        %scan3A_732 = arith.addi %scan3A_512, %scan3A_731 : i32
        %mul3A_733 = arith.constant 1 : i32
        %mul3A_734 = arith.muli %scan3A_732, %mul3A_733 : i32
        %add3A_735 = arith.constant 0 : i32
        %add3A_736 = arith.addi %add3A_735, %mul3A_734 : i32
        %add3A_737 = vector.broadcast %add3A_736 : i32 to vector<16xi32>
        %add3A_738 = arith.addi %get3A_400, %add3A_737 : vector<16xi32>
        %gather3A_739 = arith.constant 0 : i32
        %gather3A_740 = arith.constant 0 : i32
        %gather3A_741 = tpu.memref_slice %arg8[%and3A_340, %gather3A_739, %gather3A_740] : memref<2x128x128xf32, #tpu.memory_space<vmem>> -> memref<1x128x128xf32, #tpu.memory_space<vmem>>
        %gather3A_742 = tpu.memref_squeeze %gather3A_741 : memref<1x128x128xf32, #tpu.memory_space<vmem>> -> memref<128x128xf32, #tpu.memory_space<vmem>>
        %gather3A_743 = tpu.vector_load_idx %gather3A_742[%add3A_397, %add3A_738] : memref<128x128xf32, #tpu.memory_space<vmem>>[vector<16xi32>, vector<16xi32>], vector<16xf32>,
        %swap3A_744 = arith.index_cast %and3A_340 : i32 to index
        %swap3A_745 = arith.index_cast %add3A_736 : i32 to index
        %swap3A_746 = arith.constant 48 : index
        %swap3A_747 = tpu.vector_load %arg9[%swap3A_744, %swap3A_745, %swap3A_746] {strides = array<i32>} : memref<2x64x128xf32, #tpu.memory_space<vmem>>, vector<16xf32>,
        tpu.vector_store %arg9[%swap3A_744, %swap3A_745, %swap3A_746], %gather3A_743 {strides = array<i32>} : memref<2x64x128xf32, #tpu.memory_space<vmem>>, vector<16xf32>,
        %scan3A_748 = arith.constant 14 : i32
        %scan3A_749 = arith.addi %scan3A_512, %scan3A_748 : i32
        %mul3A_750 = arith.constant 1 : i32
        %mul3A_751 = arith.muli %scan3A_749, %mul3A_750 : i32
        %add3A_752 = arith.constant 0 : i32
        %add3A_753 = arith.addi %add3A_752, %mul3A_751 : i32
        %add3A_754 = vector.broadcast %add3A_753 : i32 to vector<16xi32>
        %add3A_755 = arith.addi %get3A_400, %add3A_754 : vector<16xi32>
        %gather3A_756 = arith.constant 0 : i32
        %gather3A_757 = arith.constant 0 : i32
        %gather3A_758 = tpu.memref_slice %arg8[%and3A_340, %gather3A_756, %gather3A_757] : memref<2x128x128xf32, #tpu.memory_space<vmem>> -> memref<1x128x128xf32, #tpu.memory_space<vmem>>
        %gather3A_759 = tpu.memref_squeeze %gather3A_758 : memref<1x128x128xf32, #tpu.memory_space<vmem>> -> memref<128x128xf32, #tpu.memory_space<vmem>>
        %gather3A_760 = tpu.vector_load_idx %gather3A_759[%add3A_397, %add3A_755] : memref<128x128xf32, #tpu.memory_space<vmem>>[vector<16xi32>, vector<16xi32>], vector<16xf32>,
        %swap3A_761 = arith.index_cast %and3A_340 : i32 to index
        %swap3A_762 = arith.index_cast %add3A_753 : i32 to index
        %swap3A_763 = arith.constant 48 : index
        %swap3A_764 = tpu.vector_load %arg9[%swap3A_761, %swap3A_762, %swap3A_763] {strides = array<i32>} : memref<2x64x128xf32, #tpu.memory_space<vmem>>, vector<16xf32>,
        tpu.vector_store %arg9[%swap3A_761, %swap3A_762, %swap3A_763], %gather3A_760 {strides = array<i32>} : memref<2x64x128xf32, #tpu.memory_space<vmem>>, vector<16xf32>,
        %scan3A_765 = arith.constant 15 : i32
        %scan3A_766 = arith.addi %scan3A_512, %scan3A_765 : i32
        %mul3A_767 = arith.constant 1 : i32
        %mul3A_768 = arith.muli %scan3A_766, %mul3A_767 : i32
        %add3A_769 = arith.constant 0 : i32
        %add3A_770 = arith.addi %add3A_769, %mul3A_768 : i32
        %add3A_771 = vector.broadcast %add3A_770 : i32 to vector<16xi32>
        %add3A_772 = arith.addi %get3A_400, %add3A_771 : vector<16xi32>
        %gather3A_773 = arith.constant 0 : i32
        %gather3A_774 = arith.constant 0 : i32
        %gather3A_775 = tpu.memref_slice %arg8[%and3A_340, %gather3A_773, %gather3A_774] : memref<2x128x128xf32, #tpu.memory_space<vmem>> -> memref<1x128x128xf32, #tpu.memory_space<vmem>>
        %gather3A_776 = tpu.memref_squeeze %gather3A_775 : memref<1x128x128xf32, #tpu.memory_space<vmem>> -> memref<128x128xf32, #tpu.memory_space<vmem>>
        %gather3A_777 = tpu.vector_load_idx %gather3A_776[%add3A_397, %add3A_772] : memref<128x128xf32, #tpu.memory_space<vmem>>[vector<16xi32>, vector<16xi32>], vector<16xf32>,
        %swap3A_778 = arith.index_cast %and3A_340 : i32 to index
        %swap3A_779 = arith.index_cast %add3A_770 : i32 to index
        %swap3A_780 = arith.constant 48 : index
        %swap3A_781 = tpu.vector_load %arg9[%swap3A_778, %swap3A_779, %swap3A_780] {strides = array<i32>} : memref<2x64x128xf32, #tpu.memory_space<vmem>>, vector<16xf32>,
        tpu.vector_store %arg9[%swap3A_778, %swap3A_779, %swap3A_780], %gather3A_777 {strides = array<i32>} : memref<2x64x128xf32, #tpu.memory_space<vmem>>, vector<16xf32>,
      }
      %scan3A_405 = arith.constant 64 : i32
      %iota3A_406 = tpu.iota {dimensions = array<i32: 0>} : vector<16xi32>
      %add3A_407 = arith.constant 64 : i32
      %add3A_408 = vector.broadcast %add3A_407 : i32 to vector<16xi32>
      %add3A_409 = arith.addi %iota3A_406, %add3A_408 : vector<16xi32>
      %get3A_410 = arith.index_cast %and3A_340 : i32 to index
      %get3A_411 = arith.constant 64 : index
      %get3A_412 = tpu.vector_load %arg7[%get3A_410, %get3A_411] {strides = array<i32>} : memref<2x128xi32, #tpu.memory_space<vmem>>, vector<16xi32>,
      %scan3A_413 = arith.constant 0 : i32
      %scan3A_414 = arith.constant 64 : i32
      %scan3A_415 = arith.addi %scan3A_413, %scan3A_414 : i32
      %scan3A_416 = arith.constant 16 : i32
      scf.for %scan3A_512 = %scan3A_413 to %scan3A_415 step %scan3A_416  : i32 {
        %mul3A_513 = arith.constant 1 : i32
        %mul3A_514 = arith.muli %scan3A_512, %mul3A_513 : i32
        %add3A_515 = arith.constant 0 : i32
        %add3A_516 = arith.addi %add3A_515, %mul3A_514 : i32
        %add3A_517 = vector.broadcast %add3A_516 : i32 to vector<16xi32>
        %add3A_518 = arith.addi %get3A_412, %add3A_517 : vector<16xi32>
        %gather3A = arith.constant 0 : i32
        %gather3A_519 = arith.constant 0 : i32
        %gather3A_520 = tpu.memref_slice %arg8[%and3A_340, %gather3A, %gather3A_519] : memref<2x128x128xf32, #tpu.memory_space<vmem>> -> memref<1x128x128xf32, #tpu.memory_space<vmem>>
        %gather3A_521 = tpu.memref_squeeze %gather3A_520 : memref<1x128x128xf32, #tpu.memory_space<vmem>> -> memref<128x128xf32, #tpu.memory_space<vmem>>
        %gather3A_522 = tpu.vector_load_idx %gather3A_521[%add3A_409, %add3A_518] : memref<128x128xf32, #tpu.memory_space<vmem>>[vector<16xi32>, vector<16xi32>], vector<16xf32>,
        %swap3A_523 = arith.index_cast %and3A_340 : i32 to index
        %swap3A_524 = arith.index_cast %add3A_516 : i32 to index
        %swap3A_525 = arith.constant 64 : index
        %swap3A_526 = tpu.vector_load %arg9[%swap3A_523, %swap3A_524, %swap3A_525] {strides = array<i32>} : memref<2x64x128xf32, #tpu.memory_space<vmem>>, vector<16xf32>,
        tpu.vector_store %arg9[%swap3A_523, %swap3A_524, %swap3A_525], %gather3A_522 {strides = array<i32>} : memref<2x64x128xf32, #tpu.memory_space<vmem>>, vector<16xf32>,
        %scan3A_527 = arith.constant 1 : i32
        %scan3A_528 = arith.addi %scan3A_512, %scan3A_527 : i32
        %mul3A_529 = arith.constant 1 : i32
        %mul3A_530 = arith.muli %scan3A_528, %mul3A_529 : i32
        %add3A_531 = arith.constant 0 : i32
        %add3A_532 = arith.addi %add3A_531, %mul3A_530 : i32
        %add3A_533 = vector.broadcast %add3A_532 : i32 to vector<16xi32>
        %add3A_534 = arith.addi %get3A_412, %add3A_533 : vector<16xi32>
        %gather3A_535 = arith.constant 0 : i32
        %gather3A_536 = arith.constant 0 : i32
        %gather3A_537 = tpu.memref_slice %arg8[%and3A_340, %gather3A_535, %gather3A_536] : memref<2x128x128xf32, #tpu.memory_space<vmem>> -> memref<1x128x128xf32, #tpu.memory_space<vmem>>
        %gather3A_538 = tpu.memref_squeeze %gather3A_537 : memref<1x128x128xf32, #tpu.memory_space<vmem>> -> memref<128x128xf32, #tpu.memory_space<vmem>>
        %gather3A_539 = tpu.vector_load_idx %gather3A_538[%add3A_409, %add3A_534] : memref<128x128xf32, #tpu.memory_space<vmem>>[vector<16xi32>, vector<16xi32>], vector<16xf32>,
        %swap3A_540 = arith.index_cast %and3A_340 : i32 to index
        %swap3A_541 = arith.index_cast %add3A_532 : i32 to index
        %swap3A_542 = arith.constant 64 : index
        %swap3A_543 = tpu.vector_load %arg9[%swap3A_540, %swap3A_541, %swap3A_542] {strides = array<i32>} : memref<2x64x128xf32, #tpu.memory_space<vmem>>, vector<16xf32>,
        tpu.vector_store %arg9[%swap3A_540, %swap3A_541, %swap3A_542], %gather3A_539 {strides = array<i32>} : memref<2x64x128xf32, #tpu.memory_space<vmem>>, vector<16xf32>,
        %scan3A_544 = arith.constant 2 : i32
        %scan3A_545 = arith.addi %scan3A_512, %scan3A_544 : i32
        %mul3A_546 = arith.constant 1 : i32
        %mul3A_547 = arith.muli %scan3A_545, %mul3A_546 : i32
        %add3A_548 = arith.constant 0 : i32
        %add3A_549 = arith.addi %add3A_548, %mul3A_547 : i32
        %add3A_550 = vector.broadcast %add3A_549 : i32 to vector<16xi32>
        %add3A_551 = arith.addi %get3A_412, %add3A_550 : vector<16xi32>
        %gather3A_552 = arith.constant 0 : i32
        %gather3A_553 = arith.constant 0 : i32
        %gather3A_554 = tpu.memref_slice %arg8[%and3A_340, %gather3A_552, %gather3A_553] : memref<2x128x128xf32, #tpu.memory_space<vmem>> -> memref<1x128x128xf32, #tpu.memory_space<vmem>>
        %gather3A_555 = tpu.memref_squeeze %gather3A_554 : memref<1x128x128xf32, #tpu.memory_space<vmem>> -> memref<128x128xf32, #tpu.memory_space<vmem>>
        %gather3A_556 = tpu.vector_load_idx %gather3A_555[%add3A_409, %add3A_551] : memref<128x128xf32, #tpu.memory_space<vmem>>[vector<16xi32>, vector<16xi32>], vector<16xf32>,
        %swap3A_557 = arith.index_cast %and3A_340 : i32 to index
        %swap3A_558 = arith.index_cast %add3A_549 : i32 to index
        %swap3A_559 = arith.constant 64 : index
        %swap3A_560 = tpu.vector_load %arg9[%swap3A_557, %swap3A_558, %swap3A_559] {strides = array<i32>} : memref<2x64x128xf32, #tpu.memory_space<vmem>>, vector<16xf32>,
        tpu.vector_store %arg9[%swap3A_557, %swap3A_558, %swap3A_559], %gather3A_556 {strides = array<i32>} : memref<2x64x128xf32, #tpu.memory_space<vmem>>, vector<16xf32>,
        %scan3A_561 = arith.constant 3 : i32
        %scan3A_562 = arith.addi %scan3A_512, %scan3A_561 : i32
        %mul3A_563 = arith.constant 1 : i32
        %mul3A_564 = arith.muli %scan3A_562, %mul3A_563 : i32
        %add3A_565 = arith.constant 0 : i32
        %add3A_566 = arith.addi %add3A_565, %mul3A_564 : i32
        %add3A_567 = vector.broadcast %add3A_566 : i32 to vector<16xi32>
        %add3A_568 = arith.addi %get3A_412, %add3A_567 : vector<16xi32>
        %gather3A_569 = arith.constant 0 : i32
        %gather3A_570 = arith.constant 0 : i32
        %gather3A_571 = tpu.memref_slice %arg8[%and3A_340, %gather3A_569, %gather3A_570] : memref<2x128x128xf32, #tpu.memory_space<vmem>> -> memref<1x128x128xf32, #tpu.memory_space<vmem>>
        %gather3A_572 = tpu.memref_squeeze %gather3A_571 : memref<1x128x128xf32, #tpu.memory_space<vmem>> -> memref<128x128xf32, #tpu.memory_space<vmem>>
        %gather3A_573 = tpu.vector_load_idx %gather3A_572[%add3A_409, %add3A_568] : memref<128x128xf32, #tpu.memory_space<vmem>>[vector<16xi32>, vector<16xi32>], vector<16xf32>,
        %swap3A_574 = arith.index_cast %and3A_340 : i32 to index
        %swap3A_575 = arith.index_cast %add3A_566 : i32 to index
        %swap3A_576 = arith.constant 64 : index
        %swap3A_577 = tpu.vector_load %arg9[%swap3A_574, %swap3A_575, %swap3A_576] {strides = array<i32>} : memref<2x64x128xf32, #tpu.memory_space<vmem>>, vector<16xf32>,
        tpu.vector_store %arg9[%swap3A_574, %swap3A_575, %swap3A_576], %gather3A_573 {strides = array<i32>} : memref<2x64x128xf32, #tpu.memory_space<vmem>>, vector<16xf32>,
        %scan3A_578 = arith.constant 4 : i32
        %scan3A_579 = arith.addi %scan3A_512, %scan3A_578 : i32
        %mul3A_580 = arith.constant 1 : i32
        %mul3A_581 = arith.muli %scan3A_579, %mul3A_580 : i32
        %add3A_582 = arith.constant 0 : i32
        %add3A_583 = arith.addi %add3A_582, %mul3A_581 : i32
        %add3A_584 = vector.broadcast %add3A_583 : i32 to vector<16xi32>
        %add3A_585 = arith.addi %get3A_412, %add3A_584 : vector<16xi32>
        %gather3A_586 = arith.constant 0 : i32
        %gather3A_587 = arith.constant 0 : i32
        %gather3A_588 = tpu.memref_slice %arg8[%and3A_340, %gather3A_586, %gather3A_587] : memref<2x128x128xf32, #tpu.memory_space<vmem>> -> memref<1x128x128xf32, #tpu.memory_space<vmem>>
        %gather3A_589 = tpu.memref_squeeze %gather3A_588 : memref<1x128x128xf32, #tpu.memory_space<vmem>> -> memref<128x128xf32, #tpu.memory_space<vmem>>
        %gather3A_590 = tpu.vector_load_idx %gather3A_589[%add3A_409, %add3A_585] : memref<128x128xf32, #tpu.memory_space<vmem>>[vector<16xi32>, vector<16xi32>], vector<16xf32>,
        %swap3A_591 = arith.index_cast %and3A_340 : i32 to index
        %swap3A_592 = arith.index_cast %add3A_583 : i32 to index
        %swap3A_593 = arith.constant 64 : index
        %swap3A_594 = tpu.vector_load %arg9[%swap3A_591, %swap3A_592, %swap3A_593] {strides = array<i32>} : memref<2x64x128xf32, #tpu.memory_space<vmem>>, vector<16xf32>,
        tpu.vector_store %arg9[%swap3A_591, %swap3A_592, %swap3A_593], %gather3A_590 {strides = array<i32>} : memref<2x64x128xf32, #tpu.memory_space<vmem>>, vector<16xf32>,
        %scan3A_595 = arith.constant 5 : i32
        %scan3A_596 = arith.addi %scan3A_512, %scan3A_595 : i32
        %mul3A_597 = arith.constant 1 : i32
        %mul3A_598 = arith.muli %scan3A_596, %mul3A_597 : i32
        %add3A_599 = arith.constant 0 : i32
        %add3A_600 = arith.addi %add3A_599, %mul3A_598 : i32
        %add3A_601 = vector.broadcast %add3A_600 : i32 to vector<16xi32>
        %add3A_602 = arith.addi %get3A_412, %add3A_601 : vector<16xi32>
        %gather3A_603 = arith.constant 0 : i32
        %gather3A_604 = arith.constant 0 : i32
        %gather3A_605 = tpu.memref_slice %arg8[%and3A_340, %gather3A_603, %gather3A_604] : memref<2x128x128xf32, #tpu.memory_space<vmem>> -> memref<1x128x128xf32, #tpu.memory_space<vmem>>
        %gather3A_606 = tpu.memref_squeeze %gather3A_605 : memref<1x128x128xf32, #tpu.memory_space<vmem>> -> memref<128x128xf32, #tpu.memory_space<vmem>>
        %gather3A_607 = tpu.vector_load_idx %gather3A_606[%add3A_409, %add3A_602] : memref<128x128xf32, #tpu.memory_space<vmem>>[vector<16xi32>, vector<16xi32>], vector<16xf32>,
        %swap3A_608 = arith.index_cast %and3A_340 : i32 to index
        %swap3A_609 = arith.index_cast %add3A_600 : i32 to index
        %swap3A_610 = arith.constant 64 : index
        %swap3A_611 = tpu.vector_load %arg9[%swap3A_608, %swap3A_609, %swap3A_610] {strides = array<i32>} : memref<2x64x128xf32, #tpu.memory_space<vmem>>, vector<16xf32>,
        tpu.vector_store %arg9[%swap3A_608, %swap3A_609, %swap3A_610], %gather3A_607 {strides = array<i32>} : memref<2x64x128xf32, #tpu.memory_space<vmem>>, vector<16xf32>,
        %scan3A_612 = arith.constant 6 : i32
        %scan3A_613 = arith.addi %scan3A_512, %scan3A_612 : i32
        %mul3A_614 = arith.constant 1 : i32
        %mul3A_615 = arith.muli %scan3A_613, %mul3A_614 : i32
        %add3A_616 = arith.constant 0 : i32
        %add3A_617 = arith.addi %add3A_616, %mul3A_615 : i32
        %add3A_618 = vector.broadcast %add3A_617 : i32 to vector<16xi32>
        %add3A_619 = arith.addi %get3A_412, %add3A_618 : vector<16xi32>
        %gather3A_620 = arith.constant 0 : i32
        %gather3A_621 = arith.constant 0 : i32
        %gather3A_622 = tpu.memref_slice %arg8[%and3A_340, %gather3A_620, %gather3A_621] : memref<2x128x128xf32, #tpu.memory_space<vmem>> -> memref<1x128x128xf32, #tpu.memory_space<vmem>>
        %gather3A_623 = tpu.memref_squeeze %gather3A_622 : memref<1x128x128xf32, #tpu.memory_space<vmem>> -> memref<128x128xf32, #tpu.memory_space<vmem>>
        %gather3A_624 = tpu.vector_load_idx %gather3A_623[%add3A_409, %add3A_619] : memref<128x128xf32, #tpu.memory_space<vmem>>[vector<16xi32>, vector<16xi32>], vector<16xf32>,
        %swap3A_625 = arith.index_cast %and3A_340 : i32 to index
        %swap3A_626 = arith.index_cast %add3A_617 : i32 to index
        %swap3A_627 = arith.constant 64 : index
        %swap3A_628 = tpu.vector_load %arg9[%swap3A_625, %swap3A_626, %swap3A_627] {strides = array<i32>} : memref<2x64x128xf32, #tpu.memory_space<vmem>>, vector<16xf32>,
        tpu.vector_store %arg9[%swap3A_625, %swap3A_626, %swap3A_627], %gather3A_624 {strides = array<i32>} : memref<2x64x128xf32, #tpu.memory_space<vmem>>, vector<16xf32>,
        %scan3A_629 = arith.constant 7 : i32
        %scan3A_630 = arith.addi %scan3A_512, %scan3A_629 : i32
        %mul3A_631 = arith.constant 1 : i32
        %mul3A_632 = arith.muli %scan3A_630, %mul3A_631 : i32
        %add3A_633 = arith.constant 0 : i32
        %add3A_634 = arith.addi %add3A_633, %mul3A_632 : i32
        %add3A_635 = vector.broadcast %add3A_634 : i32 to vector<16xi32>
        %add3A_636 = arith.addi %get3A_412, %add3A_635 : vector<16xi32>
        %gather3A_637 = arith.constant 0 : i32
        %gather3A_638 = arith.constant 0 : i32
        %gather3A_639 = tpu.memref_slice %arg8[%and3A_340, %gather3A_637, %gather3A_638] : memref<2x128x128xf32, #tpu.memory_space<vmem>> -> memref<1x128x128xf32, #tpu.memory_space<vmem>>
        %gather3A_640 = tpu.memref_squeeze %gather3A_639 : memref<1x128x128xf32, #tpu.memory_space<vmem>> -> memref<128x128xf32, #tpu.memory_space<vmem>>
        %gather3A_641 = tpu.vector_load_idx %gather3A_640[%add3A_409, %add3A_636] : memref<128x128xf32, #tpu.memory_space<vmem>>[vector<16xi32>, vector<16xi32>], vector<16xf32>,
        %swap3A_642 = arith.index_cast %and3A_340 : i32 to index
        %swap3A_643 = arith.index_cast %add3A_634 : i32 to index
        %swap3A_644 = arith.constant 64 : index
        %swap3A_645 = tpu.vector_load %arg9[%swap3A_642, %swap3A_643, %swap3A_644] {strides = array<i32>} : memref<2x64x128xf32, #tpu.memory_space<vmem>>, vector<16xf32>,
        tpu.vector_store %arg9[%swap3A_642, %swap3A_643, %swap3A_644], %gather3A_641 {strides = array<i32>} : memref<2x64x128xf32, #tpu.memory_space<vmem>>, vector<16xf32>,
        %scan3A_646 = arith.constant 8 : i32
        %scan3A_647 = arith.addi %scan3A_512, %scan3A_646 : i32
        %mul3A_648 = arith.constant 1 : i32
        %mul3A_649 = arith.muli %scan3A_647, %mul3A_648 : i32
        %add3A_650 = arith.constant 0 : i32
        %add3A_651 = arith.addi %add3A_650, %mul3A_649 : i32
        %add3A_652 = vector.broadcast %add3A_651 : i32 to vector<16xi32>
        %add3A_653 = arith.addi %get3A_412, %add3A_652 : vector<16xi32>
        %gather3A_654 = arith.constant 0 : i32
        %gather3A_655 = arith.constant 0 : i32
        %gather3A_656 = tpu.memref_slice %arg8[%and3A_340, %gather3A_654, %gather3A_655] : memref<2x128x128xf32, #tpu.memory_space<vmem>> -> memref<1x128x128xf32, #tpu.memory_space<vmem>>
        %gather3A_657 = tpu.memref_squeeze %gather3A_656 : memref<1x128x128xf32, #tpu.memory_space<vmem>> -> memref<128x128xf32, #tpu.memory_space<vmem>>
        %gather3A_658 = tpu.vector_load_idx %gather3A_657[%add3A_409, %add3A_653] : memref<128x128xf32, #tpu.memory_space<vmem>>[vector<16xi32>, vector<16xi32>], vector<16xf32>,
        %swap3A_659 = arith.index_cast %and3A_340 : i32 to index
        %swap3A_660 = arith.index_cast %add3A_651 : i32 to index
        %swap3A_661 = arith.constant 64 : index
        %swap3A_662 = tpu.vector_load %arg9[%swap3A_659, %swap3A_660, %swap3A_661] {strides = array<i32>} : memref<2x64x128xf32, #tpu.memory_space<vmem>>, vector<16xf32>,
        tpu.vector_store %arg9[%swap3A_659, %swap3A_660, %swap3A_661], %gather3A_658 {strides = array<i32>} : memref<2x64x128xf32, #tpu.memory_space<vmem>>, vector<16xf32>,
        %scan3A_663 = arith.constant 9 : i32
        %scan3A_664 = arith.addi %scan3A_512, %scan3A_663 : i32
        %mul3A_665 = arith.constant 1 : i32
        %mul3A_666 = arith.muli %scan3A_664, %mul3A_665 : i32
        %add3A_667 = arith.constant 0 : i32
        %add3A_668 = arith.addi %add3A_667, %mul3A_666 : i32
        %add3A_669 = vector.broadcast %add3A_668 : i32 to vector<16xi32>
        %add3A_670 = arith.addi %get3A_412, %add3A_669 : vector<16xi32>
        %gather3A_671 = arith.constant 0 : i32
        %gather3A_672 = arith.constant 0 : i32
        %gather3A_673 = tpu.memref_slice %arg8[%and3A_340, %gather3A_671, %gather3A_672] : memref<2x128x128xf32, #tpu.memory_space<vmem>> -> memref<1x128x128xf32, #tpu.memory_space<vmem>>
        %gather3A_674 = tpu.memref_squeeze %gather3A_673 : memref<1x128x128xf32, #tpu.memory_space<vmem>> -> memref<128x128xf32, #tpu.memory_space<vmem>>
        %gather3A_675 = tpu.vector_load_idx %gather3A_674[%add3A_409, %add3A_670] : memref<128x128xf32, #tpu.memory_space<vmem>>[vector<16xi32>, vector<16xi32>], vector<16xf32>,
        %swap3A_676 = arith.index_cast %and3A_340 : i32 to index
        %swap3A_677 = arith.index_cast %add3A_668 : i32 to index
        %swap3A_678 = arith.constant 64 : index
        %swap3A_679 = tpu.vector_load %arg9[%swap3A_676, %swap3A_677, %swap3A_678] {strides = array<i32>} : memref<2x64x128xf32, #tpu.memory_space<vmem>>, vector<16xf32>,
        tpu.vector_store %arg9[%swap3A_676, %swap3A_677, %swap3A_678], %gather3A_675 {strides = array<i32>} : memref<2x64x128xf32, #tpu.memory_space<vmem>>, vector<16xf32>,
        %scan3A_680 = arith.constant 10 : i32
        %scan3A_681 = arith.addi %scan3A_512, %scan3A_680 : i32
        %mul3A_682 = arith.constant 1 : i32
        %mul3A_683 = arith.muli %scan3A_681, %mul3A_682 : i32
        %add3A_684 = arith.constant 0 : i32
        %add3A_685 = arith.addi %add3A_684, %mul3A_683 : i32
        %add3A_686 = vector.broadcast %add3A_685 : i32 to vector<16xi32>
        %add3A_687 = arith.addi %get3A_412, %add3A_686 : vector<16xi32>
        %gather3A_688 = arith.constant 0 : i32
        %gather3A_689 = arith.constant 0 : i32
        %gather3A_690 = tpu.memref_slice %arg8[%and3A_340, %gather3A_688, %gather3A_689] : memref<2x128x128xf32, #tpu.memory_space<vmem>> -> memref<1x128x128xf32, #tpu.memory_space<vmem>>
        %gather3A_691 = tpu.memref_squeeze %gather3A_690 : memref<1x128x128xf32, #tpu.memory_space<vmem>> -> memref<128x128xf32, #tpu.memory_space<vmem>>
        %gather3A_692 = tpu.vector_load_idx %gather3A_691[%add3A_409, %add3A_687] : memref<128x128xf32, #tpu.memory_space<vmem>>[vector<16xi32>, vector<16xi32>], vector<16xf32>,
        %swap3A_693 = arith.index_cast %and3A_340 : i32 to index
        %swap3A_694 = arith.index_cast %add3A_685 : i32 to index
        %swap3A_695 = arith.constant 64 : index
        %swap3A_696 = tpu.vector_load %arg9[%swap3A_693, %swap3A_694, %swap3A_695] {strides = array<i32>} : memref<2x64x128xf32, #tpu.memory_space<vmem>>, vector<16xf32>,
        tpu.vector_store %arg9[%swap3A_693, %swap3A_694, %swap3A_695], %gather3A_692 {strides = array<i32>} : memref<2x64x128xf32, #tpu.memory_space<vmem>>, vector<16xf32>,
        %scan3A_697 = arith.constant 11 : i32
        %scan3A_698 = arith.addi %scan3A_512, %scan3A_697 : i32
        %mul3A_699 = arith.constant 1 : i32
        %mul3A_700 = arith.muli %scan3A_698, %mul3A_699 : i32
        %add3A_701 = arith.constant 0 : i32
        %add3A_702 = arith.addi %add3A_701, %mul3A_700 : i32
        %add3A_703 = vector.broadcast %add3A_702 : i32 to vector<16xi32>
        %add3A_704 = arith.addi %get3A_412, %add3A_703 : vector<16xi32>
        %gather3A_705 = arith.constant 0 : i32
        %gather3A_706 = arith.constant 0 : i32
        %gather3A_707 = tpu.memref_slice %arg8[%and3A_340, %gather3A_705, %gather3A_706] : memref<2x128x128xf32, #tpu.memory_space<vmem>> -> memref<1x128x128xf32, #tpu.memory_space<vmem>>
        %gather3A_708 = tpu.memref_squeeze %gather3A_707 : memref<1x128x128xf32, #tpu.memory_space<vmem>> -> memref<128x128xf32, #tpu.memory_space<vmem>>
        %gather3A_709 = tpu.vector_load_idx %gather3A_708[%add3A_409, %add3A_704] : memref<128x128xf32, #tpu.memory_space<vmem>>[vector<16xi32>, vector<16xi32>], vector<16xf32>,
        %swap3A_710 = arith.index_cast %and3A_340 : i32 to index
        %swap3A_711 = arith.index_cast %add3A_702 : i32 to index
        %swap3A_712 = arith.constant 64 : index
        %swap3A_713 = tpu.vector_load %arg9[%swap3A_710, %swap3A_711, %swap3A_712] {strides = array<i32>} : memref<2x64x128xf32, #tpu.memory_space<vmem>>, vector<16xf32>,
        tpu.vector_store %arg9[%swap3A_710, %swap3A_711, %swap3A_712], %gather3A_709 {strides = array<i32>} : memref<2x64x128xf32, #tpu.memory_space<vmem>>, vector<16xf32>,
        %scan3A_714 = arith.constant 12 : i32
        %scan3A_715 = arith.addi %scan3A_512, %scan3A_714 : i32
        %mul3A_716 = arith.constant 1 : i32
        %mul3A_717 = arith.muli %scan3A_715, %mul3A_716 : i32
        %add3A_718 = arith.constant 0 : i32
        %add3A_719 = arith.addi %add3A_718, %mul3A_717 : i32
        %add3A_720 = vector.broadcast %add3A_719 : i32 to vector<16xi32>
        %add3A_721 = arith.addi %get3A_412, %add3A_720 : vector<16xi32>
        %gather3A_722 = arith.constant 0 : i32
        %gather3A_723 = arith.constant 0 : i32
        %gather3A_724 = tpu.memref_slice %arg8[%and3A_340, %gather3A_722, %gather3A_723] : memref<2x128x128xf32, #tpu.memory_space<vmem>> -> memref<1x128x128xf32, #tpu.memory_space<vmem>>
        %gather3A_725 = tpu.memref_squeeze %gather3A_724 : memref<1x128x128xf32, #tpu.memory_space<vmem>> -> memref<128x128xf32, #tpu.memory_space<vmem>>
        %gather3A_726 = tpu.vector_load_idx %gather3A_725[%add3A_409, %add3A_721] : memref<128x128xf32, #tpu.memory_space<vmem>>[vector<16xi32>, vector<16xi32>], vector<16xf32>,
        %swap3A_727 = arith.index_cast %and3A_340 : i32 to index
        %swap3A_728 = arith.index_cast %add3A_719 : i32 to index
        %swap3A_729 = arith.constant 64 : index
        %swap3A_730 = tpu.vector_load %arg9[%swap3A_727, %swap3A_728, %swap3A_729] {strides = array<i32>} : memref<2x64x128xf32, #tpu.memory_space<vmem>>, vector<16xf32>,
        tpu.vector_store %arg9[%swap3A_727, %swap3A_728, %swap3A_729], %gather3A_726 {strides = array<i32>} : memref<2x64x128xf32, #tpu.memory_space<vmem>>, vector<16xf32>,
        %scan3A_731 = arith.constant 13 : i32
        %scan3A_732 = arith.addi %scan3A_512, %scan3A_731 : i32
        %mul3A_733 = arith.constant 1 : i32
        %mul3A_734 = arith.muli %scan3A_732, %mul3A_733 : i32
        %add3A_735 = arith.constant 0 : i32
        %add3A_736 = arith.addi %add3A_735, %mul3A_734 : i32
        %add3A_737 = vector.broadcast %add3A_736 : i32 to vector<16xi32>
        %add3A_738 = arith.addi %get3A_412, %add3A_737 : vector<16xi32>
        %gather3A_739 = arith.constant 0 : i32
        %gather3A_740 = arith.constant 0 : i32
        %gather3A_741 = tpu.memref_slice %arg8[%and3A_340, %gather3A_739, %gather3A_740] : memref<2x128x128xf32, #tpu.memory_space<vmem>> -> memref<1x128x128xf32, #tpu.memory_space<vmem>>
        %gather3A_742 = tpu.memref_squeeze %gather3A_741 : memref<1x128x128xf32, #tpu.memory_space<vmem>> -> memref<128x128xf32, #tpu.memory_space<vmem>>
        %gather3A_743 = tpu.vector_load_idx %gather3A_742[%add3A_409, %add3A_738] : memref<128x128xf32, #tpu.memory_space<vmem>>[vector<16xi32>, vector<16xi32>], vector<16xf32>,
        %swap3A_744 = arith.index_cast %and3A_340 : i32 to index
        %swap3A_745 = arith.index_cast %add3A_736 : i32 to index
        %swap3A_746 = arith.constant 64 : index
        %swap3A_747 = tpu.vector_load %arg9[%swap3A_744, %swap3A_745, %swap3A_746] {strides = array<i32>} : memref<2x64x128xf32, #tpu.memory_space<vmem>>, vector<16xf32>,
        tpu.vector_store %arg9[%swap3A_744, %swap3A_745, %swap3A_746], %gather3A_743 {strides = array<i32>} : memref<2x64x128xf32, #tpu.memory_space<vmem>>, vector<16xf32>,
        %scan3A_748 = arith.constant 14 : i32
        %scan3A_749 = arith.addi %scan3A_512, %scan3A_748 : i32
        %mul3A_750 = arith.constant 1 : i32
        %mul3A_751 = arith.muli %scan3A_749, %mul3A_750 : i32
        %add3A_752 = arith.constant 0 : i32
        %add3A_753 = arith.addi %add3A_752, %mul3A_751 : i32
        %add3A_754 = vector.broadcast %add3A_753 : i32 to vector<16xi32>
        %add3A_755 = arith.addi %get3A_412, %add3A_754 : vector<16xi32>
        %gather3A_756 = arith.constant 0 : i32
        %gather3A_757 = arith.constant 0 : i32
        %gather3A_758 = tpu.memref_slice %arg8[%and3A_340, %gather3A_756, %gather3A_757] : memref<2x128x128xf32, #tpu.memory_space<vmem>> -> memref<1x128x128xf32, #tpu.memory_space<vmem>>
        %gather3A_759 = tpu.memref_squeeze %gather3A_758 : memref<1x128x128xf32, #tpu.memory_space<vmem>> -> memref<128x128xf32, #tpu.memory_space<vmem>>
        %gather3A_760 = tpu.vector_load_idx %gather3A_759[%add3A_409, %add3A_755] : memref<128x128xf32, #tpu.memory_space<vmem>>[vector<16xi32>, vector<16xi32>], vector<16xf32>,
        %swap3A_761 = arith.index_cast %and3A_340 : i32 to index
        %swap3A_762 = arith.index_cast %add3A_753 : i32 to index
        %swap3A_763 = arith.constant 64 : index
        %swap3A_764 = tpu.vector_load %arg9[%swap3A_761, %swap3A_762, %swap3A_763] {strides = array<i32>} : memref<2x64x128xf32, #tpu.memory_space<vmem>>, vector<16xf32>,
        tpu.vector_store %arg9[%swap3A_761, %swap3A_762, %swap3A_763], %gather3A_760 {strides = array<i32>} : memref<2x64x128xf32, #tpu.memory_space<vmem>>, vector<16xf32>,
        %scan3A_765 = arith.constant 15 : i32
        %scan3A_766 = arith.addi %scan3A_512, %scan3A_765 : i32
        %mul3A_767 = arith.constant 1 : i32
        %mul3A_768 = arith.muli %scan3A_766, %mul3A_767 : i32
        %add3A_769 = arith.constant 0 : i32
        %add3A_770 = arith.addi %add3A_769, %mul3A_768 : i32
        %add3A_771 = vector.broadcast %add3A_770 : i32 to vector<16xi32>
        %add3A_772 = arith.addi %get3A_412, %add3A_771 : vector<16xi32>
        %gather3A_773 = arith.constant 0 : i32
        %gather3A_774 = arith.constant 0 : i32
        %gather3A_775 = tpu.memref_slice %arg8[%and3A_340, %gather3A_773, %gather3A_774] : memref<2x128x128xf32, #tpu.memory_space<vmem>> -> memref<1x128x128xf32, #tpu.memory_space<vmem>>
        %gather3A_776 = tpu.memref_squeeze %gather3A_775 : memref<1x128x128xf32, #tpu.memory_space<vmem>> -> memref<128x128xf32, #tpu.memory_space<vmem>>
        %gather3A_777 = tpu.vector_load_idx %gather3A_776[%add3A_409, %add3A_772] : memref<128x128xf32, #tpu.memory_space<vmem>>[vector<16xi32>, vector<16xi32>], vector<16xf32>,
        %swap3A_778 = arith.index_cast %and3A_340 : i32 to index
        %swap3A_779 = arith.index_cast %add3A_770 : i32 to index
        %swap3A_780 = arith.constant 64 : index
        %swap3A_781 = tpu.vector_load %arg9[%swap3A_778, %swap3A_779, %swap3A_780] {strides = array<i32>} : memref<2x64x128xf32, #tpu.memory_space<vmem>>, vector<16xf32>,
        tpu.vector_store %arg9[%swap3A_778, %swap3A_779, %swap3A_780], %gather3A_777 {strides = array<i32>} : memref<2x64x128xf32, #tpu.memory_space<vmem>>, vector<16xf32>,
      }
      %scan3A_417 = arith.constant 64 : i32
      %iota3A_418 = tpu.iota {dimensions = array<i32: 0>} : vector<16xi32>
      %add3A_419 = arith.constant 80 : i32
      %add3A_420 = vector.broadcast %add3A_419 : i32 to vector<16xi32>
      %add3A_421 = arith.addi %iota3A_418, %add3A_420 : vector<16xi32>
      %get3A_422 = arith.index_cast %and3A_340 : i32 to index
      %get3A_423 = arith.constant 80 : index
      %get3A_424 = tpu.vector_load %arg7[%get3A_422, %get3A_423] {strides = array<i32>} : memref<2x128xi32, #tpu.memory_space<vmem>>, vector<16xi32>,
      %scan3A_425 = arith.constant 0 : i32
      %scan3A_426 = arith.constant 64 : i32
      %scan3A_427 = arith.addi %scan3A_425, %scan3A_426 : i32
      %scan3A_428 = arith.constant 16 : i32
      scf.for %scan3A_512 = %scan3A_425 to %scan3A_427 step %scan3A_428  : i32 {
        %mul3A_513 = arith.constant 1 : i32
        %mul3A_514 = arith.muli %scan3A_512, %mul3A_513 : i32
        %add3A_515 = arith.constant 0 : i32
        %add3A_516 = arith.addi %add3A_515, %mul3A_514 : i32
        %add3A_517 = vector.broadcast %add3A_516 : i32 to vector<16xi32>
        %add3A_518 = arith.addi %get3A_424, %add3A_517 : vector<16xi32>
        %gather3A = arith.constant 0 : i32
        %gather3A_519 = arith.constant 0 : i32
        %gather3A_520 = tpu.memref_slice %arg8[%and3A_340, %gather3A, %gather3A_519] : memref<2x128x128xf32, #tpu.memory_space<vmem>> -> memref<1x128x128xf32, #tpu.memory_space<vmem>>
        %gather3A_521 = tpu.memref_squeeze %gather3A_520 : memref<1x128x128xf32, #tpu.memory_space<vmem>> -> memref<128x128xf32, #tpu.memory_space<vmem>>
        %gather3A_522 = tpu.vector_load_idx %gather3A_521[%add3A_421, %add3A_518] : memref<128x128xf32, #tpu.memory_space<vmem>>[vector<16xi32>, vector<16xi32>], vector<16xf32>,
        %swap3A_523 = arith.index_cast %and3A_340 : i32 to index
        %swap3A_524 = arith.index_cast %add3A_516 : i32 to index
        %swap3A_525 = arith.constant 80 : index
        %swap3A_526 = tpu.vector_load %arg9[%swap3A_523, %swap3A_524, %swap3A_525] {strides = array<i32>} : memref<2x64x128xf32, #tpu.memory_space<vmem>>, vector<16xf32>,
        tpu.vector_store %arg9[%swap3A_523, %swap3A_524, %swap3A_525], %gather3A_522 {strides = array<i32>} : memref<2x64x128xf32, #tpu.memory_space<vmem>>, vector<16xf32>,
        %scan3A_527 = arith.constant 1 : i32
        %scan3A_528 = arith.addi %scan3A_512, %scan3A_527 : i32
        %mul3A_529 = arith.constant 1 : i32
        %mul3A_530 = arith.muli %scan3A_528, %mul3A_529 : i32
        %add3A_531 = arith.constant 0 : i32
        %add3A_532 = arith.addi %add3A_531, %mul3A_530 : i32
        %add3A_533 = vector.broadcast %add3A_532 : i32 to vector<16xi32>
        %add3A_534 = arith.addi %get3A_424, %add3A_533 : vector<16xi32>
        %gather3A_535 = arith.constant 0 : i32
        %gather3A_536 = arith.constant 0 : i32
        %gather3A_537 = tpu.memref_slice %arg8[%and3A_340, %gather3A_535, %gather3A_536] : memref<2x128x128xf32, #tpu.memory_space<vmem>> -> memref<1x128x128xf32, #tpu.memory_space<vmem>>
        %gather3A_538 = tpu.memref_squeeze %gather3A_537 : memref<1x128x128xf32, #tpu.memory_space<vmem>> -> memref<128x128xf32, #tpu.memory_space<vmem>>
        %gather3A_539 = tpu.vector_load_idx %gather3A_538[%add3A_421, %add3A_534] : memref<128x128xf32, #tpu.memory_space<vmem>>[vector<16xi32>, vector<16xi32>], vector<16xf32>,
        %swap3A_540 = arith.index_cast %and3A_340 : i32 to index
        %swap3A_541 = arith.index_cast %add3A_532 : i32 to index
        %swap3A_542 = arith.constant 80 : index
        %swap3A_543 = tpu.vector_load %arg9[%swap3A_540, %swap3A_541, %swap3A_542] {strides = array<i32>} : memref<2x64x128xf32, #tpu.memory_space<vmem>>, vector<16xf32>,
        tpu.vector_store %arg9[%swap3A_540, %swap3A_541, %swap3A_542], %gather3A_539 {strides = array<i32>} : memref<2x64x128xf32, #tpu.memory_space<vmem>>, vector<16xf32>,
        %scan3A_544 = arith.constant 2 : i32
        %scan3A_545 = arith.addi %scan3A_512, %scan3A_544 : i32
        %mul3A_546 = arith.constant 1 : i32
        %mul3A_547 = arith.muli %scan3A_545, %mul3A_546 : i32
        %add3A_548 = arith.constant 0 : i32
        %add3A_549 = arith.addi %add3A_548, %mul3A_547 : i32
        %add3A_550 = vector.broadcast %add3A_549 : i32 to vector<16xi32>
        %add3A_551 = arith.addi %get3A_424, %add3A_550 : vector<16xi32>
        %gather3A_552 = arith.constant 0 : i32
        %gather3A_553 = arith.constant 0 : i32
        %gather3A_554 = tpu.memref_slice %arg8[%and3A_340, %gather3A_552, %gather3A_553] : memref<2x128x128xf32, #tpu.memory_space<vmem>> -> memref<1x128x128xf32, #tpu.memory_space<vmem>>
        %gather3A_555 = tpu.memref_squeeze %gather3A_554 : memref<1x128x128xf32, #tpu.memory_space<vmem>> -> memref<128x128xf32, #tpu.memory_space<vmem>>
        %gather3A_556 = tpu.vector_load_idx %gather3A_555[%add3A_421, %add3A_551] : memref<128x128xf32, #tpu.memory_space<vmem>>[vector<16xi32>, vector<16xi32>], vector<16xf32>,
        %swap3A_557 = arith.index_cast %and3A_340 : i32 to index
        %swap3A_558 = arith.index_cast %add3A_549 : i32 to index
        %swap3A_559 = arith.constant 80 : index
        %swap3A_560 = tpu.vector_load %arg9[%swap3A_557, %swap3A_558, %swap3A_559] {strides = array<i32>} : memref<2x64x128xf32, #tpu.memory_space<vmem>>, vector<16xf32>,
        tpu.vector_store %arg9[%swap3A_557, %swap3A_558, %swap3A_559], %gather3A_556 {strides = array<i32>} : memref<2x64x128xf32, #tpu.memory_space<vmem>>, vector<16xf32>,
        %scan3A_561 = arith.constant 3 : i32
        %scan3A_562 = arith.addi %scan3A_512, %scan3A_561 : i32
        %mul3A_563 = arith.constant 1 : i32
        %mul3A_564 = arith.muli %scan3A_562, %mul3A_563 : i32
        %add3A_565 = arith.constant 0 : i32
        %add3A_566 = arith.addi %add3A_565, %mul3A_564 : i32
        %add3A_567 = vector.broadcast %add3A_566 : i32 to vector<16xi32>
        %add3A_568 = arith.addi %get3A_424, %add3A_567 : vector<16xi32>
        %gather3A_569 = arith.constant 0 : i32
        %gather3A_570 = arith.constant 0 : i32
        %gather3A_571 = tpu.memref_slice %arg8[%and3A_340, %gather3A_569, %gather3A_570] : memref<2x128x128xf32, #tpu.memory_space<vmem>> -> memref<1x128x128xf32, #tpu.memory_space<vmem>>
        %gather3A_572 = tpu.memref_squeeze %gather3A_571 : memref<1x128x128xf32, #tpu.memory_space<vmem>> -> memref<128x128xf32, #tpu.memory_space<vmem>>
        %gather3A_573 = tpu.vector_load_idx %gather3A_572[%add3A_421, %add3A_568] : memref<128x128xf32, #tpu.memory_space<vmem>>[vector<16xi32>, vector<16xi32>], vector<16xf32>,
        %swap3A_574 = arith.index_cast %and3A_340 : i32 to index
        %swap3A_575 = arith.index_cast %add3A_566 : i32 to index
        %swap3A_576 = arith.constant 80 : index
        %swap3A_577 = tpu.vector_load %arg9[%swap3A_574, %swap3A_575, %swap3A_576] {strides = array<i32>} : memref<2x64x128xf32, #tpu.memory_space<vmem>>, vector<16xf32>,
        tpu.vector_store %arg9[%swap3A_574, %swap3A_575, %swap3A_576], %gather3A_573 {strides = array<i32>} : memref<2x64x128xf32, #tpu.memory_space<vmem>>, vector<16xf32>,
        %scan3A_578 = arith.constant 4 : i32
        %scan3A_579 = arith.addi %scan3A_512, %scan3A_578 : i32
        %mul3A_580 = arith.constant 1 : i32
        %mul3A_581 = arith.muli %scan3A_579, %mul3A_580 : i32
        %add3A_582 = arith.constant 0 : i32
        %add3A_583 = arith.addi %add3A_582, %mul3A_581 : i32
        %add3A_584 = vector.broadcast %add3A_583 : i32 to vector<16xi32>
        %add3A_585 = arith.addi %get3A_424, %add3A_584 : vector<16xi32>
        %gather3A_586 = arith.constant 0 : i32
        %gather3A_587 = arith.constant 0 : i32
        %gather3A_588 = tpu.memref_slice %arg8[%and3A_340, %gather3A_586, %gather3A_587] : memref<2x128x128xf32, #tpu.memory_space<vmem>> -> memref<1x128x128xf32, #tpu.memory_space<vmem>>
        %gather3A_589 = tpu.memref_squeeze %gather3A_588 : memref<1x128x128xf32, #tpu.memory_space<vmem>> -> memref<128x128xf32, #tpu.memory_space<vmem>>
        %gather3A_590 = tpu.vector_load_idx %gather3A_589[%add3A_421, %add3A_585] : memref<128x128xf32, #tpu.memory_space<vmem>>[vector<16xi32>, vector<16xi32>], vector<16xf32>,
        %swap3A_591 = arith.index_cast %and3A_340 : i32 to index
        %swap3A_592 = arith.index_cast %add3A_583 : i32 to index
        %swap3A_593 = arith.constant 80 : index
        %swap3A_594 = tpu.vector_load %arg9[%swap3A_591, %swap3A_592, %swap3A_593] {strides = array<i32>} : memref<2x64x128xf32, #tpu.memory_space<vmem>>, vector<16xf32>,
        tpu.vector_store %arg9[%swap3A_591, %swap3A_592, %swap3A_593], %gather3A_590 {strides = array<i32>} : memref<2x64x128xf32, #tpu.memory_space<vmem>>, vector<16xf32>,
        %scan3A_595 = arith.constant 5 : i32
        %scan3A_596 = arith.addi %scan3A_512, %scan3A_595 : i32
        %mul3A_597 = arith.constant 1 : i32
        %mul3A_598 = arith.muli %scan3A_596, %mul3A_597 : i32
        %add3A_599 = arith.constant 0 : i32
        %add3A_600 = arith.addi %add3A_599, %mul3A_598 : i32
        %add3A_601 = vector.broadcast %add3A_600 : i32 to vector<16xi32>
        %add3A_602 = arith.addi %get3A_424, %add3A_601 : vector<16xi32>
        %gather3A_603 = arith.constant 0 : i32
        %gather3A_604 = arith.constant 0 : i32
        %gather3A_605 = tpu.memref_slice %arg8[%and3A_340, %gather3A_603, %gather3A_604] : memref<2x128x128xf32, #tpu.memory_space<vmem>> -> memref<1x128x128xf32, #tpu.memory_space<vmem>>
        %gather3A_606 = tpu.memref_squeeze %gather3A_605 : memref<1x128x128xf32, #tpu.memory_space<vmem>> -> memref<128x128xf32, #tpu.memory_space<vmem>>
        %gather3A_607 = tpu.vector_load_idx %gather3A_606[%add3A_421, %add3A_602] : memref<128x128xf32, #tpu.memory_space<vmem>>[vector<16xi32>, vector<16xi32>], vector<16xf32>,
        %swap3A_608 = arith.index_cast %and3A_340 : i32 to index
        %swap3A_609 = arith.index_cast %add3A_600 : i32 to index
        %swap3A_610 = arith.constant 80 : index
        %swap3A_611 = tpu.vector_load %arg9[%swap3A_608, %swap3A_609, %swap3A_610] {strides = array<i32>} : memref<2x64x128xf32, #tpu.memory_space<vmem>>, vector<16xf32>,
        tpu.vector_store %arg9[%swap3A_608, %swap3A_609, %swap3A_610], %gather3A_607 {strides = array<i32>} : memref<2x64x128xf32, #tpu.memory_space<vmem>>, vector<16xf32>,
        %scan3A_612 = arith.constant 6 : i32
        %scan3A_613 = arith.addi %scan3A_512, %scan3A_612 : i32
        %mul3A_614 = arith.constant 1 : i32
        %mul3A_615 = arith.muli %scan3A_613, %mul3A_614 : i32
        %add3A_616 = arith.constant 0 : i32
        %add3A_617 = arith.addi %add3A_616, %mul3A_615 : i32
        %add3A_618 = vector.broadcast %add3A_617 : i32 to vector<16xi32>
        %add3A_619 = arith.addi %get3A_424, %add3A_618 : vector<16xi32>
        %gather3A_620 = arith.constant 0 : i32
        %gather3A_621 = arith.constant 0 : i32
        %gather3A_622 = tpu.memref_slice %arg8[%and3A_340, %gather3A_620, %gather3A_621] : memref<2x128x128xf32, #tpu.memory_space<vmem>> -> memref<1x128x128xf32, #tpu.memory_space<vmem>>
        %gather3A_623 = tpu.memref_squeeze %gather3A_622 : memref<1x128x128xf32, #tpu.memory_space<vmem>> -> memref<128x128xf32, #tpu.memory_space<vmem>>
        %gather3A_624 = tpu.vector_load_idx %gather3A_623[%add3A_421, %add3A_619] : memref<128x128xf32, #tpu.memory_space<vmem>>[vector<16xi32>, vector<16xi32>], vector<16xf32>,
        %swap3A_625 = arith.index_cast %and3A_340 : i32 to index
        %swap3A_626 = arith.index_cast %add3A_617 : i32 to index
        %swap3A_627 = arith.constant 80 : index
        %swap3A_628 = tpu.vector_load %arg9[%swap3A_625, %swap3A_626, %swap3A_627] {strides = array<i32>} : memref<2x64x128xf32, #tpu.memory_space<vmem>>, vector<16xf32>,
        tpu.vector_store %arg9[%swap3A_625, %swap3A_626, %swap3A_627], %gather3A_624 {strides = array<i32>} : memref<2x64x128xf32, #tpu.memory_space<vmem>>, vector<16xf32>,
        %scan3A_629 = arith.constant 7 : i32
        %scan3A_630 = arith.addi %scan3A_512, %scan3A_629 : i32
        %mul3A_631 = arith.constant 1 : i32
        %mul3A_632 = arith.muli %scan3A_630, %mul3A_631 : i32
        %add3A_633 = arith.constant 0 : i32
        %add3A_634 = arith.addi %add3A_633, %mul3A_632 : i32
        %add3A_635 = vector.broadcast %add3A_634 : i32 to vector<16xi32>
        %add3A_636 = arith.addi %get3A_424, %add3A_635 : vector<16xi32>
        %gather3A_637 = arith.constant 0 : i32
        %gather3A_638 = arith.constant 0 : i32
        %gather3A_639 = tpu.memref_slice %arg8[%and3A_340, %gather3A_637, %gather3A_638] : memref<2x128x128xf32, #tpu.memory_space<vmem>> -> memref<1x128x128xf32, #tpu.memory_space<vmem>>
        %gather3A_640 = tpu.memref_squeeze %gather3A_639 : memref<1x128x128xf32, #tpu.memory_space<vmem>> -> memref<128x128xf32, #tpu.memory_space<vmem>>
        %gather3A_641 = tpu.vector_load_idx %gather3A_640[%add3A_421, %add3A_636] : memref<128x128xf32, #tpu.memory_space<vmem>>[vector<16xi32>, vector<16xi32>], vector<16xf32>,
        %swap3A_642 = arith.index_cast %and3A_340 : i32 to index
        %swap3A_643 = arith.index_cast %add3A_634 : i32 to index
        %swap3A_644 = arith.constant 80 : index
        %swap3A_645 = tpu.vector_load %arg9[%swap3A_642, %swap3A_643, %swap3A_644] {strides = array<i32>} : memref<2x64x128xf32, #tpu.memory_space<vmem>>, vector<16xf32>,
        tpu.vector_store %arg9[%swap3A_642, %swap3A_643, %swap3A_644], %gather3A_641 {strides = array<i32>} : memref<2x64x128xf32, #tpu.memory_space<vmem>>, vector<16xf32>,
        %scan3A_646 = arith.constant 8 : i32
        %scan3A_647 = arith.addi %scan3A_512, %scan3A_646 : i32
        %mul3A_648 = arith.constant 1 : i32
        %mul3A_649 = arith.muli %scan3A_647, %mul3A_648 : i32
        %add3A_650 = arith.constant 0 : i32
        %add3A_651 = arith.addi %add3A_650, %mul3A_649 : i32
        %add3A_652 = vector.broadcast %add3A_651 : i32 to vector<16xi32>
        %add3A_653 = arith.addi %get3A_424, %add3A_652 : vector<16xi32>
        %gather3A_654 = arith.constant 0 : i32
        %gather3A_655 = arith.constant 0 : i32
        %gather3A_656 = tpu.memref_slice %arg8[%and3A_340, %gather3A_654, %gather3A_655] : memref<2x128x128xf32, #tpu.memory_space<vmem>> -> memref<1x128x128xf32, #tpu.memory_space<vmem>>
        %gather3A_657 = tpu.memref_squeeze %gather3A_656 : memref<1x128x128xf32, #tpu.memory_space<vmem>> -> memref<128x128xf32, #tpu.memory_space<vmem>>
        %gather3A_658 = tpu.vector_load_idx %gather3A_657[%add3A_421, %add3A_653] : memref<128x128xf32, #tpu.memory_space<vmem>>[vector<16xi32>, vector<16xi32>], vector<16xf32>,
        %swap3A_659 = arith.index_cast %and3A_340 : i32 to index
        %swap3A_660 = arith.index_cast %add3A_651 : i32 to index
        %swap3A_661 = arith.constant 80 : index
        %swap3A_662 = tpu.vector_load %arg9[%swap3A_659, %swap3A_660, %swap3A_661] {strides = array<i32>} : memref<2x64x128xf32, #tpu.memory_space<vmem>>, vector<16xf32>,
        tpu.vector_store %arg9[%swap3A_659, %swap3A_660, %swap3A_661], %gather3A_658 {strides = array<i32>} : memref<2x64x128xf32, #tpu.memory_space<vmem>>, vector<16xf32>,
        %scan3A_663 = arith.constant 9 : i32
        %scan3A_664 = arith.addi %scan3A_512, %scan3A_663 : i32
        %mul3A_665 = arith.constant 1 : i32
        %mul3A_666 = arith.muli %scan3A_664, %mul3A_665 : i32
        %add3A_667 = arith.constant 0 : i32
        %add3A_668 = arith.addi %add3A_667, %mul3A_666 : i32
        %add3A_669 = vector.broadcast %add3A_668 : i32 to vector<16xi32>
        %add3A_670 = arith.addi %get3A_424, %add3A_669 : vector<16xi32>
        %gather3A_671 = arith.constant 0 : i32
        %gather3A_672 = arith.constant 0 : i32
        %gather3A_673 = tpu.memref_slice %arg8[%and3A_340, %gather3A_671, %gather3A_672] : memref<2x128x128xf32, #tpu.memory_space<vmem>> -> memref<1x128x128xf32, #tpu.memory_space<vmem>>
        %gather3A_674 = tpu.memref_squeeze %gather3A_673 : memref<1x128x128xf32, #tpu.memory_space<vmem>> -> memref<128x128xf32, #tpu.memory_space<vmem>>
        %gather3A_675 = tpu.vector_load_idx %gather3A_674[%add3A_421, %add3A_670] : memref<128x128xf32, #tpu.memory_space<vmem>>[vector<16xi32>, vector<16xi32>], vector<16xf32>,
        %swap3A_676 = arith.index_cast %and3A_340 : i32 to index
        %swap3A_677 = arith.index_cast %add3A_668 : i32 to index
        %swap3A_678 = arith.constant 80 : index
        %swap3A_679 = tpu.vector_load %arg9[%swap3A_676, %swap3A_677, %swap3A_678] {strides = array<i32>} : memref<2x64x128xf32, #tpu.memory_space<vmem>>, vector<16xf32>,
        tpu.vector_store %arg9[%swap3A_676, %swap3A_677, %swap3A_678], %gather3A_675 {strides = array<i32>} : memref<2x64x128xf32, #tpu.memory_space<vmem>>, vector<16xf32>,
        %scan3A_680 = arith.constant 10 : i32
        %scan3A_681 = arith.addi %scan3A_512, %scan3A_680 : i32
        %mul3A_682 = arith.constant 1 : i32
        %mul3A_683 = arith.muli %scan3A_681, %mul3A_682 : i32
        %add3A_684 = arith.constant 0 : i32
        %add3A_685 = arith.addi %add3A_684, %mul3A_683 : i32
        %add3A_686 = vector.broadcast %add3A_685 : i32 to vector<16xi32>
        %add3A_687 = arith.addi %get3A_424, %add3A_686 : vector<16xi32>
        %gather3A_688 = arith.constant 0 : i32
        %gather3A_689 = arith.constant 0 : i32
        %gather3A_690 = tpu.memref_slice %arg8[%and3A_340, %gather3A_688, %gather3A_689] : memref<2x128x128xf32, #tpu.memory_space<vmem>> -> memref<1x128x128xf32, #tpu.memory_space<vmem>>
        %gather3A_691 = tpu.memref_squeeze %gather3A_690 : memref<1x128x128xf32, #tpu.memory_space<vmem>> -> memref<128x128xf32, #tpu.memory_space<vmem>>
        %gather3A_692 = tpu.vector_load_idx %gather3A_691[%add3A_421, %add3A_687] : memref<128x128xf32, #tpu.memory_space<vmem>>[vector<16xi32>, vector<16xi32>], vector<16xf32>,
        %swap3A_693 = arith.index_cast %and3A_340 : i32 to index
        %swap3A_694 = arith.index_cast %add3A_685 : i32 to index
        %swap3A_695 = arith.constant 80 : index
        %swap3A_696 = tpu.vector_load %arg9[%swap3A_693, %swap3A_694, %swap3A_695] {strides = array<i32>} : memref<2x64x128xf32, #tpu.memory_space<vmem>>, vector<16xf32>,
        tpu.vector_store %arg9[%swap3A_693, %swap3A_694, %swap3A_695], %gather3A_692 {strides = array<i32>} : memref<2x64x128xf32, #tpu.memory_space<vmem>>, vector<16xf32>,
        %scan3A_697 = arith.constant 11 : i32
        %scan3A_698 = arith.addi %scan3A_512, %scan3A_697 : i32
        %mul3A_699 = arith.constant 1 : i32
        %mul3A_700 = arith.muli %scan3A_698, %mul3A_699 : i32
        %add3A_701 = arith.constant 0 : i32
        %add3A_702 = arith.addi %add3A_701, %mul3A_700 : i32
        %add3A_703 = vector.broadcast %add3A_702 : i32 to vector<16xi32>
        %add3A_704 = arith.addi %get3A_424, %add3A_703 : vector<16xi32>
        %gather3A_705 = arith.constant 0 : i32
        %gather3A_706 = arith.constant 0 : i32
        %gather3A_707 = tpu.memref_slice %arg8[%and3A_340, %gather3A_705, %gather3A_706] : memref<2x128x128xf32, #tpu.memory_space<vmem>> -> memref<1x128x128xf32, #tpu.memory_space<vmem>>
        %gather3A_708 = tpu.memref_squeeze %gather3A_707 : memref<1x128x128xf32, #tpu.memory_space<vmem>> -> memref<128x128xf32, #tpu.memory_space<vmem>>
        %gather3A_709 = tpu.vector_load_idx %gather3A_708[%add3A_421, %add3A_704] : memref<128x128xf32, #tpu.memory_space<vmem>>[vector<16xi32>, vector<16xi32>], vector<16xf32>,
        %swap3A_710 = arith.index_cast %and3A_340 : i32 to index
        %swap3A_711 = arith.index_cast %add3A_702 : i32 to index
        %swap3A_712 = arith.constant 80 : index
        %swap3A_713 = tpu.vector_load %arg9[%swap3A_710, %swap3A_711, %swap3A_712] {strides = array<i32>} : memref<2x64x128xf32, #tpu.memory_space<vmem>>, vector<16xf32>,
        tpu.vector_store %arg9[%swap3A_710, %swap3A_711, %swap3A_712], %gather3A_709 {strides = array<i32>} : memref<2x64x128xf32, #tpu.memory_space<vmem>>, vector<16xf32>,
        %scan3A_714 = arith.constant 12 : i32
        %scan3A_715 = arith.addi %scan3A_512, %scan3A_714 : i32
        %mul3A_716 = arith.constant 1 : i32
        %mul3A_717 = arith.muli %scan3A_715, %mul3A_716 : i32
        %add3A_718 = arith.constant 0 : i32
        %add3A_719 = arith.addi %add3A_718, %mul3A_717 : i32
        %add3A_720 = vector.broadcast %add3A_719 : i32 to vector<16xi32>
        %add3A_721 = arith.addi %get3A_424, %add3A_720 : vector<16xi32>
        %gather3A_722 = arith.constant 0 : i32
        %gather3A_723 = arith.constant 0 : i32
        %gather3A_724 = tpu.memref_slice %arg8[%and3A_340, %gather3A_722, %gather3A_723] : memref<2x128x128xf32, #tpu.memory_space<vmem>> -> memref<1x128x128xf32, #tpu.memory_space<vmem>>
        %gather3A_725 = tpu.memref_squeeze %gather3A_724 : memref<1x128x128xf32, #tpu.memory_space<vmem>> -> memref<128x128xf32, #tpu.memory_space<vmem>>
        %gather3A_726 = tpu.vector_load_idx %gather3A_725[%add3A_421, %add3A_721] : memref<128x128xf32, #tpu.memory_space<vmem>>[vector<16xi32>, vector<16xi32>], vector<16xf32>,
        %swap3A_727 = arith.index_cast %and3A_340 : i32 to index
        %swap3A_728 = arith.index_cast %add3A_719 : i32 to index
        %swap3A_729 = arith.constant 80 : index
        %swap3A_730 = tpu.vector_load %arg9[%swap3A_727, %swap3A_728, %swap3A_729] {strides = array<i32>} : memref<2x64x128xf32, #tpu.memory_space<vmem>>, vector<16xf32>,
        tpu.vector_store %arg9[%swap3A_727, %swap3A_728, %swap3A_729], %gather3A_726 {strides = array<i32>} : memref<2x64x128xf32, #tpu.memory_space<vmem>>, vector<16xf32>,
        %scan3A_731 = arith.constant 13 : i32
        %scan3A_732 = arith.addi %scan3A_512, %scan3A_731 : i32
        %mul3A_733 = arith.constant 1 : i32
        %mul3A_734 = arith.muli %scan3A_732, %mul3A_733 : i32
        %add3A_735 = arith.constant 0 : i32
        %add3A_736 = arith.addi %add3A_735, %mul3A_734 : i32
        %add3A_737 = vector.broadcast %add3A_736 : i32 to vector<16xi32>
        %add3A_738 = arith.addi %get3A_424, %add3A_737 : vector<16xi32>
        %gather3A_739 = arith.constant 0 : i32
        %gather3A_740 = arith.constant 0 : i32
        %gather3A_741 = tpu.memref_slice %arg8[%and3A_340, %gather3A_739, %gather3A_740] : memref<2x128x128xf32, #tpu.memory_space<vmem>> -> memref<1x128x128xf32, #tpu.memory_space<vmem>>
        %gather3A_742 = tpu.memref_squeeze %gather3A_741 : memref<1x128x128xf32, #tpu.memory_space<vmem>> -> memref<128x128xf32, #tpu.memory_space<vmem>>
        %gather3A_743 = tpu.vector_load_idx %gather3A_742[%add3A_421, %add3A_738] : memref<128x128xf32, #tpu.memory_space<vmem>>[vector<16xi32>, vector<16xi32>], vector<16xf32>,
        %swap3A_744 = arith.index_cast %and3A_340 : i32 to index
        %swap3A_745 = arith.index_cast %add3A_736 : i32 to index
        %swap3A_746 = arith.constant 80 : index
        %swap3A_747 = tpu.vector_load %arg9[%swap3A_744, %swap3A_745, %swap3A_746] {strides = array<i32>} : memref<2x64x128xf32, #tpu.memory_space<vmem>>, vector<16xf32>,
        tpu.vector_store %arg9[%swap3A_744, %swap3A_745, %swap3A_746], %gather3A_743 {strides = array<i32>} : memref<2x64x128xf32, #tpu.memory_space<vmem>>, vector<16xf32>,
        %scan3A_748 = arith.constant 14 : i32
        %scan3A_749 = arith.addi %scan3A_512, %scan3A_748 : i32
        %mul3A_750 = arith.constant 1 : i32
        %mul3A_751 = arith.muli %scan3A_749, %mul3A_750 : i32
        %add3A_752 = arith.constant 0 : i32
        %add3A_753 = arith.addi %add3A_752, %mul3A_751 : i32
        %add3A_754 = vector.broadcast %add3A_753 : i32 to vector<16xi32>
        %add3A_755 = arith.addi %get3A_424, %add3A_754 : vector<16xi32>
        %gather3A_756 = arith.constant 0 : i32
        %gather3A_757 = arith.constant 0 : i32
        %gather3A_758 = tpu.memref_slice %arg8[%and3A_340, %gather3A_756, %gather3A_757] : memref<2x128x128xf32, #tpu.memory_space<vmem>> -> memref<1x128x128xf32, #tpu.memory_space<vmem>>
        %gather3A_759 = tpu.memref_squeeze %gather3A_758 : memref<1x128x128xf32, #tpu.memory_space<vmem>> -> memref<128x128xf32, #tpu.memory_space<vmem>>
        %gather3A_760 = tpu.vector_load_idx %gather3A_759[%add3A_421, %add3A_755] : memref<128x128xf32, #tpu.memory_space<vmem>>[vector<16xi32>, vector<16xi32>], vector<16xf32>,
        %swap3A_761 = arith.index_cast %and3A_340 : i32 to index
        %swap3A_762 = arith.index_cast %add3A_753 : i32 to index
        %swap3A_763 = arith.constant 80 : index
        %swap3A_764 = tpu.vector_load %arg9[%swap3A_761, %swap3A_762, %swap3A_763] {strides = array<i32>} : memref<2x64x128xf32, #tpu.memory_space<vmem>>, vector<16xf32>,
        tpu.vector_store %arg9[%swap3A_761, %swap3A_762, %swap3A_763], %gather3A_760 {strides = array<i32>} : memref<2x64x128xf32, #tpu.memory_space<vmem>>, vector<16xf32>,
        %scan3A_765 = arith.constant 15 : i32
        %scan3A_766 = arith.addi %scan3A_512, %scan3A_765 : i32
        %mul3A_767 = arith.constant 1 : i32
        %mul3A_768 = arith.muli %scan3A_766, %mul3A_767 : i32
        %add3A_769 = arith.constant 0 : i32
        %add3A_770 = arith.addi %add3A_769, %mul3A_768 : i32
        %add3A_771 = vector.broadcast %add3A_770 : i32 to vector<16xi32>
        %add3A_772 = arith.addi %get3A_424, %add3A_771 : vector<16xi32>
        %gather3A_773 = arith.constant 0 : i32
        %gather3A_774 = arith.constant 0 : i32
        %gather3A_775 = tpu.memref_slice %arg8[%and3A_340, %gather3A_773, %gather3A_774] : memref<2x128x128xf32, #tpu.memory_space<vmem>> -> memref<1x128x128xf32, #tpu.memory_space<vmem>>
        %gather3A_776 = tpu.memref_squeeze %gather3A_775 : memref<1x128x128xf32, #tpu.memory_space<vmem>> -> memref<128x128xf32, #tpu.memory_space<vmem>>
        %gather3A_777 = tpu.vector_load_idx %gather3A_776[%add3A_421, %add3A_772] : memref<128x128xf32, #tpu.memory_space<vmem>>[vector<16xi32>, vector<16xi32>], vector<16xf32>,
        %swap3A_778 = arith.index_cast %and3A_340 : i32 to index
        %swap3A_779 = arith.index_cast %add3A_770 : i32 to index
        %swap3A_780 = arith.constant 80 : index
        %swap3A_781 = tpu.vector_load %arg9[%swap3A_778, %swap3A_779, %swap3A_780] {strides = array<i32>} : memref<2x64x128xf32, #tpu.memory_space<vmem>>, vector<16xf32>,
        tpu.vector_store %arg9[%swap3A_778, %swap3A_779, %swap3A_780], %gather3A_777 {strides = array<i32>} : memref<2x64x128xf32, #tpu.memory_space<vmem>>, vector<16xf32>,
      }
      %scan3A_429 = arith.constant 64 : i32
      %iota3A_430 = tpu.iota {dimensions = array<i32: 0>} : vector<16xi32>
      %add3A_431 = arith.constant 96 : i32
      %add3A_432 = vector.broadcast %add3A_431 : i32 to vector<16xi32>
      %add3A_433 = arith.addi %iota3A_430, %add3A_432 : vector<16xi32>
      %get3A_434 = arith.index_cast %and3A_340 : i32 to index
      %get3A_435 = arith.constant 96 : index
      %get3A_436 = tpu.vector_load %arg7[%get3A_434, %get3A_435] {strides = array<i32>} : memref<2x128xi32, #tpu.memory_space<vmem>>, vector<16xi32>,
      %scan3A_437 = arith.constant 0 : i32
      %scan3A_438 = arith.constant 64 : i32
      %scan3A_439 = arith.addi %scan3A_437, %scan3A_438 : i32
      %scan3A_440 = arith.constant 16 : i32
      scf.for %scan3A_512 = %scan3A_437 to %scan3A_439 step %scan3A_440  : i32 {
        %mul3A_513 = arith.constant 1 : i32
        %mul3A_514 = arith.muli %scan3A_512, %mul3A_513 : i32
        %add3A_515 = arith.constant 0 : i32
        %add3A_516 = arith.addi %add3A_515, %mul3A_514 : i32
        %add3A_517 = vector.broadcast %add3A_516 : i32 to vector<16xi32>
        %add3A_518 = arith.addi %get3A_436, %add3A_517 : vector<16xi32>
        %gather3A = arith.constant 0 : i32
        %gather3A_519 = arith.constant 0 : i32
        %gather3A_520 = tpu.memref_slice %arg8[%and3A_340, %gather3A, %gather3A_519] : memref<2x128x128xf32, #tpu.memory_space<vmem>> -> memref<1x128x128xf32, #tpu.memory_space<vmem>>
        %gather3A_521 = tpu.memref_squeeze %gather3A_520 : memref<1x128x128xf32, #tpu.memory_space<vmem>> -> memref<128x128xf32, #tpu.memory_space<vmem>>
        %gather3A_522 = tpu.vector_load_idx %gather3A_521[%add3A_433, %add3A_518] : memref<128x128xf32, #tpu.memory_space<vmem>>[vector<16xi32>, vector<16xi32>], vector<16xf32>,
        %swap3A_523 = arith.index_cast %and3A_340 : i32 to index
        %swap3A_524 = arith.index_cast %add3A_516 : i32 to index
        %swap3A_525 = arith.constant 96 : index
        %swap3A_526 = tpu.vector_load %arg9[%swap3A_523, %swap3A_524, %swap3A_525] {strides = array<i32>} : memref<2x64x128xf32, #tpu.memory_space<vmem>>, vector<16xf32>,
        tpu.vector_store %arg9[%swap3A_523, %swap3A_524, %swap3A_525], %gather3A_522 {strides = array<i32>} : memref<2x64x128xf32, #tpu.memory_space<vmem>>, vector<16xf32>,
        %scan3A_527 = arith.constant 1 : i32
        %scan3A_528 = arith.addi %scan3A_512, %scan3A_527 : i32
        %mul3A_529 = arith.constant 1 : i32
        %mul3A_530 = arith.muli %scan3A_528, %mul3A_529 : i32
        %add3A_531 = arith.constant 0 : i32
        %add3A_532 = arith.addi %add3A_531, %mul3A_530 : i32
        %add3A_533 = vector.broadcast %add3A_532 : i32 to vector<16xi32>
        %add3A_534 = arith.addi %get3A_436, %add3A_533 : vector<16xi32>
        %gather3A_535 = arith.constant 0 : i32
        %gather3A_536 = arith.constant 0 : i32
        %gather3A_537 = tpu.memref_slice %arg8[%and3A_340, %gather3A_535, %gather3A_536] : memref<2x128x128xf32, #tpu.memory_space<vmem>> -> memref<1x128x128xf32, #tpu.memory_space<vmem>>
        %gather3A_538 = tpu.memref_squeeze %gather3A_537 : memref<1x128x128xf32, #tpu.memory_space<vmem>> -> memref<128x128xf32, #tpu.memory_space<vmem>>
        %gather3A_539 = tpu.vector_load_idx %gather3A_538[%add3A_433, %add3A_534] : memref<128x128xf32, #tpu.memory_space<vmem>>[vector<16xi32>, vector<16xi32>], vector<16xf32>,
        %swap3A_540 = arith.index_cast %and3A_340 : i32 to index
        %swap3A_541 = arith.index_cast %add3A_532 : i32 to index
        %swap3A_542 = arith.constant 96 : index
        %swap3A_543 = tpu.vector_load %arg9[%swap3A_540, %swap3A_541, %swap3A_542] {strides = array<i32>} : memref<2x64x128xf32, #tpu.memory_space<vmem>>, vector<16xf32>,
        tpu.vector_store %arg9[%swap3A_540, %swap3A_541, %swap3A_542], %gather3A_539 {strides = array<i32>} : memref<2x64x128xf32, #tpu.memory_space<vmem>>, vector<16xf32>,
        %scan3A_544 = arith.constant 2 : i32
        %scan3A_545 = arith.addi %scan3A_512, %scan3A_544 : i32
        %mul3A_546 = arith.constant 1 : i32
        %mul3A_547 = arith.muli %scan3A_545, %mul3A_546 : i32
        %add3A_548 = arith.constant 0 : i32
        %add3A_549 = arith.addi %add3A_548, %mul3A_547 : i32
        %add3A_550 = vector.broadcast %add3A_549 : i32 to vector<16xi32>
        %add3A_551 = arith.addi %get3A_436, %add3A_550 : vector<16xi32>
        %gather3A_552 = arith.constant 0 : i32
        %gather3A_553 = arith.constant 0 : i32
        %gather3A_554 = tpu.memref_slice %arg8[%and3A_340, %gather3A_552, %gather3A_553] : memref<2x128x128xf32, #tpu.memory_space<vmem>> -> memref<1x128x128xf32, #tpu.memory_space<vmem>>
        %gather3A_555 = tpu.memref_squeeze %gather3A_554 : memref<1x128x128xf32, #tpu.memory_space<vmem>> -> memref<128x128xf32, #tpu.memory_space<vmem>>
        %gather3A_556 = tpu.vector_load_idx %gather3A_555[%add3A_433, %add3A_551] : memref<128x128xf32, #tpu.memory_space<vmem>>[vector<16xi32>, vector<16xi32>], vector<16xf32>,
        %swap3A_557 = arith.index_cast %and3A_340 : i32 to index
        %swap3A_558 = arith.index_cast %add3A_549 : i32 to index
        %swap3A_559 = arith.constant 96 : index
        %swap3A_560 = tpu.vector_load %arg9[%swap3A_557, %swap3A_558, %swap3A_559] {strides = array<i32>} : memref<2x64x128xf32, #tpu.memory_space<vmem>>, vector<16xf32>,
        tpu.vector_store %arg9[%swap3A_557, %swap3A_558, %swap3A_559], %gather3A_556 {strides = array<i32>} : memref<2x64x128xf32, #tpu.memory_space<vmem>>, vector<16xf32>,
        %scan3A_561 = arith.constant 3 : i32
        %scan3A_562 = arith.addi %scan3A_512, %scan3A_561 : i32
        %mul3A_563 = arith.constant 1 : i32
        %mul3A_564 = arith.muli %scan3A_562, %mul3A_563 : i32
        %add3A_565 = arith.constant 0 : i32
        %add3A_566 = arith.addi %add3A_565, %mul3A_564 : i32
        %add3A_567 = vector.broadcast %add3A_566 : i32 to vector<16xi32>
        %add3A_568 = arith.addi %get3A_436, %add3A_567 : vector<16xi32>
        %gather3A_569 = arith.constant 0 : i32
        %gather3A_570 = arith.constant 0 : i32
        %gather3A_571 = tpu.memref_slice %arg8[%and3A_340, %gather3A_569, %gather3A_570] : memref<2x128x128xf32, #tpu.memory_space<vmem>> -> memref<1x128x128xf32, #tpu.memory_space<vmem>>
        %gather3A_572 = tpu.memref_squeeze %gather3A_571 : memref<1x128x128xf32, #tpu.memory_space<vmem>> -> memref<128x128xf32, #tpu.memory_space<vmem>>
        %gather3A_573 = tpu.vector_load_idx %gather3A_572[%add3A_433, %add3A_568] : memref<128x128xf32, #tpu.memory_space<vmem>>[vector<16xi32>, vector<16xi32>], vector<16xf32>,
        %swap3A_574 = arith.index_cast %and3A_340 : i32 to index
        %swap3A_575 = arith.index_cast %add3A_566 : i32 to index
        %swap3A_576 = arith.constant 96 : index
        %swap3A_577 = tpu.vector_load %arg9[%swap3A_574, %swap3A_575, %swap3A_576] {strides = array<i32>} : memref<2x64x128xf32, #tpu.memory_space<vmem>>, vector<16xf32>,
        tpu.vector_store %arg9[%swap3A_574, %swap3A_575, %swap3A_576], %gather3A_573 {strides = array<i32>} : memref<2x64x128xf32, #tpu.memory_space<vmem>>, vector<16xf32>,
        %scan3A_578 = arith.constant 4 : i32
        %scan3A_579 = arith.addi %scan3A_512, %scan3A_578 : i32
        %mul3A_580 = arith.constant 1 : i32
        %mul3A_581 = arith.muli %scan3A_579, %mul3A_580 : i32
        %add3A_582 = arith.constant 0 : i32
        %add3A_583 = arith.addi %add3A_582, %mul3A_581 : i32
        %add3A_584 = vector.broadcast %add3A_583 : i32 to vector<16xi32>
        %add3A_585 = arith.addi %get3A_436, %add3A_584 : vector<16xi32>
        %gather3A_586 = arith.constant 0 : i32
        %gather3A_587 = arith.constant 0 : i32
        %gather3A_588 = tpu.memref_slice %arg8[%and3A_340, %gather3A_586, %gather3A_587] : memref<2x128x128xf32, #tpu.memory_space<vmem>> -> memref<1x128x128xf32, #tpu.memory_space<vmem>>
        %gather3A_589 = tpu.memref_squeeze %gather3A_588 : memref<1x128x128xf32, #tpu.memory_space<vmem>> -> memref<128x128xf32, #tpu.memory_space<vmem>>
        %gather3A_590 = tpu.vector_load_idx %gather3A_589[%add3A_433, %add3A_585] : memref<128x128xf32, #tpu.memory_space<vmem>>[vector<16xi32>, vector<16xi32>], vector<16xf32>,
        %swap3A_591 = arith.index_cast %and3A_340 : i32 to index
        %swap3A_592 = arith.index_cast %add3A_583 : i32 to index
        %swap3A_593 = arith.constant 96 : index
        %swap3A_594 = tpu.vector_load %arg9[%swap3A_591, %swap3A_592, %swap3A_593] {strides = array<i32>} : memref<2x64x128xf32, #tpu.memory_space<vmem>>, vector<16xf32>,
        tpu.vector_store %arg9[%swap3A_591, %swap3A_592, %swap3A_593], %gather3A_590 {strides = array<i32>} : memref<2x64x128xf32, #tpu.memory_space<vmem>>, vector<16xf32>,
        %scan3A_595 = arith.constant 5 : i32
        %scan3A_596 = arith.addi %scan3A_512, %scan3A_595 : i32
        %mul3A_597 = arith.constant 1 : i32
        %mul3A_598 = arith.muli %scan3A_596, %mul3A_597 : i32
        %add3A_599 = arith.constant 0 : i32
        %add3A_600 = arith.addi %add3A_599, %mul3A_598 : i32
        %add3A_601 = vector.broadcast %add3A_600 : i32 to vector<16xi32>
        %add3A_602 = arith.addi %get3A_436, %add3A_601 : vector<16xi32>
        %gather3A_603 = arith.constant 0 : i32
        %gather3A_604 = arith.constant 0 : i32
        %gather3A_605 = tpu.memref_slice %arg8[%and3A_340, %gather3A_603, %gather3A_604] : memref<2x128x128xf32, #tpu.memory_space<vmem>> -> memref<1x128x128xf32, #tpu.memory_space<vmem>>
        %gather3A_606 = tpu.memref_squeeze %gather3A_605 : memref<1x128x128xf32, #tpu.memory_space<vmem>> -> memref<128x128xf32, #tpu.memory_space<vmem>>
        %gather3A_607 = tpu.vector_load_idx %gather3A_606[%add3A_433, %add3A_602] : memref<128x128xf32, #tpu.memory_space<vmem>>[vector<16xi32>, vector<16xi32>], vector<16xf32>,
        %swap3A_608 = arith.index_cast %and3A_340 : i32 to index
        %swap3A_609 = arith.index_cast %add3A_600 : i32 to index
        %swap3A_610 = arith.constant 96 : index
        %swap3A_611 = tpu.vector_load %arg9[%swap3A_608, %swap3A_609, %swap3A_610] {strides = array<i32>} : memref<2x64x128xf32, #tpu.memory_space<vmem>>, vector<16xf32>,
        tpu.vector_store %arg9[%swap3A_608, %swap3A_609, %swap3A_610], %gather3A_607 {strides = array<i32>} : memref<2x64x128xf32, #tpu.memory_space<vmem>>, vector<16xf32>,
        %scan3A_612 = arith.constant 6 : i32
        %scan3A_613 = arith.addi %scan3A_512, %scan3A_612 : i32
        %mul3A_614 = arith.constant 1 : i32
        %mul3A_615 = arith.muli %scan3A_613, %mul3A_614 : i32
        %add3A_616 = arith.constant 0 : i32
        %add3A_617 = arith.addi %add3A_616, %mul3A_615 : i32
        %add3A_618 = vector.broadcast %add3A_617 : i32 to vector<16xi32>
        %add3A_619 = arith.addi %get3A_436, %add3A_618 : vector<16xi32>
        %gather3A_620 = arith.constant 0 : i32
        %gather3A_621 = arith.constant 0 : i32
        %gather3A_622 = tpu.memref_slice %arg8[%and3A_340, %gather3A_620, %gather3A_621] : memref<2x128x128xf32, #tpu.memory_space<vmem>> -> memref<1x128x128xf32, #tpu.memory_space<vmem>>
        %gather3A_623 = tpu.memref_squeeze %gather3A_622 : memref<1x128x128xf32, #tpu.memory_space<vmem>> -> memref<128x128xf32, #tpu.memory_space<vmem>>
        %gather3A_624 = tpu.vector_load_idx %gather3A_623[%add3A_433, %add3A_619] : memref<128x128xf32, #tpu.memory_space<vmem>>[vector<16xi32>, vector<16xi32>], vector<16xf32>,
        %swap3A_625 = arith.index_cast %and3A_340 : i32 to index
        %swap3A_626 = arith.index_cast %add3A_617 : i32 to index
        %swap3A_627 = arith.constant 96 : index
        %swap3A_628 = tpu.vector_load %arg9[%swap3A_625, %swap3A_626, %swap3A_627] {strides = array<i32>} : memref<2x64x128xf32, #tpu.memory_space<vmem>>, vector<16xf32>,
        tpu.vector_store %arg9[%swap3A_625, %swap3A_626, %swap3A_627], %gather3A_624 {strides = array<i32>} : memref<2x64x128xf32, #tpu.memory_space<vmem>>, vector<16xf32>,
        %scan3A_629 = arith.constant 7 : i32
        %scan3A_630 = arith.addi %scan3A_512, %scan3A_629 : i32
        %mul3A_631 = arith.constant 1 : i32
        %mul3A_632 = arith.muli %scan3A_630, %mul3A_631 : i32
        %add3A_633 = arith.constant 0 : i32
        %add3A_634 = arith.addi %add3A_633, %mul3A_632 : i32
        %add3A_635 = vector.broadcast %add3A_634 : i32 to vector<16xi32>
        %add3A_636 = arith.addi %get3A_436, %add3A_635 : vector<16xi32>
        %gather3A_637 = arith.constant 0 : i32
        %gather3A_638 = arith.constant 0 : i32
        %gather3A_639 = tpu.memref_slice %arg8[%and3A_340, %gather3A_637, %gather3A_638] : memref<2x128x128xf32, #tpu.memory_space<vmem>> -> memref<1x128x128xf32, #tpu.memory_space<vmem>>
        %gather3A_640 = tpu.memref_squeeze %gather3A_639 : memref<1x128x128xf32, #tpu.memory_space<vmem>> -> memref<128x128xf32, #tpu.memory_space<vmem>>
        %gather3A_641 = tpu.vector_load_idx %gather3A_640[%add3A_433, %add3A_636] : memref<128x128xf32, #tpu.memory_space<vmem>>[vector<16xi32>, vector<16xi32>], vector<16xf32>,
        %swap3A_642 = arith.index_cast %and3A_340 : i32 to index
        %swap3A_643 = arith.index_cast %add3A_634 : i32 to index
        %swap3A_644 = arith.constant 96 : index
        %swap3A_645 = tpu.vector_load %arg9[%swap3A_642, %swap3A_643, %swap3A_644] {strides = array<i32>} : memref<2x64x128xf32, #tpu.memory_space<vmem>>, vector<16xf32>,
        tpu.vector_store %arg9[%swap3A_642, %swap3A_643, %swap3A_644], %gather3A_641 {strides = array<i32>} : memref<2x64x128xf32, #tpu.memory_space<vmem>>, vector<16xf32>,
        %scan3A_646 = arith.constant 8 : i32
        %scan3A_647 = arith.addi %scan3A_512, %scan3A_646 : i32
        %mul3A_648 = arith.constant 1 : i32
        %mul3A_649 = arith.muli %scan3A_647, %mul3A_648 : i32
        %add3A_650 = arith.constant 0 : i32
        %add3A_651 = arith.addi %add3A_650, %mul3A_649 : i32
        %add3A_652 = vector.broadcast %add3A_651 : i32 to vector<16xi32>
        %add3A_653 = arith.addi %get3A_436, %add3A_652 : vector<16xi32>
        %gather3A_654 = arith.constant 0 : i32
        %gather3A_655 = arith.constant 0 : i32
        %gather3A_656 = tpu.memref_slice %arg8[%and3A_340, %gather3A_654, %gather3A_655] : memref<2x128x128xf32, #tpu.memory_space<vmem>> -> memref<1x128x128xf32, #tpu.memory_space<vmem>>
        %gather3A_657 = tpu.memref_squeeze %gather3A_656 : memref<1x128x128xf32, #tpu.memory_space<vmem>> -> memref<128x128xf32, #tpu.memory_space<vmem>>
        %gather3A_658 = tpu.vector_load_idx %gather3A_657[%add3A_433, %add3A_653] : memref<128x128xf32, #tpu.memory_space<vmem>>[vector<16xi32>, vector<16xi32>], vector<16xf32>,
        %swap3A_659 = arith.index_cast %and3A_340 : i32 to index
        %swap3A_660 = arith.index_cast %add3A_651 : i32 to index
        %swap3A_661 = arith.constant 96 : index
        %swap3A_662 = tpu.vector_load %arg9[%swap3A_659, %swap3A_660, %swap3A_661] {strides = array<i32>} : memref<2x64x128xf32, #tpu.memory_space<vmem>>, vector<16xf32>,
        tpu.vector_store %arg9[%swap3A_659, %swap3A_660, %swap3A_661], %gather3A_658 {strides = array<i32>} : memref<2x64x128xf32, #tpu.memory_space<vmem>>, vector<16xf32>,
        %scan3A_663 = arith.constant 9 : i32
        %scan3A_664 = arith.addi %scan3A_512, %scan3A_663 : i32
        %mul3A_665 = arith.constant 1 : i32
        %mul3A_666 = arith.muli %scan3A_664, %mul3A_665 : i32
        %add3A_667 = arith.constant 0 : i32
        %add3A_668 = arith.addi %add3A_667, %mul3A_666 : i32
        %add3A_669 = vector.broadcast %add3A_668 : i32 to vector<16xi32>
        %add3A_670 = arith.addi %get3A_436, %add3A_669 : vector<16xi32>
        %gather3A_671 = arith.constant 0 : i32
        %gather3A_672 = arith.constant 0 : i32
        %gather3A_673 = tpu.memref_slice %arg8[%and3A_340, %gather3A_671, %gather3A_672] : memref<2x128x128xf32, #tpu.memory_space<vmem>> -> memref<1x128x128xf32, #tpu.memory_space<vmem>>
        %gather3A_674 = tpu.memref_squeeze %gather3A_673 : memref<1x128x128xf32, #tpu.memory_space<vmem>> -> memref<128x128xf32, #tpu.memory_space<vmem>>
        %gather3A_675 = tpu.vector_load_idx %gather3A_674[%add3A_433, %add3A_670] : memref<128x128xf32, #tpu.memory_space<vmem>>[vector<16xi32>, vector<16xi32>], vector<16xf32>,
        %swap3A_676 = arith.index_cast %and3A_340 : i32 to index
        %swap3A_677 = arith.index_cast %add3A_668 : i32 to index
        %swap3A_678 = arith.constant 96 : index
        %swap3A_679 = tpu.vector_load %arg9[%swap3A_676, %swap3A_677, %swap3A_678] {strides = array<i32>} : memref<2x64x128xf32, #tpu.memory_space<vmem>>, vector<16xf32>,
        tpu.vector_store %arg9[%swap3A_676, %swap3A_677, %swap3A_678], %gather3A_675 {strides = array<i32>} : memref<2x64x128xf32, #tpu.memory_space<vmem>>, vector<16xf32>,
        %scan3A_680 = arith.constant 10 : i32
        %scan3A_681 = arith.addi %scan3A_512, %scan3A_680 : i32
        %mul3A_682 = arith.constant 1 : i32
        %mul3A_683 = arith.muli %scan3A_681, %mul3A_682 : i32
        %add3A_684 = arith.constant 0 : i32
        %add3A_685 = arith.addi %add3A_684, %mul3A_683 : i32
        %add3A_686 = vector.broadcast %add3A_685 : i32 to vector<16xi32>
        %add3A_687 = arith.addi %get3A_436, %add3A_686 : vector<16xi32>
        %gather3A_688 = arith.constant 0 : i32
        %gather3A_689 = arith.constant 0 : i32
        %gather3A_690 = tpu.memref_slice %arg8[%and3A_340, %gather3A_688, %gather3A_689] : memref<2x128x128xf32, #tpu.memory_space<vmem>> -> memref<1x128x128xf32, #tpu.memory_space<vmem>>
        %gather3A_691 = tpu.memref_squeeze %gather3A_690 : memref<1x128x128xf32, #tpu.memory_space<vmem>> -> memref<128x128xf32, #tpu.memory_space<vmem>>
        %gather3A_692 = tpu.vector_load_idx %gather3A_691[%add3A_433, %add3A_687] : memref<128x128xf32, #tpu.memory_space<vmem>>[vector<16xi32>, vector<16xi32>], vector<16xf32>,
        %swap3A_693 = arith.index_cast %and3A_340 : i32 to index
        %swap3A_694 = arith.index_cast %add3A_685 : i32 to index
        %swap3A_695 = arith.constant 96 : index
        %swap3A_696 = tpu.vector_load %arg9[%swap3A_693, %swap3A_694, %swap3A_695] {strides = array<i32>} : memref<2x64x128xf32, #tpu.memory_space<vmem>>, vector<16xf32>,
        tpu.vector_store %arg9[%swap3A_693, %swap3A_694, %swap3A_695], %gather3A_692 {strides = array<i32>} : memref<2x64x128xf32, #tpu.memory_space<vmem>>, vector<16xf32>,
        %scan3A_697 = arith.constant 11 : i32
        %scan3A_698 = arith.addi %scan3A_512, %scan3A_697 : i32
        %mul3A_699 = arith.constant 1 : i32
        %mul3A_700 = arith.muli %scan3A_698, %mul3A_699 : i32
        %add3A_701 = arith.constant 0 : i32
        %add3A_702 = arith.addi %add3A_701, %mul3A_700 : i32
        %add3A_703 = vector.broadcast %add3A_702 : i32 to vector<16xi32>
        %add3A_704 = arith.addi %get3A_436, %add3A_703 : vector<16xi32>
        %gather3A_705 = arith.constant 0 : i32
        %gather3A_706 = arith.constant 0 : i32
        %gather3A_707 = tpu.memref_slice %arg8[%and3A_340, %gather3A_705, %gather3A_706] : memref<2x128x128xf32, #tpu.memory_space<vmem>> -> memref<1x128x128xf32, #tpu.memory_space<vmem>>
        %gather3A_708 = tpu.memref_squeeze %gather3A_707 : memref<1x128x128xf32, #tpu.memory_space<vmem>> -> memref<128x128xf32, #tpu.memory_space<vmem>>
        %gather3A_709 = tpu.vector_load_idx %gather3A_708[%add3A_433, %add3A_704] : memref<128x128xf32, #tpu.memory_space<vmem>>[vector<16xi32>, vector<16xi32>], vector<16xf32>,
        %swap3A_710 = arith.index_cast %and3A_340 : i32 to index
        %swap3A_711 = arith.index_cast %add3A_702 : i32 to index
        %swap3A_712 = arith.constant 96 : index
        %swap3A_713 = tpu.vector_load %arg9[%swap3A_710, %swap3A_711, %swap3A_712] {strides = array<i32>} : memref<2x64x128xf32, #tpu.memory_space<vmem>>, vector<16xf32>,
        tpu.vector_store %arg9[%swap3A_710, %swap3A_711, %swap3A_712], %gather3A_709 {strides = array<i32>} : memref<2x64x128xf32, #tpu.memory_space<vmem>>, vector<16xf32>,
        %scan3A_714 = arith.constant 12 : i32
        %scan3A_715 = arith.addi %scan3A_512, %scan3A_714 : i32
        %mul3A_716 = arith.constant 1 : i32
        %mul3A_717 = arith.muli %scan3A_715, %mul3A_716 : i32
        %add3A_718 = arith.constant 0 : i32
        %add3A_719 = arith.addi %add3A_718, %mul3A_717 : i32
        %add3A_720 = vector.broadcast %add3A_719 : i32 to vector<16xi32>
        %add3A_721 = arith.addi %get3A_436, %add3A_720 : vector<16xi32>
        %gather3A_722 = arith.constant 0 : i32
        %gather3A_723 = arith.constant 0 : i32
        %gather3A_724 = tpu.memref_slice %arg8[%and3A_340, %gather3A_722, %gather3A_723] : memref<2x128x128xf32, #tpu.memory_space<vmem>> -> memref<1x128x128xf32, #tpu.memory_space<vmem>>
        %gather3A_725 = tpu.memref_squeeze %gather3A_724 : memref<1x128x128xf32, #tpu.memory_space<vmem>> -> memref<128x128xf32, #tpu.memory_space<vmem>>
        %gather3A_726 = tpu.vector_load_idx %gather3A_725[%add3A_433, %add3A_721] : memref<128x128xf32, #tpu.memory_space<vmem>>[vector<16xi32>, vector<16xi32>], vector<16xf32>,
        %swap3A_727 = arith.index_cast %and3A_340 : i32 to index
        %swap3A_728 = arith.index_cast %add3A_719 : i32 to index
        %swap3A_729 = arith.constant 96 : index
        %swap3A_730 = tpu.vector_load %arg9[%swap3A_727, %swap3A_728, %swap3A_729] {strides = array<i32>} : memref<2x64x128xf32, #tpu.memory_space<vmem>>, vector<16xf32>,
        tpu.vector_store %arg9[%swap3A_727, %swap3A_728, %swap3A_729], %gather3A_726 {strides = array<i32>} : memref<2x64x128xf32, #tpu.memory_space<vmem>>, vector<16xf32>,
        %scan3A_731 = arith.constant 13 : i32
        %scan3A_732 = arith.addi %scan3A_512, %scan3A_731 : i32
        %mul3A_733 = arith.constant 1 : i32
        %mul3A_734 = arith.muli %scan3A_732, %mul3A_733 : i32
        %add3A_735 = arith.constant 0 : i32
        %add3A_736 = arith.addi %add3A_735, %mul3A_734 : i32
        %add3A_737 = vector.broadcast %add3A_736 : i32 to vector<16xi32>
        %add3A_738 = arith.addi %get3A_436, %add3A_737 : vector<16xi32>
        %gather3A_739 = arith.constant 0 : i32
        %gather3A_740 = arith.constant 0 : i32
        %gather3A_741 = tpu.memref_slice %arg8[%and3A_340, %gather3A_739, %gather3A_740] : memref<2x128x128xf32, #tpu.memory_space<vmem>> -> memref<1x128x128xf32, #tpu.memory_space<vmem>>
        %gather3A_742 = tpu.memref_squeeze %gather3A_741 : memref<1x128x128xf32, #tpu.memory_space<vmem>> -> memref<128x128xf32, #tpu.memory_space<vmem>>
        %gather3A_743 = tpu.vector_load_idx %gather3A_742[%add3A_433, %add3A_738] : memref<128x128xf32, #tpu.memory_space<vmem>>[vector<16xi32>, vector<16xi32>], vector<16xf32>,
        %swap3A_744 = arith.index_cast %and3A_340 : i32 to index
        %swap3A_745 = arith.index_cast %add3A_736 : i32 to index
        %swap3A_746 = arith.constant 96 : index
        %swap3A_747 = tpu.vector_load %arg9[%swap3A_744, %swap3A_745, %swap3A_746] {strides = array<i32>} : memref<2x64x128xf32, #tpu.memory_space<vmem>>, vector<16xf32>,
        tpu.vector_store %arg9[%swap3A_744, %swap3A_745, %swap3A_746], %gather3A_743 {strides = array<i32>} : memref<2x64x128xf32, #tpu.memory_space<vmem>>, vector<16xf32>,
        %scan3A_748 = arith.constant 14 : i32
        %scan3A_749 = arith.addi %scan3A_512, %scan3A_748 : i32
        %mul3A_750 = arith.constant 1 : i32
        %mul3A_751 = arith.muli %scan3A_749, %mul3A_750 : i32
        %add3A_752 = arith.constant 0 : i32
        %add3A_753 = arith.addi %add3A_752, %mul3A_751 : i32
        %add3A_754 = vector.broadcast %add3A_753 : i32 to vector<16xi32>
        %add3A_755 = arith.addi %get3A_436, %add3A_754 : vector<16xi32>
        %gather3A_756 = arith.constant 0 : i32
        %gather3A_757 = arith.constant 0 : i32
        %gather3A_758 = tpu.memref_slice %arg8[%and3A_340, %gather3A_756, %gather3A_757] : memref<2x128x128xf32, #tpu.memory_space<vmem>> -> memref<1x128x128xf32, #tpu.memory_space<vmem>>
        %gather3A_759 = tpu.memref_squeeze %gather3A_758 : memref<1x128x128xf32, #tpu.memory_space<vmem>> -> memref<128x128xf32, #tpu.memory_space<vmem>>
        %gather3A_760 = tpu.vector_load_idx %gather3A_759[%add3A_433, %add3A_755] : memref<128x128xf32, #tpu.memory_space<vmem>>[vector<16xi32>, vector<16xi32>], vector<16xf32>,
        %swap3A_761 = arith.index_cast %and3A_340 : i32 to index
        %swap3A_762 = arith.index_cast %add3A_753 : i32 to index
        %swap3A_763 = arith.constant 96 : index
        %swap3A_764 = tpu.vector_load %arg9[%swap3A_761, %swap3A_762, %swap3A_763] {strides = array<i32>} : memref<2x64x128xf32, #tpu.memory_space<vmem>>, vector<16xf32>,
        tpu.vector_store %arg9[%swap3A_761, %swap3A_762, %swap3A_763], %gather3A_760 {strides = array<i32>} : memref<2x64x128xf32, #tpu.memory_space<vmem>>, vector<16xf32>,
        %scan3A_765 = arith.constant 15 : i32
        %scan3A_766 = arith.addi %scan3A_512, %scan3A_765 : i32
        %mul3A_767 = arith.constant 1 : i32
        %mul3A_768 = arith.muli %scan3A_766, %mul3A_767 : i32
        %add3A_769 = arith.constant 0 : i32
        %add3A_770 = arith.addi %add3A_769, %mul3A_768 : i32
        %add3A_771 = vector.broadcast %add3A_770 : i32 to vector<16xi32>
        %add3A_772 = arith.addi %get3A_436, %add3A_771 : vector<16xi32>
        %gather3A_773 = arith.constant 0 : i32
        %gather3A_774 = arith.constant 0 : i32
        %gather3A_775 = tpu.memref_slice %arg8[%and3A_340, %gather3A_773, %gather3A_774] : memref<2x128x128xf32, #tpu.memory_space<vmem>> -> memref<1x128x128xf32, #tpu.memory_space<vmem>>
        %gather3A_776 = tpu.memref_squeeze %gather3A_775 : memref<1x128x128xf32, #tpu.memory_space<vmem>> -> memref<128x128xf32, #tpu.memory_space<vmem>>
        %gather3A_777 = tpu.vector_load_idx %gather3A_776[%add3A_433, %add3A_772] : memref<128x128xf32, #tpu.memory_space<vmem>>[vector<16xi32>, vector<16xi32>], vector<16xf32>,
        %swap3A_778 = arith.index_cast %and3A_340 : i32 to index
        %swap3A_779 = arith.index_cast %add3A_770 : i32 to index
        %swap3A_780 = arith.constant 96 : index
        %swap3A_781 = tpu.vector_load %arg9[%swap3A_778, %swap3A_779, %swap3A_780] {strides = array<i32>} : memref<2x64x128xf32, #tpu.memory_space<vmem>>, vector<16xf32>,
        tpu.vector_store %arg9[%swap3A_778, %swap3A_779, %swap3A_780], %gather3A_777 {strides = array<i32>} : memref<2x64x128xf32, #tpu.memory_space<vmem>>, vector<16xf32>,
      }
      %scan3A_441 = arith.constant 64 : i32
      %iota3A_442 = tpu.iota {dimensions = array<i32: 0>} : vector<16xi32>
      %add3A_443 = arith.constant 112 : i32
      %add3A_444 = vector.broadcast %add3A_443 : i32 to vector<16xi32>
      %add3A_445 = arith.addi %iota3A_442, %add3A_444 : vector<16xi32>
      %get3A_446 = arith.index_cast %and3A_340 : i32 to index
      %get3A_447 = arith.constant 112 : index
      %get3A_448 = tpu.vector_load %arg7[%get3A_446, %get3A_447] {strides = array<i32>} : memref<2x128xi32, #tpu.memory_space<vmem>>, vector<16xi32>,
      %scan3A_449 = arith.constant 0 : i32
      %scan3A_450 = arith.constant 64 : i32
      %scan3A_451 = arith.addi %scan3A_449, %scan3A_450 : i32
      %scan3A_452 = arith.constant 16 : i32
      scf.for %scan3A_512 = %scan3A_449 to %scan3A_451 step %scan3A_452  : i32 {
        %mul3A_513 = arith.constant 1 : i32
        %mul3A_514 = arith.muli %scan3A_512, %mul3A_513 : i32
        %add3A_515 = arith.constant 0 : i32
        %add3A_516 = arith.addi %add3A_515, %mul3A_514 : i32
        %add3A_517 = vector.broadcast %add3A_516 : i32 to vector<16xi32>
        %add3A_518 = arith.addi %get3A_448, %add3A_517 : vector<16xi32>
        %gather3A = arith.constant 0 : i32
        %gather3A_519 = arith.constant 0 : i32
        %gather3A_520 = tpu.memref_slice %arg8[%and3A_340, %gather3A, %gather3A_519] : memref<2x128x128xf32, #tpu.memory_space<vmem>> -> memref<1x128x128xf32, #tpu.memory_space<vmem>>
        %gather3A_521 = tpu.memref_squeeze %gather3A_520 : memref<1x128x128xf32, #tpu.memory_space<vmem>> -> memref<128x128xf32, #tpu.memory_space<vmem>>
        %gather3A_522 = tpu.vector_load_idx %gather3A_521[%add3A_445, %add3A_518] : memref<128x128xf32, #tpu.memory_space<vmem>>[vector<16xi32>, vector<16xi32>], vector<16xf32>,
        %swap3A_523 = arith.index_cast %and3A_340 : i32 to index
        %swap3A_524 = arith.index_cast %add3A_516 : i32 to index
        %swap3A_525 = arith.constant 112 : index
        %swap3A_526 = tpu.vector_load %arg9[%swap3A_523, %swap3A_524, %swap3A_525] {strides = array<i32>} : memref<2x64x128xf32, #tpu.memory_space<vmem>>, vector<16xf32>,
        tpu.vector_store %arg9[%swap3A_523, %swap3A_524, %swap3A_525], %gather3A_522 {strides = array<i32>} : memref<2x64x128xf32, #tpu.memory_space<vmem>>, vector<16xf32>,
        %scan3A_527 = arith.constant 1 : i32
        %scan3A_528 = arith.addi %scan3A_512, %scan3A_527 : i32
        %mul3A_529 = arith.constant 1 : i32
        %mul3A_530 = arith.muli %scan3A_528, %mul3A_529 : i32
        %add3A_531 = arith.constant 0 : i32
        %add3A_532 = arith.addi %add3A_531, %mul3A_530 : i32
        %add3A_533 = vector.broadcast %add3A_532 : i32 to vector<16xi32>
        %add3A_534 = arith.addi %get3A_448, %add3A_533 : vector<16xi32>
        %gather3A_535 = arith.constant 0 : i32
        %gather3A_536 = arith.constant 0 : i32
        %gather3A_537 = tpu.memref_slice %arg8[%and3A_340, %gather3A_535, %gather3A_536] : memref<2x128x128xf32, #tpu.memory_space<vmem>> -> memref<1x128x128xf32, #tpu.memory_space<vmem>>
        %gather3A_538 = tpu.memref_squeeze %gather3A_537 : memref<1x128x128xf32, #tpu.memory_space<vmem>> -> memref<128x128xf32, #tpu.memory_space<vmem>>
        %gather3A_539 = tpu.vector_load_idx %gather3A_538[%add3A_445, %add3A_534] : memref<128x128xf32, #tpu.memory_space<vmem>>[vector<16xi32>, vector<16xi32>], vector<16xf32>,
        %swap3A_540 = arith.index_cast %and3A_340 : i32 to index
        %swap3A_541 = arith.index_cast %add3A_532 : i32 to index
        %swap3A_542 = arith.constant 112 : index
        %swap3A_543 = tpu.vector_load %arg9[%swap3A_540, %swap3A_541, %swap3A_542] {strides = array<i32>} : memref<2x64x128xf32, #tpu.memory_space<vmem>>, vector<16xf32>,
        tpu.vector_store %arg9[%swap3A_540, %swap3A_541, %swap3A_542], %gather3A_539 {strides = array<i32>} : memref<2x64x128xf32, #tpu.memory_space<vmem>>, vector<16xf32>,
        %scan3A_544 = arith.constant 2 : i32
        %scan3A_545 = arith.addi %scan3A_512, %scan3A_544 : i32
        %mul3A_546 = arith.constant 1 : i32
        %mul3A_547 = arith.muli %scan3A_545, %mul3A_546 : i32
        %add3A_548 = arith.constant 0 : i32
        %add3A_549 = arith.addi %add3A_548, %mul3A_547 : i32
        %add3A_550 = vector.broadcast %add3A_549 : i32 to vector<16xi32>
        %add3A_551 = arith.addi %get3A_448, %add3A_550 : vector<16xi32>
        %gather3A_552 = arith.constant 0 : i32
        %gather3A_553 = arith.constant 0 : i32
        %gather3A_554 = tpu.memref_slice %arg8[%and3A_340, %gather3A_552, %gather3A_553] : memref<2x128x128xf32, #tpu.memory_space<vmem>> -> memref<1x128x128xf32, #tpu.memory_space<vmem>>
        %gather3A_555 = tpu.memref_squeeze %gather3A_554 : memref<1x128x128xf32, #tpu.memory_space<vmem>> -> memref<128x128xf32, #tpu.memory_space<vmem>>
        %gather3A_556 = tpu.vector_load_idx %gather3A_555[%add3A_445, %add3A_551] : memref<128x128xf32, #tpu.memory_space<vmem>>[vector<16xi32>, vector<16xi32>], vector<16xf32>,
        %swap3A_557 = arith.index_cast %and3A_340 : i32 to index
        %swap3A_558 = arith.index_cast %add3A_549 : i32 to index
        %swap3A_559 = arith.constant 112 : index
        %swap3A_560 = tpu.vector_load %arg9[%swap3A_557, %swap3A_558, %swap3A_559] {strides = array<i32>} : memref<2x64x128xf32, #tpu.memory_space<vmem>>, vector<16xf32>,
        tpu.vector_store %arg9[%swap3A_557, %swap3A_558, %swap3A_559], %gather3A_556 {strides = array<i32>} : memref<2x64x128xf32, #tpu.memory_space<vmem>>, vector<16xf32>,
        %scan3A_561 = arith.constant 3 : i32
        %scan3A_562 = arith.addi %scan3A_512, %scan3A_561 : i32
        %mul3A_563 = arith.constant 1 : i32
        %mul3A_564 = arith.muli %scan3A_562, %mul3A_563 : i32
        %add3A_565 = arith.constant 0 : i32
        %add3A_566 = arith.addi %add3A_565, %mul3A_564 : i32
        %add3A_567 = vector.broadcast %add3A_566 : i32 to vector<16xi32>
        %add3A_568 = arith.addi %get3A_448, %add3A_567 : vector<16xi32>
        %gather3A_569 = arith.constant 0 : i32
        %gather3A_570 = arith.constant 0 : i32
        %gather3A_571 = tpu.memref_slice %arg8[%and3A_340, %gather3A_569, %gather3A_570] : memref<2x128x128xf32, #tpu.memory_space<vmem>> -> memref<1x128x128xf32, #tpu.memory_space<vmem>>
        %gather3A_572 = tpu.memref_squeeze %gather3A_571 : memref<1x128x128xf32, #tpu.memory_space<vmem>> -> memref<128x128xf32, #tpu.memory_space<vmem>>
        %gather3A_573 = tpu.vector_load_idx %gather3A_572[%add3A_445, %add3A_568] : memref<128x128xf32, #tpu.memory_space<vmem>>[vector<16xi32>, vector<16xi32>], vector<16xf32>,
        %swap3A_574 = arith.index_cast %and3A_340 : i32 to index
        %swap3A_575 = arith.index_cast %add3A_566 : i32 to index
        %swap3A_576 = arith.constant 112 : index
        %swap3A_577 = tpu.vector_load %arg9[%swap3A_574, %swap3A_575, %swap3A_576] {strides = array<i32>} : memref<2x64x128xf32, #tpu.memory_space<vmem>>, vector<16xf32>,
        tpu.vector_store %arg9[%swap3A_574, %swap3A_575, %swap3A_576], %gather3A_573 {strides = array<i32>} : memref<2x64x128xf32, #tpu.memory_space<vmem>>, vector<16xf32>,
        %scan3A_578 = arith.constant 4 : i32
        %scan3A_579 = arith.addi %scan3A_512, %scan3A_578 : i32
        %mul3A_580 = arith.constant 1 : i32
        %mul3A_581 = arith.muli %scan3A_579, %mul3A_580 : i32
        %add3A_582 = arith.constant 0 : i32
        %add3A_583 = arith.addi %add3A_582, %mul3A_581 : i32
        %add3A_584 = vector.broadcast %add3A_583 : i32 to vector<16xi32>
        %add3A_585 = arith.addi %get3A_448, %add3A_584 : vector<16xi32>
        %gather3A_586 = arith.constant 0 : i32
        %gather3A_587 = arith.constant 0 : i32
        %gather3A_588 = tpu.memref_slice %arg8[%and3A_340, %gather3A_586, %gather3A_587] : memref<2x128x128xf32, #tpu.memory_space<vmem>> -> memref<1x128x128xf32, #tpu.memory_space<vmem>>
        %gather3A_589 = tpu.memref_squeeze %gather3A_588 : memref<1x128x128xf32, #tpu.memory_space<vmem>> -> memref<128x128xf32, #tpu.memory_space<vmem>>
        %gather3A_590 = tpu.vector_load_idx %gather3A_589[%add3A_445, %add3A_585] : memref<128x128xf32, #tpu.memory_space<vmem>>[vector<16xi32>, vector<16xi32>], vector<16xf32>,
        %swap3A_591 = arith.index_cast %and3A_340 : i32 to index
        %swap3A_592 = arith.index_cast %add3A_583 : i32 to index
        %swap3A_593 = arith.constant 112 : index
        %swap3A_594 = tpu.vector_load %arg9[%swap3A_591, %swap3A_592, %swap3A_593] {strides = array<i32>} : memref<2x64x128xf32, #tpu.memory_space<vmem>>, vector<16xf32>,
        tpu.vector_store %arg9[%swap3A_591, %swap3A_592, %swap3A_593], %gather3A_590 {strides = array<i32>} : memref<2x64x128xf32, #tpu.memory_space<vmem>>, vector<16xf32>,
        %scan3A_595 = arith.constant 5 : i32
        %scan3A_596 = arith.addi %scan3A_512, %scan3A_595 : i32
        %mul3A_597 = arith.constant 1 : i32
        %mul3A_598 = arith.muli %scan3A_596, %mul3A_597 : i32
        %add3A_599 = arith.constant 0 : i32
        %add3A_600 = arith.addi %add3A_599, %mul3A_598 : i32
        %add3A_601 = vector.broadcast %add3A_600 : i32 to vector<16xi32>
        %add3A_602 = arith.addi %get3A_448, %add3A_601 : vector<16xi32>
        %gather3A_603 = arith.constant 0 : i32
        %gather3A_604 = arith.constant 0 : i32
        %gather3A_605 = tpu.memref_slice %arg8[%and3A_340, %gather3A_603, %gather3A_604] : memref<2x128x128xf32, #tpu.memory_space<vmem>> -> memref<1x128x128xf32, #tpu.memory_space<vmem>>
        %gather3A_606 = tpu.memref_squeeze %gather3A_605 : memref<1x128x128xf32, #tpu.memory_space<vmem>> -> memref<128x128xf32, #tpu.memory_space<vmem>>
        %gather3A_607 = tpu.vector_load_idx %gather3A_606[%add3A_445, %add3A_602] : memref<128x128xf32, #tpu.memory_space<vmem>>[vector<16xi32>, vector<16xi32>], vector<16xf32>,
        %swap3A_608 = arith.index_cast %and3A_340 : i32 to index
        %swap3A_609 = arith.index_cast %add3A_600 : i32 to index
        %swap3A_610 = arith.constant 112 : index
        %swap3A_611 = tpu.vector_load %arg9[%swap3A_608, %swap3A_609, %swap3A_610] {strides = array<i32>} : memref<2x64x128xf32, #tpu.memory_space<vmem>>, vector<16xf32>,
        tpu.vector_store %arg9[%swap3A_608, %swap3A_609, %swap3A_610], %gather3A_607 {strides = array<i32>} : memref<2x64x128xf32, #tpu.memory_space<vmem>>, vector<16xf32>,
        %scan3A_612 = arith.constant 6 : i32
        %scan3A_613 = arith.addi %scan3A_512, %scan3A_612 : i32
        %mul3A_614 = arith.constant 1 : i32
        %mul3A_615 = arith.muli %scan3A_613, %mul3A_614 : i32
        %add3A_616 = arith.constant 0 : i32
        %add3A_617 = arith.addi %add3A_616, %mul3A_615 : i32
        %add3A_618 = vector.broadcast %add3A_617 : i32 to vector<16xi32>
        %add3A_619 = arith.addi %get3A_448, %add3A_618 : vector<16xi32>
        %gather3A_620 = arith.constant 0 : i32
        %gather3A_621 = arith.constant 0 : i32
        %gather3A_622 = tpu.memref_slice %arg8[%and3A_340, %gather3A_620, %gather3A_621] : memref<2x128x128xf32, #tpu.memory_space<vmem>> -> memref<1x128x128xf32, #tpu.memory_space<vmem>>
        %gather3A_623 = tpu.memref_squeeze %gather3A_622 : memref<1x128x128xf32, #tpu.memory_space<vmem>> -> memref<128x128xf32, #tpu.memory_space<vmem>>
        %gather3A_624 = tpu.vector_load_idx %gather3A_623[%add3A_445, %add3A_619] : memref<128x128xf32, #tpu.memory_space<vmem>>[vector<16xi32>, vector<16xi32>], vector<16xf32>,
        %swap3A_625 = arith.index_cast %and3A_340 : i32 to index
        %swap3A_626 = arith.index_cast %add3A_617 : i32 to index
        %swap3A_627 = arith.constant 112 : index
        %swap3A_628 = tpu.vector_load %arg9[%swap3A_625, %swap3A_626, %swap3A_627] {strides = array<i32>} : memref<2x64x128xf32, #tpu.memory_space<vmem>>, vector<16xf32>,
        tpu.vector_store %arg9[%swap3A_625, %swap3A_626, %swap3A_627], %gather3A_624 {strides = array<i32>} : memref<2x64x128xf32, #tpu.memory_space<vmem>>, vector<16xf32>,
        %scan3A_629 = arith.constant 7 : i32
        %scan3A_630 = arith.addi %scan3A_512, %scan3A_629 : i32
        %mul3A_631 = arith.constant 1 : i32
        %mul3A_632 = arith.muli %scan3A_630, %mul3A_631 : i32
        %add3A_633 = arith.constant 0 : i32
        %add3A_634 = arith.addi %add3A_633, %mul3A_632 : i32
        %add3A_635 = vector.broadcast %add3A_634 : i32 to vector<16xi32>
        %add3A_636 = arith.addi %get3A_448, %add3A_635 : vector<16xi32>
        %gather3A_637 = arith.constant 0 : i32
        %gather3A_638 = arith.constant 0 : i32
        %gather3A_639 = tpu.memref_slice %arg8[%and3A_340, %gather3A_637, %gather3A_638] : memref<2x128x128xf32, #tpu.memory_space<vmem>> -> memref<1x128x128xf32, #tpu.memory_space<vmem>>
        %gather3A_640 = tpu.memref_squeeze %gather3A_639 : memref<1x128x128xf32, #tpu.memory_space<vmem>> -> memref<128x128xf32, #tpu.memory_space<vmem>>
        %gather3A_641 = tpu.vector_load_idx %gather3A_640[%add3A_445, %add3A_636] : memref<128x128xf32, #tpu.memory_space<vmem>>[vector<16xi32>, vector<16xi32>], vector<16xf32>,
        %swap3A_642 = arith.index_cast %and3A_340 : i32 to index
        %swap3A_643 = arith.index_cast %add3A_634 : i32 to index
        %swap3A_644 = arith.constant 112 : index
        %swap3A_645 = tpu.vector_load %arg9[%swap3A_642, %swap3A_643, %swap3A_644] {strides = array<i32>} : memref<2x64x128xf32, #tpu.memory_space<vmem>>, vector<16xf32>,
        tpu.vector_store %arg9[%swap3A_642, %swap3A_643, %swap3A_644], %gather3A_641 {strides = array<i32>} : memref<2x64x128xf32, #tpu.memory_space<vmem>>, vector<16xf32>,
        %scan3A_646 = arith.constant 8 : i32
        %scan3A_647 = arith.addi %scan3A_512, %scan3A_646 : i32
        %mul3A_648 = arith.constant 1 : i32
        %mul3A_649 = arith.muli %scan3A_647, %mul3A_648 : i32
        %add3A_650 = arith.constant 0 : i32
        %add3A_651 = arith.addi %add3A_650, %mul3A_649 : i32
        %add3A_652 = vector.broadcast %add3A_651 : i32 to vector<16xi32>
        %add3A_653 = arith.addi %get3A_448, %add3A_652 : vector<16xi32>
        %gather3A_654 = arith.constant 0 : i32
        %gather3A_655 = arith.constant 0 : i32
        %gather3A_656 = tpu.memref_slice %arg8[%and3A_340, %gather3A_654, %gather3A_655] : memref<2x128x128xf32, #tpu.memory_space<vmem>> -> memref<1x128x128xf32, #tpu.memory_space<vmem>>
        %gather3A_657 = tpu.memref_squeeze %gather3A_656 : memref<1x128x128xf32, #tpu.memory_space<vmem>> -> memref<128x128xf32, #tpu.memory_space<vmem>>
        %gather3A_658 = tpu.vector_load_idx %gather3A_657[%add3A_445, %add3A_653] : memref<128x128xf32, #tpu.memory_space<vmem>>[vector<16xi32>, vector<16xi32>], vector<16xf32>,
        %swap3A_659 = arith.index_cast %and3A_340 : i32 to index
        %swap3A_660 = arith.index_cast %add3A_651 : i32 to index
        %swap3A_661 = arith.constant 112 : index
        %swap3A_662 = tpu.vector_load %arg9[%swap3A_659, %swap3A_660, %swap3A_661] {strides = array<i32>} : memref<2x64x128xf32, #tpu.memory_space<vmem>>, vector<16xf32>,
        tpu.vector_store %arg9[%swap3A_659, %swap3A_660, %swap3A_661], %gather3A_658 {strides = array<i32>} : memref<2x64x128xf32, #tpu.memory_space<vmem>>, vector<16xf32>,
        %scan3A_663 = arith.constant 9 : i32
        %scan3A_664 = arith.addi %scan3A_512, %scan3A_663 : i32
        %mul3A_665 = arith.constant 1 : i32
        %mul3A_666 = arith.muli %scan3A_664, %mul3A_665 : i32
        %add3A_667 = arith.constant 0 : i32
        %add3A_668 = arith.addi %add3A_667, %mul3A_666 : i32
        %add3A_669 = vector.broadcast %add3A_668 : i32 to vector<16xi32>
        %add3A_670 = arith.addi %get3A_448, %add3A_669 : vector<16xi32>
        %gather3A_671 = arith.constant 0 : i32
        %gather3A_672 = arith.constant 0 : i32
        %gather3A_673 = tpu.memref_slice %arg8[%and3A_340, %gather3A_671, %gather3A_672] : memref<2x128x128xf32, #tpu.memory_space<vmem>> -> memref<1x128x128xf32, #tpu.memory_space<vmem>>
        %gather3A_674 = tpu.memref_squeeze %gather3A_673 : memref<1x128x128xf32, #tpu.memory_space<vmem>> -> memref<128x128xf32, #tpu.memory_space<vmem>>
        %gather3A_675 = tpu.vector_load_idx %gather3A_674[%add3A_445, %add3A_670] : memref<128x128xf32, #tpu.memory_space<vmem>>[vector<16xi32>, vector<16xi32>], vector<16xf32>,
        %swap3A_676 = arith.index_cast %and3A_340 : i32 to index
        %swap3A_677 = arith.index_cast %add3A_668 : i32 to index
        %swap3A_678 = arith.constant 112 : index
        %swap3A_679 = tpu.vector_load %arg9[%swap3A_676, %swap3A_677, %swap3A_678] {strides = array<i32>} : memref<2x64x128xf32, #tpu.memory_space<vmem>>, vector<16xf32>,
        tpu.vector_store %arg9[%swap3A_676, %swap3A_677, %swap3A_678], %gather3A_675 {strides = array<i32>} : memref<2x64x128xf32, #tpu.memory_space<vmem>>, vector<16xf32>,
        %scan3A_680 = arith.constant 10 : i32
        %scan3A_681 = arith.addi %scan3A_512, %scan3A_680 : i32
        %mul3A_682 = arith.constant 1 : i32
        %mul3A_683 = arith.muli %scan3A_681, %mul3A_682 : i32
        %add3A_684 = arith.constant 0 : i32
        %add3A_685 = arith.addi %add3A_684, %mul3A_683 : i32
        %add3A_686 = vector.broadcast %add3A_685 : i32 to vector<16xi32>
        %add3A_687 = arith.addi %get3A_448, %add3A_686 : vector<16xi32>
        %gather3A_688 = arith.constant 0 : i32
        %gather3A_689 = arith.constant 0 : i32
        %gather3A_690 = tpu.memref_slice %arg8[%and3A_340, %gather3A_688, %gather3A_689] : memref<2x128x128xf32, #tpu.memory_space<vmem>> -> memref<1x128x128xf32, #tpu.memory_space<vmem>>
        %gather3A_691 = tpu.memref_squeeze %gather3A_690 : memref<1x128x128xf32, #tpu.memory_space<vmem>> -> memref<128x128xf32, #tpu.memory_space<vmem>>
        %gather3A_692 = tpu.vector_load_idx %gather3A_691[%add3A_445, %add3A_687] : memref<128x128xf32, #tpu.memory_space<vmem>>[vector<16xi32>, vector<16xi32>], vector<16xf32>,
        %swap3A_693 = arith.index_cast %and3A_340 : i32 to index
        %swap3A_694 = arith.index_cast %add3A_685 : i32 to index
        %swap3A_695 = arith.constant 112 : index
        %swap3A_696 = tpu.vector_load %arg9[%swap3A_693, %swap3A_694, %swap3A_695] {strides = array<i32>} : memref<2x64x128xf32, #tpu.memory_space<vmem>>, vector<16xf32>,
        tpu.vector_store %arg9[%swap3A_693, %swap3A_694, %swap3A_695], %gather3A_692 {strides = array<i32>} : memref<2x64x128xf32, #tpu.memory_space<vmem>>, vector<16xf32>,
        %scan3A_697 = arith.constant 11 : i32
        %scan3A_698 = arith.addi %scan3A_512, %scan3A_697 : i32
        %mul3A_699 = arith.constant 1 : i32
        %mul3A_700 = arith.muli %scan3A_698, %mul3A_699 : i32
        %add3A_701 = arith.constant 0 : i32
        %add3A_702 = arith.addi %add3A_701, %mul3A_700 : i32
        %add3A_703 = vector.broadcast %add3A_702 : i32 to vector<16xi32>
        %add3A_704 = arith.addi %get3A_448, %add3A_703 : vector<16xi32>
        %gather3A_705 = arith.constant 0 : i32
        %gather3A_706 = arith.constant 0 : i32
        %gather3A_707 = tpu.memref_slice %arg8[%and3A_340, %gather3A_705, %gather3A_706] : memref<2x128x128xf32, #tpu.memory_space<vmem>> -> memref<1x128x128xf32, #tpu.memory_space<vmem>>
        %gather3A_708 = tpu.memref_squeeze %gather3A_707 : memref<1x128x128xf32, #tpu.memory_space<vmem>> -> memref<128x128xf32, #tpu.memory_space<vmem>>
        %gather3A_709 = tpu.vector_load_idx %gather3A_708[%add3A_445, %add3A_704] : memref<128x128xf32, #tpu.memory_space<vmem>>[vector<16xi32>, vector<16xi32>], vector<16xf32>,
        %swap3A_710 = arith.index_cast %and3A_340 : i32 to index
        %swap3A_711 = arith.index_cast %add3A_702 : i32 to index
        %swap3A_712 = arith.constant 112 : index
        %swap3A_713 = tpu.vector_load %arg9[%swap3A_710, %swap3A_711, %swap3A_712] {strides = array<i32>} : memref<2x64x128xf32, #tpu.memory_space<vmem>>, vector<16xf32>,
        tpu.vector_store %arg9[%swap3A_710, %swap3A_711, %swap3A_712], %gather3A_709 {strides = array<i32>} : memref<2x64x128xf32, #tpu.memory_space<vmem>>, vector<16xf32>,
        %scan3A_714 = arith.constant 12 : i32
        %scan3A_715 = arith.addi %scan3A_512, %scan3A_714 : i32
        %mul3A_716 = arith.constant 1 : i32
        %mul3A_717 = arith.muli %scan3A_715, %mul3A_716 : i32
        %add3A_718 = arith.constant 0 : i32
        %add3A_719 = arith.addi %add3A_718, %mul3A_717 : i32
        %add3A_720 = vector.broadcast %add3A_719 : i32 to vector<16xi32>
        %add3A_721 = arith.addi %get3A_448, %add3A_720 : vector<16xi32>
        %gather3A_722 = arith.constant 0 : i32
        %gather3A_723 = arith.constant 0 : i32
        %gather3A_724 = tpu.memref_slice %arg8[%and3A_340, %gather3A_722, %gather3A_723] : memref<2x128x128xf32, #tpu.memory_space<vmem>> -> memref<1x128x128xf32, #tpu.memory_space<vmem>>
        %gather3A_725 = tpu.memref_squeeze %gather3A_724 : memref<1x128x128xf32, #tpu.memory_space<vmem>> -> memref<128x128xf32, #tpu.memory_space<vmem>>
        %gather3A_726 = tpu.vector_load_idx %gather3A_725[%add3A_445, %add3A_721] : memref<128x128xf32, #tpu.memory_space<vmem>>[vector<16xi32>, vector<16xi32>], vector<16xf32>,
        %swap3A_727 = arith.index_cast %and3A_340 : i32 to index
        %swap3A_728 = arith.index_cast %add3A_719 : i32 to index
        %swap3A_729 = arith.constant 112 : index
        %swap3A_730 = tpu.vector_load %arg9[%swap3A_727, %swap3A_728, %swap3A_729] {strides = array<i32>} : memref<2x64x128xf32, #tpu.memory_space<vmem>>, vector<16xf32>,
        tpu.vector_store %arg9[%swap3A_727, %swap3A_728, %swap3A_729], %gather3A_726 {strides = array<i32>} : memref<2x64x128xf32, #tpu.memory_space<vmem>>, vector<16xf32>,
        %scan3A_731 = arith.constant 13 : i32
        %scan3A_732 = arith.addi %scan3A_512, %scan3A_731 : i32
        %mul3A_733 = arith.constant 1 : i32
        %mul3A_734 = arith.muli %scan3A_732, %mul3A_733 : i32
        %add3A_735 = arith.constant 0 : i32
        %add3A_736 = arith.addi %add3A_735, %mul3A_734 : i32
        %add3A_737 = vector.broadcast %add3A_736 : i32 to vector<16xi32>
        %add3A_738 = arith.addi %get3A_448, %add3A_737 : vector<16xi32>
        %gather3A_739 = arith.constant 0 : i32
        %gather3A_740 = arith.constant 0 : i32
        %gather3A_741 = tpu.memref_slice %arg8[%and3A_340, %gather3A_739, %gather3A_740] : memref<2x128x128xf32, #tpu.memory_space<vmem>> -> memref<1x128x128xf32, #tpu.memory_space<vmem>>
        %gather3A_742 = tpu.memref_squeeze %gather3A_741 : memref<1x128x128xf32, #tpu.memory_space<vmem>> -> memref<128x128xf32, #tpu.memory_space<vmem>>
        %gather3A_743 = tpu.vector_load_idx %gather3A_742[%add3A_445, %add3A_738] : memref<128x128xf32, #tpu.memory_space<vmem>>[vector<16xi32>, vector<16xi32>], vector<16xf32>,
        %swap3A_744 = arith.index_cast %and3A_340 : i32 to index
        %swap3A_745 = arith.index_cast %add3A_736 : i32 to index
        %swap3A_746 = arith.constant 112 : index
        %swap3A_747 = tpu.vector_load %arg9[%swap3A_744, %swap3A_745, %swap3A_746] {strides = array<i32>} : memref<2x64x128xf32, #tpu.memory_space<vmem>>, vector<16xf32>,
        tpu.vector_store %arg9[%swap3A_744, %swap3A_745, %swap3A_746], %gather3A_743 {strides = array<i32>} : memref<2x64x128xf32, #tpu.memory_space<vmem>>, vector<16xf32>,
        %scan3A_748 = arith.constant 14 : i32
        %scan3A_749 = arith.addi %scan3A_512, %scan3A_748 : i32
        %mul3A_750 = arith.constant 1 : i32
        %mul3A_751 = arith.muli %scan3A_749, %mul3A_750 : i32
        %add3A_752 = arith.constant 0 : i32
        %add3A_753 = arith.addi %add3A_752, %mul3A_751 : i32
        %add3A_754 = vector.broadcast %add3A_753 : i32 to vector<16xi32>
        %add3A_755 = arith.addi %get3A_448, %add3A_754 : vector<16xi32>
        %gather3A_756 = arith.constant 0 : i32
        %gather3A_757 = arith.constant 0 : i32
        %gather3A_758 = tpu.memref_slice %arg8[%and3A_340, %gather3A_756, %gather3A_757] : memref<2x128x128xf32, #tpu.memory_space<vmem>> -> memref<1x128x128xf32, #tpu.memory_space<vmem>>
        %gather3A_759 = tpu.memref_squeeze %gather3A_758 : memref<1x128x128xf32, #tpu.memory_space<vmem>> -> memref<128x128xf32, #tpu.memory_space<vmem>>
        %gather3A_760 = tpu.vector_load_idx %gather3A_759[%add3A_445, %add3A_755] : memref<128x128xf32, #tpu.memory_space<vmem>>[vector<16xi32>, vector<16xi32>], vector<16xf32>,
        %swap3A_761 = arith.index_cast %and3A_340 : i32 to index
        %swap3A_762 = arith.index_cast %add3A_753 : i32 to index
        %swap3A_763 = arith.constant 112 : index
        %swap3A_764 = tpu.vector_load %arg9[%swap3A_761, %swap3A_762, %swap3A_763] {strides = array<i32>} : memref<2x64x128xf32, #tpu.memory_space<vmem>>, vector<16xf32>,
        tpu.vector_store %arg9[%swap3A_761, %swap3A_762, %swap3A_763], %gather3A_760 {strides = array<i32>} : memref<2x64x128xf32, #tpu.memory_space<vmem>>, vector<16xf32>,
        %scan3A_765 = arith.constant 15 : i32
        %scan3A_766 = arith.addi %scan3A_512, %scan3A_765 : i32
        %mul3A_767 = arith.constant 1 : i32
        %mul3A_768 = arith.muli %scan3A_766, %mul3A_767 : i32
        %add3A_769 = arith.constant 0 : i32
        %add3A_770 = arith.addi %add3A_769, %mul3A_768 : i32
        %add3A_771 = vector.broadcast %add3A_770 : i32 to vector<16xi32>
        %add3A_772 = arith.addi %get3A_448, %add3A_771 : vector<16xi32>
        %gather3A_773 = arith.constant 0 : i32
        %gather3A_774 = arith.constant 0 : i32
        %gather3A_775 = tpu.memref_slice %arg8[%and3A_340, %gather3A_773, %gather3A_774] : memref<2x128x128xf32, #tpu.memory_space<vmem>> -> memref<1x128x128xf32, #tpu.memory_space<vmem>>
        %gather3A_776 = tpu.memref_squeeze %gather3A_775 : memref<1x128x128xf32, #tpu.memory_space<vmem>> -> memref<128x128xf32, #tpu.memory_space<vmem>>
        %gather3A_777 = tpu.vector_load_idx %gather3A_776[%add3A_445, %add3A_772] : memref<128x128xf32, #tpu.memory_space<vmem>>[vector<16xi32>, vector<16xi32>], vector<16xf32>,
        %swap3A_778 = arith.index_cast %and3A_340 : i32 to index
        %swap3A_779 = arith.index_cast %add3A_770 : i32 to index
        %swap3A_780 = arith.constant 112 : index
        %swap3A_781 = tpu.vector_load %arg9[%swap3A_778, %swap3A_779, %swap3A_780] {strides = array<i32>} : memref<2x64x128xf32, #tpu.memory_space<vmem>>, vector<16xf32>,
        tpu.vector_store %arg9[%swap3A_778, %swap3A_779, %swap3A_780], %gather3A_777 {strides = array<i32>} : memref<2x64x128xf32, #tpu.memory_space<vmem>>, vector<16xf32>,
      }
      %scan3A_453 = arith.constant 64 : i32
      %mul3A_454 = arith.constant 26 : i32
      %mul3A_455 = arith.muli %add3A, %mul3A_454 : i32
      %add3A_456 = arith.addi %mul3A_455, %add3A_338 : i32
      %jit3A_457 = arith.constant 32 : i32
      %div3A_458 = arith.divsi %add3A_456, %jit3A_457 : i32
      %sign3A_459 = arith.constant 0 : i32
      %sign3A_460 = arith.cmpi sgt, %add3A_456, %sign3A_459 : i32
      %sign3A_461 = arith.extui %sign3A_460 : i1 to i32
      %sign3A_462 = arith.constant 0 : i32
      %sign3A_463 = arith.cmpi slt, %add3A_456, %sign3A_462 : i32
      %sign3A_464 = arith.extui %sign3A_463 : i1 to i32
      %sign3A_465 = arith.subi %sign3A_461, %sign3A_464 : i32
      %sign3A_466 = arith.constant 0 : i32
      %sign3A_467 = arith.cmpi sgt, %jit3A_457, %sign3A_466 : i32
      %sign3A_468 = arith.extui %sign3A_467 : i1 to i32
      %sign3A_469 = arith.constant 0 : i32
      %sign3A_470 = arith.cmpi slt, %jit3A_457, %sign3A_469 : i32
      %sign3A_471 = arith.extui %sign3A_470 : i1 to i32
      %sign3A_472 = arith.subi %sign3A_468, %sign3A_471 : i32
      %ne3A_473 = arith.cmpi ne, %sign3A_465, %sign3A_472 : i32
      %rem3A_474 = arith.remsi %add3A_456, %jit3A_457 : i32
      %ne3A_475 = arith.constant 0 : i32
      %ne3A_476 = arith.cmpi ne, %rem3A_474, %ne3A_475 : i32
      %and3A_477 = arith.andi %ne3A_473, %ne3A_476 : i1
      %sub3A_478 = arith.constant 1 : i32
      %sub3A_479 = arith.subi %div3A_458, %sub3A_478 : i32
      %select_n3A_480 = arith.select %and3A_477, %sub3A_479, %div3A_458 : i32
      %jit3A_481 = arith.constant 32 : i32
      %eq3A = arith.constant 0 : i32
      %eq3A_482 = arith.cmpi eq, %jit3A_481, %eq3A : i32
      %jit3A_483 = arith.constant 1 : i32
      %select_n3A_484 = arith.select %eq3A_482, %jit3A_483, %jit3A_481 : i32
      %rem3A_485 = arith.remsi %add3A_456, %select_n3A_484 : i32
      %ne3A_486 = arith.constant 0 : i32
      %ne3A_487 = arith.cmpi ne, %rem3A_485, %ne3A_486 : i32
      %lt3A_488 = arith.constant 0 : i32
      %lt3A_489 = arith.cmpi slt, %rem3A_485, %lt3A_488 : i32
      %lt3A_490 = arith.constant 0 : i32
      %lt3A_491 = arith.cmpi slt, %select_n3A_484, %lt3A_490 : i32
      %ne3A_492 = arith.xori %lt3A_489, %lt3A_491 : i1
      %and3A_493 = arith.andi %ne3A_492, %ne3A_487 : i1
      %add3A_494 = arith.addi %rem3A_485, %select_n3A_484 : i32
      %select_n3A_495 = arith.select %and3A_493, %add3A_494, %rem3A_485 : i32
      %mul3A_496 = arith.constant 128 : i32
      %mul3A_497 = arith.muli %select_n3A_495, %mul3A_496 : i32
      %dma_start3A_498 = arith.constant 0 : i32
      %dma_start3A_499 = arith.constant 0 : i32
      %dma_start3A_500 = tpu.memref_slice %arg9[%and3A_340, %dma_start3A_498, %dma_start3A_499] : memref<2x64x128xf32, #tpu.memory_space<vmem>> -> memref<1x64x128xf32, #tpu.memory_space<vmem>>
      %dma_start3A_501 = tpu.memref_squeeze %dma_start3A_500 : memref<1x64x128xf32, #tpu.memory_space<vmem>> -> memref<64x128xf32, #tpu.memory_space<vmem>>
      %dma_start3A_502 = arith.constant 0 : i32
      %dma_start3A_503 = tpu.memref_slice %arg4[%select_n3A_480, %dma_start3A_502, %mul3A_497] : memref<26x64x4096xf32, #tpu.memory_space<hbm>> -> memref<1x64x128xf32, #tpu.memory_space<hbm>>
      %dma_start3A_504 = tpu.memref_squeeze %dma_start3A_503 : memref<1x64x128xf32, #tpu.memory_space<hbm>> -> memref<64x128xf32, #tpu.memory_space<hbm>>
      %dma_start3A_505 = arith.constant 0 : i32
      %dma_start3A_506 = tpu.memref_slice %arg4[%select_n3A_480, %dma_start3A_505, %mul3A_497] : memref<26x64x4096xf32, #tpu.memory_space<hbm>> -> memref<1x64x128xf32, #tpu.memory_space<hbm>>
      %dma_start3A_507 = tpu.memref_squeeze %dma_start3A_506 : memref<1x64x128xf32, #tpu.memory_space<hbm>> -> memref<64x128xf32, #tpu.memory_space<hbm>>
      %dma_start3A_508 = arith.constant 0 : i32
      %dma_start3A_509 = arith.constant 0 : i32
      %dma_start3A_510 = tpu.memref_slice %arg9[%and3A_340, %dma_start3A_508, %dma_start3A_509] : memref<2x64x128xf32, #tpu.memory_space<vmem>> -> memref<1x64x128xf32, #tpu.memory_space<vmem>>
      %dma_start3A_511 = tpu.memref_squeeze %dma_start3A_510 : memref<1x64x128xf32, #tpu.memory_space<vmem>> -> memref<64x128xf32, #tpu.memory_space<vmem>>
      tpu.enqueue_dma source(%dma_start3A_511 : memref<64x128xf32, #tpu.memory_space<vmem>>) target(%dma_start3A_507 : memref<64x128xf32, #tpu.memory_space<hbm>>) target_semaphore(%arg11 : memref<!tpu.dma_semaphore, #tpu.memory_space<semaphore_mem>>)
    }
    %scan3A_298 = arith.constant 26 : i32
    %dma_wait3A = arith.constant 0 : i32
    %dma_wait3A_299 = arith.constant 0 : i32
    %dma_wait3A_300 = arith.constant 0 : i32
    %dma_wait3A_301 = arith.constant 0 : i32
    %dma_wait3A_302 = tpu.memref_slice %arg9[%dma_wait3A, %dma_wait3A_300, %dma_wait3A_301] : memref<2x64x128xf32, #tpu.memory_space<vmem>> -> memref<1x64x128xf32, #tpu.memory_space<vmem>>
    %dma_wait3A_303 = tpu.memref_squeeze %dma_wait3A_302 : memref<1x64x128xf32, #tpu.memory_space<vmem>> -> memref<64x128xf32, #tpu.memory_space<vmem>>
    %dma_wait3A_304 = arith.constant 0 : i32
    %dma_wait3A_305 = arith.constant 0 : i32
    %dma_wait3A_306 = tpu.memref_slice %arg4[%dma_wait3A_299, %dma_wait3A_304, %dma_wait3A_305] : memref<26x64x4096xf32, #tpu.memory_space<hbm>> -> memref<1x64x128xf32, #tpu.memory_space<hbm>>
    %dma_wait3A_307 = tpu.memref_squeeze %dma_wait3A_306 : memref<1x64x128xf32, #tpu.memory_space<hbm>> -> memref<64x128xf32, #tpu.memory_space<hbm>>
    %dma_wait3A_308 = arith.constant 0 : i32
    %dma_wait3A_309 = arith.constant 0 : i32
    %dma_wait3A_310 = tpu.memref_slice %arg4[%dma_wait3A_299, %dma_wait3A_308, %dma_wait3A_309] : memref<26x64x4096xf32, #tpu.memory_space<hbm>> -> memref<1x64x128xf32, #tpu.memory_space<hbm>>
    %dma_wait3A_311 = tpu.memref_squeeze %dma_wait3A_310 : memref<1x64x128xf32, #tpu.memory_space<hbm>> -> memref<64x128xf32, #tpu.memory_space<hbm>>
    %dma_wait3A_312 = arith.constant 0 : i32
    %dma_wait3A_313 = arith.constant 0 : i32
    %dma_wait3A_314 = tpu.memref_slice %arg9[%dma_wait3A, %dma_wait3A_312, %dma_wait3A_313] : memref<2x64x128xf32, #tpu.memory_space<vmem>> -> memref<1x64x128xf32, #tpu.memory_space<vmem>>
    %dma_wait3A_315 = tpu.memref_squeeze %dma_wait3A_314 : memref<1x64x128xf32, #tpu.memory_space<vmem>> -> memref<64x128xf32, #tpu.memory_space<vmem>>
    tpu.wait_dma2 semaphore(%arg11 : memref<!tpu.dma_semaphore, #tpu.memory_space<semaphore_mem>>) src(%dma_wait3A_315 : memref<64x128xf32, #tpu.memory_space<vmem>>) dst(%dma_wait3A_311 : memref<64x128xf32, #tpu.memory_space<hbm>>)
    %dma_wait3A_316 = arith.constant 1 : i32
    %dma_wait3A_317 = arith.constant 0 : i32
    %dma_wait3A_318 = arith.constant 0 : i32
    %dma_wait3A_319 = arith.constant 0 : i32
    %dma_wait3A_320 = tpu.memref_slice %arg9[%dma_wait3A_316, %dma_wait3A_318, %dma_wait3A_319] : memref<2x64x128xf32, #tpu.memory_space<vmem>> -> memref<1x64x128xf32, #tpu.memory_space<vmem>>
    %dma_wait3A_321 = tpu.memref_squeeze %dma_wait3A_320 : memref<1x64x128xf32, #tpu.memory_space<vmem>> -> memref<64x128xf32, #tpu.memory_space<vmem>>
    %dma_wait3A_322 = arith.constant 0 : i32
    %dma_wait3A_323 = arith.constant 0 : i32
    %dma_wait3A_324 = tpu.memref_slice %arg4[%dma_wait3A_317, %dma_wait3A_322, %dma_wait3A_323] : memref<26x64x4096xf32, #tpu.memory_space<hbm>> -> memref<1x64x128xf32, #tpu.memory_space<hbm>>
    %dma_wait3A_325 = tpu.memref_squeeze %dma_wait3A_324 : memref<1x64x128xf32, #tpu.memory_space<hbm>> -> memref<64x128xf32, #tpu.memory_space<hbm>>
    %dma_wait3A_326 = arith.constant 0 : i32
    %dma_wait3A_327 = arith.constant 0 : i32
    %dma_wait3A_328 = tpu.memref_slice %arg4[%dma_wait3A_317, %dma_wait3A_326, %dma_wait3A_327] : memref<26x64x4096xf32, #tpu.memory_space<hbm>> -> memref<1x64x128xf32, #tpu.memory_space<hbm>>
    %dma_wait3A_329 = tpu.memref_squeeze %dma_wait3A_328 : memref<1x64x128xf32, #tpu.memory_space<hbm>> -> memref<64x128xf32, #tpu.memory_space<hbm>>
    %dma_wait3A_330 = arith.constant 0 : i32
    %dma_wait3A_331 = arith.constant 0 : i32
    %dma_wait3A_332 = tpu.memref_slice %arg9[%dma_wait3A_316, %dma_wait3A_330, %dma_wait3A_331] : memref<2x64x128xf32, #tpu.memory_space<vmem>> -> memref<1x64x128xf32, #tpu.memory_space<vmem>>
    %dma_wait3A_333 = tpu.memref_squeeze %dma_wait3A_332 : memref<1x64x128xf32, #tpu.memory_space<vmem>> -> memref<64x128xf32, #tpu.memory_space<vmem>>
    tpu.wait_dma2 semaphore(%arg11 : memref<!tpu.dma_semaphore, #tpu.memory_space<semaphore_mem>>) src(%dma_wait3A_333 : memref<64x128xf32, #tpu.memory_space<vmem>>) dst(%dma_wait3A_329 : memref<64x128xf32, #tpu.memory_space<hbm>>)
    return
  }
}

module attributes {stable_mosaic.version = 14 : i64} {
  func.func @_transpose_body(%arg0: i32, %arg1: i32, %arg2: memref<1x64x8192xf32, #tpu.memory_space<vmem>>, %arg3: memref<1x4096x128xf32, #tpu.memory_space<vmem>>) attributes {dimension_semantics = [#tpu.dimension_semantics<arbitrary>, #tpu.dimension_semantics<arbitrary>], iteration_bounds = array<i64: 26, 13>, scalar_prefetch = 0 : i64, scratch_operands = 0 : i64, tpu.core_type = #tpu.core_type<tc>, window_params = [{transform_indices = @transform_0, window_bounds = array<i64: 1, 64, 8192>}, {transform_indices = @transform_1, window_bounds = array<i64: 1, 4096, 128>}]} {
    %get3A = arith.constant 0 : index
    %get3A_0 = arith.constant 0 : index
    %get3A_1 = arith.constant 0 : index
    %get3A_2 = vector.load %arg2[%get3A, %get3A_0, %get3A_1] : memref<1x64x8192xf32, #tpu.memory_space<vmem>>, vector<1x64x8192xf32>
    %get3A_3 = vector.shape_cast %get3A_2 : vector<1x64x8192xf32> to vector<64x8192xf32>
    %transpose3A = tpu.transpose %get3A_3, [1, 0] : vector<64x8192xf32> -> vector<8192x64xf32>
    %slice3A = vector.extract_strided_slice %transpose3A {offsets = [0, 0], sizes = [4096, 64], strides = [1, 1]} : vector<8192x64xf32> to vector<4096x64xf32>
    %slice3A_4 = vector.extract_strided_slice %transpose3A {offsets = [4096, 0], sizes = [4096, 64], strides = [1, 1]} : vector<8192x64xf32> to vector<4096x64xf32>
    %concatenate3A = tpu.concatenate %slice3A, %slice3A_4 in 1 : vector<4096x64xf32>, vector<4096x64xf32> -> vector<4096x128xf32>
    %swap3A = arith.constant 0 : index
    %swap3A_5 = arith.constant 0 : index
    %swap3A_6 = arith.constant 0 : index
    %swap3A_7 = vector.load %arg3[%swap3A, %swap3A_5, %swap3A_6] : memref<1x4096x128xf32, #tpu.memory_space<vmem>>, vector<1x4096x128xf32>
    %swap3A_8 = vector.shape_cast %swap3A_7 : vector<1x4096x128xf32> to vector<4096x128xf32>
    %swap3A_9 = vector.shape_cast %concatenate3A : vector<4096x128xf32> to vector<1x4096x128xf32>
    tpu.vector_store %arg3[%swap3A, %swap3A_5, %swap3A_6], %swap3A_9 {strides = array<i32>} : memref<1x4096x128xf32, #tpu.memory_space<vmem>>, vector<1x4096x128xf32>,
    return
  }
  func.func @transform_0(%arg0: i32, %arg1: i32) -> (i32, i32, i32) {
    %c0_i32 = arith.constant 0 : i32
    %c0_i32_0 = arith.constant 0 : i32
    return %arg0, %c0_i32, %arg1 : i32, i32, i32
  }
  func.func @transform_1(%arg0: i32, %arg1: i32) -> (i32, i32, i32) {
    %c0_i32 = arith.constant 0 : i32
    %c0_i32_0 = arith.constant 0 : i32
    return %arg0, %arg1, %c0_i32 : i32, i32, i32
  }
}

</mosaic_0001>

<sc_bundles>
// kernel: kernel.4.cloned.1.call-start
scs
__scs_entry_jumppad:
0x0: {  	(pc) =	sbr.rel $0x88, $3  }
0x1: {  	(tag) =	ssettag $0x0;
	lr =	simm.s32 $0x1  }
0x2: {  	[smem:$0x3F9F] =	sst lr;
	_ =	strace $0xD0000000  }
0x3: {  	_ = 	snop  }
0x4: {  	_ = 	snop  }
0x5: {  	_ = 	snop  }
0x6: {  	_ = 	snop  }
0x7: {  	_ = 	snop  }
__scs_overlays_trampoline_lowered:
0x8: {  	[smem:$0x3FAE] =	sst s0  }
0x9: {  	[smem:$0x3FAF] =	sst s1  }
0xa: {  	[smem:$0x3FB0] =	sst s2  }
0xb: {  	[smem:$0x3FB1] =	sst s3  }
0xc: {  	[smem:$0x3FB2] =	sst s4  }
0xd: {  	[smem:$0x3FB3] =	sst s5  }
0xe: {  	[smem:$0x3FB4] =	sst s6  }
0xf: {  	[smem:$0x3FB5] =	sst s7  }
0x10: {  	[smem:$0x3FB6] =	sst s8  }
0x11: {  	[smem:$0x3FB7] =	sst s9;
	s0 =	simm.s32 @!p0 $0x0  }
0x12: {  	s1 =	sld [smem:$0x3F9D];
	s0 =	simm.s32 @p0 $0x1  }
0x13: {  	[smem:$0x3FB8] =	sst s0;
	s0 =	simm.s32 @!p1 $0x0  }
0x14: {  	s2 =	sld [smem:$0x3F9C];
	s0 =	simm.s32 @p1 $0x1  }
0x15: {  	[smem:$0x3FB9] =	sst s0;
	s0 =	simm.s32 @!p2 $0x0  }
0x16: {  	s3 =	sld [smem:$0x3FDB];
	s0 =	simm.s32 @p2 $0x1  }
0x17: {  	s4 =	simm.s32 $0x1BF5;
	[smem:$0x3FBB] =	sst s0  }
0x18: {  	s0 =	sld [smem:$0x3F9E];
	_ =	swait.ge [sflag:s4], $0x0  }
0x19: {  	s7 =	sld [smem:$0x3F9F]  }
0x1a: {  	s8 =	sadd.s32 $0xFFFFE003, lr  }
0x1b: {  	s9 =	sadd.s32 $0xFFFFFEF7, lr;
	s5 =	simm.s32 $0xFFFFFFFF;
	p2 =	slt.u32 s8, $0xFFFFF086  }
0x1c: {  	p1 =	slt.u32 s9, $0xF7A;
	s5 =	simm.s32 @!p2 $0x0  }
0x1d: {  	s5 =	simm.s32 @p1 $0x1;
	p0 =	seq.s32 s7, s2  }
0x1e: {  	s7 =	smul.u32 @!p0 $0xF7A, s2;
	p2 =	seq.s32 @!p0 s5, $0x0  }
0x1f: {  	s9 =	smul.u32 $0xF7A, s1;
	s8 =	simm.s32 @!p0 $0x1BF5;
	p2 =	por !p2, p0  }
0x20: {  	[sflag:s8] =	ssyncset.s32 @!p0 $0xFFFFF086;
	s6 =	sadd.s32 @!p0 s3, s7;
	s7 =	simm.s32 @!p0 $0x108  }
0x21: {  	s3 =	sadd.s32 s3, s9;
	s6 =	sadd.s32 @!p0 $0x88, s6;
	s7 =	simm.s32 @p2 $0x1082  }
0x22: {  	[simem:s7], [sflag:s8] =	dma.local @!p0 [hbm:s6], $0xF7A  }
0x23: {  	s9 =	sor.u32 $0xD0000000, s2;
	s6 =	simm.s32 $0x108;
	_ =	swait.ge @!p0 [sflag:s8], $0x0  }
0x24: {  	s3 =	sadd.s32 $0x88, s3;
	s6 =	simm.s32 @!p1 $0x1082;
	[sflag:s4] =	ssyncset.s32 $0xFFFFF086  }
0x25: {  	[simem:s6], [sflag:s4] =	dma.local [hbm:s3], $0xF7A  }
0x26: {  	[smem:$0x3F9F] =	sst s1;
	(tag) =	ssettag s2;
	_ =	strace s9  }
0x27: {  	s1 =	sld [smem:$0x3FAF]  }
0x28: {  	s2 =	sld [smem:$0x3FB0]  }
0x29: {  	s4 =	sld [smem:$0x3FB2]  }
0x2a: {  	p0 =	seq.s32 s5, $0x0;
	s5 =	sld [smem:$0x3FB3]  }
0x2b: {  	s6 =	sld [smem:$0x3FB4]  }
0x2c: {  	s7 =	sld [smem:$0x3FB5]  }
0x2d: {  	s3 =	simm.s32 $0x108;
	s8 =	sld [smem:$0x3FB6]  }
0x2e: {  	s3 =	simm.s32 @!p0 $0x1082;
	s9 =	sld [smem:$0x3FB7]  }
0x2f: {  	lr =	sadd.s32 s0, s3;
	s0 =	sld [smem:$0x3FAE]  }
0x30: {  	s3 =	sld [smem:$0x3FB1]  }
0x31: {  	[smem:$0x3FBA] =	sst s10  }
0x32: {  	s10 =	sld [smem:$0x3FB8];
	_ =	sdelay $0x3  }
0x33: {  	p0 =	seq.s32 s10, $0x1;
	s10 =	sld [smem:$0x3FBA];
	_ =	sdelay $0x3  }
0x34: {  	[smem:$0x3FBA] =	sst s10  }
0x35: {  	s10 =	sld [smem:$0x3FB9];
	_ =	sdelay $0x3  }
0x36: {  	p1 =	seq.s32 s10, $0x1;
	s10 =	sld [smem:$0x3FBA];
	_ =	sdelay $0x3  }
0x37: {  	[smem:$0x3FBA] =	sst s10  }
0x38: {  	s10 =	sld [smem:$0x3FBB]  }
0x39: {  	_ = 	snop;
	(pc) =	sbr.ind lr, $3  }
0x3a: {  	_ = 	snop  }
0x3b: {  	_ = 	snop  }
0x3c: {  	p2 =	seq.s32 s10, $0x1;
	s10 =	sld [smem:$0x3FBA]  }
0x3d: {  	_ =	shalt  }
0x3e: {  	_ =	shalt  }
0x3f: {  	_ =	shalt  }
0x40: {  	_ =	shalt  }
0x41: {  	_ =	shalt  }
0x42: {  	_ =	shalt  }
0x43: {  	_ =	shalt  }
0x44: {  	_ =	shalt  }
0x45: {  	_ =	shalt  }
0x46: {  	_ =	shalt  }
0x47: {  	_ =	shalt  }
0x48: {  	_ =	shalt  }
0x49: {  	_ =	shalt  }
0x4a: {  	_ =	shalt  }
0x4b: {  	_ =	shalt  }
0x4c: {  	_ =	shalt  }
0x4d: {  	_ =	shalt  }
0x4e: {  	_ =	shalt  }
0x4f: {  	_ =	shalt  }
0x50: {  	_ =	shalt  }
0x51: {  	_ =	shalt  }
0x52: {  	_ =	shalt  }
0x53: {  	_ =	shalt  }
0x54: {  	_ =	shalt  }
0x55: {  	_ =	shalt  }
0x56: {  	_ =	shalt  }
0x57: {  	_ =	shalt  }
0x58: {  	_ =	shalt  }
0x59: {  	_ =	shalt  }
0x5a: {  	_ =	shalt  }
0x5b: {  	_ =	shalt  }
0x5c: {  	_ =	shalt  }
0x5d: {  	_ =	shalt  }
0x5e: {  	_ =	shalt  }
0x5f: {  	_ =	shalt  }
0x60: {  	_ =	shalt  }
0x61: {  	_ =	shalt  }
0x62: {  	_ =	shalt  }
0x63: {  	_ =	shalt  }
0x64: {  	_ =	shalt  }
0x65: {  	_ =	shalt  }
0x66: {  	_ =	shalt  }
0x67: {  	_ =	shalt  }
0x68: {  	_ =	shalt  }
0x69: {  	_ =	shalt  }
0x6a: {  	_ =	shalt  }
0x6b: {  	_ =	shalt  }
0x6c: {  	_ =	shalt  }
0x6d: {  	_ =	shalt  }
0x6e: {  	_ =	shalt  }
0x6f: {  	_ =	shalt  }
0x70: {  	_ =	shalt  }
0x71: {  	_ =	shalt  }
0x72: {  	_ =	shalt  }
0x73: {  	_ =	shalt  }
0x74: {  	_ =	shalt  }
0x75: {  	_ =	shalt  }
0x76: {  	_ =	shalt  }
0x77: {  	_ =	shalt  }
0x78: {  	_ =	shalt  }
0x79: {  	_ =	shalt  }
0x7a: {  	_ =	shalt  }
0x7b: {  	_ =	shalt  }
0x7c: {  	_ =	shalt  }
0x7d: {  	_ =	shalt  }
0x7e: {  	_ =	shalt  }
0x7f: {  	_ =	shalt  }
0x80: {  	_ =	shalt  }
0x81: {  	_ =	shalt  }
0x82: {  	_ =	shalt  }
0x83: {  	_ =	shalt  }
0x84: {  	_ =	shalt  }
0x85: {  	_ =	shalt  }
0x86: {  	_ =	shalt  }
0x87: {  	_ =	shalt  }
.Lfunc_end0:
.L_simem_size_0:
called_computation_lowered:
.L_overlay_start_0:
0x88: {  	s2 =	sld [smem:$0x3FD9]  }
0x89: {  	s3 =	sld [smem:$0x3FFE];
	_ =	sdelay $0x1  }
0x8a: {  	s1 =	srdreg.scid  }
0x8b: {  	s0 =	sand.u32 $0x1, s1  }
0x8c: {  	s17 =	sshll.u32 s0, $0xA;
	s2 =	sadd.s32 s3, s2  }
0x8d: {  	s2 =	sadd.s32 s2, s17  }
0x8e: {  	[smem:$0x3FC6] =	sst s2  }
0x8f: {  	_ = 	snop  }
0x90: {  	s2 =	sld [smem:$0x3FD0];
	(tm) =	ssettm $0x1  }
0x91: {  	s18 =	sld [smem:$0x3FFB];
	_ =	sdelay $0x3  }
0x92: {  	_ =	strace s18  }
0x93: {  	s3 =	sld [smem:$0x3FFC];
	_ =	sdelay $0x3  }
0x94: {  	_ =	strace s3  }
0x95: {  	s3 =	sld [smem:$0x3FFD];
	_ =	sdelay $0x3  }
0x96: {  	_ =	strace s3  }
0x97: {  	_ =	strace $0x8FFFFFFF  }
0x98: {  	s19 =	sld [smem:$0x3FDB];
	_ =	sdelay $0x1  }
0x99: {  	s4 =	simm.s32 $_scs_section_size  }
0x9a: {  	s5 =	simm.s32 $_size__tile_overlayer_lowered;
	s6 =	simm.s32 $_tile_overlayer_lowered  }
0x9b: {  	s22 =	simm.s32 $0x1BFF;
	s21 =	sshll.u32 s6, $0x1;
	s3 =	sadd.s32 s4, s19  }
0x9c: {  	s7 =	simm.s32 $0x0;
	s20 =	sshll.u32 s5, $0x1;
	s5 =	sadd.s32 s21, s3  }
0x9d: {  	[timem:s7], [sflag:s22] =	dma.local [hbm:s5], s20  }
0x9e: {  	_ =	swait.ge [sflag:s22], s20  }
0x9f: {  	s4 =	ssub.s32 $0x0, s20;
	[sflag:s22] =	ssyncset.done $0x0  }
0xa0: {  	[sflag:s22] =	ssyncadd.s32 s4;
	_ =	sdelay $0x1  }
0xa1: {  	s23 =	simm.s32 $0x1B8B  }
0xa2: {  	_ =	swait.ge [sflag:s23], $0x1  }
0xa3: {  	[sflag:s23] =	ssyncset.done $0x0  }
0xa4: {  	s25 =	simm.s32 $0x1B8E;
	s24 =	sld [smem:$0x3FFE];
	[sflag:s23] =	ssyncadd.s32 $0xFFFFFFFF  }
0xa5: {  	s26 =	simm.s32 $execute0_lowered;
	[smem:$0x3FD2] =	sst s25  }
0xa6: {  	s5 =	sshll.u32 s26, $0x1;
	_ =	strace $0x80000046;
	[dreg:$0x1] =	wrdreg $0xFFFFFFFF  }
0xa7: {  	s28 =	simm.s32 $_size_execute0_lowered;
	s3 =	sadd.s32 s3, s5;
	[dreg:$0x0] =	wrdreg $0x0  }
0xa8: {  	s5 =	sshll.u32 s28, $0x1;
	[dreg:$0x2] =	wrdreg s3  }
0xa9: {  	[dreg:$0x3] =	wrdreg s5  }
0xaa: {  	[dreg:$0x4] =	wrdreg $0xC0  }
0xab: {  	_ =	task [dreg:s7], $0x5FFFF  }
0xac: {  	[dreg:$0x1] =	wrdreg $0xFFFFFFFF  }
0xad: {  	[dreg:$0x0] =	wrdreg $0x60  }
0xae: {  	[dreg:$0x2] =	wrdreg s24  }
0xaf: {  	[dreg:$0x3] =	wrdreg s2  }
0xb0: {  	[dreg:$0x4] =	wrdreg $0x9  }
0xb1: {  	_ =	task.clear_ibuf [dreg:s7], $0x5FFFF;
	_ =	strace $0x90000046  }
0xb2: {  	s29 =	simm.s32 $0x9;
	_ =	strace $0x80000048  }
0xb3: {  	_ =	swait.ge [sflag:s29], $0x1  }
0xb4: {  	[sflag:s29] =	ssyncadd.s32 $0xFFFFFFFF  }
0xb5: {  	_ =	strace $0x90000048  }
0xb6: {  	_ =	sfence  }
0xb7: {  	s30 =	sld [smem:$0x0];
	_ =	sdelay $0x2  }
0xb8: {  	s31 =	sshll.u32 s1, $0xD;
	s1 =	sshrl.u32 s1, $0x2  }
0xb9: {  	s3 =	sand.u32 $0x4000, s31;
	s1 =	sadd.s32 s1, s30  }
0xba: {  	s0 =	sor.u32 s3, s0;
	s1 =	sshll.u32 s1, $0x11  }
0xbb: {  	s0 =	sor.u32 s1, s0  }
0xbc: {  	s0 =	sadd.s32 $0x8F2B, s0  }
0xbd: {  	[sflag:s0] =	ssyncadd.remote.s32 $0x1  }
0xbe: {  	_ =	sfence.sel $0xFFFF  }
0xbf: {  	[dreg:$0x0] =	wrdreg $0xFFFFFFFF;
	(pc) =	sbr.abs _section_cstart, $3  }
0xc0: {  	[dreg:$0x1] =	wrdreg $0xFFFFFFFF  }
0xc1: {  	_ =	task.clear_ibuf [dreg:s7], $0x2FFFF;
	_ =	strace $0x9FFFFFFF  }
0xc2: {  	(tm) =	ssettm $0x7FFFFFFF  }
0xc3: {  	_ =	shalt  }
tec
execute0_lowered:
.L_overlay_start_1:
0x0: {  	(tag) =	ssettag $0x1  }
0x1: {  	s1 =	rddreg [dreg:$0x0]  }
0x2: {  	s3 =	srdreg.scid;
	s0 =	stileid.u32  }
0x3: {  	s2 =	rddreg [dreg:$0x1];
	s9 =	simm.s32 $0x80;
	s10 =	simm.s32 $0x1000  }
0x4: {  	s11 =	simm.s32 $0x1200;
	s5 =	sand.u32 $0x1, s3;
	s4 =	sshll.u32 s0, $0x1  }
0x5: {  	s12 =	simm.s32 $0x1;
	s13 =	simm.s32 $0x400;
	s6 =	sor.u32 s5, s4  }
0x6: {  	v0 =	vlaneseq.u32;
	s14 =	simm.s32 $0x8000;
	s3 =	simm.s32 $0x0;
	s4 =	smul.u32 $0x1A, s6  }
0x7: {  	s15 =	simm.s32 $0x2;
	s16 =	simm.s32 $0x0;
	v0 =	vmul.u32 $0x80, v0;
	[smem:$0x7FF] =	sst s3  }
0x8: {  	s5 =	ssub.s32 $0x2, s5;
	_ =	strace $0x80000047;
	s8 =	sshrl.u32 s4, $0x5  }
0x9: {  	s6 =	sshll.u32 s6, $0x9;
	s7 =	sshrl.u32 s5, $0x1;
	v2 =	vor.u32 $0x800, v0;
	v3 =	vor.u32 $0x1000, v0;
	s8 =	smul.u32 $0xD000, s8  }
0xa: {  	v4 =	vor.u32 $0x1800, v0;
	v5 =	vor.u32 $0x2000, v0;
	v6 =	vor.u32 $0x2800, v0;
	s6 =	sadd.s32 s6, s1;
	s7 =	ssub.s32 s5, s7;
	s5 =	sadd.s32 $0x4400, s1  }
0xb: {  	v7 =	vor.u32 $0x3000, v0;
	v8 =	vor.u32 $0x3800, v0;
	s6 =	sadd.s32 $0x400, s6;
	s7 =	smax.u32 s7, $0x1;
	v1 =	vmov s8;
	s8 =	simm.s32 $0x3  }
.LBB2_1:
0xc: {  	[tilespmem:s3], [sflag:$0x3] =	stream.linear.gather [hbm4b:s6+s3], $0xD00, $0x38;
	[tilespmem:$0xD200] =	vst v63  }
0xd: {  	_ =	swait.ge [sflag:s8], $0xD00  }
0xe: {  	[sflag:s8] =	ssyncset.done $0x0  }
0xf: {  	[sflag:s8] =	ssyncadd.s32 $0xFFFFF300  }
0x10: {  	v9 =	vld [tilespmem:$0x0]  }
0x11: {  	v10 =	vld [tilespmem:$0x10]  }
0x12: {  	v12 =	vld [tilespmem:$0x20]  }
0x13: {  	v16 =	vld [tilespmem:$0x30]  }
0x14: {  	v49 =	vld [tilespmem:$0x40]  }
0x15: {  	v53 =	vld [tilespmem:$0x50]  }
0x16: {  	v11 =	vshrl.u32 v9, $0x1;
	v13 =	vand.u32 $0xFFF, v9  }
0x17: {  	v14 =	vshrl.u32 v10, $0x1;
	v15 =	vand.u32 $0xFFF, v10;
	v9 =	vshrl.u32 v9, $0x6  }
0x18: {  	v10 =	vshrl.u32 v10, $0x6;
	v50 =	vshrl.u32 v12, $0x1;
	v17 =	vand.u32 $0xFFF, v12  }
0x19: {  	v52 =	vshrl.u32 v16, $0x1;
	v54 =	vand.u32 $0xFFF, v16;
	v55 =	vshrl.u32 v49, $0x1  }
0x1a: {  	v56 =	vand.u32 $0xFFF, v49;
	v58 =	vshrl.u32 v53, $0x1;
	v9 =	vand.u32 $0x40, v9  }
0x1b: {  	v18 =	vld [tilespmem:$0x60];
	v11 =	vand.u32 $0x7FFFF000, v11;
	v13 =	vor.u32 v1, v13;
	v10 =	vand.u32 $0x40, v10;
	[tilespmem:$0x1100] =	vst v9  }
0x1c: {  	v14 =	vand.u32 $0x7FFFF000, v14;
	v15 =	vor.u32 v1, v15;
	v11 =	vadd.s32 v11, v13;
	[tilespmem:$0x1110] =	vst v10  }
0x1d: {  	v60 =	vld [tilespmem:$0x70];
	v51 =	vor.u32 v1, v17;
	v48 =	vadd.s32 v14, v15;
	[tilespmem:$0x1000] =	vst v11;
	v11 =	vand.u32 $0x7FFFF000, v50  }
0x1e: {  	v59 =	vand.u32 $0xFFF, v53;
	[tilespmem:$0x1010] =	vst v48;
	v9 =	vadd.s32 v11, v51;
	v11 =	vshrl.u32 v12, $0x6  }
0x1f: {  	v10 =	vor.u32 v1, v54;
	v12 =	vand.u32 $0x7FFFF000, v52;
	v11 =	vand.u32 $0x40, v11;
	[tilespmem:$0x1020] =	vst v9  }
0x20: {  	v62 =	vand.u32 $0xFFF, v18;
	v9 =	vshrl.u32 v16, $0x6;
	v10 =	vadd.s32 v12, v10;
	[tilespmem:$0x1120] =	vst v11  }
0x21: {  	v57 =	vor.u32 v1, v56;
	v13 =	vand.u32 $0x7FFFF000, v55;
	v9 =	vand.u32 $0x40, v9;
	[tilespmem:$0x1030] =	vst v10  }
0x22: {  	v63 =	vand.u32 $0xFFF, v60;
	v11 =	vadd.s32 v13, v57;
	v10 =	vshrl.u32 v49, $0x6;
	[tilespmem:$0x1130] =	vst v9  }
0x23: {  	v61 =	vor.u32 v1, v59;
	v9 =	vand.u32 $0x40, v10;
	v10 =	vand.u32 $0x7FFFF000, v58;
	[tilespmem:$0x1040] =	vst v11  }
0x24: {  	v11 =	vshrl.u32 v18, $0x1;
	v10 =	vadd.s32 v10, v61;
	[tilespmem:$0x1140] =	vst v9;
	v9 =	vshrl.u32 v53, $0x6  }
0x25: {  	v12 =	vor.u32 v1, v62;
	v11 =	vand.u32 $0x7FFFF000, v11;
	[tilespmem:$0x1050] =	vst v10;
	v9 =	vand.u32 $0x40, v9  }
0x26: {  	v10 =	vadd.s32 v11, v12;
	v11 =	vshrl.u32 v60, $0x1;
	[tilespmem:$0x1150] =	vst v9;
	v9 =	vshrl.u32 v18, $0x6  }
0x27: {  	[tilespmem:$0x1060] =	vst v10;
	v10 =	vand.u32 $0x7FFFF000, v11;
	v11 =	vor.u32 v1, v63;
	v9 =	vand.u32 $0x40, v9  }
0x28: {  	[tilespmem:$0x1160] =	vst v9;
	v9 =	vadd.s32 v10, v11;
	v10 =	vshrl.u32 v60, $0x6  }
0x29: {  	[tilespmem:$0x1070] =	vst v9;
	v9 =	vand.u32 $0x40, v10  }
0x2a: {  	p0 =	por $0x0, $0x0;
	s18 =	simm.s32 $0x0;
	[tilespmem:$0x1170] =	vst v9  }
0x2b: {  	[tilespmem:s11], [sflag:$0x1] =	stream.indirect.gather [hbm4b:s5+s9], $0x80, s10, s9, $0xb8;
	[tilespmem:$0xD200] =	vst v63  }
.LBB2_2:
0x2c: {  	p1 =	seq.s32 s18, $0x19  }
.Ltmp0:
0x2d: {  	_ = 	snop;
	(pc) =	sbr.rel @p1 .LBB2_4-.Ltmp0, $2  }
0x2e: {  	_ =	sdelay $0x2  }
0x2f: {  	s17 =	sadd.s32 $0x1, s18  }
0x30: {  	s1 =	sshll.u32 s17, $0x7  }
0x31: {  	s20 =	sand.u32 $0x3FFFFF80, s1  }
0x32: {  	v9 =	vld [tilespmem:s20+$0x0];
	_ =	sdelay $0x1  }
0x33: {  	s29 =	sadd.s32 s4, s17  }
0x34: {  	s1 =	sshrl.u32 s29, $0x5  }
0x35: {  	s19 =	smul.u32 $0xD000, s1  }
0x36: {  	s30 =	sand.u32 $0x1, s17;
	v10 =	vshrl.u32 v9, $0x1;
	v11 =	vand.u32 $0xFFF, v9;
	v9 =	vshrl.u32 v9, $0x6  }
0x37: {  	s21 =	sshll.u32 s30, $0x7;
	v10 =	vand.u32 $0x7FFFF000, v10;
	v11 =	vor.u32 s19, v11;
	v9 =	vand.u32 $0x40, v9  }
0x38: {  	v10 =	vadd.s32 v10, v11;
	[tilespmem:s21+$0x1100] =	vst v9  }
0x39: {  	[tilespmem:s21+$0x1000] =	vst v10  }
0x3a: {  	v9 =	vld [tilespmem:s20+$0x10];
	_ =	sdelay $0x4  }
0x3b: {  	v10 =	vshrl.u32 v9, $0x1;
	v11 =	vand.u32 $0xFFF, v9;
	v9 =	vshrl.u32 v9, $0x6  }
0x3c: {  	v10 =	vand.u32 $0x7FFFF000, v10;
	v11 =	vor.u32 s19, v11;
	v9 =	vand.u32 $0x40, v9  }
0x3d: {  	v10 =	vadd.s32 v10, v11;
	[tilespmem:s21+$0x1110] =	vst v9  }
0x3e: {  	[tilespmem:s21+$0x1010] =	vst v10  }
0x3f: {  	v9 =	vld [tilespmem:s20+$0x20];
	_ =	sdelay $0x4  }
0x40: {  	v10 =	vshrl.u32 v9, $0x1;
	v11 =	vand.u32 $0xFFF, v9;
	v9 =	vshrl.u32 v9, $0x6  }
0x41: {  	v10 =	vand.u32 $0x7FFFF000, v10;
	v11 =	vor.u32 s19, v11;
	v9 =	vand.u32 $0x40, v9  }
0x42: {  	v10 =	vadd.s32 v10, v11;
	[tilespmem:s21+$0x1120] =	vst v9  }
0x43: {  	[tilespmem:s21+$0x1020] =	vst v10  }
0x44: {  	v9 =	vld [tilespmem:s20+$0x30];
	_ =	sdelay $0x4  }
0x45: {  	v10 =	vshrl.u32 v9, $0x1;
	v11 =	vand.u32 $0xFFF, v9;
	v9 =	vshrl.u32 v9, $0x6  }
0x46: {  	v10 =	vand.u32 $0x7FFFF000, v10;
	v11 =	vor.u32 s19, v11;
	v9 =	vand.u32 $0x40, v9  }
0x47: {  	v10 =	vadd.s32 v10, v11;
	[tilespmem:s21+$0x1130] =	vst v9  }
0x48: {  	[tilespmem:s21+$0x1030] =	vst v10  }
0x49: {  	v9 =	vld [tilespmem:s20+$0x40];
	_ =	sdelay $0x4  }
0x4a: {  	v10 =	vshrl.u32 v9, $0x1;
	v11 =	vand.u32 $0xFFF, v9;
	v9 =	vshrl.u32 v9, $0x6  }
0x4b: {  	v10 =	vand.u32 $0x7FFFF000, v10;
	v11 =	vor.u32 s19, v11;
	v9 =	vand.u32 $0x40, v9  }
0x4c: {  	v10 =	vadd.s32 v10, v11;
	[tilespmem:s21+$0x1140] =	vst v9  }
0x4d: {  	[tilespmem:s21+$0x1040] =	vst v10  }
0x4e: {  	v9 =	vld [tilespmem:s20+$0x50];
	_ =	sdelay $0x4  }
0x4f: {  	v10 =	vshrl.u32 v9, $0x1;
	v11 =	vand.u32 $0xFFF, v9;
	v9 =	vshrl.u32 v9, $0x6  }
0x50: {  	v10 =	vand.u32 $0x7FFFF000, v10;
	v11 =	vor.u32 s19, v11;
	v9 =	vand.u32 $0x40, v9  }
0x51: {  	v10 =	vadd.s32 v10, v11;
	[tilespmem:s21+$0x1150] =	vst v9  }
0x52: {  	[tilespmem:s21+$0x1050] =	vst v10  }
0x53: {  	v9 =	vld [tilespmem:s20+$0x60];
	_ =	sdelay $0x4  }
0x54: {  	v10 =	vshrl.u32 v9, $0x1;
	v11 =	vand.u32 $0xFFF, v9;
	v9 =	vshrl.u32 v9, $0x6  }
0x55: {  	v10 =	vand.u32 $0x7FFFF000, v10;
	v11 =	vor.u32 s19, v11;
	v9 =	vand.u32 $0x40, v9  }
0x56: {  	v10 =	vadd.s32 v10, v11;
	[tilespmem:s21+$0x1160] =	vst v9  }
0x57: {  	[tilespmem:s21+$0x1060] =	vst v10  }
0x58: {  	v9 =	vld [tilespmem:s20+$0x70];
	_ =	sdelay $0x4  }
0x59: {  	v10 =	vshrl.u32 v9, $0x1;
	v11 =	vand.u32 $0xFFF, v9;
	v9 =	vshrl.u32 v9, $0x6  }
0x5a: {  	v10 =	vand.u32 $0x7FFFF000, v10;
	v11 =	vor.u32 s19, v11;
	v9 =	vand.u32 $0x40, v9  }
0x5b: {  	s1 =	sshll.u32 s30, $0xE;
	v10 =	vadd.s32 v10, v11;
	[tilespmem:s21+$0x1170] =	vst v9  }
0x5c: {  	s31 =	sor.u32 $0x1000, s21;
	s1 =	sor.u32 $0x1200, s1;
	[tilespmem:s21+$0x1070] =	vst v10  }
0x5d: {  	[tilespmem:s1], [sflag:$0x1] =	stream.indirect.gather [hbm4b:s5+s9], $0x80, s31, s9, $0xb8;
	[tilespmem:$0xD200] =	vst v63  }
.LBB2_4:
0x5e: {  	_ =	swait.ge [sflag:s12], $0x4000  }
0x5f: {  	p1 =	slt.u32 s18, $0x2;
	[sflag:s12] =	ssyncset.done $0x0  }
0x60: {  	s19 =	simm.s32 @!p1 $0x2;
	[sflag:s12] =	ssyncadd.s32 $0xFFFFC000  }
0x61: {  	_ =	swait.ge @!p1 [sflag:s19], $0x2000  }
0x62: {  	s1 =	sand.u32 $0x1, s18;
	[sflag:s19] =	ssyncset.done @!p1 $0x0  }
0x63: {  	s22 =	sshll.u32 s1, $0x7;
	[sflag:s19] =	ssyncadd.s32 @!p1 $0xFFFFE000  }
0x64: {  	v9 =	vld [tilespmem:s22+$0x1100];
	_ =	sdelay $0x3  }
0x65: {  	s21 =	simm.s32 $0x0  }
0x66: {  	v10 =	vadd.s32 s21, v9  }
0x67: {  	v10 =	vadd.s32 v0, v10;
	_ =	sdelay $0x2  }
0x68: {  	s23 =	sshll.u32 s1, $0xE  }
0x69: {  	s20 =	simm.s32 $0x1;
	s19 =	sor.u32 $0x1200, s23  }
0x6a: {  	v11 =	vadd.s32 s20, v9;
	v10 =	vld.idx.msk [tilespmem:v10+s19+$0x0], $0xffff  }
0x6b: {  	s20 =	simm.s32 $0x1;
	v11 =	vadd.s32 v0, v11  }
0x6c: {  	s20 =	simm.s32 @!p0 $0x0  }
0x6d: {  	s20 =	sshll.u32 s20, $0xD  }
0x6e: {  	s30 =	sor.u32 $0x9600, s20  }
0x6f: {  	s21 =	simm.s32 $0x2;
	[tilespmem:s30+$0xFFFFFC00] =	vst v10  }
0x70: {  	v10 =	vld.idx.msk [tilespmem:v11+s19+$0x0], $0xffff;
	v11 =	vadd.s32 s21, v9  }
0x71: {  	v11 =	vadd.s32 v0, v11;
	_ =	sdelay $0x3  }
0x72: {  	s24 =	simm.s32 $0x3;
	[tilespmem:s30+$0xFFFFFC80] =	vst v10  }
0x73: {  	v10 =	vld.idx.msk [tilespmem:v11+s19+$0x0], $0xffff;
	v11 =	vadd.s32 s24, v9  }
0x74: {  	v11 =	vadd.s32 v0, v11;
	_ =	sdelay $0x3  }
0x75: {  	s25 =	simm.s32 $0x4;
	[tilespmem:s30+$0xFFFFFD00] =	vst v10  }
0x76: {  	v10 =	vld.idx.msk [tilespmem:v11+s19+$0x0], $0xffff;
	v11 =	vadd.s32 s25, v9  }
0x77: {  	v11 =	vadd.s32 v0, v11;
	_ =	sdelay $0x3  }
0x78: {  	s26 =	simm.s32 $0x5;
	[tilespmem:s30+$0xFFFFFD80] =	vst v10  }
0x79: {  	v10 =	vld.idx.msk [tilespmem:v11+s19+$0x0], $0xffff;
	v11 =	vadd.s32 s26, v9  }
0x7a: {  	v11 =	vadd.s32 v0, v11;
	_ =	sdelay $0x3  }
0x7b: {  	s0 =	simm.s32 $0x6;
	[tilespmem:s30+$0xFFFFFE00] =	vst v10  }
0x7c: {  	v10 =	vld.idx.msk [tilespmem:v11+s19+$0x0], $0xffff;
	v11 =	vadd.s32 s0, v9  }
0x7d: {  	v11 =	vadd.s32 v0, v11;
	_ =	sdelay $0x3  }
0x7e: {  	s23 =	simm.s32 $0x7;
	[tilespmem:s30+$0xFFFFFE80] =	vst v10  }
0x7f: {  	v10 =	vld.idx.msk [tilespmem:v11+s19+$0x0], $0xffff;
	v11 =	vadd.s32 s23, v9  }
0x80: {  	v11 =	vadd.s32 v0, v11;
	_ =	sdelay $0x3  }
0x81: {  	s24 =	simm.s32 $0x8;
	[tilespmem:s30+$0xFFFFFF00] =	vst v10  }
0x82: {  	v10 =	vld.idx.msk [tilespmem:v11+s19+$0x0], $0xffff;
	v11 =	vadd.s32 s24, v9  }
0x83: {  	v11 =	vadd.s32 v0, v11;
	_ =	sdelay $0x3  }
0x84: {  	s25 =	simm.s32 $0x9;
	[tilespmem:s30+$0xFFFFFF80] =	vst v10  }
0x85: {  	v10 =	vld.idx.msk [tilespmem:v11+s19+$0x0], $0xffff;
	v11 =	vadd.s32 s25, v9  }
0x86: {  	v11 =	vadd.s32 v0, v11;
	_ =	sdelay $0x3  }
0x87: {  	s26 =	simm.s32 $0xA;
	[tilespmem:s30+$0x0] =	vst v10  }
0x88: {  	v10 =	vld.idx.msk [tilespmem:v11+s19+$0x0], $0xffff;
	v11 =	vadd.s32 s26, v9  }
0x89: {  	v11 =	vadd.s32 v0, v11;
	_ =	sdelay $0x3  }
0x8a: {  	s0 =	simm.s32 $0xB;
	[tilespmem:s30+$0x80] =	vst v10  }
0x8b: {  	v10 =	vld.idx.msk [tilespmem:v11+s19+$0x0], $0xffff;
	v11 =	vadd.s32 s0, v9  }
0x8c: {  	v11 =	vadd.s32 v0, v11;
	_ =	sdelay $0x3  }
0x8d: {  	s23 =	simm.s32 $0xC;
	[tilespmem:s30+$0x100] =	vst v10  }
0x8e: {  	v10 =	vld.idx.msk [tilespmem:v11+s19+$0x0], $0xffff;
	v11 =	vadd.s32 s23, v9  }
0x8f: {  	v11 =	vadd.s32 v0, v11;
	_ =	sdelay $0x3  }
0x90: {  	s24 =	simm.s32 $0xD;
	[tilespmem:s30+$0x180] =	vst v10  }
0x91: {  	v10 =	vld.idx.msk [tilespmem:v11+s19+$0x0], $0xffff;
	v11 =	vadd.s32 s24, v9  }
0x92: {  	v11 =	vadd.s32 v0, v11;
	_ =	sdelay $0x3  }
0x93: {  	s25 =	simm.s32 $0xE;
	[tilespmem:s30+$0x200] =	vst v10  }
0x94: {  	v10 =	vld.idx.msk [tilespmem:v11+s19+$0x0], $0xffff;
	v11 =	vadd.s32 s25, v9  }
0x95: {  	v11 =	vadd.s32 v0, v11;
	_ =	sdelay $0x3  }
0x96: {  	s26 =	simm.s32 $0xF;
	[tilespmem:s30+$0x280] =	vst v10  }
0x97: {  	v10 =	vld.idx.msk [tilespmem:v11+s19+$0x0], $0xffff;
	v11 =	vadd.s32 s26, v9  }
0x98: {  	v11 =	vadd.s32 v0, v11;
	_ =	sdelay $0x1  }
0x99: {  	s31 =	simm.s32 $0x10;
	s1 =	sshll.u32 s1, $0xD  }
0x9a: {  	s28 =	sor.u32 $0x9620, s20;
	s29 =	sor.u32 $0x9610, s20;
	s21 =	sor.u32 $0x9670, s20  }
0x9b: {  	s23 =	sor.u32 $0x9660, s20;
	s24 =	sor.u32 $0x9650, s20;
	s25 =	sor.u32 $0x9640, s20;
	[tilespmem:s30+$0x300] =	vst v10  }
0x9c: {  	s26 =	sor.u32 $0x9630, s20;
	s20 =	sor.u32 $0x9200, s1;
	s1 =	simm.s32 $0x20;
	v10 =	vld.idx.msk [tilespmem:v11+s19+$0x0], $0xffff;
	v11 =	vadd.s32 s31, v9  }
.LBB2_5:
0x9d: {  	p1 =	slt.u32 s1, $0x30;
	v11 =	vadd.s32 v0, v11;
	_ =	sdelay $0x3  }
0x9e: {  	[tilespmem:s30+$0x380] =	vst v10  }
0x9f: {  	s0 =	sadd.s32 $0x1, s31;
	v10 =	vld.idx.msk [tilespmem:v11+s19+$0x0], $0xffff  }
0xa0: {  	v11 =	vadd.s32 s0, v9  }
0xa1: {  	v11 =	vadd.s32 v0, v11;
	_ =	sdelay $0x2  }
0xa2: {  	s30 =	sadd.s32 $0x800, s30  }
0xa3: {  	[tilespmem:s30+$0xFFFFFC00] =	vst v10  }
0xa4: {  	s0 =	sadd.s32 $0x2, s31;
	v10 =	vld.idx.msk [tilespmem:v11+s19+$0x0], $0xffff  }
0xa5: {  	v11 =	vadd.s32 s0, v9  }
0xa6: {  	v11 =	vadd.s32 v0, v11;
	_ =	sdelay $0x3  }
0xa7: {  	[tilespmem:s30+$0xFFFFFC80] =	vst v10  }
0xa8: {  	s0 =	sadd.s32 $0x3, s31;
	v10 =	vld.idx.msk [tilespmem:v11+s19+$0x0], $0xffff  }
0xa9: {  	v11 =	vadd.s32 s0, v9  }
0xaa: {  	v11 =	vadd.s32 v0, v11;
	_ =	sdelay $0x3  }
0xab: {  	[tilespmem:s30+$0xFFFFFD00] =	vst v10  }
0xac: {  	s0 =	sadd.s32 $0x4, s31;
	v10 =	vld.idx.msk [tilespmem:v11+s19+$0x0], $0xffff  }
0xad: {  	v11 =	vadd.s32 s0, v9  }
0xae: {  	v11 =	vadd.s32 v0, v11;
	_ =	sdelay $0x3  }
0xaf: {  	[tilespmem:s30+$0xFFFFFD80] =	vst v10  }
0xb0: {  	s0 =	sadd.s32 $0x5, s31;
	v10 =	vld.idx.msk [tilespmem:v11+s19+$0x0], $0xffff  }
0xb1: {  	v11 =	vadd.s32 s0, v9  }
0xb2: {  	v11 =	vadd.s32 v0, v11;
	_ =	sdelay $0x3  }
0xb3: {  	[tilespmem:s30+$0xFFFFFE00] =	vst v10  }
0xb4: {  	s0 =	sadd.s32 $0x6, s31;
	v10 =	vld.idx.msk [tilespmem:v11+s19+$0x0], $0xffff  }
0xb5: {  	v11 =	vadd.s32 s0, v9  }
0xb6: {  	v11 =	vadd.s32 v0, v11;
	_ =	sdelay $0x3  }
0xb7: {  	[tilespmem:s30+$0xFFFFFE80] =	vst v10  }
0xb8: {  	s0 =	sadd.s32 $0x7, s31;
	v10 =	vld.idx.msk [tilespmem:v11+s19+$0x0], $0xffff  }
0xb9: {  	v11 =	vadd.s32 s0, v9  }
0xba: {  	v11 =	vadd.s32 v0, v11;
	_ =	sdelay $0x3  }
0xbb: {  	[tilespmem:s30+$0xFFFFFF00] =	vst v10  }
0xbc: {  	s0 =	sadd.s32 $0x8, s31;
	v10 =	vld.idx.msk [tilespmem:v11+s19+$0x0], $0xffff  }
0xbd: {  	v11 =	vadd.s32 s0, v9  }
0xbe: {  	v11 =	vadd.s32 v0, v11;
	_ =	sdelay $0x3  }
0xbf: {  	[tilespmem:s30+$0xFFFFFF80] =	vst v10  }
0xc0: {  	s0 =	sadd.s32 $0x9, s31;
	v10 =	vld.idx.msk [tilespmem:v11+s19+$0x0], $0xffff  }
0xc1: {  	v11 =	vadd.s32 s0, v9  }
0xc2: {  	v11 =	vadd.s32 v0, v11;
	_ =	sdelay $0x3  }
0xc3: {  	[tilespmem:s30+$0x0] =	vst v10  }
0xc4: {  	s0 =	sadd.s32 $0xA, s31;
	v10 =	vld.idx.msk [tilespmem:v11+s19+$0x0], $0xffff  }
0xc5: {  	v11 =	vadd.s32 s0, v9  }
0xc6: {  	v11 =	vadd.s32 v0, v11;
	_ =	sdelay $0x3  }
0xc7: {  	[tilespmem:s30+$0x80] =	vst v10  }
0xc8: {  	s0 =	sadd.s32 $0xB, s31;
	v10 =	vld.idx.msk [tilespmem:v11+s19+$0x0], $0xffff  }
0xc9: {  	v11 =	vadd.s32 s0, v9  }
0xca: {  	v11 =	vadd.s32 v0, v11;
	_ =	sdelay $0x3  }
0xcb: {  	[tilespmem:s30+$0x100] =	vst v10  }
0xcc: {  	s0 =	sadd.s32 $0xC, s31;
	v10 =	vld.idx.msk [tilespmem:v11+s19+$0x0], $0xffff  }
0xcd: {  	v11 =	vadd.s32 s0, v9  }
0xce: {  	v11 =	vadd.s32 v0, v11;
	_ =	sdelay $0x3  }
0xcf: {  	[tilespmem:s30+$0x180] =	vst v10  }
0xd0: {  	s0 =	sadd.s32 $0xD, s31;
	v10 =	vld.idx.msk [tilespmem:v11+s19+$0x0], $0xffff  }
0xd1: {  	v11 =	vadd.s32 s0, v9  }
0xd2: {  	v11 =	vadd.s32 v0, v11;
	_ =	sdelay $0x3  }
0xd3: {  	[tilespmem:s30+$0x200] =	vst v10  }
0xd4: {  	s0 =	sadd.s32 $0xE, s31;
	v10 =	vld.idx.msk [tilespmem:v11+s19+$0x0], $0xffff  }
0xd5: {  	v11 =	vadd.s32 s0, v9  }
0xd6: {  	v11 =	vadd.s32 v0, v11;
	_ =	sdelay $0x3  }
0xd7: {  	[tilespmem:s30+$0x280] =	vst v10  }
0xd8: {  	s0 =	sadd.s32 $0xF, s31;
	s31 =	smov.u32 s1;
	v10 =	vld.idx.msk [tilespmem:v11+s19+$0x0], $0xffff  }
0xd9: {  	v11 =	vadd.s32 s0, v9  }
0xda: {  	v11 =	vadd.s32 v0, v11;
	_ =	sdelay $0x1  }
.Ltmp1:
0xdb: {  	(pc) =	sbr.rel @p1 .LBB2_5-.Ltmp1, $4  }
0xdc: {  	_ = 	snop  }
0xdd: {  	[tilespmem:s30+$0x300] =	vst v10  }
0xde: {  	v10 =	vld.idx.msk [tilespmem:v11+s19+$0x0], $0xffff  }
0xdf: {  	s1 =	sadd.s32 $0x10, s1;
	v11 =	vadd.s32 s31, v9  }
0xe0: {  	v11 =	vadd.s32 v0, v11;
	_ =	sdelay $0x3  }
0xe1: {  	s0 =	sadd.s32 $0x1, s31;
	[tilespmem:s30+$0x380] =	vst v10  }
0xe2: {  	v10 =	vld.idx.msk [tilespmem:v11+s19+$0x0], $0xffff;
	v11 =	vadd.s32 s0, v9  }
0xe3: {  	v11 =	vadd.s32 v0, v11;
	_ =	sdelay $0x2  }
0xe4: {  	s1 =	sadd.s32 $0x800, s30  }
0xe5: {  	s0 =	sadd.s32 $0x2, s31;
	[tilespmem:s1+$0xFFFFFC00] =	vst v10  }
0xe6: {  	v10 =	vld.idx.msk [tilespmem:v11+s19+$0x0], $0xffff;
	v11 =	vadd.s32 s0, v9  }
0xe7: {  	v11 =	vadd.s32 v0, v11;
	_ =	sdelay $0x3  }
0xe8: {  	s0 =	sadd.s32 $0x3, s31;
	[tilespmem:s1+$0xFFFFFC80] =	vst v10  }
0xe9: {  	v10 =	vld.idx.msk [tilespmem:v11+s19+$0x0], $0xffff;
	v11 =	vadd.s32 s0, v9  }
0xea: {  	v11 =	vadd.s32 v0, v11;
	_ =	sdelay $0x3  }
0xeb: {  	s0 =	sadd.s32 $0x4, s31;
	[tilespmem:s1+$0xFFFFFD00] =	vst v10  }
0xec: {  	v10 =	vld.idx.msk [tilespmem:v11+s19+$0x0], $0xffff;
	v11 =	vadd.s32 s0, v9  }
0xed: {  	v11 =	vadd.s32 v0, v11;
	_ =	sdelay $0x3  }
0xee: {  	s0 =	sadd.s32 $0x5, s31;
	[tilespmem:s1+$0xFFFFFD80] =	vst v10  }
0xef: {  	v10 =	vld.idx.msk [tilespmem:v11+s19+$0x0], $0xffff;
	v11 =	vadd.s32 s0, v9  }
0xf0: {  	v11 =	vadd.s32 v0, v11;
	_ =	sdelay $0x3  }
0xf1: {  	s0 =	sadd.s32 $0x6, s31;
	[tilespmem:s1+$0xFFFFFE00] =	vst v10  }
0xf2: {  	v10 =	vld.idx.msk [tilespmem:v11+s19+$0x0], $0xffff;
	v11 =	vadd.s32 s0, v9  }
0xf3: {  	v11 =	vadd.s32 v0, v11;
	_ =	sdelay $0x3  }
0xf4: {  	s0 =	sadd.s32 $0x7, s31;
	[tilespmem:s1+$0xFFFFFE80] =	vst v10  }
0xf5: {  	v10 =	vld.idx.msk [tilespmem:v11+s19+$0x0], $0xffff;
	v11 =	vadd.s32 s0, v9  }
0xf6: {  	v11 =	vadd.s32 v0, v11;
	_ =	sdelay $0x3  }
0xf7: {  	s0 =	sadd.s32 $0x8, s31;
	[tilespmem:s1+$0xFFFFFF00] =	vst v10  }
0xf8: {  	v10 =	vld.idx.msk [tilespmem:v11+s19+$0x0], $0xffff;
	v11 =	vadd.s32 s0, v9  }
0xf9: {  	v11 =	vadd.s32 v0, v11;
	_ =	sdelay $0x3  }
0xfa: {  	s0 =	sadd.s32 $0x9, s31;
	[tilespmem:s1+$0xFFFFFF80] =	vst v10  }
0xfb: {  	v10 =	vld.idx.msk [tilespmem:v11+s19+$0x0], $0xffff;
	v11 =	vadd.s32 s0, v9  }
0xfc: {  	v11 =	vadd.s32 v0, v11;
	_ =	sdelay $0x3  }
0xfd: {  	s0 =	sadd.s32 $0xA, s31;
	[tilespmem:s1+$0x0] =	vst v10  }
0xfe: {  	v10 =	vld.idx.msk [tilespmem:v11+s19+$0x0], $0xffff;
	v11 =	vadd.s32 s0, v9  }
0xff: {  	v11 =	vadd.s32 v0, v11;
	_ =	sdelay $0x3  }
0x100: {  	s0 =	sadd.s32 $0xB, s31;
	[tilespmem:s1+$0x80] =	vst v10  }
0x101: {  	v10 =	vld.idx.msk [tilespmem:v11+s19+$0x0], $0xffff;
	v11 =	vadd.s32 s0, v9  }
0x102: {  	v11 =	vadd.s32 v0, v11;
	_ =	sdelay $0x3  }
0x103: {  	s0 =	sadd.s32 $0xC, s31;
	[tilespmem:s1+$0x100] =	vst v10  }
0x104: {  	v10 =	vld.idx.msk [tilespmem:v11+s19+$0x0], $0xffff;
	v11 =	vadd.s32 s0, v9  }
0x105: {  	v11 =	vadd.s32 v0, v11;
	_ =	sdelay $0x3  }
0x106: {  	s0 =	sadd.s32 $0xD, s31;
	[tilespmem:s1+$0x180] =	vst v10  }
0x107: {  	v10 =	vld.idx.msk [tilespmem:v11+s19+$0x0], $0xffff;
	v11 =	vadd.s32 s0, v9  }
0x108: {  	v11 =	vadd.s32 v0, v11;
	_ =	sdelay $0x3  }
0x109: {  	s0 =	sadd.s32 $0xE, s31;
	[tilespmem:s1+$0x200] =	vst v10  }
0x10a: {  	v10 =	vld.idx.msk [tilespmem:v11+s19+$0x0], $0xffff;
	v11 =	vadd.s32 s0, v9  }
0x10b: {  	v11 =	vadd.s32 v0, v11;
	_ =	sdelay $0x3  }
0x10c: {  	s31 =	sadd.s32 $0xF, s31;
	[tilespmem:s1+$0x280] =	vst v10  }
0x10d: {  	v9 =	vadd.s32 s31, v9;
	v10 =	vld.idx.msk [tilespmem:v11+s19+$0x0], $0xffff  }
0x10e: {  	v9 =	vadd.s32 v0, v9;
	_ =	sdelay $0x3  }
0x10f: {  	[tilespmem:s1+$0x300] =	vst v10  }
0x110: {  	v9 =	vld.idx.msk [tilespmem:v9+s19+$0x0], $0xffff;
	_ =	sdelay $0x4  }
0x111: {  	[tilespmem:s1+$0x380] =	vst v9  }
0x112: {  	v9 =	vld [tilespmem:s22+$0x1110];
	_ =	sdelay $0x3  }
0x113: {  	s1 =	simm.s32 $0x0  }
0x114: {  	v10 =	vadd.s32 s1, v9  }
0x115: {  	v10 =	vadd.s32 v2, v10;
	_ =	sdelay $0x3  }
0x116: {  	s31 =	simm.s32 $0x1  }
0x117: {  	v11 =	vadd.s32 s31, v9;
	v10 =	vld.idx.msk [tilespmem:v10+s19+$0x0], $0xffff  }
0x118: {  	v11 =	vadd.s32 v2, v11;
	_ =	sdelay $0x3  }
0x119: {  	s1 =	simm.s32 $0x2;
	[tilespmem:s29+$0xFFFFFC00] =	vst v10  }
0x11a: {  	v10 =	vld.idx.msk [tilespmem:v11+s19+$0x0], $0xffff;
	v11 =	vadd.s32 s1, v9  }
0x11b: {  	v11 =	vadd.s32 v2, v11;
	_ =	sdelay $0x3  }
0x11c: {  	s31 =	simm.s32 $0x3;
	[tilespmem:s29+$0xFFFFFC80] =	vst v10  }
0x11d: {  	v10 =	vld.idx.msk [tilespmem:v11+s19+$0x0], $0xffff;
	v11 =	vadd.s32 s31, v9  }
0x11e: {  	v11 =	vadd.s32 v2, v11;
	_ =	sdelay $0x3  }
0x11f: {  	s1 =	simm.s32 $0x4;
	[tilespmem:s29+$0xFFFFFD00] =	vst v10  }
0x120: {  	v10 =	vld.idx.msk [tilespmem:v11+s19+$0x0], $0xffff;
	v11 =	vadd.s32 s1, v9  }
0x121: {  	v11 =	vadd.s32 v2, v11;
	_ =	sdelay $0x3  }
0x122: {  	s31 =	simm.s32 $0x5;
	[tilespmem:s29+$0xFFFFFD80] =	vst v10  }
0x123: {  	v10 =	vld.idx.msk [tilespmem:v11+s19+$0x0], $0xffff;
	v11 =	vadd.s32 s31, v9  }
0x124: {  	v11 =	vadd.s32 v2, v11;
	_ =	sdelay $0x3  }
0x125: {  	s1 =	simm.s32 $0x6;
	[tilespmem:s29+$0xFFFFFE00] =	vst v10  }
0x126: {  	v10 =	vld.idx.msk [tilespmem:v11+s19+$0x0], $0xffff;
	v11 =	vadd.s32 s1, v9  }
0x127: {  	v11 =	vadd.s32 v2, v11;
	_ =	sdelay $0x3  }
0x128: {  	s31 =	simm.s32 $0x7;
	[tilespmem:s29+$0xFFFFFE80] =	vst v10  }
0x129: {  	v10 =	vld.idx.msk [tilespmem:v11+s19+$0x0], $0xffff;
	v11 =	vadd.s32 s31, v9  }
0x12a: {  	v11 =	vadd.s32 v2, v11;
	_ =	sdelay $0x3  }
0x12b: {  	s1 =	simm.s32 $0x8;
	[tilespmem:s29+$0xFFFFFF00] =	vst v10  }
0x12c: {  	v10 =	vld.idx.msk [tilespmem:v11+s19+$0x0], $0xffff;
	v11 =	vadd.s32 s1, v9  }
0x12d: {  	v11 =	vadd.s32 v2, v11;
	_ =	sdelay $0x3  }
0x12e: {  	s31 =	simm.s32 $0x9;
	[tilespmem:s29+$0xFFFFFF80] =	vst v10  }
0x12f: {  	v10 =	vld.idx.msk [tilespmem:v11+s19+$0x0], $0xffff;
	v11 =	vadd.s32 s31, v9  }
0x130: {  	v11 =	vadd.s32 v2, v11;
	_ =	sdelay $0x3  }
0x131: {  	s1 =	simm.s32 $0xA;
	[tilespmem:s29+$0x0] =	vst v10  }
0x132: {  	v10 =	vld.idx.msk [tilespmem:v11+s19+$0x0], $0xffff;
	v11 =	vadd.s32 s1, v9  }
0x133: {  	v11 =	vadd.s32 v2, v11;
	_ =	sdelay $0x3  }
0x134: {  	s31 =	simm.s32 $0xB;
	[tilespmem:s29+$0x80] =	vst v10  }
0x135: {  	v10 =	vld.idx.msk [tilespmem:v11+s19+$0x0], $0xffff;
	v11 =	vadd.s32 s31, v9  }
0x136: {  	v11 =	vadd.s32 v2, v11;
	_ =	sdelay $0x3  }
0x137: {  	s1 =	simm.s32 $0xC;
	[tilespmem:s29+$0x100] =	vst v10  }
0x138: {  	v10 =	vld.idx.msk [tilespmem:v11+s19+$0x0], $0xffff;
	v11 =	vadd.s32 s1, v9  }
0x139: {  	v11 =	vadd.s32 v2, v11;
	_ =	sdelay $0x3  }
0x13a: {  	s31 =	simm.s32 $0xD;
	[tilespmem:s29+$0x180] =	vst v10  }
0x13b: {  	v10 =	vld.idx.msk [tilespmem:v11+s19+$0x0], $0xffff;
	v11 =	vadd.s32 s31, v9  }
0x13c: {  	v11 =	vadd.s32 v2, v11;
	_ =	sdelay $0x3  }
0x13d: {  	s1 =	simm.s32 $0xE;
	[tilespmem:s29+$0x200] =	vst v10  }
0x13e: {  	v10 =	vld.idx.msk [tilespmem:v11+s19+$0x0], $0xffff;
	v11 =	vadd.s32 s1, v9  }
0x13f: {  	v11 =	vadd.s32 v2, v11;
	_ =	sdelay $0x3  }
0x140: {  	s31 =	simm.s32 $0xF;
	[tilespmem:s29+$0x280] =	vst v10  }
0x141: {  	v10 =	vld.idx.msk [tilespmem:v11+s19+$0x0], $0xffff;
	v11 =	vadd.s32 s31, v9  }
0x142: {  	v11 =	vadd.s32 v2, v11;
	_ =	sdelay $0x3  }
0x143: {  	s30 =	simm.s32 $0x10;
	[tilespmem:s29+$0x300] =	vst v10  }
0x144: {  	s1 =	simm.s32 $0x20;
	v10 =	vld.idx.msk [tilespmem:v11+s19+$0x0], $0xffff;
	v11 =	vadd.s32 s30, v9  }
.LBB2_7:
0x145: {  	p1 =	slt.u32 s1, $0x30;
	v11 =	vadd.s32 v2, v11;
	_ =	sdelay $0x3  }
0x146: {  	[tilespmem:s29+$0x380] =	vst v10  }
0x147: {  	s0 =	sadd.s32 $0x1, s30;
	v10 =	vld.idx.msk [tilespmem:v11+s19+$0x0], $0xffff  }
0x148: {  	v11 =	vadd.s32 s0, v9  }
0x149: {  	v11 =	vadd.s32 v2, v11;
	_ =	sdelay $0x2  }
0x14a: {  	s29 =	sadd.s32 $0x800, s29  }
0x14b: {  	[tilespmem:s29+$0xFFFFFC00] =	vst v10  }
0x14c: {  	s0 =	sadd.s32 $0x2, s30;
	v10 =	vld.idx.msk [tilespmem:v11+s19+$0x0], $0xffff  }
0x14d: {  	v11 =	vadd.s32 s0, v9  }
0x14e: {  	v11 =	vadd.s32 v2, v11;
	_ =	sdelay $0x3  }
0x14f: {  	[tilespmem:s29+$0xFFFFFC80] =	vst v10  }
0x150: {  	s0 =	sadd.s32 $0x3, s30;
	v10 =	vld.idx.msk [tilespmem:v11+s19+$0x0], $0xffff  }
0x151: {  	v11 =	vadd.s32 s0, v9  }
0x152: {  	v11 =	vadd.s32 v2, v11;
	_ =	sdelay $0x3  }
0x153: {  	[tilespmem:s29+$0xFFFFFD00] =	vst v10  }
0x154: {  	s0 =	sadd.s32 $0x4, s30;
	v10 =	vld.idx.msk [tilespmem:v11+s19+$0x0], $0xffff  }
0x155: {  	v11 =	vadd.s32 s0, v9  }
0x156: {  	v11 =	vadd.s32 v2, v11;
	_ =	sdelay $0x3  }
0x157: {  	[tilespmem:s29+$0xFFFFFD80] =	vst v10  }
0x158: {  	s0 =	sadd.s32 $0x5, s30;
	v10 =	vld.idx.msk [tilespmem:v11+s19+$0x0], $0xffff  }
0x159: {  	v11 =	vadd.s32 s0, v9  }
0x15a: {  	v11 =	vadd.s32 v2, v11;
	_ =	sdelay $0x3  }
0x15b: {  	[tilespmem:s29+$0xFFFFFE00] =	vst v10  }
0x15c: {  	s0 =	sadd.s32 $0x6, s30;
	v10 =	vld.idx.msk [tilespmem:v11+s19+$0x0], $0xffff  }
0x15d: {  	v11 =	vadd.s32 s0, v9  }
0x15e: {  	v11 =	vadd.s32 v2, v11;
	_ =	sdelay $0x3  }
0x15f: {  	[tilespmem:s29+$0xFFFFFE80] =	vst v10  }
0x160: {  	s0 =	sadd.s32 $0x7, s30;
	v10 =	vld.idx.msk [tilespmem:v11+s19+$0x0], $0xffff  }
0x161: {  	v11 =	vadd.s32 s0, v9  }
0x162: {  	v11 =	vadd.s32 v2, v11;
	_ =	sdelay $0x3  }
0x163: {  	[tilespmem:s29+$0xFFFFFF00] =	vst v10  }
0x164: {  	s0 =	sadd.s32 $0x8, s30;
	v10 =	vld.idx.msk [tilespmem:v11+s19+$0x0], $0xffff  }
0x165: {  	v11 =	vadd.s32 s0, v9  }
0x166: {  	v11 =	vadd.s32 v2, v11;
	_ =	sdelay $0x3  }
0x167: {  	[tilespmem:s29+$0xFFFFFF80] =	vst v10  }
0x168: {  	s0 =	sadd.s32 $0x9, s30;
	v10 =	vld.idx.msk [tilespmem:v11+s19+$0x0], $0xffff  }
0x169: {  	v11 =	vadd.s32 s0, v9  }
0x16a: {  	v11 =	vadd.s32 v2, v11;
	_ =	sdelay $0x3  }
0x16b: {  	[tilespmem:s29+$0x0] =	vst v10  }
0x16c: {  	s0 =	sadd.s32 $0xA, s30;
	v10 =	vld.idx.msk [tilespmem:v11+s19+$0x0], $0xffff  }
0x16d: {  	v11 =	vadd.s32 s0, v9  }
0x16e: {  	v11 =	vadd.s32 v2, v11;
	_ =	sdelay $0x3  }
0x16f: {  	[tilespmem:s29+$0x80] =	vst v10  }
0x170: {  	s0 =	sadd.s32 $0xB, s30;
	v10 =	vld.idx.msk [tilespmem:v11+s19+$0x0], $0xffff  }
0x171: {  	v11 =	vadd.s32 s0, v9  }
0x172: {  	v11 =	vadd.s32 v2, v11;
	_ =	sdelay $0x3  }
0x173: {  	[tilespmem:s29+$0x100] =	vst v10  }
0x174: {  	s0 =	sadd.s32 $0xC, s30;
	v10 =	vld.idx.msk [tilespmem:v11+s19+$0x0], $0xffff  }
0x175: {  	v11 =	vadd.s32 s0, v9  }
0x176: {  	v11 =	vadd.s32 v2, v11;
	_ =	sdelay $0x3  }
0x177: {  	[tilespmem:s29+$0x180] =	vst v10  }
0x178: {  	s0 =	sadd.s32 $0xD, s30;
	v10 =	vld.idx.msk [tilespmem:v11+s19+$0x0], $0xffff  }
0x179: {  	v11 =	vadd.s32 s0, v9  }
0x17a: {  	v11 =	vadd.s32 v2, v11;
	_ =	sdelay $0x3  }
0x17b: {  	[tilespmem:s29+$0x200] =	vst v10  }
0x17c: {  	s0 =	sadd.s32 $0xE, s30;
	v10 =	vld.idx.msk [tilespmem:v11+s19+$0x0], $0xffff  }
0x17d: {  	v11 =	vadd.s32 s0, v9  }
0x17e: {  	v11 =	vadd.s32 v2, v11;
	_ =	sdelay $0x3  }
0x17f: {  	[tilespmem:s29+$0x280] =	vst v10  }
0x180: {  	s0 =	sadd.s32 $0xF, s30;
	s30 =	smov.u32 s1;
	v10 =	vld.idx.msk [tilespmem:v11+s19+$0x0], $0xffff  }
0x181: {  	v11 =	vadd.s32 s0, v9  }
0x182: {  	v11 =	vadd.s32 v2, v11;
	_ =	sdelay $0x1  }
.Ltmp2:
0x183: {  	(pc) =	sbr.rel @p1 .LBB2_7-.Ltmp2, $4  }
0x184: {  	_ = 	snop  }
0x185: {  	[tilespmem:s29+$0x300] =	vst v10  }
0x186: {  	v10 =	vld.idx.msk [tilespmem:v11+s19+$0x0], $0xffff  }
0x187: {  	s1 =	sadd.s32 $0x10, s1;
	v11 =	vadd.s32 s30, v9  }
0x188: {  	v11 =	vadd.s32 v2, v11;
	_ =	sdelay $0x3  }
0x189: {  	s0 =	sadd.s32 $0x1, s30;
	[tilespmem:s29+$0x380] =	vst v10  }
0x18a: {  	v10 =	vld.idx.msk [tilespmem:v11+s19+$0x0], $0xffff;
	v11 =	vadd.s32 s0, v9  }
0x18b: {  	v11 =	vadd.s32 v2, v11;
	_ =	sdelay $0x2  }
0x18c: {  	s1 =	sadd.s32 $0x800, s29  }
0x18d: {  	s31 =	sadd.s32 $0x2, s30;
	[tilespmem:s1+$0xFFFFFC00] =	vst v10  }
0x18e: {  	v10 =	vld.idx.msk [tilespmem:v11+s19+$0x0], $0xffff;
	v11 =	vadd.s32 s31, v9  }
0x18f: {  	v11 =	vadd.s32 v2, v11;
	_ =	sdelay $0x3  }
0x190: {  	s31 =	sadd.s32 $0x3, s30;
	[tilespmem:s1+$0xFFFFFC80] =	vst v10  }
0x191: {  	v10 =	vld.idx.msk [tilespmem:v11+s19+$0x0], $0xffff;
	v11 =	vadd.s32 s31, v9  }
0x192: {  	v11 =	vadd.s32 v2, v11;
	_ =	sdelay $0x3  }
0x193: {  	s31 =	sadd.s32 $0x4, s30;
	[tilespmem:s1+$0xFFFFFD00] =	vst v10  }
0x194: {  	v10 =	vld.idx.msk [tilespmem:v11+s19+$0x0], $0xffff;
	v11 =	vadd.s32 s31, v9  }
0x195: {  	v11 =	vadd.s32 v2, v11;
	_ =	sdelay $0x3  }
0x196: {  	s31 =	sadd.s32 $0x5, s30;
	[tilespmem:s1+$0xFFFFFD80] =	vst v10  }
0x197: {  	v10 =	vld.idx.msk [tilespmem:v11+s19+$0x0], $0xffff;
	v11 =	vadd.s32 s31, v9  }
0x198: {  	v11 =	vadd.s32 v2, v11;
	_ =	sdelay $0x3  }
0x199: {  	s31 =	sadd.s32 $0x6, s30;
	[tilespmem:s1+$0xFFFFFE00] =	vst v10  }
0x19a: {  	v10 =	vld.idx.msk [tilespmem:v11+s19+$0x0], $0xffff;
	v11 =	vadd.s32 s31, v9  }
0x19b: {  	v11 =	vadd.s32 v2, v11;
	_ =	sdelay $0x3  }
0x19c: {  	s31 =	sadd.s32 $0x7, s30;
	[tilespmem:s1+$0xFFFFFE80] =	vst v10  }
0x19d: {  	v10 =	vld.idx.msk [tilespmem:v11+s19+$0x0], $0xffff;
	v11 =	vadd.s32 s31, v9  }
0x19e: {  	v11 =	vadd.s32 v2, v11;
	_ =	sdelay $0x3  }
0x19f: {  	s31 =	sadd.s32 $0x8, s30;
	[tilespmem:s1+$0xFFFFFF00] =	vst v10  }
0x1a0: {  	v10 =	vld.idx.msk [tilespmem:v11+s19+$0x0], $0xffff;
	v11 =	vadd.s32 s31, v9  }
0x1a1: {  	v11 =	vadd.s32 v2, v11;
	_ =	sdelay $0x3  }
0x1a2: {  	s31 =	sadd.s32 $0x9, s30;
	[tilespmem:s1+$0xFFFFFF80] =	vst v10  }
0x1a3: {  	v10 =	vld.idx.msk [tilespmem:v11+s19+$0x0], $0xffff;
	v11 =	vadd.s32 s31, v9  }
0x1a4: {  	v11 =	vadd.s32 v2, v11;
	_ =	sdelay $0x3  }
0x1a5: {  	s31 =	sadd.s32 $0xA, s30;
	[tilespmem:s1+$0x0] =	vst v10  }
0x1a6: {  	v10 =	vld.idx.msk [tilespmem:v11+s19+$0x0], $0xffff;
	v11 =	vadd.s32 s31, v9  }
0x1a7: {  	v11 =	vadd.s32 v2, v11;
	_ =	sdelay $0x3  }
0x1a8: {  	s31 =	sadd.s32 $0xB, s30;
	[tilespmem:s1+$0x80] =	vst v10  }
0x1a9: {  	v10 =	vld.idx.msk [tilespmem:v11+s19+$0x0], $0xffff;
	v11 =	vadd.s32 s31, v9  }
0x1aa: {  	v11 =	vadd.s32 v2, v11;
	_ =	sdelay $0x3  }
0x1ab: {  	s31 =	sadd.s32 $0xC, s30;
	[tilespmem:s1+$0x100] =	vst v10  }
0x1ac: {  	v10 =	vld.idx.msk [tilespmem:v11+s19+$0x0], $0xffff;
	v11 =	vadd.s32 s31, v9  }
0x1ad: {  	v11 =	vadd.s32 v2, v11;
	_ =	sdelay $0x3  }
0x1ae: {  	s31 =	sadd.s32 $0xD, s30;
	[tilespmem:s1+$0x180] =	vst v10  }
0x1af: {  	v10 =	vld.idx.msk [tilespmem:v11+s19+$0x0], $0xffff;
	v11 =	vadd.s32 s31, v9  }
0x1b0: {  	v11 =	vadd.s32 v2, v11;
	_ =	sdelay $0x3  }
0x1b1: {  	s31 =	sadd.s32 $0xE, s30;
	[tilespmem:s1+$0x200] =	vst v10  }
0x1b2: {  	v10 =	vld.idx.msk [tilespmem:v11+s19+$0x0], $0xffff;
	v11 =	vadd.s32 s31, v9  }
0x1b3: {  	v11 =	vadd.s32 v2, v11;
	_ =	sdelay $0x3  }
0x1b4: {  	s30 =	sadd.s32 $0xF, s30;
	[tilespmem:s1+$0x280] =	vst v10  }
0x1b5: {  	v9 =	vadd.s32 s30, v9;
	v10 =	vld.idx.msk [tilespmem:v11+s19+$0x0], $0xffff  }
0x1b6: {  	v9 =	vadd.s32 v2, v9;
	_ =	sdelay $0x3  }
0x1b7: {  	[tilespmem:s1+$0x300] =	vst v10  }
0x1b8: {  	v9 =	vld.idx.msk [tilespmem:v9+s19+$0x0], $0xffff;
	_ =	sdelay $0x4  }
0x1b9: {  	[tilespmem:s1+$0x380] =	vst v9  }
0x1ba: {  	v9 =	vld [tilespmem:s22+$0x1120];
	_ =	sdelay $0x3  }
0x1bb: {  	s31 =	simm.s32 $0x0  }
0x1bc: {  	v10 =	vadd.s32 s31, v9  }
0x1bd: {  	v10 =	vadd.s32 v3, v10;
	_ =	sdelay $0x3  }
0x1be: {  	s1 =	simm.s32 $0x1  }
0x1bf: {  	v11 =	vadd.s32 s1, v9;
	v10 =	vld.idx.msk [tilespmem:v10+s19+$0x0], $0xffff  }
0x1c0: {  	v11 =	vadd.s32 v3, v11;
	_ =	sdelay $0x3  }
0x1c1: {  	s30 =	simm.s32 $0x2;
	[tilespmem:s28+$0xFFFFFC00] =	vst v10  }
0x1c2: {  	v10 =	vld.idx.msk [tilespmem:v11+s19+$0x0], $0xffff;
	v11 =	vadd.s32 s30, v9  }
0x1c3: {  	v11 =	vadd.s32 v3, v11;
	_ =	sdelay $0x3  }
0x1c4: {  	s31 =	simm.s32 $0x3;
	[tilespmem:s28+$0xFFFFFC80] =	vst v10  }
0x1c5: {  	v10 =	vld.idx.msk [tilespmem:v11+s19+$0x0], $0xffff;
	v11 =	vadd.s32 s31, v9  }
0x1c6: {  	v11 =	vadd.s32 v3, v11;
	_ =	sdelay $0x3  }
0x1c7: {  	s1 =	simm.s32 $0x4;
	[tilespmem:s28+$0xFFFFFD00] =	vst v10  }
0x1c8: {  	v10 =	vld.idx.msk [tilespmem:v11+s19+$0x0], $0xffff;
	v11 =	vadd.s32 s1, v9  }
0x1c9: {  	v11 =	vadd.s32 v3, v11;
	_ =	sdelay $0x3  }
0x1ca: {  	s30 =	simm.s32 $0x5;
	[tilespmem:s28+$0xFFFFFD80] =	vst v10  }
0x1cb: {  	v10 =	vld.idx.msk [tilespmem:v11+s19+$0x0], $0xffff;
	v11 =	vadd.s32 s30, v9  }
0x1cc: {  	v11 =	vadd.s32 v3, v11;
	_ =	sdelay $0x3  }
0x1cd: {  	s31 =	simm.s32 $0x6;
	[tilespmem:s28+$0xFFFFFE00] =	vst v10  }
0x1ce: {  	v10 =	vld.idx.msk [tilespmem:v11+s19+$0x0], $0xffff;
	v11 =	vadd.s32 s31, v9  }
0x1cf: {  	v11 =	vadd.s32 v3, v11;
	_ =	sdelay $0x3  }
0x1d0: {  	s1 =	simm.s32 $0x7;
	[tilespmem:s28+$0xFFFFFE80] =	vst v10  }
0x1d1: {  	v10 =	vld.idx.msk [tilespmem:v11+s19+$0x0], $0xffff;
	v11 =	vadd.s32 s1, v9  }
0x1d2: {  	v11 =	vadd.s32 v3, v11;
	_ =	sdelay $0x3  }
0x1d3: {  	s30 =	simm.s32 $0x8;
	[tilespmem:s28+$0xFFFFFF00] =	vst v10  }
0x1d4: {  	v10 =	vld.idx.msk [tilespmem:v11+s19+$0x0], $0xffff;
	v11 =	vadd.s32 s30, v9  }
0x1d5: {  	v11 =	vadd.s32 v3, v11;
	_ =	sdelay $0x3  }
0x1d6: {  	s31 =	simm.s32 $0x9;
	[tilespmem:s28+$0xFFFFFF80] =	vst v10  }
0x1d7: {  	v10 =	vld.idx.msk [tilespmem:v11+s19+$0x0], $0xffff;
	v11 =	vadd.s32 s31, v9  }
0x1d8: {  	v11 =	vadd.s32 v3, v11;
	_ =	sdelay $0x3  }
0x1d9: {  	s1 =	simm.s32 $0xA;
	[tilespmem:s28+$0x0] =	vst v10  }
0x1da: {  	v10 =	vld.idx.msk [tilespmem:v11+s19+$0x0], $0xffff;
	v11 =	vadd.s32 s1, v9  }
0x1db: {  	v11 =	vadd.s32 v3, v11;
	_ =	sdelay $0x3  }
0x1dc: {  	s30 =	simm.s32 $0xB;
	[tilespmem:s28+$0x80] =	vst v10  }
0x1dd: {  	v10 =	vld.idx.msk [tilespmem:v11+s19+$0x0], $0xffff;
	v11 =	vadd.s32 s30, v9  }
0x1de: {  	v11 =	vadd.s32 v3, v11;
	_ =	sdelay $0x3  }
0x1df: {  	s31 =	simm.s32 $0xC;
	[tilespmem:s28+$0x100] =	vst v10  }
0x1e0: {  	v10 =	vld.idx.msk [tilespmem:v11+s19+$0x0], $0xffff;
	v11 =	vadd.s32 s31, v9  }
0x1e1: {  	v11 =	vadd.s32 v3, v11;
	_ =	sdelay $0x3  }
0x1e2: {  	s1 =	simm.s32 $0xD;
	[tilespmem:s28+$0x180] =	vst v10  }
0x1e3: {  	v10 =	vld.idx.msk [tilespmem:v11+s19+$0x0], $0xffff;
	v11 =	vadd.s32 s1, v9  }
0x1e4: {  	v11 =	vadd.s32 v3, v11;
	_ =	sdelay $0x3  }
0x1e5: {  	s30 =	simm.s32 $0xE;
	[tilespmem:s28+$0x200] =	vst v10  }
0x1e6: {  	v10 =	vld.idx.msk [tilespmem:v11+s19+$0x0], $0xffff;
	v11 =	vadd.s32 s30, v9  }
0x1e7: {  	v11 =	vadd.s32 v3, v11;
	_ =	sdelay $0x3  }
0x1e8: {  	s31 =	simm.s32 $0xF;
	[tilespmem:s28+$0x280] =	vst v10  }
0x1e9: {  	v10 =	vld.idx.msk [tilespmem:v11+s19+$0x0], $0xffff;
	v11 =	vadd.s32 s31, v9  }
0x1ea: {  	v11 =	vadd.s32 v3, v11;
	_ =	sdelay $0x3  }
0x1eb: {  	s29 =	simm.s32 $0x10;
	[tilespmem:s28+$0x300] =	vst v10  }
0x1ec: {  	s1 =	simm.s32 $0x20;
	v10 =	vld.idx.msk [tilespmem:v11+s19+$0x0], $0xffff;
	v11 =	vadd.s32 s29, v9  }
.LBB2_9:
0x1ed: {  	p1 =	slt.u32 s1, $0x30;
	v11 =	vadd.s32 v3, v11;
	_ =	sdelay $0x3  }
0x1ee: {  	[tilespmem:s28+$0x380] =	vst v10  }
0x1ef: {  	s0 =	sadd.s32 $0x1, s29;
	v10 =	vld.idx.msk [tilespmem:v11+s19+$0x0], $0xffff  }
0x1f0: {  	v11 =	vadd.s32 s0, v9  }
0x1f1: {  	v11 =	vadd.s32 v3, v11;
	_ =	sdelay $0x2  }
0x1f2: {  	s28 =	sadd.s32 $0x800, s28  }
0x1f3: {  	[tilespmem:s28+$0xFFFFFC00] =	vst v10  }
0x1f4: {  	s0 =	sadd.s32 $0x2, s29;
	v10 =	vld.idx.msk [tilespmem:v11+s19+$0x0], $0xffff  }
0x1f5: {  	v11 =	vadd.s32 s0, v9  }
0x1f6: {  	v11 =	vadd.s32 v3, v11;
	_ =	sdelay $0x3  }
0x1f7: {  	[tilespmem:s28+$0xFFFFFC80] =	vst v10  }
0x1f8: {  	s0 =	sadd.s32 $0x3, s29;
	v10 =	vld.idx.msk [tilespmem:v11+s19+$0x0], $0xffff  }
0x1f9: {  	v11 =	vadd.s32 s0, v9  }
0x1fa: {  	v11 =	vadd.s32 v3, v11;
	_ =	sdelay $0x3  }
0x1fb: {  	[tilespmem:s28+$0xFFFFFD00] =	vst v10  }
0x1fc: {  	s0 =	sadd.s32 $0x4, s29;
	v10 =	vld.idx.msk [tilespmem:v11+s19+$0x0], $0xffff  }
0x1fd: {  	v11 =	vadd.s32 s0, v9  }
0x1fe: {  	v11 =	vadd.s32 v3, v11;
	_ =	sdelay $0x3  }
0x1ff: {  	[tilespmem:s28+$0xFFFFFD80] =	vst v10  }
0x200: {  	s0 =	sadd.s32 $0x5, s29;
	v10 =	vld.idx.msk [tilespmem:v11+s19+$0x0], $0xffff  }
0x201: {  	v11 =	vadd.s32 s0, v9  }
0x202: {  	v11 =	vadd.s32 v3, v11;
	_ =	sdelay $0x3  }
0x203: {  	[tilespmem:s28+$0xFFFFFE00] =	vst v10  }
0x204: {  	s0 =	sadd.s32 $0x6, s29;
	v10 =	vld.idx.msk [tilespmem:v11+s19+$0x0], $0xffff  }
0x205: {  	v11 =	vadd.s32 s0, v9  }
0x206: {  	v11 =	vadd.s32 v3, v11;
	_ =	sdelay $0x3  }
0x207: {  	[tilespmem:s28+$0xFFFFFE80] =	vst v10  }
0x208: {  	s0 =	sadd.s32 $0x7, s29;
	v10 =	vld.idx.msk [tilespmem:v11+s19+$0x0], $0xffff  }
0x209: {  	v11 =	vadd.s32 s0, v9  }
0x20a: {  	v11 =	vadd.s32 v3, v11;
	_ =	sdelay $0x3  }
0x20b: {  	[tilespmem:s28+$0xFFFFFF00] =	vst v10  }
0x20c: {  	s0 =	sadd.s32 $0x8, s29;
	v10 =	vld.idx.msk [tilespmem:v11+s19+$0x0], $0xffff  }
0x20d: {  	v11 =	vadd.s32 s0, v9  }
0x20e: {  	v11 =	vadd.s32 v3, v11;
	_ =	sdelay $0x3  }
0x20f: {  	[tilespmem:s28+$0xFFFFFF80] =	vst v10  }
0x210: {  	s0 =	sadd.s32 $0x9, s29;
	v10 =	vld.idx.msk [tilespmem:v11+s19+$0x0], $0xffff  }
0x211: {  	v11 =	vadd.s32 s0, v9  }
0x212: {  	v11 =	vadd.s32 v3, v11;
	_ =	sdelay $0x3  }
0x213: {  	[tilespmem:s28+$0x0] =	vst v10  }
0x214: {  	s0 =	sadd.s32 $0xA, s29;
	v10 =	vld.idx.msk [tilespmem:v11+s19+$0x0], $0xffff  }
0x215: {  	v11 =	vadd.s32 s0, v9  }
0x216: {  	v11 =	vadd.s32 v3, v11;
	_ =	sdelay $0x3  }
0x217: {  	[tilespmem:s28+$0x80] =	vst v10  }
0x218: {  	s0 =	sadd.s32 $0xB, s29;
	v10 =	vld.idx.msk [tilespmem:v11+s19+$0x0], $0xffff  }
0x219: {  	v11 =	vadd.s32 s0, v9  }
0x21a: {  	v11 =	vadd.s32 v3, v11;
	_ =	sdelay $0x3  }
0x21b: {  	[tilespmem:s28+$0x100] =	vst v10  }
0x21c: {  	s0 =	sadd.s32 $0xC, s29;
	v10 =	vld.idx.msk [tilespmem:v11+s19+$0x0], $0xffff  }
0x21d: {  	v11 =	vadd.s32 s0, v9  }
0x21e: {  	v11 =	vadd.s32 v3, v11;
	_ =	sdelay $0x3  }
0x21f: {  	[tilespmem:s28+$0x180] =	vst v10  }
0x220: {  	s0 =	sadd.s32 $0xD, s29;
	v10 =	vld.idx.msk [tilespmem:v11+s19+$0x0], $0xffff  }
0x221: {  	v11 =	vadd.s32 s0, v9  }
0x222: {  	v11 =	vadd.s32 v3, v11;
	_ =	sdelay $0x3  }
0x223: {  	[tilespmem:s28+$0x200] =	vst v10  }
0x224: {  	s0 =	sadd.s32 $0xE, s29;
	v10 =	vld.idx.msk [tilespmem:v11+s19+$0x0], $0xffff  }
0x225: {  	v11 =	vadd.s32 s0, v9  }
0x226: {  	v11 =	vadd.s32 v3, v11;
	_ =	sdelay $0x3  }
0x227: {  	[tilespmem:s28+$0x280] =	vst v10  }
0x228: {  	s0 =	sadd.s32 $0xF, s29;
	s29 =	smov.u32 s1;
	v10 =	vld.idx.msk [tilespmem:v11+s19+$0x0], $0xffff  }
0x229: {  	v11 =	vadd.s32 s0, v9  }
0x22a: {  	v11 =	vadd.s32 v3, v11;
	_ =	sdelay $0x1  }
.Ltmp3:
0x22b: {  	(pc) =	sbr.rel @p1 .LBB2_9-.Ltmp3, $4  }
0x22c: {  	_ = 	snop  }
0x22d: {  	[tilespmem:s28+$0x300] =	vst v10  }
0x22e: {  	v10 =	vld.idx.msk [tilespmem:v11+s19+$0x0], $0xffff  }
0x22f: {  	s1 =	sadd.s32 $0x10, s1;
	v11 =	vadd.s32 s29, v9  }
0x230: {  	v11 =	vadd.s32 v3, v11;
	_ =	sdelay $0x3  }
0x231: {  	s0 =	sadd.s32 $0x1, s29;
	[tilespmem:s28+$0x380] =	vst v10  }
0x232: {  	v10 =	vld.idx.msk [tilespmem:v11+s19+$0x0], $0xffff;
	v11 =	vadd.s32 s0, v9  }
0x233: {  	v11 =	vadd.s32 v3, v11;
	_ =	sdelay $0x2  }
0x234: {  	s1 =	sadd.s32 $0x800, s28  }
0x235: {  	s30 =	sadd.s32 $0x2, s29;
	[tilespmem:s1+$0xFFFFFC00] =	vst v10  }
0x236: {  	v10 =	vld.idx.msk [tilespmem:v11+s19+$0x0], $0xffff;
	v11 =	vadd.s32 s30, v9  }
0x237: {  	v11 =	vadd.s32 v3, v11;
	_ =	sdelay $0x3  }
0x238: {  	s31 =	sadd.s32 $0x3, s29;
	[tilespmem:s1+$0xFFFFFC80] =	vst v10  }
0x239: {  	v10 =	vld.idx.msk [tilespmem:v11+s19+$0x0], $0xffff;
	v11 =	vadd.s32 s31, v9  }
0x23a: {  	v11 =	vadd.s32 v3, v11;
	_ =	sdelay $0x3  }
0x23b: {  	s30 =	sadd.s32 $0x4, s29;
	[tilespmem:s1+$0xFFFFFD00] =	vst v10  }
0x23c: {  	v10 =	vld.idx.msk [tilespmem:v11+s19+$0x0], $0xffff;
	v11 =	vadd.s32 s30, v9  }
0x23d: {  	v11 =	vadd.s32 v3, v11;
	_ =	sdelay $0x3  }
0x23e: {  	s31 =	sadd.s32 $0x5, s29;
	[tilespmem:s1+$0xFFFFFD80] =	vst v10  }
0x23f: {  	v10 =	vld.idx.msk [tilespmem:v11+s19+$0x0], $0xffff;
	v11 =	vadd.s32 s31, v9  }
0x240: {  	v11 =	vadd.s32 v3, v11;
	_ =	sdelay $0x3  }
0x241: {  	s30 =	sadd.s32 $0x6, s29;
	[tilespmem:s1+$0xFFFFFE00] =	vst v10  }
0x242: {  	v10 =	vld.idx.msk [tilespmem:v11+s19+$0x0], $0xffff;
	v11 =	vadd.s32 s30, v9  }
0x243: {  	v11 =	vadd.s32 v3, v11;
	_ =	sdelay $0x3  }
0x244: {  	s31 =	sadd.s32 $0x7, s29;
	[tilespmem:s1+$0xFFFFFE80] =	vst v10  }
0x245: {  	v10 =	vld.idx.msk [tilespmem:v11+s19+$0x0], $0xffff;
	v11 =	vadd.s32 s31, v9  }
0x246: {  	v11 =	vadd.s32 v3, v11;
	_ =	sdelay $0x3  }
0x247: {  	s30 =	sadd.s32 $0x8, s29;
	[tilespmem:s1+$0xFFFFFF00] =	vst v10  }
0x248: {  	v10 =	vld.idx.msk [tilespmem:v11+s19+$0x0], $0xffff;
	v11 =	vadd.s32 s30, v9  }
0x249: {  	v11 =	vadd.s32 v3, v11;
	_ =	sdelay $0x3  }
0x24a: {  	s31 =	sadd.s32 $0x9, s29;
	[tilespmem:s1+$0xFFFFFF80] =	vst v10  }
0x24b: {  	v10 =	vld.idx.msk [tilespmem:v11+s19+$0x0], $0xffff;
	v11 =	vadd.s32 s31, v9  }
0x24c: {  	v11 =	vadd.s32 v3, v11;
	_ =	sdelay $0x3  }
0x24d: {  	s30 =	sadd.s32 $0xA, s29;
	[tilespmem:s1+$0x0] =	vst v10  }
0x24e: {  	v10 =	vld.idx.msk [tilespmem:v11+s19+$0x0], $0xffff;
	v11 =	vadd.s32 s30, v9  }
0x24f: {  	v11 =	vadd.s32 v3, v11;
	_ =	sdelay $0x3  }
0x250: {  	s31 =	sadd.s32 $0xB, s29;
	[tilespmem:s1+$0x80] =	vst v10  }
0x251: {  	v10 =	vld.idx.msk [tilespmem:v11+s19+$0x0], $0xffff;
	v11 =	vadd.s32 s31, v9  }
0x252: {  	v11 =	vadd.s32 v3, v11;
	_ =	sdelay $0x3  }
0x253: {  	s30 =	sadd.s32 $0xC, s29;
	[tilespmem:s1+$0x100] =	vst v10  }
0x254: {  	v10 =	vld.idx.msk [tilespmem:v11+s19+$0x0], $0xffff;
	v11 =	vadd.s32 s30, v9  }
0x255: {  	v11 =	vadd.s32 v3, v11;
	_ =	sdelay $0x3  }
0x256: {  	s31 =	sadd.s32 $0xD, s29;
	[tilespmem:s1+$0x180] =	vst v10  }
0x257: {  	v10 =	vld.idx.msk [tilespmem:v11+s19+$0x0], $0xffff;
	v11 =	vadd.s32 s31, v9  }
0x258: {  	v11 =	vadd.s32 v3, v11;
	_ =	sdelay $0x3  }
0x259: {  	s30 =	sadd.s32 $0xE, s29;
	[tilespmem:s1+$0x200] =	vst v10  }
0x25a: {  	v10 =	vld.idx.msk [tilespmem:v11+s19+$0x0], $0xffff;
	v11 =	vadd.s32 s30, v9  }
0x25b: {  	v11 =	vadd.s32 v3, v11;
	_ =	sdelay $0x3  }
0x25c: {  	s31 =	sadd.s32 $0xF, s29;
	[tilespmem:s1+$0x280] =	vst v10  }
0x25d: {  	v9 =	vadd.s32 s31, v9;
	v10 =	vld.idx.msk [tilespmem:v11+s19+$0x0], $0xffff  }
0x25e: {  	v9 =	vadd.s32 v3, v9;
	_ =	sdelay $0x3  }
0x25f: {  	[tilespmem:s1+$0x300] =	vst v10  }
0x260: {  	v9 =	vld.idx.msk [tilespmem:v9+s19+$0x0], $0xffff;
	_ =	sdelay $0x4  }
0x261: {  	[tilespmem:s1+$0x380] =	vst v9  }
0x262: {  	v9 =	vld [tilespmem:s22+$0x1130];
	_ =	sdelay $0x3  }
0x263: {  	s1 =	simm.s32 $0x0  }
0x264: {  	v10 =	vadd.s32 s1, v9  }
0x265: {  	v10 =	vadd.s32 v4, v10;
	_ =	sdelay $0x3  }
0x266: {  	s29 =	simm.s32 $0x1  }
0x267: {  	v11 =	vadd.s32 s29, v9;
	v10 =	vld.idx.msk [tilespmem:v10+s19+$0x0], $0xffff  }
0x268: {  	v11 =	vadd.s32 v4, v11;
	_ =	sdelay $0x3  }
0x269: {  	s30 =	simm.s32 $0x2;
	[tilespmem:s26+$0xFFFFFC00] =	vst v10  }
0x26a: {  	v10 =	vld.idx.msk [tilespmem:v11+s19+$0x0], $0xffff;
	v11 =	vadd.s32 s30, v9  }
0x26b: {  	v11 =	vadd.s32 v4, v11;
	_ =	sdelay $0x3  }
0x26c: {  	s31 =	simm.s32 $0x3;
	[tilespmem:s26+$0xFFFFFC80] =	vst v10  }
0x26d: {  	v10 =	vld.idx.msk [tilespmem:v11+s19+$0x0], $0xffff;
	v11 =	vadd.s32 s31, v9  }
0x26e: {  	v11 =	vadd.s32 v4, v11;
	_ =	sdelay $0x3  }
0x26f: {  	s1 =	simm.s32 $0x4;
	[tilespmem:s26+$0xFFFFFD00] =	vst v10  }
0x270: {  	v10 =	vld.idx.msk [tilespmem:v11+s19+$0x0], $0xffff;
	v11 =	vadd.s32 s1, v9  }
0x271: {  	v11 =	vadd.s32 v4, v11;
	_ =	sdelay $0x3  }
0x272: {  	s29 =	simm.s32 $0x5;
	[tilespmem:s26+$0xFFFFFD80] =	vst v10  }
0x273: {  	v10 =	vld.idx.msk [tilespmem:v11+s19+$0x0], $0xffff;
	v11 =	vadd.s32 s29, v9  }
0x274: {  	v11 =	vadd.s32 v4, v11;
	_ =	sdelay $0x3  }
0x275: {  	s30 =	simm.s32 $0x6;
	[tilespmem:s26+$0xFFFFFE00] =	vst v10  }
0x276: {  	v10 =	vld.idx.msk [tilespmem:v11+s19+$0x0], $0xffff;
	v11 =	vadd.s32 s30, v9  }
0x277: {  	v11 =	vadd.s32 v4, v11;
	_ =	sdelay $0x3  }
0x278: {  	s31 =	simm.s32 $0x7;
	[tilespmem:s26+$0xFFFFFE80] =	vst v10  }
0x279: {  	v10 =	vld.idx.msk [tilespmem:v11+s19+$0x0], $0xffff;
	v11 =	vadd.s32 s31, v9  }
0x27a: {  	v11 =	vadd.s32 v4, v11;
	_ =	sdelay $0x3  }
0x27b: {  	s1 =	simm.s32 $0x8;
	[tilespmem:s26+$0xFFFFFF00] =	vst v10  }
0x27c: {  	v10 =	vld.idx.msk [tilespmem:v11+s19+$0x0], $0xffff;
	v11 =	vadd.s32 s1, v9  }
0x27d: {  	v11 =	vadd.s32 v4, v11;
	_ =	sdelay $0x3  }
0x27e: {  	s29 =	simm.s32 $0x9;
	[tilespmem:s26+$0xFFFFFF80] =	vst v10  }
0x27f: {  	v10 =	vld.idx.msk [tilespmem:v11+s19+$0x0], $0xffff;
	v11 =	vadd.s32 s29, v9  }
0x280: {  	v11 =	vadd.s32 v4, v11;
	_ =	sdelay $0x3  }
0x281: {  	s30 =	simm.s32 $0xA;
	[tilespmem:s26+$0x0] =	vst v10  }
0x282: {  	v10 =	vld.idx.msk [tilespmem:v11+s19+$0x0], $0xffff;
	v11 =	vadd.s32 s30, v9  }
0x283: {  	v11 =	vadd.s32 v4, v11;
	_ =	sdelay $0x3  }
0x284: {  	s31 =	simm.s32 $0xB;
	[tilespmem:s26+$0x80] =	vst v10  }
0x285: {  	v10 =	vld.idx.msk [tilespmem:v11+s19+$0x0], $0xffff;
	v11 =	vadd.s32 s31, v9  }
0x286: {  	v11 =	vadd.s32 v4, v11;
	_ =	sdelay $0x3  }
0x287: {  	s1 =	simm.s32 $0xC;
	[tilespmem:s26+$0x100] =	vst v10  }
0x288: {  	v10 =	vld.idx.msk [tilespmem:v11+s19+$0x0], $0xffff;
	v11 =	vadd.s32 s1, v9  }
0x289: {  	v11 =	vadd.s32 v4, v11;
	_ =	sdelay $0x3  }
0x28a: {  	s29 =	simm.s32 $0xD;
	[tilespmem:s26+$0x180] =	vst v10  }
0x28b: {  	v10 =	vld.idx.msk [tilespmem:v11+s19+$0x0], $0xffff;
	v11 =	vadd.s32 s29, v9  }
0x28c: {  	v11 =	vadd.s32 v4, v11;
	_ =	sdelay $0x3  }
0x28d: {  	s30 =	simm.s32 $0xE;
	[tilespmem:s26+$0x200] =	vst v10  }
0x28e: {  	v10 =	vld.idx.msk [tilespmem:v11+s19+$0x0], $0xffff;
	v11 =	vadd.s32 s30, v9  }
0x28f: {  	v11 =	vadd.s32 v4, v11;
	_ =	sdelay $0x3  }
0x290: {  	s31 =	simm.s32 $0xF;
	[tilespmem:s26+$0x280] =	vst v10  }
0x291: {  	v10 =	vld.idx.msk [tilespmem:v11+s19+$0x0], $0xffff;
	v11 =	vadd.s32 s31, v9  }
0x292: {  	v11 =	vadd.s32 v4, v11;
	_ =	sdelay $0x3  }
0x293: {  	s28 =	simm.s32 $0x10;
	[tilespmem:s26+$0x300] =	vst v10  }
0x294: {  	s1 =	simm.s32 $0x20;
	v10 =	vld.idx.msk [tilespmem:v11+s19+$0x0], $0xffff;
	v11 =	vadd.s32 s28, v9  }
.LBB2_11:
0x295: {  	p1 =	slt.u32 s1, $0x30;
	v11 =	vadd.s32 v4, v11;
	_ =	sdelay $0x3  }
0x296: {  	[tilespmem:s26+$0x380] =	vst v10  }
0x297: {  	s0 =	sadd.s32 $0x1, s28;
	v10 =	vld.idx.msk [tilespmem:v11+s19+$0x0], $0xffff  }
0x298: {  	v11 =	vadd.s32 s0, v9  }
0x299: {  	v11 =	vadd.s32 v4, v11;
	_ =	sdelay $0x2  }
0x29a: {  	s26 =	sadd.s32 $0x800, s26  }
0x29b: {  	[tilespmem:s26+$0xFFFFFC00] =	vst v10  }
0x29c: {  	s0 =	sadd.s32 $0x2, s28;
	v10 =	vld.idx.msk [tilespmem:v11+s19+$0x0], $0xffff  }
0x29d: {  	v11 =	vadd.s32 s0, v9  }
0x29e: {  	v11 =	vadd.s32 v4, v11;
	_ =	sdelay $0x3  }
0x29f: {  	[tilespmem:s26+$0xFFFFFC80] =	vst v10  }
0x2a0: {  	s0 =	sadd.s32 $0x3, s28;
	v10 =	vld.idx.msk [tilespmem:v11+s19+$0x0], $0xffff  }
0x2a1: {  	v11 =	vadd.s32 s0, v9  }
0x2a2: {  	v11 =	vadd.s32 v4, v11;
	_ =	sdelay $0x3  }
0x2a3: {  	[tilespmem:s26+$0xFFFFFD00] =	vst v10  }
0x2a4: {  	s0 =	sadd.s32 $0x4, s28;
	v10 =	vld.idx.msk [tilespmem:v11+s19+$0x0], $0xffff  }
0x2a5: {  	v11 =	vadd.s32 s0, v9  }
0x2a6: {  	v11 =	vadd.s32 v4, v11;
	_ =	sdelay $0x3  }
0x2a7: {  	[tilespmem:s26+$0xFFFFFD80] =	vst v10  }
0x2a8: {  	s0 =	sadd.s32 $0x5, s28;
	v10 =	vld.idx.msk [tilespmem:v11+s19+$0x0], $0xffff  }
0x2a9: {  	v11 =	vadd.s32 s0, v9  }
0x2aa: {  	v11 =	vadd.s32 v4, v11;
	_ =	sdelay $0x3  }
0x2ab: {  	[tilespmem:s26+$0xFFFFFE00] =	vst v10  }
0x2ac: {  	s0 =	sadd.s32 $0x6, s28;
	v10 =	vld.idx.msk [tilespmem:v11+s19+$0x0], $0xffff  }
0x2ad: {  	v11 =	vadd.s32 s0, v9  }
0x2ae: {  	v11 =	vadd.s32 v4, v11;
	_ =	sdelay $0x3  }
0x2af: {  	[tilespmem:s26+$0xFFFFFE80] =	vst v10  }
0x2b0: {  	s0 =	sadd.s32 $0x7, s28;
	v10 =	vld.idx.msk [tilespmem:v11+s19+$0x0], $0xffff  }
0x2b1: {  	v11 =	vadd.s32 s0, v9  }
0x2b2: {  	v11 =	vadd.s32 v4, v11;
	_ =	sdelay $0x3  }
0x2b3: {  	[tilespmem:s26+$0xFFFFFF00] =	vst v10  }
0x2b4: {  	s0 =	sadd.s32 $0x8, s28;
	v10 =	vld.idx.msk [tilespmem:v11+s19+$0x0], $0xffff  }
0x2b5: {  	v11 =	vadd.s32 s0, v9  }
0x2b6: {  	v11 =	vadd.s32 v4, v11;
	_ =	sdelay $0x3  }
0x2b7: {  	[tilespmem:s26+$0xFFFFFF80] =	vst v10  }
0x2b8: {  	s0 =	sadd.s32 $0x9, s28;
	v10 =	vld.idx.msk [tilespmem:v11+s19+$0x0], $0xffff  }
0x2b9: {  	v11 =	vadd.s32 s0, v9  }
0x2ba: {  	v11 =	vadd.s32 v4, v11;
	_ =	sdelay $0x3  }
0x2bb: {  	[tilespmem:s26+$0x0] =	vst v10  }
0x2bc: {  	s0 =	sadd.s32 $0xA, s28;
	v10 =	vld.idx.msk [tilespmem:v11+s19+$0x0], $0xffff  }
0x2bd: {  	v11 =	vadd.s32 s0, v9  }
0x2be: {  	v11 =	vadd.s32 v4, v11;
	_ =	sdelay $0x3  }
0x2bf: {  	[tilespmem:s26+$0x80] =	vst v10  }
0x2c0: {  	s0 =	sadd.s32 $0xB, s28;
	v10 =	vld.idx.msk [tilespmem:v11+s19+$0x0], $0xffff  }
0x2c1: {  	v11 =	vadd.s32 s0, v9  }
0x2c2: {  	v11 =	vadd.s32 v4, v11;
	_ =	sdelay $0x3  }
0x2c3: {  	[tilespmem:s26+$0x100] =	vst v10  }
0x2c4: {  	s0 =	sadd.s32 $0xC, s28;
	v10 =	vld.idx.msk [tilespmem:v11+s19+$0x0], $0xffff  }
0x2c5: {  	v11 =	vadd.s32 s0, v9  }
0x2c6: {  	v11 =	vadd.s32 v4, v11;
	_ =	sdelay $0x3  }
0x2c7: {  	[tilespmem:s26+$0x180] =	vst v10  }
0x2c8: {  	s0 =	sadd.s32 $0xD, s28;
	v10 =	vld.idx.msk [tilespmem:v11+s19+$0x0], $0xffff  }
0x2c9: {  	v11 =	vadd.s32 s0, v9  }
0x2ca: {  	v11 =	vadd.s32 v4, v11;
	_ =	sdelay $0x3  }
0x2cb: {  	[tilespmem:s26+$0x200] =	vst v10  }
0x2cc: {  	s0 =	sadd.s32 $0xE, s28;
	v10 =	vld.idx.msk [tilespmem:v11+s19+$0x0], $0xffff  }
0x2cd: {  	v11 =	vadd.s32 s0, v9  }
0x2ce: {  	v11 =	vadd.s32 v4, v11;
	_ =	sdelay $0x3  }
0x2cf: {  	[tilespmem:s26+$0x280] =	vst v10  }
0x2d0: {  	s0 =	sadd.s32 $0xF, s28;
	s28 =	smov.u32 s1;
	v10 =	vld.idx.msk [tilespmem:v11+s19+$0x0], $0xffff  }
0x2d1: {  	v11 =	vadd.s32 s0, v9  }
0x2d2: {  	v11 =	vadd.s32 v4, v11;
	_ =	sdelay $0x1  }
.Ltmp4:
0x2d3: {  	(pc) =	sbr.rel @p1 .LBB2_11-.Ltmp4, $4  }
0x2d4: {  	_ = 	snop  }
0x2d5: {  	[tilespmem:s26+$0x300] =	vst v10  }
0x2d6: {  	v10 =	vld.idx.msk [tilespmem:v11+s19+$0x0], $0xffff  }
0x2d7: {  	s1 =	sadd.s32 $0x10, s1;
	v11 =	vadd.s32 s28, v9  }
0x2d8: {  	v11 =	vadd.s32 v4, v11;
	_ =	sdelay $0x3  }
0x2d9: {  	s0 =	sadd.s32 $0x1, s28;
	[tilespmem:s26+$0x380] =	vst v10  }
0x2da: {  	v10 =	vld.idx.msk [tilespmem:v11+s19+$0x0], $0xffff;
	v11 =	vadd.s32 s0, v9  }
0x2db: {  	v11 =	vadd.s32 v4, v11;
	_ =	sdelay $0x2  }
0x2dc: {  	s1 =	sadd.s32 $0x800, s26  }
0x2dd: {  	s31 =	sadd.s32 $0x2, s28;
	[tilespmem:s1+$0xFFFFFC00] =	vst v10  }
0x2de: {  	v10 =	vld.idx.msk [tilespmem:v11+s19+$0x0], $0xffff;
	v11 =	vadd.s32 s31, v9  }
0x2df: {  	v11 =	vadd.s32 v4, v11;
	_ =	sdelay $0x3  }
0x2e0: {  	s26 =	sadd.s32 $0x3, s28;
	[tilespmem:s1+$0xFFFFFC80] =	vst v10  }
0x2e1: {  	v10 =	vld.idx.msk [tilespmem:v11+s19+$0x0], $0xffff;
	v11 =	vadd.s32 s26, v9  }
0x2e2: {  	v11 =	vadd.s32 v4, v11;
	_ =	sdelay $0x3  }
0x2e3: {  	s29 =	sadd.s32 $0x4, s28;
	[tilespmem:s1+$0xFFFFFD00] =	vst v10  }
0x2e4: {  	v10 =	vld.idx.msk [tilespmem:v11+s19+$0x0], $0xffff;
	v11 =	vadd.s32 s29, v9  }
0x2e5: {  	v11 =	vadd.s32 v4, v11;
	_ =	sdelay $0x3  }
0x2e6: {  	s30 =	sadd.s32 $0x5, s28;
	[tilespmem:s1+$0xFFFFFD80] =	vst v10  }
0x2e7: {  	v10 =	vld.idx.msk [tilespmem:v11+s19+$0x0], $0xffff;
	v11 =	vadd.s32 s30, v9  }
0x2e8: {  	v11 =	vadd.s32 v4, v11;
	_ =	sdelay $0x3  }
0x2e9: {  	s31 =	sadd.s32 $0x6, s28;
	[tilespmem:s1+$0xFFFFFE00] =	vst v10  }
0x2ea: {  	v10 =	vld.idx.msk [tilespmem:v11+s19+$0x0], $0xffff;
	v11 =	vadd.s32 s31, v9  }
0x2eb: {  	v11 =	vadd.s32 v4, v11;
	_ =	sdelay $0x3  }
0x2ec: {  	s26 =	sadd.s32 $0x7, s28;
	[tilespmem:s1+$0xFFFFFE80] =	vst v10  }
0x2ed: {  	v10 =	vld.idx.msk [tilespmem:v11+s19+$0x0], $0xffff;
	v11 =	vadd.s32 s26, v9  }
0x2ee: {  	v11 =	vadd.s32 v4, v11;
	_ =	sdelay $0x3  }
0x2ef: {  	s29 =	sadd.s32 $0x8, s28;
	[tilespmem:s1+$0xFFFFFF00] =	vst v10  }
0x2f0: {  	v10 =	vld.idx.msk [tilespmem:v11+s19+$0x0], $0xffff;
	v11 =	vadd.s32 s29, v9  }
0x2f1: {  	v11 =	vadd.s32 v4, v11;
	_ =	sdelay $0x3  }
0x2f2: {  	s30 =	sadd.s32 $0x9, s28;
	[tilespmem:s1+$0xFFFFFF80] =	vst v10  }
0x2f3: {  	v10 =	vld.idx.msk [tilespmem:v11+s19+$0x0], $0xffff;
	v11 =	vadd.s32 s30, v9  }
0x2f4: {  	v11 =	vadd.s32 v4, v11;
	_ =	sdelay $0x3  }
0x2f5: {  	s31 =	sadd.s32 $0xA, s28;
	[tilespmem:s1+$0x0] =	vst v10  }
0x2f6: {  	v10 =	vld.idx.msk [tilespmem:v11+s19+$0x0], $0xffff;
	v11 =	vadd.s32 s31, v9  }
0x2f7: {  	v11 =	vadd.s32 v4, v11;
	_ =	sdelay $0x3  }
0x2f8: {  	s26 =	sadd.s32 $0xB, s28;
	[tilespmem:s1+$0x80] =	vst v10  }
0x2f9: {  	v10 =	vld.idx.msk [tilespmem:v11+s19+$0x0], $0xffff;
	v11 =	vadd.s32 s26, v9  }
0x2fa: {  	v11 =	vadd.s32 v4, v11;
	_ =	sdelay $0x3  }
0x2fb: {  	s29 =	sadd.s32 $0xC, s28;
	[tilespmem:s1+$0x100] =	vst v10  }
0x2fc: {  	v10 =	vld.idx.msk [tilespmem:v11+s19+$0x0], $0xffff;
	v11 =	vadd.s32 s29, v9  }
0x2fd: {  	v11 =	vadd.s32 v4, v11;
	_ =	sdelay $0x3  }
0x2fe: {  	s30 =	sadd.s32 $0xD, s28;
	[tilespmem:s1+$0x180] =	vst v10  }
0x2ff: {  	v10 =	vld.idx.msk [tilespmem:v11+s19+$0x0], $0xffff;
	v11 =	vadd.s32 s30, v9  }
0x300: {  	v11 =	vadd.s32 v4, v11;
	_ =	sdelay $0x3  }
0x301: {  	s31 =	sadd.s32 $0xE, s28;
	[tilespmem:s1+$0x200] =	vst v10  }
0x302: {  	v10 =	vld.idx.msk [tilespmem:v11+s19+$0x0], $0xffff;
	v11 =	vadd.s32 s31, v9  }
0x303: {  	v11 =	vadd.s32 v4, v11;
	_ =	sdelay $0x3  }
0x304: {  	s26 =	sadd.s32 $0xF, s28;
	[tilespmem:s1+$0x280] =	vst v10  }
0x305: {  	v9 =	vadd.s32 s26, v9;
	v10 =	vld.idx.msk [tilespmem:v11+s19+$0x0], $0xffff  }
0x306: {  	v9 =	vadd.s32 v4, v9;
	_ =	sdelay $0x3  }
0x307: {  	[tilespmem:s1+$0x300] =	vst v10  }
0x308: {  	v9 =	vld.idx.msk [tilespmem:v9+s19+$0x0], $0xffff;
	_ =	sdelay $0x4  }
0x309: {  	[tilespmem:s1+$0x380] =	vst v9  }
0x30a: {  	v9 =	vld [tilespmem:s22+$0x1140];
	_ =	sdelay $0x3  }
0x30b: {  	s28 =	simm.s32 $0x0  }
0x30c: {  	v10 =	vadd.s32 s28, v9  }
0x30d: {  	v10 =	vadd.s32 v5, v10;
	_ =	sdelay $0x3  }
0x30e: {  	s29 =	simm.s32 $0x1  }
0x30f: {  	v11 =	vadd.s32 s29, v9;
	v10 =	vld.idx.msk [tilespmem:v10+s19+$0x0], $0xffff  }
0x310: {  	v11 =	vadd.s32 v5, v11;
	_ =	sdelay $0x3  }
0x311: {  	s30 =	simm.s32 $0x2;
	[tilespmem:s25+$0xFFFFFC00] =	vst v10  }
0x312: {  	v10 =	vld.idx.msk [tilespmem:v11+s19+$0x0], $0xffff;
	v11 =	vadd.s32 s30, v9  }
0x313: {  	v11 =	vadd.s32 v5, v11;
	_ =	sdelay $0x3  }
0x314: {  	s31 =	simm.s32 $0x3;
	[tilespmem:s25+$0xFFFFFC80] =	vst v10  }
0x315: {  	v10 =	vld.idx.msk [tilespmem:v11+s19+$0x0], $0xffff;
	v11 =	vadd.s32 s31, v9  }
0x316: {  	v11 =	vadd.s32 v5, v11;
	_ =	sdelay $0x3  }
0x317: {  	s1 =	simm.s32 $0x4;
	[tilespmem:s25+$0xFFFFFD00] =	vst v10  }
0x318: {  	v10 =	vld.idx.msk [tilespmem:v11+s19+$0x0], $0xffff;
	v11 =	vadd.s32 s1, v9  }
0x319: {  	v11 =	vadd.s32 v5, v11;
	_ =	sdelay $0x3  }
0x31a: {  	s26 =	simm.s32 $0x5;
	[tilespmem:s25+$0xFFFFFD80] =	vst v10  }
0x31b: {  	v10 =	vld.idx.msk [tilespmem:v11+s19+$0x0], $0xffff;
	v11 =	vadd.s32 s26, v9  }
0x31c: {  	v11 =	vadd.s32 v5, v11;
	_ =	sdelay $0x3  }
0x31d: {  	s28 =	simm.s32 $0x6;
	[tilespmem:s25+$0xFFFFFE00] =	vst v10  }
0x31e: {  	v10 =	vld.idx.msk [tilespmem:v11+s19+$0x0], $0xffff;
	v11 =	vadd.s32 s28, v9  }
0x31f: {  	v11 =	vadd.s32 v5, v11;
	_ =	sdelay $0x3  }
0x320: {  	s29 =	simm.s32 $0x7;
	[tilespmem:s25+$0xFFFFFE80] =	vst v10  }
0x321: {  	v10 =	vld.idx.msk [tilespmem:v11+s19+$0x0], $0xffff;
	v11 =	vadd.s32 s29, v9  }
0x322: {  	v11 =	vadd.s32 v5, v11;
	_ =	sdelay $0x3  }
0x323: {  	s30 =	simm.s32 $0x8;
	[tilespmem:s25+$0xFFFFFF00] =	vst v10  }
0x324: {  	v10 =	vld.idx.msk [tilespmem:v11+s19+$0x0], $0xffff;
	v11 =	vadd.s32 s30, v9  }
0x325: {  	v11 =	vadd.s32 v5, v11;
	_ =	sdelay $0x3  }
0x326: {  	s31 =	simm.s32 $0x9;
	[tilespmem:s25+$0xFFFFFF80] =	vst v10  }
0x327: {  	v10 =	vld.idx.msk [tilespmem:v11+s19+$0x0], $0xffff;
	v11 =	vadd.s32 s31, v9  }
0x328: {  	v11 =	vadd.s32 v5, v11;
	_ =	sdelay $0x3  }
0x329: {  	s1 =	simm.s32 $0xA;
	[tilespmem:s25+$0x0] =	vst v10  }
0x32a: {  	v10 =	vld.idx.msk [tilespmem:v11+s19+$0x0], $0xffff;
	v11 =	vadd.s32 s1, v9  }
0x32b: {  	v11 =	vadd.s32 v5, v11;
	_ =	sdelay $0x3  }
0x32c: {  	s26 =	simm.s32 $0xB;
	[tilespmem:s25+$0x80] =	vst v10  }
0x32d: {  	v10 =	vld.idx.msk [tilespmem:v11+s19+$0x0], $0xffff;
	v11 =	vadd.s32 s26, v9  }
0x32e: {  	v11 =	vadd.s32 v5, v11;
	_ =	sdelay $0x3  }
0x32f: {  	s28 =	simm.s32 $0xC;
	[tilespmem:s25+$0x100] =	vst v10  }
0x330: {  	v10 =	vld.idx.msk [tilespmem:v11+s19+$0x0], $0xffff;
	v11 =	vadd.s32 s28, v9  }
0x331: {  	v11 =	vadd.s32 v5, v11;
	_ =	sdelay $0x3  }
0x332: {  	s29 =	simm.s32 $0xD;
	[tilespmem:s25+$0x180] =	vst v10  }
0x333: {  	v10 =	vld.idx.msk [tilespmem:v11+s19+$0x0], $0xffff;
	v11 =	vadd.s32 s29, v9  }
0x334: {  	v11 =	vadd.s32 v5, v11;
	_ =	sdelay $0x3  }
0x335: {  	s30 =	simm.s32 $0xE;
	[tilespmem:s25+$0x200] =	vst v10  }
0x336: {  	v10 =	vld.idx.msk [tilespmem:v11+s19+$0x0], $0xffff;
	v11 =	vadd.s32 s30, v9  }
0x337: {  	v11 =	vadd.s32 v5, v11;
	_ =	sdelay $0x3  }
0x338: {  	s31 =	simm.s32 $0xF;
	[tilespmem:s25+$0x280] =	vst v10  }
0x339: {  	v10 =	vld.idx.msk [tilespmem:v11+s19+$0x0], $0xffff;
	v11 =	vadd.s32 s31, v9  }
0x33a: {  	v11 =	vadd.s32 v5, v11;
	_ =	sdelay $0x3  }
0x33b: {  	s26 =	simm.s32 $0x10;
	[tilespmem:s25+$0x300] =	vst v10  }
0x33c: {  	s1 =	simm.s32 $0x20;
	v10 =	vld.idx.msk [tilespmem:v11+s19+$0x0], $0xffff;
	v11 =	vadd.s32 s26, v9  }
.LBB2_13:
0x33d: {  	p1 =	slt.u32 s1, $0x30;
	v11 =	vadd.s32 v5, v11;
	_ =	sdelay $0x3  }
0x33e: {  	[tilespmem:s25+$0x380] =	vst v10  }
0x33f: {  	s0 =	sadd.s32 $0x1, s26;
	v10 =	vld.idx.msk [tilespmem:v11+s19+$0x0], $0xffff  }
0x340: {  	v11 =	vadd.s32 s0, v9  }
0x341: {  	v11 =	vadd.s32 v5, v11;
	_ =	sdelay $0x2  }
0x342: {  	s25 =	sadd.s32 $0x800, s25  }
0x343: {  	[tilespmem:s25+$0xFFFFFC00] =	vst v10  }
0x344: {  	s0 =	sadd.s32 $0x2, s26;
	v10 =	vld.idx.msk [tilespmem:v11+s19+$0x0], $0xffff  }
0x345: {  	v11 =	vadd.s32 s0, v9  }
0x346: {  	v11 =	vadd.s32 v5, v11;
	_ =	sdelay $0x3  }
0x347: {  	[tilespmem:s25+$0xFFFFFC80] =	vst v10  }
0x348: {  	s0 =	sadd.s32 $0x3, s26;
	v10 =	vld.idx.msk [tilespmem:v11+s19+$0x0], $0xffff  }
0x349: {  	v11 =	vadd.s32 s0, v9  }
0x34a: {  	v11 =	vadd.s32 v5, v11;
	_ =	sdelay $0x3  }
0x34b: {  	[tilespmem:s25+$0xFFFFFD00] =	vst v10  }
0x34c: {  	s0 =	sadd.s32 $0x4, s26;
	v10 =	vld.idx.msk [tilespmem:v11+s19+$0x0], $0xffff  }
0x34d: {  	v11 =	vadd.s32 s0, v9  }
0x34e: {  	v11 =	vadd.s32 v5, v11;
	_ =	sdelay $0x3  }
0x34f: {  	[tilespmem:s25+$0xFFFFFD80] =	vst v10  }
0x350: {  	s0 =	sadd.s32 $0x5, s26;
	v10 =	vld.idx.msk [tilespmem:v11+s19+$0x0], $0xffff  }
0x351: {  	v11 =	vadd.s32 s0, v9  }
0x352: {  	v11 =	vadd.s32 v5, v11;
	_ =	sdelay $0x3  }
0x353: {  	[tilespmem:s25+$0xFFFFFE00] =	vst v10  }
0x354: {  	s0 =	sadd.s32 $0x6, s26;
	v10 =	vld.idx.msk [tilespmem:v11+s19+$0x0], $0xffff  }
0x355: {  	v11 =	vadd.s32 s0, v9  }
0x356: {  	v11 =	vadd.s32 v5, v11;
	_ =	sdelay $0x3  }
0x357: {  	[tilespmem:s25+$0xFFFFFE80] =	vst v10  }
0x358: {  	s0 =	sadd.s32 $0x7, s26;
	v10 =	vld.idx.msk [tilespmem:v11+s19+$0x0], $0xffff  }
0x359: {  	v11 =	vadd.s32 s0, v9  }
0x35a: {  	v11 =	vadd.s32 v5, v11;
	_ =	sdelay $0x3  }
0x35b: {  	[tilespmem:s25+$0xFFFFFF00] =	vst v10  }
0x35c: {  	s0 =	sadd.s32 $0x8, s26;
	v10 =	vld.idx.msk [tilespmem:v11+s19+$0x0], $0xffff  }
0x35d: {  	v11 =	vadd.s32 s0, v9  }
0x35e: {  	v11 =	vadd.s32 v5, v11;
	_ =	sdelay $0x3  }
0x35f: {  	[tilespmem:s25+$0xFFFFFF80] =	vst v10  }
0x360: {  	s0 =	sadd.s32 $0x9, s26;
	v10 =	vld.idx.msk [tilespmem:v11+s19+$0x0], $0xffff  }
0x361: {  	v11 =	vadd.s32 s0, v9  }
0x362: {  	v11 =	vadd.s32 v5, v11;
	_ =	sdelay $0x3  }
0x363: {  	[tilespmem:s25+$0x0] =	vst v10  }
0x364: {  	s0 =	sadd.s32 $0xA, s26;
	v10 =	vld.idx.msk [tilespmem:v11+s19+$0x0], $0xffff  }
0x365: {  	v11 =	vadd.s32 s0, v9  }
0x366: {  	v11 =	vadd.s32 v5, v11;
	_ =	sdelay $0x3  }
0x367: {  	[tilespmem:s25+$0x80] =	vst v10  }
0x368: {  	s0 =	sadd.s32 $0xB, s26;
	v10 =	vld.idx.msk [tilespmem:v11+s19+$0x0], $0xffff  }
0x369: {  	v11 =	vadd.s32 s0, v9  }
0x36a: {  	v11 =	vadd.s32 v5, v11;
	_ =	sdelay $0x3  }
0x36b: {  	[tilespmem:s25+$0x100] =	vst v10  }
0x36c: {  	s0 =	sadd.s32 $0xC, s26;
	v10 =	vld.idx.msk [tilespmem:v11+s19+$0x0], $0xffff  }
0x36d: {  	v11 =	vadd.s32 s0, v9  }
0x36e: {  	v11 =	vadd.s32 v5, v11;
	_ =	sdelay $0x3  }
0x36f: {  	[tilespmem:s25+$0x180] =	vst v10  }
0x370: {  	s0 =	sadd.s32 $0xD, s26;
	v10 =	vld.idx.msk [tilespmem:v11+s19+$0x0], $0xffff  }
0x371: {  	v11 =	vadd.s32 s0, v9  }
0x372: {  	v11 =	vadd.s32 v5, v11;
	_ =	sdelay $0x3  }
0x373: {  	[tilespmem:s25+$0x200] =	vst v10  }
0x374: {  	s0 =	sadd.s32 $0xE, s26;
	v10 =	vld.idx.msk [tilespmem:v11+s19+$0x0], $0xffff  }
0x375: {  	v11 =	vadd.s32 s0, v9  }
0x376: {  	v11 =	vadd.s32 v5, v11;
	_ =	sdelay $0x3  }
0x377: {  	[tilespmem:s25+$0x280] =	vst v10  }
0x378: {  	s0 =	sadd.s32 $0xF, s26;
	s26 =	smov.u32 s1;
	v10 =	vld.idx.msk [tilespmem:v11+s19+$0x0], $0xffff  }
0x379: {  	v11 =	vadd.s32 s0, v9  }
0x37a: {  	v11 =	vadd.s32 v5, v11;
	_ =	sdelay $0x1  }
.Ltmp5:
0x37b: {  	(pc) =	sbr.rel @p1 .LBB2_13-.Ltmp5, $4  }
0x37c: {  	_ = 	snop  }
0x37d: {  	[tilespmem:s25+$0x300] =	vst v10  }
0x37e: {  	v10 =	vld.idx.msk [tilespmem:v11+s19+$0x0], $0xffff  }
0x37f: {  	s1 =	sadd.s32 $0x10, s1;
	v11 =	vadd.s32 s26, v9  }
0x380: {  	v11 =	vadd.s32 v5, v11;
	_ =	sdelay $0x3  }
0x381: {  	s0 =	sadd.s32 $0x1, s26;
	[tilespmem:s25+$0x380] =	vst v10  }
0x382: {  	v10 =	vld.idx.msk [tilespmem:v11+s19+$0x0], $0xffff;
	v11 =	vadd.s32 s0, v9  }
0x383: {  	v11 =	vadd.s32 v5, v11;
	_ =	sdelay $0x2  }
0x384: {  	s1 =	sadd.s32 $0x800, s25  }
0x385: {  	s31 =	sadd.s32 $0x2, s26;
	[tilespmem:s1+$0xFFFFFC00] =	vst v10  }
0x386: {  	v10 =	vld.idx.msk [tilespmem:v11+s19+$0x0], $0xffff;
	v11 =	vadd.s32 s31, v9  }
0x387: {  	v11 =	vadd.s32 v5, v11;
	_ =	sdelay $0x3  }
0x388: {  	s25 =	sadd.s32 $0x3, s26;
	[tilespmem:s1+$0xFFFFFC80] =	vst v10  }
0x389: {  	v10 =	vld.idx.msk [tilespmem:v11+s19+$0x0], $0xffff;
	v11 =	vadd.s32 s25, v9  }
0x38a: {  	v11 =	vadd.s32 v5, v11;
	_ =	sdelay $0x3  }
0x38b: {  	s28 =	sadd.s32 $0x4, s26;
	[tilespmem:s1+$0xFFFFFD00] =	vst v10  }
0x38c: {  	v10 =	vld.idx.msk [tilespmem:v11+s19+$0x0], $0xffff;
	v11 =	vadd.s32 s28, v9  }
0x38d: {  	v11 =	vadd.s32 v5, v11;
	_ =	sdelay $0x3  }
0x38e: {  	s29 =	sadd.s32 $0x5, s26;
	[tilespmem:s1+$0xFFFFFD80] =	vst v10  }
0x38f: {  	v10 =	vld.idx.msk [tilespmem:v11+s19+$0x0], $0xffff;
	v11 =	vadd.s32 s29, v9  }
0x390: {  	v11 =	vadd.s32 v5, v11;
	_ =	sdelay $0x3  }
0x391: {  	s30 =	sadd.s32 $0x6, s26;
	[tilespmem:s1+$0xFFFFFE00] =	vst v10  }
0x392: {  	v10 =	vld.idx.msk [tilespmem:v11+s19+$0x0], $0xffff;
	v11 =	vadd.s32 s30, v9  }
0x393: {  	v11 =	vadd.s32 v5, v11;
	_ =	sdelay $0x3  }
0x394: {  	s31 =	sadd.s32 $0x7, s26;
	[tilespmem:s1+$0xFFFFFE80] =	vst v10  }
0x395: {  	v10 =	vld.idx.msk [tilespmem:v11+s19+$0x0], $0xffff;
	v11 =	vadd.s32 s31, v9  }
0x396: {  	v11 =	vadd.s32 v5, v11;
	_ =	sdelay $0x3  }
0x397: {  	s25 =	sadd.s32 $0x8, s26;
	[tilespmem:s1+$0xFFFFFF00] =	vst v10  }
0x398: {  	v10 =	vld.idx.msk [tilespmem:v11+s19+$0x0], $0xffff;
	v11 =	vadd.s32 s25, v9  }
0x399: {  	v11 =	vadd.s32 v5, v11;
	_ =	sdelay $0x3  }
0x39a: {  	s28 =	sadd.s32 $0x9, s26;
	[tilespmem:s1+$0xFFFFFF80] =	vst v10  }
0x39b: {  	v10 =	vld.idx.msk [tilespmem:v11+s19+$0x0], $0xffff;
	v11 =	vadd.s32 s28, v9  }
0x39c: {  	v11 =	vadd.s32 v5, v11;
	_ =	sdelay $0x3  }
0x39d: {  	s29 =	sadd.s32 $0xA, s26;
	[tilespmem:s1+$0x0] =	vst v10  }
0x39e: {  	v10 =	vld.idx.msk [tilespmem:v11+s19+$0x0], $0xffff;
	v11 =	vadd.s32 s29, v9  }
0x39f: {  	v11 =	vadd.s32 v5, v11;
	_ =	sdelay $0x3  }
0x3a0: {  	s30 =	sadd.s32 $0xB, s26;
	[tilespmem:s1+$0x80] =	vst v10  }
0x3a1: {  	v10 =	vld.idx.msk [tilespmem:v11+s19+$0x0], $0xffff;
	v11 =	vadd.s32 s30, v9  }
0x3a2: {  	v11 =	vadd.s32 v5, v11;
	_ =	sdelay $0x3  }
0x3a3: {  	s31 =	sadd.s32 $0xC, s26;
	[tilespmem:s1+$0x100] =	vst v10  }
0x3a4: {  	v10 =	vld.idx.msk [tilespmem:v11+s19+$0x0], $0xffff;
	v11 =	vadd.s32 s31, v9  }
0x3a5: {  	v11 =	vadd.s32 v5, v11;
	_ =	sdelay $0x3  }
0x3a6: {  	s25 =	sadd.s32 $0xD, s26;
	[tilespmem:s1+$0x180] =	vst v10  }
0x3a7: {  	v10 =	vld.idx.msk [tilespmem:v11+s19+$0x0], $0xffff;
	v11 =	vadd.s32 s25, v9  }
0x3a8: {  	v11 =	vadd.s32 v5, v11;
	_ =	sdelay $0x3  }
0x3a9: {  	s28 =	sadd.s32 $0xE, s26;
	[tilespmem:s1+$0x200] =	vst v10  }
0x3aa: {  	v10 =	vld.idx.msk [tilespmem:v11+s19+$0x0], $0xffff;
	v11 =	vadd.s32 s28, v9  }
0x3ab: {  	v11 =	vadd.s32 v5, v11;
	_ =	sdelay $0x3  }
0x3ac: {  	s29 =	sadd.s32 $0xF, s26;
	[tilespmem:s1+$0x280] =	vst v10  }
0x3ad: {  	v9 =	vadd.s32 s29, v9;
	v10 =	vld.idx.msk [tilespmem:v11+s19+$0x0], $0xffff  }
0x3ae: {  	v9 =	vadd.s32 v5, v9;
	_ =	sdelay $0x3  }
0x3af: {  	[tilespmem:s1+$0x300] =	vst v10  }
0x3b0: {  	v9 =	vld.idx.msk [tilespmem:v9+s19+$0x0], $0xffff;
	_ =	sdelay $0x4  }
0x3b1: {  	[tilespmem:s1+$0x380] =	vst v9  }
0x3b2: {  	v9 =	vld [tilespmem:s22+$0x1150];
	_ =	sdelay $0x3  }
0x3b3: {  	s30 =	simm.s32 $0x0  }
0x3b4: {  	v10 =	vadd.s32 s30, v9  }
0x3b5: {  	v10 =	vadd.s32 v6, v10;
	_ =	sdelay $0x3  }
0x3b6: {  	s31 =	simm.s32 $0x1  }
0x3b7: {  	v11 =	vadd.s32 s31, v9;
	v10 =	vld.idx.msk [tilespmem:v10+s19+$0x0], $0xffff  }
0x3b8: {  	v11 =	vadd.s32 v6, v11;
	_ =	sdelay $0x3  }
0x3b9: {  	s1 =	simm.s32 $0x2;
	[tilespmem:s24+$0xFFFFFC00] =	vst v10  }
0x3ba: {  	v10 =	vld.idx.msk [tilespmem:v11+s19+$0x0], $0xffff;
	v11 =	vadd.s32 s1, v9  }
0x3bb: {  	v11 =	vadd.s32 v6, v11;
	_ =	sdelay $0x3  }
0x3bc: {  	s25 =	simm.s32 $0x3;
	[tilespmem:s24+$0xFFFFFC80] =	vst v10  }
0x3bd: {  	v10 =	vld.idx.msk [tilespmem:v11+s19+$0x0], $0xffff;
	v11 =	vadd.s32 s25, v9  }
0x3be: {  	v11 =	vadd.s32 v6, v11;
	_ =	sdelay $0x3  }
0x3bf: {  	s26 =	simm.s32 $0x4;
	[tilespmem:s24+$0xFFFFFD00] =	vst v10  }
0x3c0: {  	v10 =	vld.idx.msk [tilespmem:v11+s19+$0x0], $0xffff;
	v11 =	vadd.s32 s26, v9  }
0x3c1: {  	v11 =	vadd.s32 v6, v11;
	_ =	sdelay $0x3  }
0x3c2: {  	s28 =	simm.s32 $0x5;
	[tilespmem:s24+$0xFFFFFD80] =	vst v10  }
0x3c3: {  	v10 =	vld.idx.msk [tilespmem:v11+s19+$0x0], $0xffff;
	v11 =	vadd.s32 s28, v9  }
0x3c4: {  	v11 =	vadd.s32 v6, v11;
	_ =	sdelay $0x3  }
0x3c5: {  	s29 =	simm.s32 $0x6;
	[tilespmem:s24+$0xFFFFFE00] =	vst v10  }
0x3c6: {  	v10 =	vld.idx.msk [tilespmem:v11+s19+$0x0], $0xffff;
	v11 =	vadd.s32 s29, v9  }
0x3c7: {  	v11 =	vadd.s32 v6, v11;
	_ =	sdelay $0x3  }
0x3c8: {  	s30 =	simm.s32 $0x7;
	[tilespmem:s24+$0xFFFFFE80] =	vst v10  }
0x3c9: {  	v10 =	vld.idx.msk [tilespmem:v11+s19+$0x0], $0xffff;
	v11 =	vadd.s32 s30, v9  }
0x3ca: {  	v11 =	vadd.s32 v6, v11;
	_ =	sdelay $0x3  }
0x3cb: {  	s31 =	simm.s32 $0x8;
	[tilespmem:s24+$0xFFFFFF00] =	vst v10  }
0x3cc: {  	v10 =	vld.idx.msk [tilespmem:v11+s19+$0x0], $0xffff;
	v11 =	vadd.s32 s31, v9  }
0x3cd: {  	v11 =	vadd.s32 v6, v11;
	_ =	sdelay $0x3  }
0x3ce: {  	s1 =	simm.s32 $0x9;
	[tilespmem:s24+$0xFFFFFF80] =	vst v10  }
0x3cf: {  	v10 =	vld.idx.msk [tilespmem:v11+s19+$0x0], $0xffff;
	v11 =	vadd.s32 s1, v9  }
0x3d0: {  	v11 =	vadd.s32 v6, v11;
	_ =	sdelay $0x3  }
0x3d1: {  	s25 =	simm.s32 $0xA;
	[tilespmem:s24+$0x0] =	vst v10  }
0x3d2: {  	v10 =	vld.idx.msk [tilespmem:v11+s19+$0x0], $0xffff;
	v11 =	vadd.s32 s25, v9  }
0x3d3: {  	v11 =	vadd.s32 v6, v11;
	_ =	sdelay $0x3  }
0x3d4: {  	s26 =	simm.s32 $0xB;
	[tilespmem:s24+$0x80] =	vst v10  }
0x3d5: {  	v10 =	vld.idx.msk [tilespmem:v11+s19+$0x0], $0xffff;
	v11 =	vadd.s32 s26, v9  }
0x3d6: {  	v11 =	vadd.s32 v6, v11;
	_ =	sdelay $0x3  }
0x3d7: {  	s28 =	simm.s32 $0xC;
	[tilespmem:s24+$0x100] =	vst v10  }
0x3d8: {  	v10 =	vld.idx.msk [tilespmem:v11+s19+$0x0], $0xffff;
	v11 =	vadd.s32 s28, v9  }
0x3d9: {  	v11 =	vadd.s32 v6, v11;
	_ =	sdelay $0x3  }
0x3da: {  	s29 =	simm.s32 $0xD;
	[tilespmem:s24+$0x180] =	vst v10  }
0x3db: {  	v10 =	vld.idx.msk [tilespmem:v11+s19+$0x0], $0xffff;
	v11 =	vadd.s32 s29, v9  }
0x3dc: {  	v11 =	vadd.s32 v6, v11;
	_ =	sdelay $0x3  }
0x3dd: {  	s30 =	simm.s32 $0xE;
	[tilespmem:s24+$0x200] =	vst v10  }
0x3de: {  	v10 =	vld.idx.msk [tilespmem:v11+s19+$0x0], $0xffff;
	v11 =	vadd.s32 s30, v9  }
0x3df: {  	v11 =	vadd.s32 v6, v11;
	_ =	sdelay $0x3  }
0x3e0: {  	s31 =	simm.s32 $0xF;
	[tilespmem:s24+$0x280] =	vst v10  }
0x3e1: {  	v10 =	vld.idx.msk [tilespmem:v11+s19+$0x0], $0xffff;
	v11 =	vadd.s32 s31, v9  }
0x3e2: {  	v11 =	vadd.s32 v6, v11;
	_ =	sdelay $0x3  }
0x3e3: {  	s25 =	simm.s32 $0x10;
	[tilespmem:s24+$0x300] =	vst v10  }
0x3e4: {  	s1 =	simm.s32 $0x20;
	v10 =	vld.idx.msk [tilespmem:v11+s19+$0x0], $0xffff;
	v11 =	vadd.s32 s25, v9  }
.LBB2_15:
0x3e5: {  	p1 =	slt.u32 s1, $0x30;
	v11 =	vadd.s32 v6, v11;
	_ =	sdelay $0x3  }
0x3e6: {  	[tilespmem:s24+$0x380] =	vst v10  }
0x3e7: {  	s0 =	sadd.s32 $0x1, s25;
	v10 =	vld.idx.msk [tilespmem:v11+s19+$0x0], $0xffff  }
0x3e8: {  	v11 =	vadd.s32 s0, v9  }
0x3e9: {  	v11 =	vadd.s32 v6, v11;
	_ =	sdelay $0x2  }
0x3ea: {  	s24 =	sadd.s32 $0x800, s24  }
0x3eb: {  	[tilespmem:s24+$0xFFFFFC00] =	vst v10  }
0x3ec: {  	s0 =	sadd.s32 $0x2, s25;
	v10 =	vld.idx.msk [tilespmem:v11+s19+$0x0], $0xffff  }
0x3ed: {  	v11 =	vadd.s32 s0, v9  }
0x3ee: {  	v11 =	vadd.s32 v6, v11;
	_ =	sdelay $0x3  }
0x3ef: {  	[tilespmem:s24+$0xFFFFFC80] =	vst v10  }
0x3f0: {  	s0 =	sadd.s32 $0x3, s25;
	v10 =	vld.idx.msk [tilespmem:v11+s19+$0x0], $0xffff  }
0x3f1: {  	v11 =	vadd.s32 s0, v9  }
0x3f2: {  	v11 =	vadd.s32 v6, v11;
	_ =	sdelay $0x3  }
0x3f3: {  	[tilespmem:s24+$0xFFFFFD00] =	vst v10  }
0x3f4: {  	s0 =	sadd.s32 $0x4, s25;
	v10 =	vld.idx.msk [tilespmem:v11+s19+$0x0], $0xffff  }
0x3f5: {  	v11 =	vadd.s32 s0, v9  }
0x3f6: {  	v11 =	vadd.s32 v6, v11;
	_ =	sdelay $0x3  }
0x3f7: {  	[tilespmem:s24+$0xFFFFFD80] =	vst v10  }
0x3f8: {  	s0 =	sadd.s32 $0x5, s25;
	v10 =	vld.idx.msk [tilespmem:v11+s19+$0x0], $0xffff  }
0x3f9: {  	v11 =	vadd.s32 s0, v9  }
0x3fa: {  	v11 =	vadd.s32 v6, v11;
	_ =	sdelay $0x3  }
0x3fb: {  	[tilespmem:s24+$0xFFFFFE00] =	vst v10  }
0x3fc: {  	s0 =	sadd.s32 $0x6, s25;
	v10 =	vld.idx.msk [tilespmem:v11+s19+$0x0], $0xffff  }
0x3fd: {  	v11 =	vadd.s32 s0, v9  }
0x3fe: {  	v11 =	vadd.s32 v6, v11;
	_ =	sdelay $0x3  }
0x3ff: {  	[tilespmem:s24+$0xFFFFFE80] =	vst v10  }
0x400: {  	s0 =	sadd.s32 $0x7, s25;
	v10 =	vld.idx.msk [tilespmem:v11+s19+$0x0], $0xffff  }
0x401: {  	v11 =	vadd.s32 s0, v9  }
0x402: {  	v11 =	vadd.s32 v6, v11;
	_ =	sdelay $0x3  }
0x403: {  	[tilespmem:s24+$0xFFFFFF00] =	vst v10  }
0x404: {  	s0 =	sadd.s32 $0x8, s25;
	v10 =	vld.idx.msk [tilespmem:v11+s19+$0x0], $0xffff  }
0x405: {  	v11 =	vadd.s32 s0, v9  }
0x406: {  	v11 =	vadd.s32 v6, v11;
	_ =	sdelay $0x3  }
0x407: {  	[tilespmem:s24+$0xFFFFFF80] =	vst v10  }
0x408: {  	s0 =	sadd.s32 $0x9, s25;
	v10 =	vld.idx.msk [tilespmem:v11+s19+$0x0], $0xffff  }
0x409: {  	v11 =	vadd.s32 s0, v9  }
0x40a: {  	v11 =	vadd.s32 v6, v11;
	_ =	sdelay $0x3  }
0x40b: {  	[tilespmem:s24+$0x0] =	vst v10  }
0x40c: {  	s0 =	sadd.s32 $0xA, s25;
	v10 =	vld.idx.msk [tilespmem:v11+s19+$0x0], $0xffff  }
0x40d: {  	v11 =	vadd.s32 s0, v9  }
0x40e: {  	v11 =	vadd.s32 v6, v11;
	_ =	sdelay $0x3  }
0x40f: {  	[tilespmem:s24+$0x80] =	vst v10  }
0x410: {  	s0 =	sadd.s32 $0xB, s25;
	v10 =	vld.idx.msk [tilespmem:v11+s19+$0x0], $0xffff  }
0x411: {  	v11 =	vadd.s32 s0, v9  }
0x412: {  	v11 =	vadd.s32 v6, v11;
	_ =	sdelay $0x3  }
0x413: {  	[tilespmem:s24+$0x100] =	vst v10  }
0x414: {  	s0 =	sadd.s32 $0xC, s25;
	v10 =	vld.idx.msk [tilespmem:v11+s19+$0x0], $0xffff  }
0x415: {  	v11 =	vadd.s32 s0, v9  }
0x416: {  	v11 =	vadd.s32 v6, v11;
	_ =	sdelay $0x3  }
0x417: {  	[tilespmem:s24+$0x180] =	vst v10  }
0x418: {  	s0 =	sadd.s32 $0xD, s25;
	v10 =	vld.idx.msk [tilespmem:v11+s19+$0x0], $0xffff  }
0x419: {  	v11 =	vadd.s32 s0, v9  }
0x41a: {  	v11 =	vadd.s32 v6, v11;
	_ =	sdelay $0x3  }
0x41b: {  	[tilespmem:s24+$0x200] =	vst v10  }
0x41c: {  	s0 =	sadd.s32 $0xE, s25;
	v10 =	vld.idx.msk [tilespmem:v11+s19+$0x0], $0xffff  }
0x41d: {  	v11 =	vadd.s32 s0, v9  }
0x41e: {  	v11 =	vadd.s32 v6, v11;
	_ =	sdelay $0x3  }
0x41f: {  	[tilespmem:s24+$0x280] =	vst v10  }
0x420: {  	s0 =	sadd.s32 $0xF, s25;
	s25 =	smov.u32 s1;
	v10 =	vld.idx.msk [tilespmem:v11+s19+$0x0], $0xffff  }
0x421: {  	v11 =	vadd.s32 s0, v9  }
0x422: {  	v11 =	vadd.s32 v6, v11;
	_ =	sdelay $0x1  }
.Ltmp6:
0x423: {  	(pc) =	sbr.rel @p1 .LBB2_15-.Ltmp6, $4  }
0x424: {  	_ = 	snop  }
0x425: {  	[tilespmem:s24+$0x300] =	vst v10  }
0x426: {  	v10 =	vld.idx.msk [tilespmem:v11+s19+$0x0], $0xffff  }
0x427: {  	s1 =	sadd.s32 $0x10, s1;
	v11 =	vadd.s32 s25, v9  }
0x428: {  	v11 =	vadd.s32 v6, v11;
	_ =	sdelay $0x3  }
0x429: {  	s0 =	sadd.s32 $0x1, s25;
	[tilespmem:s24+$0x380] =	vst v10  }
0x42a: {  	v10 =	vld.idx.msk [tilespmem:v11+s19+$0x0], $0xffff;
	v11 =	vadd.s32 s0, v9  }
0x42b: {  	v11 =	vadd.s32 v6, v11;
	_ =	sdelay $0x2  }
0x42c: {  	s1 =	sadd.s32 $0x800, s24  }
0x42d: {  	s30 =	sadd.s32 $0x2, s25;
	[tilespmem:s1+$0xFFFFFC00] =	vst v10  }
0x42e: {  	v10 =	vld.idx.msk [tilespmem:v11+s19+$0x0], $0xffff;
	v11 =	vadd.s32 s30, v9  }
0x42f: {  	v11 =	vadd.s32 v6, v11;
	_ =	sdelay $0x3  }
0x430: {  	s31 =	sadd.s32 $0x3, s25;
	[tilespmem:s1+$0xFFFFFC80] =	vst v10  }
0x431: {  	v10 =	vld.idx.msk [tilespmem:v11+s19+$0x0], $0xffff;
	v11 =	vadd.s32 s31, v9  }
0x432: {  	v11 =	vadd.s32 v6, v11;
	_ =	sdelay $0x3  }
0x433: {  	s24 =	sadd.s32 $0x4, s25;
	[tilespmem:s1+$0xFFFFFD00] =	vst v10  }
0x434: {  	v10 =	vld.idx.msk [tilespmem:v11+s19+$0x0], $0xffff;
	v11 =	vadd.s32 s24, v9  }
0x435: {  	v11 =	vadd.s32 v6, v11;
	_ =	sdelay $0x3  }
0x436: {  	s26 =	sadd.s32 $0x5, s25;
	[tilespmem:s1+$0xFFFFFD80] =	vst v10  }
0x437: {  	v10 =	vld.idx.msk [tilespmem:v11+s19+$0x0], $0xffff;
	v11 =	vadd.s32 s26, v9  }
0x438: {  	v11 =	vadd.s32 v6, v11;
	_ =	sdelay $0x3  }
0x439: {  	s28 =	sadd.s32 $0x6, s25;
	[tilespmem:s1+$0xFFFFFE00] =	vst v10  }
0x43a: {  	v10 =	vld.idx.msk [tilespmem:v11+s19+$0x0], $0xffff;
	v11 =	vadd.s32 s28, v9  }
0x43b: {  	v11 =	vadd.s32 v6, v11;
	_ =	sdelay $0x3  }
0x43c: {  	s29 =	sadd.s32 $0x7, s25;
	[tilespmem:s1+$0xFFFFFE80] =	vst v10  }
0x43d: {  	v10 =	vld.idx.msk [tilespmem:v11+s19+$0x0], $0xffff;
	v11 =	vadd.s32 s29, v9  }
0x43e: {  	v11 =	vadd.s32 v6, v11;
	_ =	sdelay $0x3  }
0x43f: {  	s30 =	sadd.s32 $0x8, s25;
	[tilespmem:s1+$0xFFFFFF00] =	vst v10  }
0x440: {  	v10 =	vld.idx.msk [tilespmem:v11+s19+$0x0], $0xffff;
	v11 =	vadd.s32 s30, v9  }
0x441: {  	v11 =	vadd.s32 v6, v11;
	_ =	sdelay $0x3  }
0x442: {  	s31 =	sadd.s32 $0x9, s25;
	[tilespmem:s1+$0xFFFFFF80] =	vst v10  }
0x443: {  	v10 =	vld.idx.msk [tilespmem:v11+s19+$0x0], $0xffff;
	v11 =	vadd.s32 s31, v9  }
0x444: {  	v11 =	vadd.s32 v6, v11;
	_ =	sdelay $0x3  }
0x445: {  	s24 =	sadd.s32 $0xA, s25;
	[tilespmem:s1+$0x0] =	vst v10  }
0x446: {  	v10 =	vld.idx.msk [tilespmem:v11+s19+$0x0], $0xffff;
	v11 =	vadd.s32 s24, v9  }
0x447: {  	v11 =	vadd.s32 v6, v11;
	_ =	sdelay $0x3  }
0x448: {  	s26 =	sadd.s32 $0xB, s25;
	[tilespmem:s1+$0x80] =	vst v10  }
0x449: {  	v10 =	vld.idx.msk [tilespmem:v11+s19+$0x0], $0xffff;
	v11 =	vadd.s32 s26, v9  }
0x44a: {  	v11 =	vadd.s32 v6, v11;
	_ =	sdelay $0x3  }
0x44b: {  	s28 =	sadd.s32 $0xC, s25;
	[tilespmem:s1+$0x100] =	vst v10  }
0x44c: {  	v10 =	vld.idx.msk [tilespmem:v11+s19+$0x0], $0xffff;
	v11 =	vadd.s32 s28, v9  }
0x44d: {  	v11 =	vadd.s32 v6, v11;
	_ =	sdelay $0x3  }
0x44e: {  	s29 =	sadd.s32 $0xD, s25;
	[tilespmem:s1+$0x180] =	vst v10  }
0x44f: {  	v10 =	vld.idx.msk [tilespmem:v11+s19+$0x0], $0xffff;
	v11 =	vadd.s32 s29, v9  }
0x450: {  	v11 =	vadd.s32 v6, v11;
	_ =	sdelay $0x3  }
0x451: {  	s30 =	sadd.s32 $0xE, s25;
	[tilespmem:s1+$0x200] =	vst v10  }
0x452: {  	v10 =	vld.idx.msk [tilespmem:v11+s19+$0x0], $0xffff;
	v11 =	vadd.s32 s30, v9  }
0x453: {  	v11 =	vadd.s32 v6, v11;
	_ =	sdelay $0x3  }
0x454: {  	s31 =	sadd.s32 $0xF, s25;
	[tilespmem:s1+$0x280] =	vst v10  }
0x455: {  	v9 =	vadd.s32 s31, v9;
	v10 =	vld.idx.msk [tilespmem:v11+s19+$0x0], $0xffff  }
0x456: {  	v9 =	vadd.s32 v6, v9;
	_ =	sdelay $0x3  }
0x457: {  	[tilespmem:s1+$0x300] =	vst v10  }
0x458: {  	v9 =	vld.idx.msk [tilespmem:v9+s19+$0x0], $0xffff;
	_ =	sdelay $0x4  }
0x459: {  	[tilespmem:s1+$0x380] =	vst v9  }
0x45a: {  	v9 =	vld [tilespmem:s22+$0x1160];
	_ =	sdelay $0x3  }
0x45b: {  	s1 =	simm.s32 $0x0  }
0x45c: {  	v10 =	vadd.s32 s1, v9  }
0x45d: {  	v10 =	vadd.s32 v7, v10;
	_ =	sdelay $0x3  }
0x45e: {  	s24 =	simm.s32 $0x1  }
0x45f: {  	v11 =	vadd.s32 s24, v9;
	v10 =	vld.idx.msk [tilespmem:v10+s19+$0x0], $0xffff  }
0x460: {  	v11 =	vadd.s32 v7, v11;
	_ =	sdelay $0x3  }
0x461: {  	s25 =	simm.s32 $0x2;
	[tilespmem:s23+$0xFFFFFC00] =	vst v10  }
0x462: {  	v10 =	vld.idx.msk [tilespmem:v11+s19+$0x0], $0xffff;
	v11 =	vadd.s32 s25, v9  }
0x463: {  	v11 =	vadd.s32 v7, v11;
	_ =	sdelay $0x3  }
0x464: {  	s26 =	simm.s32 $0x3;
	[tilespmem:s23+$0xFFFFFC80] =	vst v10  }
0x465: {  	v10 =	vld.idx.msk [tilespmem:v11+s19+$0x0], $0xffff;
	v11 =	vadd.s32 s26, v9  }
0x466: {  	v11 =	vadd.s32 v7, v11;
	_ =	sdelay $0x3  }
0x467: {  	s28 =	simm.s32 $0x4;
	[tilespmem:s23+$0xFFFFFD00] =	vst v10  }
0x468: {  	v10 =	vld.idx.msk [tilespmem:v11+s19+$0x0], $0xffff;
	v11 =	vadd.s32 s28, v9  }
0x469: {  	v11 =	vadd.s32 v7, v11;
	_ =	sdelay $0x3  }
0x46a: {  	s29 =	simm.s32 $0x5;
	[tilespmem:s23+$0xFFFFFD80] =	vst v10  }
0x46b: {  	v10 =	vld.idx.msk [tilespmem:v11+s19+$0x0], $0xffff;
	v11 =	vadd.s32 s29, v9  }
0x46c: {  	v11 =	vadd.s32 v7, v11;
	_ =	sdelay $0x3  }
0x46d: {  	s30 =	simm.s32 $0x6;
	[tilespmem:s23+$0xFFFFFE00] =	vst v10  }
0x46e: {  	v10 =	vld.idx.msk [tilespmem:v11+s19+$0x0], $0xffff;
	v11 =	vadd.s32 s30, v9  }
0x46f: {  	v11 =	vadd.s32 v7, v11;
	_ =	sdelay $0x3  }
0x470: {  	s31 =	simm.s32 $0x7;
	[tilespmem:s23+$0xFFFFFE80] =	vst v10  }
0x471: {  	v10 =	vld.idx.msk [tilespmem:v11+s19+$0x0], $0xffff;
	v11 =	vadd.s32 s31, v9  }
0x472: {  	v11 =	vadd.s32 v7, v11;
	_ =	sdelay $0x3  }
0x473: {  	s1 =	simm.s32 $0x8;
	[tilespmem:s23+$0xFFFFFF00] =	vst v10  }
0x474: {  	v10 =	vld.idx.msk [tilespmem:v11+s19+$0x0], $0xffff;
	v11 =	vadd.s32 s1, v9  }
0x475: {  	v11 =	vadd.s32 v7, v11;
	_ =	sdelay $0x3  }
0x476: {  	s24 =	simm.s32 $0x9;
	[tilespmem:s23+$0xFFFFFF80] =	vst v10  }
0x477: {  	v10 =	vld.idx.msk [tilespmem:v11+s19+$0x0], $0xffff;
	v11 =	vadd.s32 s24, v9  }
0x478: {  	v11 =	vadd.s32 v7, v11;
	_ =	sdelay $0x3  }
0x479: {  	s25 =	simm.s32 $0xA;
	[tilespmem:s23+$0x0] =	vst v10  }
0x47a: {  	v10 =	vld.idx.msk [tilespmem:v11+s19+$0x0], $0xffff;
	v11 =	vadd.s32 s25, v9  }
0x47b: {  	v11 =	vadd.s32 v7, v11;
	_ =	sdelay $0x3  }
0x47c: {  	s26 =	simm.s32 $0xB;
	[tilespmem:s23+$0x80] =	vst v10  }
0x47d: {  	v10 =	vld.idx.msk [tilespmem:v11+s19+$0x0], $0xffff;
	v11 =	vadd.s32 s26, v9  }
0x47e: {  	v11 =	vadd.s32 v7, v11;
	_ =	sdelay $0x3  }
0x47f: {  	s28 =	simm.s32 $0xC;
	[tilespmem:s23+$0x100] =	vst v10  }
0x480: {  	v10 =	vld.idx.msk [tilespmem:v11+s19+$0x0], $0xffff;
	v11 =	vadd.s32 s28, v9  }
0x481: {  	v11 =	vadd.s32 v7, v11;
	_ =	sdelay $0x3  }
0x482: {  	s29 =	simm.s32 $0xD;
	[tilespmem:s23+$0x180] =	vst v10  }
0x483: {  	v10 =	vld.idx.msk [tilespmem:v11+s19+$0x0], $0xffff;
	v11 =	vadd.s32 s29, v9  }
0x484: {  	v11 =	vadd.s32 v7, v11;
	_ =	sdelay $0x3  }
0x485: {  	s30 =	simm.s32 $0xE;
	[tilespmem:s23+$0x200] =	vst v10  }
0x486: {  	v10 =	vld.idx.msk [tilespmem:v11+s19+$0x0], $0xffff;
	v11 =	vadd.s32 s30, v9  }
0x487: {  	v11 =	vadd.s32 v7, v11;
	_ =	sdelay $0x3  }
0x488: {  	s31 =	simm.s32 $0xF;
	[tilespmem:s23+$0x280] =	vst v10  }
0x489: {  	v10 =	vld.idx.msk [tilespmem:v11+s19+$0x0], $0xffff;
	v11 =	vadd.s32 s31, v9  }
0x48a: {  	v11 =	vadd.s32 v7, v11;
	_ =	sdelay $0x3  }
0x48b: {  	s24 =	simm.s32 $0x10;
	[tilespmem:s23+$0x300] =	vst v10  }
0x48c: {  	s1 =	simm.s32 $0x20;
	v10 =	vld.idx.msk [tilespmem:v11+s19+$0x0], $0xffff;
	v11 =	vadd.s32 s24, v9  }
.LBB2_17:
0x48d: {  	p1 =	slt.u32 s1, $0x30;
	v11 =	vadd.s32 v7, v11;
	_ =	sdelay $0x3  }
0x48e: {  	[tilespmem:s23+$0x380] =	vst v10  }
0x48f: {  	s0 =	sadd.s32 $0x1, s24;
	v10 =	vld.idx.msk [tilespmem:v11+s19+$0x0], $0xffff  }
0x490: {  	v11 =	vadd.s32 s0, v9  }
0x491: {  	v11 =	vadd.s32 v7, v11;
	_ =	sdelay $0x2  }
0x492: {  	s23 =	sadd.s32 $0x800, s23  }
0x493: {  	[tilespmem:s23+$0xFFFFFC00] =	vst v10  }
0x494: {  	s0 =	sadd.s32 $0x2, s24;
	v10 =	vld.idx.msk [tilespmem:v11+s19+$0x0], $0xffff  }
0x495: {  	v11 =	vadd.s32 s0, v9  }
0x496: {  	v11 =	vadd.s32 v7, v11;
	_ =	sdelay $0x3  }
0x497: {  	[tilespmem:s23+$0xFFFFFC80] =	vst v10  }
0x498: {  	s0 =	sadd.s32 $0x3, s24;
	v10 =	vld.idx.msk [tilespmem:v11+s19+$0x0], $0xffff  }
0x499: {  	v11 =	vadd.s32 s0, v9  }
0x49a: {  	v11 =	vadd.s32 v7, v11;
	_ =	sdelay $0x3  }
0x49b: {  	[tilespmem:s23+$0xFFFFFD00] =	vst v10  }
0x49c: {  	s0 =	sadd.s32 $0x4, s24;
	v10 =	vld.idx.msk [tilespmem:v11+s19+$0x0], $0xffff  }
0x49d: {  	v11 =	vadd.s32 s0, v9  }
0x49e: {  	v11 =	vadd.s32 v7, v11;
	_ =	sdelay $0x3  }
0x49f: {  	[tilespmem:s23+$0xFFFFFD80] =	vst v10  }
0x4a0: {  	s0 =	sadd.s32 $0x5, s24;
	v10 =	vld.idx.msk [tilespmem:v11+s19+$0x0], $0xffff  }
0x4a1: {  	v11 =	vadd.s32 s0, v9  }
0x4a2: {  	v11 =	vadd.s32 v7, v11;
	_ =	sdelay $0x3  }
0x4a3: {  	[tilespmem:s23+$0xFFFFFE00] =	vst v10  }
0x4a4: {  	s0 =	sadd.s32 $0x6, s24;
	v10 =	vld.idx.msk [tilespmem:v11+s19+$0x0], $0xffff  }
0x4a5: {  	v11 =	vadd.s32 s0, v9  }
0x4a6: {  	v11 =	vadd.s32 v7, v11;
	_ =	sdelay $0x3  }
0x4a7: {  	[tilespmem:s23+$0xFFFFFE80] =	vst v10  }
0x4a8: {  	s0 =	sadd.s32 $0x7, s24;
	v10 =	vld.idx.msk [tilespmem:v11+s19+$0x0], $0xffff  }
0x4a9: {  	v11 =	vadd.s32 s0, v9  }
0x4aa: {  	v11 =	vadd.s32 v7, v11;
	_ =	sdelay $0x3  }
0x4ab: {  	[tilespmem:s23+$0xFFFFFF00] =	vst v10  }
0x4ac: {  	s0 =	sadd.s32 $0x8, s24;
	v10 =	vld.idx.msk [tilespmem:v11+s19+$0x0], $0xffff  }
0x4ad: {  	v11 =	vadd.s32 s0, v9  }
0x4ae: {  	v11 =	vadd.s32 v7, v11;
	_ =	sdelay $0x3  }
0x4af: {  	[tilespmem:s23+$0xFFFFFF80] =	vst v10  }
0x4b0: {  	s0 =	sadd.s32 $0x9, s24;
	v10 =	vld.idx.msk [tilespmem:v11+s19+$0x0], $0xffff  }
0x4b1: {  	v11 =	vadd.s32 s0, v9  }
0x4b2: {  	v11 =	vadd.s32 v7, v11;
	_ =	sdelay $0x3  }
0x4b3: {  	[tilespmem:s23+$0x0] =	vst v10  }
0x4b4: {  	s0 =	sadd.s32 $0xA, s24;
	v10 =	vld.idx.msk [tilespmem:v11+s19+$0x0], $0xffff  }
0x4b5: {  	v11 =	vadd.s32 s0, v9  }
0x4b6: {  	v11 =	vadd.s32 v7, v11;
	_ =	sdelay $0x3  }
0x4b7: {  	[tilespmem:s23+$0x80] =	vst v10  }
0x4b8: {  	s0 =	sadd.s32 $0xB, s24;
	v10 =	vld.idx.msk [tilespmem:v11+s19+$0x0], $0xffff  }
0x4b9: {  	v11 =	vadd.s32 s0, v9  }
0x4ba: {  	v11 =	vadd.s32 v7, v11;
	_ =	sdelay $0x3  }
0x4bb: {  	[tilespmem:s23+$0x100] =	vst v10  }
0x4bc: {  	s0 =	sadd.s32 $0xC, s24;
	v10 =	vld.idx.msk [tilespmem:v11+s19+$0x0], $0xffff  }
0x4bd: {  	v11 =	vadd.s32 s0, v9  }
0x4be: {  	v11 =	vadd.s32 v7, v11;
	_ =	sdelay $0x3  }
0x4bf: {  	[tilespmem:s23+$0x180] =	vst v10  }
0x4c0: {  	s0 =	sadd.s32 $0xD, s24;
	v10 =	vld.idx.msk [tilespmem:v11+s19+$0x0], $0xffff  }
0x4c1: {  	v11 =	vadd.s32 s0, v9  }
0x4c2: {  	v11 =	vadd.s32 v7, v11;
	_ =	sdelay $0x3  }
0x4c3: {  	[tilespmem:s23+$0x200] =	vst v10  }
0x4c4: {  	s0 =	sadd.s32 $0xE, s24;
	v10 =	vld.idx.msk [tilespmem:v11+s19+$0x0], $0xffff  }
0x4c5: {  	v11 =	vadd.s32 s0, v9  }
0x4c6: {  	v11 =	vadd.s32 v7, v11;
	_ =	sdelay $0x3  }
0x4c7: {  	[tilespmem:s23+$0x280] =	vst v10  }
0x4c8: {  	s0 =	sadd.s32 $0xF, s24;
	s24 =	smov.u32 s1;
	v10 =	vld.idx.msk [tilespmem:v11+s19+$0x0], $0xffff  }
0x4c9: {  	v11 =	vadd.s32 s0, v9  }
0x4ca: {  	v11 =	vadd.s32 v7, v11;
	_ =	sdelay $0x1  }
.Ltmp7:
0x4cb: {  	(pc) =	sbr.rel @p1 .LBB2_17-.Ltmp7, $4  }
0x4cc: {  	_ = 	snop  }
0x4cd: {  	[tilespmem:s23+$0x300] =	vst v10  }
0x4ce: {  	v10 =	vld.idx.msk [tilespmem:v11+s19+$0x0], $0xffff  }
0x4cf: {  	s1 =	sadd.s32 $0x10, s1;
	v11 =	vadd.s32 s24, v9  }
0x4d0: {  	v11 =	vadd.s32 v7, v11;
	_ =	sdelay $0x3  }
0x4d1: {  	s0 =	sadd.s32 $0x1, s24;
	[tilespmem:s23+$0x380] =	vst v10  }
0x4d2: {  	v10 =	vld.idx.msk [tilespmem:v11+s19+$0x0], $0xffff;
	v11 =	vadd.s32 s0, v9  }
0x4d3: {  	v11 =	vadd.s32 v7, v11;
	_ =	sdelay $0x2  }
0x4d4: {  	s1 =	sadd.s32 $0x800, s23  }
0x4d5: {  	s26 =	sadd.s32 $0x2, s24;
	[tilespmem:s1+$0xFFFFFC00] =	vst v10  }
0x4d6: {  	v10 =	vld.idx.msk [tilespmem:v11+s19+$0x0], $0xffff;
	v11 =	vadd.s32 s26, v9  }
0x4d7: {  	v11 =	vadd.s32 v7, v11;
	_ =	sdelay $0x3  }
0x4d8: {  	s28 =	sadd.s32 $0x3, s24;
	[tilespmem:s1+$0xFFFFFC80] =	vst v10  }
0x4d9: {  	v10 =	vld.idx.msk [tilespmem:v11+s19+$0x0], $0xffff;
	v11 =	vadd.s32 s28, v9  }
0x4da: {  	v11 =	vadd.s32 v7, v11;
	_ =	sdelay $0x3  }
0x4db: {  	s29 =	sadd.s32 $0x4, s24;
	[tilespmem:s1+$0xFFFFFD00] =	vst v10  }
0x4dc: {  	v10 =	vld.idx.msk [tilespmem:v11+s19+$0x0], $0xffff;
	v11 =	vadd.s32 s29, v9  }
0x4dd: {  	v11 =	vadd.s32 v7, v11;
	_ =	sdelay $0x3  }
0x4de: {  	s30 =	sadd.s32 $0x5, s24;
	[tilespmem:s1+$0xFFFFFD80] =	vst v10  }
0x4df: {  	v10 =	vld.idx.msk [tilespmem:v11+s19+$0x0], $0xffff;
	v11 =	vadd.s32 s30, v9  }
0x4e0: {  	v11 =	vadd.s32 v7, v11;
	_ =	sdelay $0x3  }
0x4e1: {  	s31 =	sadd.s32 $0x6, s24;
	[tilespmem:s1+$0xFFFFFE00] =	vst v10  }
0x4e2: {  	v10 =	vld.idx.msk [tilespmem:v11+s19+$0x0], $0xffff;
	v11 =	vadd.s32 s31, v9  }
0x4e3: {  	v11 =	vadd.s32 v7, v11;
	_ =	sdelay $0x3  }
0x4e4: {  	s23 =	sadd.s32 $0x7, s24;
	[tilespmem:s1+$0xFFFFFE80] =	vst v10  }
0x4e5: {  	v10 =	vld.idx.msk [tilespmem:v11+s19+$0x0], $0xffff;
	v11 =	vadd.s32 s23, v9  }
0x4e6: {  	v11 =	vadd.s32 v7, v11;
	_ =	sdelay $0x3  }
0x4e7: {  	s25 =	sadd.s32 $0x8, s24;
	[tilespmem:s1+$0xFFFFFF00] =	vst v10  }
0x4e8: {  	v10 =	vld.idx.msk [tilespmem:v11+s19+$0x0], $0xffff;
	v11 =	vadd.s32 s25, v9  }
0x4e9: {  	v11 =	vadd.s32 v7, v11;
	_ =	sdelay $0x3  }
0x4ea: {  	s26 =	sadd.s32 $0x9, s24;
	[tilespmem:s1+$0xFFFFFF80] =	vst v10  }
0x4eb: {  	v10 =	vld.idx.msk [tilespmem:v11+s19+$0x0], $0xffff;
	v11 =	vadd.s32 s26, v9  }
0x4ec: {  	v11 =	vadd.s32 v7, v11;
	_ =	sdelay $0x3  }
0x4ed: {  	s28 =	sadd.s32 $0xA, s24;
	[tilespmem:s1+$0x0] =	vst v10  }
0x4ee: {  	v10 =	vld.idx.msk [tilespmem:v11+s19+$0x0], $0xffff;
	v11 =	vadd.s32 s28, v9  }
0x4ef: {  	v11 =	vadd.s32 v7, v11;
	_ =	sdelay $0x3  }
0x4f0: {  	s29 =	sadd.s32 $0xB, s24;
	[tilespmem:s1+$0x80] =	vst v10  }
0x4f1: {  	v10 =	vld.idx.msk [tilespmem:v11+s19+$0x0], $0xffff;
	v11 =	vadd.s32 s29, v9  }
0x4f2: {  	v11 =	vadd.s32 v7, v11;
	_ =	sdelay $0x3  }
0x4f3: {  	s30 =	sadd.s32 $0xC, s24;
	[tilespmem:s1+$0x100] =	vst v10  }
0x4f4: {  	v10 =	vld.idx.msk [tilespmem:v11+s19+$0x0], $0xffff;
	v11 =	vadd.s32 s30, v9  }
0x4f5: {  	v11 =	vadd.s32 v7, v11;
	_ =	sdelay $0x3  }
0x4f6: {  	s31 =	sadd.s32 $0xD, s24;
	[tilespmem:s1+$0x180] =	vst v10  }
0x4f7: {  	v10 =	vld.idx.msk [tilespmem:v11+s19+$0x0], $0xffff;
	v11 =	vadd.s32 s31, v9  }
0x4f8: {  	v11 =	vadd.s32 v7, v11;
	_ =	sdelay $0x3  }
0x4f9: {  	s23 =	sadd.s32 $0xE, s24;
	[tilespmem:s1+$0x200] =	vst v10  }
0x4fa: {  	v10 =	vld.idx.msk [tilespmem:v11+s19+$0x0], $0xffff;
	v11 =	vadd.s32 s23, v9  }
0x4fb: {  	v11 =	vadd.s32 v7, v11;
	_ =	sdelay $0x3  }
0x4fc: {  	s24 =	sadd.s32 $0xF, s24;
	[tilespmem:s1+$0x280] =	vst v10  }
0x4fd: {  	v9 =	vadd.s32 s24, v9;
	v10 =	vld.idx.msk [tilespmem:v11+s19+$0x0], $0xffff  }
0x4fe: {  	v9 =	vadd.s32 v7, v9;
	_ =	sdelay $0x3  }
0x4ff: {  	[tilespmem:s1+$0x300] =	vst v10  }
0x500: {  	v9 =	vld.idx.msk [tilespmem:v9+s19+$0x0], $0xffff;
	_ =	sdelay $0x4  }
0x501: {  	[tilespmem:s1+$0x380] =	vst v9  }
0x502: {  	v9 =	vld [tilespmem:s22+$0x1170];
	_ =	sdelay $0x3  }
0x503: {  	s25 =	simm.s32 $0x0  }
0x504: {  	v10 =	vadd.s32 s25, v9  }
0x505: {  	v10 =	vadd.s32 v8, v10;
	_ =	sdelay $0x3  }
0x506: {  	s26 =	simm.s32 $0x1  }
0x507: {  	v11 =	vadd.s32 s26, v9;
	v10 =	vld.idx.msk [tilespmem:v10+s19+$0x0], $0xffff  }
0x508: {  	v11 =	vadd.s32 v8, v11;
	_ =	sdelay $0x3  }
0x509: {  	s28 =	simm.s32 $0x2;
	[tilespmem:s21+$0xFFFFFC00] =	vst v10  }
0x50a: {  	v10 =	vld.idx.msk [tilespmem:v11+s19+$0x0], $0xffff;
	v11 =	vadd.s32 s28, v9  }
0x50b: {  	v11 =	vadd.s32 v8, v11;
	_ =	sdelay $0x3  }
0x50c: {  	s29 =	simm.s32 $0x3;
	[tilespmem:s21+$0xFFFFFC80] =	vst v10  }
0x50d: {  	v10 =	vld.idx.msk [tilespmem:v11+s19+$0x0], $0xffff;
	v11 =	vadd.s32 s29, v9  }
0x50e: {  	v11 =	vadd.s32 v8, v11;
	_ =	sdelay $0x3  }
0x50f: {  	s30 =	simm.s32 $0x4;
	[tilespmem:s21+$0xFFFFFD00] =	vst v10  }
0x510: {  	v10 =	vld.idx.msk [tilespmem:v11+s19+$0x0], $0xffff;
	v11 =	vadd.s32 s30, v9  }
0x511: {  	v11 =	vadd.s32 v8, v11;
	_ =	sdelay $0x3  }
0x512: {  	s31 =	simm.s32 $0x5;
	[tilespmem:s21+$0xFFFFFD80] =	vst v10  }
0x513: {  	v10 =	vld.idx.msk [tilespmem:v11+s19+$0x0], $0xffff;
	v11 =	vadd.s32 s31, v9  }
0x514: {  	v11 =	vadd.s32 v8, v11;
	_ =	sdelay $0x3  }
0x515: {  	s1 =	simm.s32 $0x6;
	[tilespmem:s21+$0xFFFFFE00] =	vst v10  }
0x516: {  	v10 =	vld.idx.msk [tilespmem:v11+s19+$0x0], $0xffff;
	v11 =	vadd.s32 s1, v9  }
0x517: {  	v11 =	vadd.s32 v8, v11;
	_ =	sdelay $0x3  }
0x518: {  	s22 =	simm.s32 $0x7;
	[tilespmem:s21+$0xFFFFFE80] =	vst v10  }
0x519: {  	v10 =	vld.idx.msk [tilespmem:v11+s19+$0x0], $0xffff;
	v11 =	vadd.s32 s22, v9  }
0x51a: {  	v11 =	vadd.s32 v8, v11;
	_ =	sdelay $0x3  }
0x51b: {  	s23 =	simm.s32 $0x8;
	[tilespmem:s21+$0xFFFFFF00] =	vst v10  }
0x51c: {  	v10 =	vld.idx.msk [tilespmem:v11+s19+$0x0], $0xffff;
	v11 =	vadd.s32 s23, v9  }
0x51d: {  	v11 =	vadd.s32 v8, v11;
	_ =	sdelay $0x3  }
0x51e: {  	s24 =	simm.s32 $0x9;
	[tilespmem:s21+$0xFFFFFF80] =	vst v10  }
0x51f: {  	v10 =	vld.idx.msk [tilespmem:v11+s19+$0x0], $0xffff;
	v11 =	vadd.s32 s24, v9  }
0x520: {  	v11 =	vadd.s32 v8, v11;
	_ =	sdelay $0x3  }
0x521: {  	s25 =	simm.s32 $0xA;
	[tilespmem:s21+$0x0] =	vst v10  }
0x522: {  	v10 =	vld.idx.msk [tilespmem:v11+s19+$0x0], $0xffff;
	v11 =	vadd.s32 s25, v9  }
0x523: {  	v11 =	vadd.s32 v8, v11;
	_ =	sdelay $0x3  }
0x524: {  	s26 =	simm.s32 $0xB;
	[tilespmem:s21+$0x80] =	vst v10  }
0x525: {  	v10 =	vld.idx.msk [tilespmem:v11+s19+$0x0], $0xffff;
	v11 =	vadd.s32 s26, v9  }
0x526: {  	v11 =	vadd.s32 v8, v11;
	_ =	sdelay $0x3  }
0x527: {  	s28 =	simm.s32 $0xC;
	[tilespmem:s21+$0x100] =	vst v10  }
0x528: {  	v10 =	vld.idx.msk [tilespmem:v11+s19+$0x0], $0xffff;
	v11 =	vadd.s32 s28, v9  }
0x529: {  	v11 =	vadd.s32 v8, v11;
	_ =	sdelay $0x3  }
0x52a: {  	s29 =	simm.s32 $0xD;
	[tilespmem:s21+$0x180] =	vst v10  }
0x52b: {  	v10 =	vld.idx.msk [tilespmem:v11+s19+$0x0], $0xffff;
	v11 =	vadd.s32 s29, v9  }
0x52c: {  	v11 =	vadd.s32 v8, v11;
	_ =	sdelay $0x3  }
0x52d: {  	s30 =	simm.s32 $0xE;
	[tilespmem:s21+$0x200] =	vst v10  }
0x52e: {  	v10 =	vld.idx.msk [tilespmem:v11+s19+$0x0], $0xffff;
	v11 =	vadd.s32 s30, v9  }
0x52f: {  	v11 =	vadd.s32 v8, v11;
	_ =	sdelay $0x3  }
0x530: {  	s31 =	simm.s32 $0xF;
	[tilespmem:s21+$0x280] =	vst v10  }
0x531: {  	v10 =	vld.idx.msk [tilespmem:v11+s19+$0x0], $0xffff;
	v11 =	vadd.s32 s31, v9  }
0x532: {  	v11 =	vadd.s32 v8, v11;
	_ =	sdelay $0x3  }
0x533: {  	s22 =	simm.s32 $0x10;
	[tilespmem:s21+$0x300] =	vst v10  }
0x534: {  	s1 =	simm.s32 $0x20;
	v10 =	vld.idx.msk [tilespmem:v11+s19+$0x0], $0xffff;
	v11 =	vadd.s32 s22, v9  }
.LBB2_19:
0x535: {  	p1 =	slt.u32 s1, $0x30;
	v11 =	vadd.s32 v8, v11;
	_ =	sdelay $0x3  }
0x536: {  	[tilespmem:s21+$0x380] =	vst v10  }
0x537: {  	s0 =	sadd.s32 $0x1, s22;
	v10 =	vld.idx.msk [tilespmem:v11+s19+$0x0], $0xffff  }
0x538: {  	v11 =	vadd.s32 s0, v9  }
0x539: {  	v11 =	vadd.s32 v8, v11;
	_ =	sdelay $0x2  }
0x53a: {  	s21 =	sadd.s32 $0x800, s21  }
0x53b: {  	[tilespmem:s21+$0xFFFFFC00] =	vst v10  }
0x53c: {  	s0 =	sadd.s32 $0x2, s22;
	v10 =	vld.idx.msk [tilespmem:v11+s19+$0x0], $0xffff  }
0x53d: {  	v11 =	vadd.s32 s0, v9  }
0x53e: {  	v11 =	vadd.s32 v8, v11;
	_ =	sdelay $0x3  }
0x53f: {  	[tilespmem:s21+$0xFFFFFC80] =	vst v10  }
0x540: {  	s0 =	sadd.s32 $0x3, s22;
	v10 =	vld.idx.msk [tilespmem:v11+s19+$0x0], $0xffff  }
0x541: {  	v11 =	vadd.s32 s0, v9  }
0x542: {  	v11 =	vadd.s32 v8, v11;
	_ =	sdelay $0x3  }
0x543: {  	[tilespmem:s21+$0xFFFFFD00] =	vst v10  }
0x544: {  	s0 =	sadd.s32 $0x4, s22;
	v10 =	vld.idx.msk [tilespmem:v11+s19+$0x0], $0xffff  }
0x545: {  	v11 =	vadd.s32 s0, v9  }
0x546: {  	v11 =	vadd.s32 v8, v11;
	_ =	sdelay $0x3  }
0x547: {  	[tilespmem:s21+$0xFFFFFD80] =	vst v10  }
0x548: {  	s0 =	sadd.s32 $0x5, s22;
	v10 =	vld.idx.msk [tilespmem:v11+s19+$0x0], $0xffff  }
0x549: {  	v11 =	vadd.s32 s0, v9  }
0x54a: {  	v11 =	vadd.s32 v8, v11;
	_ =	sdelay $0x3  }
0x54b: {  	[tilespmem:s21+$0xFFFFFE00] =	vst v10  }
0x54c: {  	s0 =	sadd.s32 $0x6, s22;
	v10 =	vld.idx.msk [tilespmem:v11+s19+$0x0], $0xffff  }
0x54d: {  	v11 =	vadd.s32 s0, v9  }
0x54e: {  	v11 =	vadd.s32 v8, v11;
	_ =	sdelay $0x3  }
0x54f: {  	[tilespmem:s21+$0xFFFFFE80] =	vst v10  }
0x550: {  	s0 =	sadd.s32 $0x7, s22;
	v10 =	vld.idx.msk [tilespmem:v11+s19+$0x0], $0xffff  }
0x551: {  	v11 =	vadd.s32 s0, v9  }
0x552: {  	v11 =	vadd.s32 v8, v11;
	_ =	sdelay $0x3  }
0x553: {  	[tilespmem:s21+$0xFFFFFF00] =	vst v10  }
0x554: {  	s0 =	sadd.s32 $0x8, s22;
	v10 =	vld.idx.msk [tilespmem:v11+s19+$0x0], $0xffff  }
0x555: {  	v11 =	vadd.s32 s0, v9  }
0x556: {  	v11 =	vadd.s32 v8, v11;
	_ =	sdelay $0x3  }
0x557: {  	[tilespmem:s21+$0xFFFFFF80] =	vst v10  }
0x558: {  	s0 =	sadd.s32 $0x9, s22;
	v10 =	vld.idx.msk [tilespmem:v11+s19+$0x0], $0xffff  }
0x559: {  	v11 =	vadd.s32 s0, v9  }
0x55a: {  	v11 =	vadd.s32 v8, v11;
	_ =	sdelay $0x3  }
0x55b: {  	[tilespmem:s21+$0x0] =	vst v10  }
0x55c: {  	s0 =	sadd.s32 $0xA, s22;
	v10 =	vld.idx.msk [tilespmem:v11+s19+$0x0], $0xffff  }
0x55d: {  	v11 =	vadd.s32 s0, v9  }
0x55e: {  	v11 =	vadd.s32 v8, v11;
	_ =	sdelay $0x3  }
0x55f: {  	[tilespmem:s21+$0x80] =	vst v10  }
0x560: {  	s0 =	sadd.s32 $0xB, s22;
	v10 =	vld.idx.msk [tilespmem:v11+s19+$0x0], $0xffff  }
0x561: {  	v11 =	vadd.s32 s0, v9  }
0x562: {  	v11 =	vadd.s32 v8, v11;
	_ =	sdelay $0x3  }
0x563: {  	[tilespmem:s21+$0x100] =	vst v10  }
0x564: {  	s0 =	sadd.s32 $0xC, s22;
	v10 =	vld.idx.msk [tilespmem:v11+s19+$0x0], $0xffff  }
0x565: {  	v11 =	vadd.s32 s0, v9  }
0x566: {  	v11 =	vadd.s32 v8, v11;
	_ =	sdelay $0x3  }
0x567: {  	[tilespmem:s21+$0x180] =	vst v10  }
0x568: {  	s0 =	sadd.s32 $0xD, s22;
	v10 =	vld.idx.msk [tilespmem:v11+s19+$0x0], $0xffff  }
0x569: {  	v11 =	vadd.s32 s0, v9  }
0x56a: {  	v11 =	vadd.s32 v8, v11;
	_ =	sdelay $0x3  }
0x56b: {  	[tilespmem:s21+$0x200] =	vst v10  }
0x56c: {  	s0 =	sadd.s32 $0xE, s22;
	v10 =	vld.idx.msk [tilespmem:v11+s19+$0x0], $0xffff  }
0x56d: {  	v11 =	vadd.s32 s0, v9  }
0x56e: {  	v11 =	vadd.s32 v8, v11;
	_ =	sdelay $0x3  }
0x56f: {  	[tilespmem:s21+$0x280] =	vst v10  }
0x570: {  	s0 =	sadd.s32 $0xF, s22;
	s22 =	smov.u32 s1;
	v10 =	vld.idx.msk [tilespmem:v11+s19+$0x0], $0xffff  }
0x571: {  	v11 =	vadd.s32 s0, v9  }
0x572: {  	v11 =	vadd.s32 v8, v11;
	_ =	sdelay $0x1  }
.Ltmp8:
0x573: {  	(pc) =	sbr.rel @p1 .LBB2_19-.Ltmp8, $4  }
0x574: {  	_ = 	snop  }
0x575: {  	[tilespmem:s21+$0x300] =	vst v10  }
0x576: {  	v10 =	vld.idx.msk [tilespmem:v11+s19+$0x0], $0xffff  }
0x577: {  	s1 =	sadd.s32 $0x10, s1;
	v11 =	vadd.s32 s22, v9  }
0x578: {  	v11 =	vadd.s32 v8, v11;
	_ =	sdelay $0x3  }
0x579: {  	s0 =	sadd.s32 $0x1, s22;
	[tilespmem:s21+$0x380] =	vst v10  }
0x57a: {  	v10 =	vld.idx.msk [tilespmem:v11+s19+$0x0], $0xffff;
	v11 =	vadd.s32 s0, v9  }
0x57b: {  	v11 =	vadd.s32 v8, v11;
	_ =	sdelay $0x2  }
0x57c: {  	s1 =	sadd.s32 $0x800, s21  }
0x57d: {  	s25 =	sadd.s32 $0x2, s22;
	[tilespmem:s1+$0xFFFFFC00] =	vst v10  }
0x57e: {  	v10 =	vld.idx.msk [tilespmem:v11+s19+$0x0], $0xffff;
	v11 =	vadd.s32 s25, v9  }
0x57f: {  	v11 =	vadd.s32 v8, v11;
	_ =	sdelay $0x3  }
0x580: {  	s26 =	sadd.s32 $0x3, s22;
	[tilespmem:s1+$0xFFFFFC80] =	vst v10  }
0x581: {  	v10 =	vld.idx.msk [tilespmem:v11+s19+$0x0], $0xffff;
	v11 =	vadd.s32 s26, v9  }
0x582: {  	v11 =	vadd.s32 v8, v11;
	_ =	sdelay $0x3  }
0x583: {  	s28 =	sadd.s32 $0x4, s22;
	[tilespmem:s1+$0xFFFFFD00] =	vst v10  }
0x584: {  	v10 =	vld.idx.msk [tilespmem:v11+s19+$0x0], $0xffff;
	v11 =	vadd.s32 s28, v9  }
0x585: {  	v11 =	vadd.s32 v8, v11;
	_ =	sdelay $0x3  }
0x586: {  	s29 =	sadd.s32 $0x5, s22;
	[tilespmem:s1+$0xFFFFFD80] =	vst v10  }
0x587: {  	v10 =	vld.idx.msk [tilespmem:v11+s19+$0x0], $0xffff;
	v11 =	vadd.s32 s29, v9  }
0x588: {  	v11 =	vadd.s32 v8, v11;
	_ =	sdelay $0x3  }
0x589: {  	s30 =	sadd.s32 $0x6, s22;
	[tilespmem:s1+$0xFFFFFE00] =	vst v10  }
0x58a: {  	v10 =	vld.idx.msk [tilespmem:v11+s19+$0x0], $0xffff;
	v11 =	vadd.s32 s30, v9  }
0x58b: {  	v11 =	vadd.s32 v8, v11;
	_ =	sdelay $0x3  }
0x58c: {  	s31 =	sadd.s32 $0x7, s22;
	[tilespmem:s1+$0xFFFFFE80] =	vst v10  }
0x58d: {  	v10 =	vld.idx.msk [tilespmem:v11+s19+$0x0], $0xffff;
	v11 =	vadd.s32 s31, v9  }
0x58e: {  	v11 =	vadd.s32 v8, v11;
	_ =	sdelay $0x3  }
0x58f: {  	s21 =	sadd.s32 $0x8, s22;
	[tilespmem:s1+$0xFFFFFF00] =	vst v10  }
0x590: {  	v10 =	vld.idx.msk [tilespmem:v11+s19+$0x0], $0xffff;
	v11 =	vadd.s32 s21, v9  }
0x591: {  	v11 =	vadd.s32 v8, v11;
	_ =	sdelay $0x3  }
0x592: {  	s23 =	sadd.s32 $0x9, s22;
	[tilespmem:s1+$0xFFFFFF80] =	vst v10  }
0x593: {  	v10 =	vld.idx.msk [tilespmem:v11+s19+$0x0], $0xffff;
	v11 =	vadd.s32 s23, v9  }
0x594: {  	v11 =	vadd.s32 v8, v11;
	_ =	sdelay $0x3  }
0x595: {  	s24 =	sadd.s32 $0xA, s22;
	[tilespmem:s1+$0x0] =	vst v10  }
0x596: {  	v10 =	vld.idx.msk [tilespmem:v11+s19+$0x0], $0xffff;
	v11 =	vadd.s32 s24, v9  }
0x597: {  	v11 =	vadd.s32 v8, v11;
	_ =	sdelay $0x3  }
0x598: {  	s25 =	sadd.s32 $0xB, s22;
	[tilespmem:s1+$0x80] =	vst v10  }
0x599: {  	v10 =	vld.idx.msk [tilespmem:v11+s19+$0x0], $0xffff;
	v11 =	vadd.s32 s25, v9  }
0x59a: {  	v11 =	vadd.s32 v8, v11;
	_ =	sdelay $0x3  }
0x59b: {  	s26 =	sadd.s32 $0xC, s22;
	[tilespmem:s1+$0x100] =	vst v10  }
0x59c: {  	v10 =	vld.idx.msk [tilespmem:v11+s19+$0x0], $0xffff;
	v11 =	vadd.s32 s26, v9  }
0x59d: {  	v11 =	vadd.s32 v8, v11;
	_ =	sdelay $0x3  }
0x59e: {  	s28 =	sadd.s32 $0xD, s22;
	[tilespmem:s1+$0x180] =	vst v10  }
0x59f: {  	v10 =	vld.idx.msk [tilespmem:v11+s19+$0x0], $0xffff;
	v11 =	vadd.s32 s28, v9  }
0x5a0: {  	v11 =	vadd.s32 v8, v11;
	_ =	sdelay $0x3  }
0x5a1: {  	s29 =	sadd.s32 $0xE, s22;
	[tilespmem:s1+$0x200] =	vst v10  }
0x5a2: {  	v10 =	vld.idx.msk [tilespmem:v11+s19+$0x0], $0xffff;
	v11 =	vadd.s32 s29, v9  }
0x5a3: {  	v11 =	vadd.s32 v8, v11;
	_ =	sdelay $0x3  }
0x5a4: {  	s30 =	sadd.s32 $0xF, s22;
	[tilespmem:s1+$0x280] =	vst v10  }
0x5a5: {  	v9 =	vadd.s32 s30, v9;
	v10 =	vld.idx.msk [tilespmem:v11+s19+$0x0], $0xffff  }
0x5a6: {  	v9 =	vadd.s32 v8, v9;
	_ =	sdelay $0x3  }
0x5a7: {  	[tilespmem:s1+$0x300] =	vst v10  }
0x5a8: {  	v9 =	vld.idx.msk [tilespmem:v9+s19+$0x0], $0xffff  }
0x5a9: {  	p1 =	sne.s32 s17, $0x1A;
	s31 =	sadd.s32 s4, s18  }
.Ltmp9:
0x5aa: {  	s18 =	sshll.u32 s31, $0x7;
	(pc) =	sbr.rel @p1 .LBB2_2-.Ltmp9, $4  }
0x5ab: {  	s0 =	sshll.u32 s31, $0xA;
	s18 =	sand.u32 $0xF80, s18  }
0x5ac: {  	s0 =	sand.u32 $0xFFF8000, s0;
	s18 =	sadd.s32 s2, s18  }
0x5ad: {  	p0 =	por !p0, !p0;
	s0 =	sadd.s32 s0, s18;
	s18 =	smov.u32 s17;
	[tilespmem:s1+$0x380] =	vst v9  }
0x5ae: {  	[hbm4b:s0+s13] =	stream.strided.scatter [tilespmem:s20], [sflag:$0x2], $0x2000, s14, s13, $0x38;
	[tilespmem:$0xD200] =	vst v63  }
0x5af: {  	s16 =	sadd.s32 $0x1, s16  }
0x5b0: {  	_ =	swait.ge [sflag:s15], $0x2000;
	p0 =	sne.s32 s16, s7  }
.Ltmp10:
0x5b1: {  	[sflag:s15] =	ssyncset.done $0x0;
	(pc) =	sbr.rel @p0 .LBB2_1-.Ltmp10, $4  }
0x5b2: {  	[sflag:s15] =	ssyncadd.s32 $0xFFFFE000  }
0x5b3: {  	_ =	swait.ge [sflag:s15], $0x2000  }
0x5b4: {  	[sflag:s15] =	ssyncset.done $0x0  }
0x5b5: {  	[sflag:s15] =	ssyncadd.s32 $0xFFFFE000  }
0x5b6: {  	_ =	sfence.sel $0x180000  }
0x5b7: {  	[bflag:$0x0] =	sbarrier.arrive $0xFFFF  }
0x5b8: {  	_ =	strace $0x90000047  }
0x5b9: {  	s0 =	stileid.u32;
	[bflag:$0x2] =	sbarrier.arrive $0xFFFF  }
0x5ba: {  	p0 =	sne.s32 s0, $0x0;
	s0 =	rddreg [dreg:$0x2]  }
0x5bb: {  	s0 =	sadd.s32 @!p0 $0x100000, s0  }
0x5bc: {  	[sflag:s0] =	ssyncadd.tile.s32 @!p0 $0x1;
	_ =	shalt  }
.Lfunc_end2:
_tile_overlayer_lowered:
.L_overlay_start_2:
0x5bd: {  	(tag) =	ssettag $0x2  }
0x5be: {  	s0 =	rddreg [dreg:$0x0];
	s2 =	stileid.u32  }
0x5bf: {  	s1 =	rddreg [dreg:$0x1];
	p0 =	sne.s32 s2, $0x0  }
0x5c0: {  	s3 =	rddreg [dreg:$0x2];
	[bflag:$0x3] =	sbarrier.arrive $0xFFFF;
	s2 =	simm.s32 @!p0 $0x1C03  }
0x5c1: {  	[timem:s3], [sflag:s2] =	dma.local @!p0 [hbm:s0], s1  }
0x5c2: {  	s0 =	simm.s32 @!p0 $0x3  }
0x5c3: {  	_ =	swait.ge @!p0 [sflag:s0], s1  }
0x5c4: {  	s1 =	ssub.s32 @!p0 $0x0, s1;
	[sflag:s0] =	ssyncset.done @!p0 $0x0  }
0x5c5: {  	[sflag:s0] =	ssyncadd.s32 @!p0 s1  }
0x5c6: {  	[bflag:$0x3] =	sbarrier.arrive $0xFFFF  }
0x5c7: {  	_ =	shalt  }

</sc_bundles>
